<compile_context>
chip_gen: v7x
topology: tpu7x:2x2x1
jax: 0.10.2.dev20260603
libtpu: 0.0.44.dev20260713+nightly
codegen_flags: <defaults>
</compile_context>

<pallas_src>
import jax
import jax.numpy as jnp
from jax import lax
from jax.experimental import pallas as pl
from jax.experimental.pallas import tpu as pltpu
from jax.experimental.pallas import tpu_sc as plsc

VOCAB = 100000
HIDDEN = 128
BATCH = 4096
SEQ = 50
SEQ_PAD = 56
EPS = 1e-3

NUM_WORKERS = 32
B_SC = 2560
B_TC = BATCH - B_SC
ROWS_PER_WORKER = B_SC // NUM_WORKERS
LANES = 16
NCHUNK = HIDDEN // LANES
TC_CHUNK = 128


def _sc_pool_body(idx_hbm, table_hbm, out_hbm, idx_v, g0, g1, pooled, sem0, sem1):
    nc = 2
    wid = lax.axis_index("s") * nc + lax.axis_index("c")
    base = wid * ROWS_PER_WORKER

    pltpu.sync_copy(idx_hbm.at[pl.ds(base, ROWS_PER_WORKER)], idx_v)

    def gather(b, buf, sem):
        return pltpu.make_async_copy(
            table_hbm.at[idx_v.at[b, pl.ds(0, SEQ)]], buf, sem
        )

    def accumulate(buf, b):
        accs = [buf[0, pl.ds(c * LANES, LANES)] for c in range(NCHUNK)]
        for l in range(1, SEQ):
            for c in range(NCHUNK):
                accs[c] = accs[c] + buf[l, pl.ds(c * LANES, LANES)]
        for c in range(NCHUNK):
            pooled[b, pl.ds(c * LANES, LANES)] = accs[c] * (1.0 / SEQ)

    gather(0, g0, sem0).start()

    def loop_body(i, _):
        b = 2 * i
        gather(b, g0, sem0).wait()
        gather(b + 1, g1, sem1).start()
        accumulate(g0, b)
        gather(b + 1, g1, sem1).wait()

        @pl.when(b + 2 < ROWS_PER_WORKER)
        def _():
            gather(b + 2, g0, sem0).start()

        accumulate(g1, b + 1)
        return _

    lax.fori_loop(0, ROWS_PER_WORKER // 2, loop_body, None)

    pltpu.sync_copy(pooled, out_hbm.at[pl.ds(base, ROWS_PER_WORKER)])


@jax.jit
def _sc_pool(idx_padded, table):
    mesh = plsc.VectorSubcoreMesh(core_axis_name="c", subcore_axis_name="s")
    return pl.kernel(
        _sc_pool_body,
        mesh=mesh,
        out_type=jax.ShapeDtypeStruct((B_SC, HIDDEN), jnp.float32),
        scratch_types=[
            pltpu.VMEM((ROWS_PER_WORKER, SEQ_PAD), jnp.int32),
            pltpu.VMEM((SEQ, HIDDEN), jnp.float32),
            pltpu.VMEM((SEQ, HIDDEN), jnp.float32),
            pltpu.VMEM((ROWS_PER_WORKER, HIDDEN), jnp.float32),
            pltpu.SemaphoreType.DMA,
            pltpu.SemaphoreType.DMA,
        ],
    )(idx_padded, table)


N_COPY = 4
COPY_ROWS = VOCAB // N_COPY


def _tc_pool_body(idx_ref, table_hbm, out_ref, tvmem, *sems):
    @pl.when(pl.program_id(0) == 0)
    def _():
        for k in range(N_COPY):
            pltpu.make_async_copy(
                table_hbm.at[pl.ds(k * COPY_ROWS, COPY_ROWS)],
                tvmem.at[pl.ds(k * COPY_ROWS, COPY_ROWS)],
                sems[k],
            ).start()
        for k in range(N_COPY):
            pltpu.make_async_copy(
                table_hbm.at[pl.ds(k * COPY_ROWS, COPY_ROWS)],
                tvmem.at[pl.ds(k * COPY_ROWS, COPY_ROWS)],
                sems[k],
            ).wait()

    for r in range(TC_CHUNK):
        acc = tvmem[pl.ds(idx_ref[r, 0], 1), :]
        for l in range(1, SEQ):
            acc = acc + tvmem[pl.ds(idx_ref[r, l], 1), :]
        out_ref[pl.ds(r, 1), :] = acc * (1.0 / SEQ)


@jax.jit
def _tc_pool(idx, table):
    return pl.pallas_call(
        _tc_pool_body,
        grid=(B_TC // TC_CHUNK,),
        in_specs=[
            pl.BlockSpec((TC_CHUNK, SEQ), lambda i: (i, 0), memory_space=pltpu.SMEM),
            pl.BlockSpec(memory_space=pl.ANY),
        ],
        out_specs=pl.BlockSpec((TC_CHUNK, HIDDEN), lambda i: (i, 0)),
        out_shape=jax.ShapeDtypeStruct((B_TC, HIDDEN), jnp.float32),
        scratch_shapes=[pltpu.VMEM((VOCAB, HIDDEN), jnp.float32)]
        + [pltpu.SemaphoreType.DMA for _ in range(N_COPY)],
    )(idx, table)


def _tc_layernorm_body(a_ref, b_ref, gamma_ref, beta_ref, o_ref):
    a = a_ref[:, :]
    b = b_ref[:, :]
    mu = (jnp.sum(a, axis=0, keepdims=True) + jnp.sum(b, axis=0, keepdims=True)) * (
        1.0 / BATCH
    )
    da = a - mu
    db = b - mu
    var = (
        jnp.sum(da * da, axis=0, keepdims=True)
        + jnp.sum(db * db, axis=0, keepdims=True)
    ) * (1.0 / BATCH)
    r = lax.rsqrt(var + EPS)
    o_ref[pl.ds(0, B_TC), :] = (
        da * r * gamma_ref[pl.ds(0, B_TC), :] + beta_ref[pl.ds(0, B_TC), :]
    )
    o_ref[pl.ds(B_TC, B_SC), :] = (
        db * r * gamma_ref[pl.ds(B_TC, B_SC), :] + beta_ref[pl.ds(B_TC, B_SC), :]
    )


@jax.jit
def _tc_layernorm(pooled_tc, pooled_sc, gamma, beta):
    return pl.pallas_call(
        _tc_layernorm_body,
        out_shape=jax.ShapeDtypeStruct((BATCH, HIDDEN), jnp.float32),
    )(
        pooled_tc,
        pooled_sc,
        gamma.reshape(BATCH, 1),
        beta.reshape(BATCH, 1),
    )


def kernel(inputs, table, bias, gamma, beta):
    del bias
    idx_sc = jnp.concatenate(
        [inputs[B_TC:], jnp.zeros((B_SC, SEQ_PAD - SEQ), jnp.int32)], axis=1
    )
    pooled_sc = _sc_pool(idx_sc, table)
    pooled_tc = _tc_pool(inputs, table)
    return _tc_layernorm(pooled_tc, pooled_sc, gamma, beta)

# --- scband reference (transcript-rebuilt; emitter-appended) ---
"""Pipeline reference for scband-context-embedding-layer-10204842295883 (READ-ONLY COPY).

The authoritative reference and input builder live on the scoring server;
editing this copy changes nothing except your own understanding.
"""

import jax, jax.numpy as jnp
import numpy as np

VOCAB = 100000
HIDDEN = 128
BATCH = 4096
SEQ = 50
EPS = 1e-3  # keras LayerNormalization default epsilon


def setup_inputs(seed: int = 0) -> dict:
    key = jax.random.key(seed)
    k1, k2 = jax.random.split(key)
    inputs = jax.random.randint(k1, (BATCH, SEQ), 0, VOCAB, dtype=jnp.int32)
    table = jax.random.normal(k2, (VOCAB, HIDDEN), dtype=jnp.float32) * 0.02
    bias = jnp.zeros((HIDDEN,), dtype=jnp.float32)
    # LayerNormalization(axis=-2) on a [B, H] input builds gamma/beta of shape [B]
    gamma = jnp.ones((BATCH,), dtype=jnp.float32)
    beta = jnp.zeros((BATCH,), dtype=jnp.float32)
    return {"inputs": inputs, "table": table, "bias": bias, "gamma": gamma, "beta": beta}


def reference(inputs, table, bias, gamma, beta):
    # Embedding lookup: [B, L] -> [B, L, H]
    x = jnp.take(table, inputs, axis=0)
    # Mean over sequence axis + bias: [B, H]
    x = jnp.mean(x, axis=1) + bias
    # LayerNormalization with axis=-2 -> normalize over axis 0 (batch) per feature
    mu = jnp.mean(x, axis=0, keepdims=True)
    var = jnp.var(x, axis=0, keepdims=True)
    xn = (x - mu) * jax.lax.rsqrt(var + EPS)
    # gamma/beta broadcast along the normalized axis: shape [B, 1]
    return xn * gamma[:, None] + beta[:, None]

if __name__ == "__main__":
    import jax
    _d = setup_inputs()
    print(jax.jit(kernel)(*tuple(_d.values())))

</pallas_src>

<mosaic_0001>
#map = affine_map<(d0, d1) -> (0, 0)>
module attributes {stable_mosaic.version = 14 : i64} {
  func.func @_sc_pool_body(%arg0: i32, %arg1: i32, %arg2: memref<2560x56xi32, #tpu.memory_space<hbm>>, %arg3: memref<100000x128xf32, #tpu.memory_space<hbm>>, %arg4: memref<2560x128xf32, #tpu.memory_space<hbm>>, %arg5: memref<80x56xi32, #tpu.memory_space<vmem>>, %arg6: memref<50x128xf32, #tpu.memory_space<vmem>>, %arg7: memref<50x128xf32, #tpu.memory_space<vmem>>, %arg8: memref<80x128xf32, #tpu.memory_space<vmem>>, %arg9: memref<!tpu.dma_semaphore, #tpu.memory_space<semaphore_mem>>, %arg10: memref<!tpu.dma_semaphore, #tpu.memory_space<semaphore_mem>>) attributes {dimension_semantics = [#tpu.dimension_semantics<core_parallel>, #tpu.dimension_semantics<subcore_parallel>], iteration_bounds = array<i64: 2, 16>, scalar_prefetch = 0 : i64, scratch_operands = 6 : i64, tpu.core_type = #tpu.core_type<sc_vector_subcore>, window_params = [{transform_indices = #map}, {transform_indices = #map}, {transform_indices = #map}]} {
    %mul3A = arith.constant 2 : i32
    %mul3A_0 = arith.muli %arg1, %mul3A : i32
    %add3A = arith.addi %mul3A_0, %arg0 : i32
    %mul3A_1 = arith.constant 80 : i32
    %mul3A_2 = arith.muli %add3A, %mul3A_1 : i32
    "tpu.region"() ({
      %run_scoped3A = tpu.sem_alloc : memref<!tpu.dma_semaphore, #tpu.memory_space<semaphore_mem>>
      %dma_start3A_13 = arith.constant 0 : i32
      %dma_start3A_14 = tpu.memref_slice %arg2[%mul3A_2, %dma_start3A_13] : memref<2560x56xi32, #tpu.memory_space<hbm>> -> memref<80x56xi32, #tpu.memory_space<hbm>>
      %dma_start3A_15 = arith.constant 0 : i32
      %dma_start3A_16 = tpu.memref_slice %arg2[%mul3A_2, %dma_start3A_15] : memref<2560x56xi32, #tpu.memory_space<hbm>> -> memref<80x56xi32, #tpu.memory_space<hbm>>
      tpu.enqueue_dma source(%dma_start3A_16 : memref<80x56xi32, #tpu.memory_space<hbm>>) target(%arg5 : memref<80x56xi32, #tpu.memory_space<vmem>>) target_semaphore(%run_scoped3A : memref<!tpu.dma_semaphore, #tpu.memory_space<semaphore_mem>>)
      %dma_wait3A = arith.constant 0 : i32
      %dma_wait3A_17 = tpu.memref_slice %arg2[%mul3A_2, %dma_wait3A] : memref<2560x56xi32, #tpu.memory_space<hbm>> -> memref<80x56xi32, #tpu.memory_space<hbm>>
      %dma_wait3A_18 = arith.constant 0 : i32
      %dma_wait3A_19 = tpu.memref_slice %arg2[%mul3A_2, %dma_wait3A_18] : memref<2560x56xi32, #tpu.memory_space<hbm>> -> memref<80x56xi32, #tpu.memory_space<hbm>>
      tpu.wait_dma2 semaphore(%run_scoped3A : memref<!tpu.dma_semaphore, #tpu.memory_space<semaphore_mem>>) src(%dma_wait3A_19 : memref<80x56xi32, #tpu.memory_space<hbm>>) dst(%arg5 : memref<80x56xi32, #tpu.memory_space<vmem>>)
      tpu.yield
    }) : () -> ()
    %dma_start3A = arith.constant 0 : i32
    %dma_start3A_3 = arith.constant 0 : i32
    %dma_start3A_4 = tpu.memref_slice %arg5[%dma_start3A, %dma_start3A_3] : memref<80x56xi32, #tpu.memory_space<vmem>> -> memref<1x50xi32, #tpu.memory_space<vmem>>
    %dma_start3A_5 = tpu.memref_squeeze %dma_start3A_4 : memref<1x50xi32, #tpu.memory_space<vmem>> -> memref<50xi32, #tpu.memory_space<vmem>>
    %dma_start3A_6 = arith.constant 0 : i32
    %dma_start3A_7 = arith.constant 0 : i32
    %dma_start3A_8 = tpu.memref_slice %arg3[%dma_start3A_6, %dma_start3A_7] : memref<100000x128xf32, #tpu.memory_space<hbm>> -> memref<100000x128xf32, #tpu.memory_space<hbm>>
    tpu.enqueue_indirect_dma source(%dma_start3A_8 : memref<100000x128xf32, #tpu.memory_space<hbm>>) target(%arg6 : memref<50x128xf32, #tpu.memory_space<vmem>>) offsets(%dma_start3A_5 : memref<50xi32, #tpu.memory_space<vmem>>) semaphore(%arg9 : memref<!tpu.dma_semaphore, #tpu.memory_space<semaphore_mem>>)
    %scan3A = arith.constant 0 : i32
    %scan3A_9 = arith.constant 40 : i32
    %scan3A_10 = arith.addi %scan3A, %scan3A_9 : i32
    %scan3A_11 = arith.constant 1 : i32
    scf.for %scan3A_13 = %scan3A to %scan3A_10 step %scan3A_11  : i32 {
      %mul3A_14 = arith.constant 2 : i32
      %mul3A_15 = arith.muli %mul3A_14, %scan3A_13 : i32
      %dma_wait3A = arith.constant 0 : i32
      %dma_wait3A_16 = tpu.memref_slice %arg5[%mul3A_15, %dma_wait3A] : memref<80x56xi32, #tpu.memory_space<vmem>> -> memref<1x50xi32, #tpu.memory_space<vmem>>
      %dma_wait3A_17 = tpu.memref_squeeze %dma_wait3A_16 : memref<1x50xi32, #tpu.memory_space<vmem>> -> memref<50xi32, #tpu.memory_space<vmem>>
      %dma_wait3A_18 = arith.constant 0 : i32
      %dma_wait3A_19 = arith.constant 0 : i32
      %dma_wait3A_20 = tpu.memref_slice %arg3[%dma_wait3A_18, %dma_wait3A_19] : memref<100000x128xf32, #tpu.memory_space<hbm>> -> memref<100000x128xf32, #tpu.memory_space<hbm>>
      tpu.wait_indirect_dma semaphore(%arg9 : memref<!tpu.dma_semaphore, #tpu.memory_space<semaphore_mem>>) src(%dma_wait3A_20 : memref<100000x128xf32, #tpu.memory_space<hbm>>) dst(%arg6 : memref<50x128xf32, #tpu.memory_space<vmem>>)
      %add3A_21 = arith.constant 1 : i32
      %add3A_22 = arith.addi %mul3A_15, %add3A_21 : i32
      %dma_start3A_23 = arith.constant 0 : i32
      %dma_start3A_24 = tpu.memref_slice %arg5[%add3A_22, %dma_start3A_23] : memref<80x56xi32, #tpu.memory_space<vmem>> -> memref<1x50xi32, #tpu.memory_space<vmem>>
      %dma_start3A_25 = tpu.memref_squeeze %dma_start3A_24 : memref<1x50xi32, #tpu.memory_space<vmem>> -> memref<50xi32, #tpu.memory_space<vmem>>
      %dma_start3A_26 = arith.constant 0 : i32
      %dma_start3A_27 = arith.constant 0 : i32
      %dma_start3A_28 = tpu.memref_slice %arg3[%dma_start3A_26, %dma_start3A_27] : memref<100000x128xf32, #tpu.memory_space<hbm>> -> memref<100000x128xf32, #tpu.memory_space<hbm>>
      tpu.enqueue_indirect_dma source(%dma_start3A_28 : memref<100000x128xf32, #tpu.memory_space<hbm>>) target(%arg7 : memref<50x128xf32, #tpu.memory_space<vmem>>) offsets(%dma_start3A_25 : memref<50xi32, #tpu.memory_space<vmem>>) semaphore(%arg10 : memref<!tpu.dma_semaphore, #tpu.memory_space<semaphore_mem>>)
      %get3A = arith.constant 0 : i32
      %get3A_29 = arith.index_cast %get3A : i32 to index
      %get3A_30 = arith.constant 0 : index
      %get3A_31 = tpu.vector_load %arg6[%get3A_29, %get3A_30] {strides = array<i32>} : memref<50x128xf32, #tpu.memory_space<vmem>>, vector<1x16xf32>,
      %get3A_32 = vector.shape_cast %get3A_31 : vector<1x16xf32> to vector<16xf32>
      %get3A_33 = arith.constant 0 : i32
      %get3A_34 = arith.index_cast %get3A_33 : i32 to index
      %get3A_35 = arith.constant 16 : index
      %get3A_36 = tpu.vector_load %arg6[%get3A_34, %get3A_35] {strides = array<i32>} : memref<50x128xf32, #tpu.memory_space<vmem>>, vector<1x16xf32>,
      %get3A_37 = vector.shape_cast %get3A_36 : vector<1x16xf32> to vector<16xf32>
      %get3A_38 = arith.constant 0 : i32
      %get3A_39 = arith.index_cast %get3A_38 : i32 to index
      %get3A_40 = arith.constant 32 : index
      %get3A_41 = tpu.vector_load %arg6[%get3A_39, %get3A_40] {strides = array<i32>} : memref<50x128xf32, #tpu.memory_space<vmem>>, vector<1x16xf32>,
      %get3A_42 = vector.shape_cast %get3A_41 : vector<1x16xf32> to vector<16xf32>
      %get3A_43 = arith.constant 0 : i32
      %get3A_44 = arith.index_cast %get3A_43 : i32 to index
      %get3A_45 = arith.constant 48 : index
      %get3A_46 = tpu.vector_load %arg6[%get3A_44, %get3A_45] {strides = array<i32>} : memref<50x128xf32, #tpu.memory_space<vmem>>, vector<1x16xf32>,
      %get3A_47 = vector.shape_cast %get3A_46 : vector<1x16xf32> to vector<16xf32>
      %get3A_48 = arith.constant 0 : i32
      %get3A_49 = arith.index_cast %get3A_48 : i32 to index
      %get3A_50 = arith.constant 64 : index
      %get3A_51 = tpu.vector_load %arg6[%get3A_49, %get3A_50] {strides = array<i32>} : memref<50x128xf32, #tpu.memory_space<vmem>>, vector<1x16xf32>,
      %get3A_52 = vector.shape_cast %get3A_51 : vector<1x16xf32> to vector<16xf32>
      %get3A_53 = arith.constant 0 : i32
      %get3A_54 = arith.index_cast %get3A_53 : i32 to index
      %get3A_55 = arith.constant 80 : index
      %get3A_56 = tpu.vector_load %arg6[%get3A_54, %get3A_55] {strides = array<i32>} : memref<50x128xf32, #tpu.memory_space<vmem>>, vector<1x16xf32>,
      %get3A_57 = vector.shape_cast %get3A_56 : vector<1x16xf32> to vector<16xf32>
      %get3A_58 = arith.constant 0 : i32
      %get3A_59 = arith.index_cast %get3A_58 : i32 to index
      %get3A_60 = arith.constant 96 : index
      %get3A_61 = tpu.vector_load %arg6[%get3A_59, %get3A_60] {strides = array<i32>} : memref<50x128xf32, #tpu.memory_space<vmem>>, vector<1x16xf32>,
      %get3A_62 = vector.shape_cast %get3A_61 : vector<1x16xf32> to vector<16xf32>
      %get3A_63 = arith.constant 0 : i32
      %get3A_64 = arith.index_cast %get3A_63 : i32 to index
      %get3A_65 = arith.constant 112 : index
      %get3A_66 = tpu.vector_load %arg6[%get3A_64, %get3A_65] {strides = array<i32>} : memref<50x128xf32, #tpu.memory_space<vmem>>, vector<1x16xf32>,
      %get3A_67 = vector.shape_cast %get3A_66 : vector<1x16xf32> to vector<16xf32>
      %get3A_68 = arith.constant 1 : i32
      %get3A_69 = arith.index_cast %get3A_68 : i32 to index
      %get3A_70 = arith.constant 0 : index
      %get3A_71 = tpu.vector_load %arg6[%get3A_69, %get3A_70] {strides = array<i32>} : memref<50x128xf32, #tpu.memory_space<vmem>>, vector<1x16xf32>,
      %get3A_72 = vector.shape_cast %get3A_71 : vector<1x16xf32> to vector<16xf32>
      %add3A_73 = arith.addf %get3A_32, %get3A_72 : vector<16xf32>
      %get3A_74 = arith.constant 1 : i32
      %get3A_75 = arith.index_cast %get3A_74 : i32 to index
      %get3A_76 = arith.constant 16 : index
      %get3A_77 = tpu.vector_load %arg6[%get3A_75, %get3A_76] {strides = array<i32>} : memref<50x128xf32, #tpu.memory_space<vmem>>, vector<1x16xf32>,
      %get3A_78 = vector.shape_cast %get3A_77 : vector<1x16xf32> to vector<16xf32>
      %add3A_79 = arith.addf %get3A_37, %get3A_78 : vector<16xf32>
      %get3A_80 = arith.constant 1 : i32
      %get3A_81 = arith.index_cast %get3A_80 : i32 to index
      %get3A_82 = arith.constant 32 : index
      %get3A_83 = tpu.vector_load %arg6[%get3A_81, %get3A_82] {strides = array<i32>} : memref<50x128xf32, #tpu.memory_space<vmem>>, vector<1x16xf32>,
      %get3A_84 = vector.shape_cast %get3A_83 : vector<1x16xf32> to vector<16xf32>
      %add3A_85 = arith.addf %get3A_42, %get3A_84 : vector<16xf32>
      %get3A_86 = arith.constant 1 : i32
      %get3A_87 = arith.index_cast %get3A_86 : i32 to index
      %get3A_88 = arith.constant 48 : index
      %get3A_89 = tpu.vector_load %arg6[%get3A_87, %get3A_88] {strides = array<i32>} : memref<50x128xf32, #tpu.memory_space<vmem>>, vector<1x16xf32>,
      %get3A_90 = vector.shape_cast %get3A_89 : vector<1x16xf32> to vector<16xf32>
      %add3A_91 = arith.addf %get3A_47, %get3A_90 : vector<16xf32>
      %get3A_92 = arith.constant 1 : i32
      %get3A_93 = arith.index_cast %get3A_92 : i32 to index
      %get3A_94 = arith.constant 64 : index
      %get3A_95 = tpu.vector_load %arg6[%get3A_93, %get3A_94] {strides = array<i32>} : memref<50x128xf32, #tpu.memory_space<vmem>>, vector<1x16xf32>,
      %get3A_96 = vector.shape_cast %get3A_95 : vector<1x16xf32> to vector<16xf32>
      %add3A_97 = arith.addf %get3A_52, %get3A_96 : vector<16xf32>
      %get3A_98 = arith.constant 1 : i32
      %get3A_99 = arith.index_cast %get3A_98 : i32 to index
      %get3A_100 = arith.constant 80 : index
      %get3A_101 = tpu.vector_load %arg6[%get3A_99, %get3A_100] {strides = array<i32>} : memref<50x128xf32, #tpu.memory_space<vmem>>, vector<1x16xf32>,
      %get3A_102 = vector.shape_cast %get3A_101 : vector<1x16xf32> to vector<16xf32>
      %add3A_103 = arith.addf %get3A_57, %get3A_102 : vector<16xf32>
      %get3A_104 = arith.constant 1 : i32
      %get3A_105 = arith.index_cast %get3A_104 : i32 to index
      %get3A_106 = arith.constant 96 : index
      %get3A_107 = tpu.vector_load %arg6[%get3A_105, %get3A_106] {strides = array<i32>} : memref<50x128xf32, #tpu.memory_space<vmem>>, vector<1x16xf32>,
      %get3A_108 = vector.shape_cast %get3A_107 : vector<1x16xf32> to vector<16xf32>
      %add3A_109 = arith.addf %get3A_62, %get3A_108 : vector<16xf32>
      %get3A_110 = arith.constant 1 : i32
      %get3A_111 = arith.index_cast %get3A_110 : i32 to index
      %get3A_112 = arith.constant 112 : index
      %get3A_113 = tpu.vector_load %arg6[%get3A_111, %get3A_112] {strides = array<i32>} : memref<50x128xf32, #tpu.memory_space<vmem>>, vector<1x16xf32>,
      %get3A_114 = vector.shape_cast %get3A_113 : vector<1x16xf32> to vector<16xf32>
      %add3A_115 = arith.addf %get3A_67, %get3A_114 : vector<16xf32>
      %get3A_116 = arith.constant 2 : i32
      %get3A_117 = arith.index_cast %get3A_116 : i32 to index
      %get3A_118 = arith.constant 0 : index
      %get3A_119 = tpu.vector_load %arg6[%get3A_117, %get3A_118] {strides = array<i32>} : memref<50x128xf32, #tpu.memory_space<vmem>>, vector<1x16xf32>,
      %get3A_120 = vector.shape_cast %get3A_119 : vector<1x16xf32> to vector<16xf32>
      %add3A_121 = arith.addf %add3A_73, %get3A_120 : vector<16xf32>
      %get3A_122 = arith.constant 2 : i32
      %get3A_123 = arith.index_cast %get3A_122 : i32 to index
      %get3A_124 = arith.constant 16 : index
      %get3A_125 = tpu.vector_load %arg6[%get3A_123, %get3A_124] {strides = array<i32>} : memref<50x128xf32, #tpu.memory_space<vmem>>, vector<1x16xf32>,
      %get3A_126 = vector.shape_cast %get3A_125 : vector<1x16xf32> to vector<16xf32>
      %add3A_127 = arith.addf %add3A_79, %get3A_126 : vector<16xf32>
      %get3A_128 = arith.constant 2 : i32
      %get3A_129 = arith.index_cast %get3A_128 : i32 to index
      %get3A_130 = arith.constant 32 : index
      %get3A_131 = tpu.vector_load %arg6[%get3A_129, %get3A_130] {strides = array<i32>} : memref<50x128xf32, #tpu.memory_space<vmem>>, vector<1x16xf32>,
      %get3A_132 = vector.shape_cast %get3A_131 : vector<1x16xf32> to vector<16xf32>
      %add3A_133 = arith.addf %add3A_85, %get3A_132 : vector<16xf32>
      %get3A_134 = arith.constant 2 : i32
      %get3A_135 = arith.index_cast %get3A_134 : i32 to index
      %get3A_136 = arith.constant 48 : index
      %get3A_137 = tpu.vector_load %arg6[%get3A_135, %get3A_136] {strides = array<i32>} : memref<50x128xf32, #tpu.memory_space<vmem>>, vector<1x16xf32>,
      %get3A_138 = vector.shape_cast %get3A_137 : vector<1x16xf32> to vector<16xf32>
      %add3A_139 = arith.addf %add3A_91, %get3A_138 : vector<16xf32>
      %get3A_140 = arith.constant 2 : i32
      %get3A_141 = arith.index_cast %get3A_140 : i32 to index
      %get3A_142 = arith.constant 64 : index
      %get3A_143 = tpu.vector_load %arg6[%get3A_141, %get3A_142] {strides = array<i32>} : memref<50x128xf32, #tpu.memory_space<vmem>>, vector<1x16xf32>,
      %get3A_144 = vector.shape_cast %get3A_143 : vector<1x16xf32> to vector<16xf32>
      %add3A_145 = arith.addf %add3A_97, %get3A_144 : vector<16xf32>
      %get3A_146 = arith.constant 2 : i32
      %get3A_147 = arith.index_cast %get3A_146 : i32 to index
      %get3A_148 = arith.constant 80 : index
      %get3A_149 = tpu.vector_load %arg6[%get3A_147, %get3A_148] {strides = array<i32>} : memref<50x128xf32, #tpu.memory_space<vmem>>, vector<1x16xf32>,
      %get3A_150 = vector.shape_cast %get3A_149 : vector<1x16xf32> to vector<16xf32>
      %add3A_151 = arith.addf %add3A_103, %get3A_150 : vector<16xf32>
      %get3A_152 = arith.constant 2 : i32
      %get3A_153 = arith.index_cast %get3A_152 : i32 to index
      %get3A_154 = arith.constant 96 : index
      %get3A_155 = tpu.vector_load %arg6[%get3A_153, %get3A_154] {strides = array<i32>} : memref<50x128xf32, #tpu.memory_space<vmem>>, vector<1x16xf32>,
      %get3A_156 = vector.shape_cast %get3A_155 : vector<1x16xf32> to vector<16xf32>
      %add3A_157 = arith.addf %add3A_109, %get3A_156 : vector<16xf32>
      %get3A_158 = arith.constant 2 : i32
      %get3A_159 = arith.index_cast %get3A_158 : i32 to index
      %get3A_160 = arith.constant 112 : index
      %get3A_161 = tpu.vector_load %arg6[%get3A_159, %get3A_160] {strides = array<i32>} : memref<50x128xf32, #tpu.memory_space<vmem>>, vector<1x16xf32>,
      %get3A_162 = vector.shape_cast %get3A_161 : vector<1x16xf32> to vector<16xf32>
      %add3A_163 = arith.addf %add3A_115, %get3A_162 : vector<16xf32>
      %get3A_164 = arith.constant 3 : i32
      %get3A_165 = arith.index_cast %get3A_164 : i32 to index
      %get3A_166 = arith.constant 0 : index
      %get3A_167 = tpu.vector_load %arg6[%get3A_165, %get3A_166] {strides = array<i32>} : memref<50x128xf32, #tpu.memory_space<vmem>>, vector<1x16xf32>,
      %get3A_168 = vector.shape_cast %get3A_167 : vector<1x16xf32> to vector<16xf32>
      %add3A_169 = arith.addf %add3A_121, %get3A_168 : vector<16xf32>
      %get3A_170 = arith.constant 3 : i32
      %get3A_171 = arith.index_cast %get3A_170 : i32 to index
      %get3A_172 = arith.constant 16 : index
      %get3A_173 = tpu.vector_load %arg6[%get3A_171, %get3A_172] {strides = array<i32>} : memref<50x128xf32, #tpu.memory_space<vmem>>, vector<1x16xf32>,
      %get3A_174 = vector.shape_cast %get3A_173 : vector<1x16xf32> to vector<16xf32>
      %add3A_175 = arith.addf %add3A_127, %get3A_174 : vector<16xf32>
      %get3A_176 = arith.constant 3 : i32
      %get3A_177 = arith.index_cast %get3A_176 : i32 to index
      %get3A_178 = arith.constant 32 : index
      %get3A_179 = tpu.vector_load %arg6[%get3A_177, %get3A_178] {strides = array<i32>} : memref<50x128xf32, #tpu.memory_space<vmem>>, vector<1x16xf32>,
      %get3A_180 = vector.shape_cast %get3A_179 : vector<1x16xf32> to vector<16xf32>
      %add3A_181 = arith.addf %add3A_133, %get3A_180 : vector<16xf32>
      %get3A_182 = arith.constant 3 : i32
      %get3A_183 = arith.index_cast %get3A_182 : i32 to index
      %get3A_184 = arith.constant 48 : index
      %get3A_185 = tpu.vector_load %arg6[%get3A_183, %get3A_184] {strides = array<i32>} : memref<50x128xf32, #tpu.memory_space<vmem>>, vector<1x16xf32>,
      %get3A_186 = vector.shape_cast %get3A_185 : vector<1x16xf32> to vector<16xf32>
      %add3A_187 = arith.addf %add3A_139, %get3A_186 : vector<16xf32>
      %get3A_188 = arith.constant 3 : i32
      %get3A_189 = arith.index_cast %get3A_188 : i32 to index
      %get3A_190 = arith.constant 64 : index
      %get3A_191 = tpu.vector_load %arg6[%get3A_189, %get3A_190] {strides = array<i32>} : memref<50x128xf32, #tpu.memory_space<vmem>>, vector<1x16xf32>,
      %get3A_192 = vector.shape_cast %get3A_191 : vector<1x16xf32> to vector<16xf32>
      %add3A_193 = arith.addf %add3A_145, %get3A_192 : vector<16xf32>
      %get3A_194 = arith.constant 3 : i32
      %get3A_195 = arith.index_cast %get3A_194 : i32 to index
      %get3A_196 = arith.constant 80 : index
      %get3A_197 = tpu.vector_load %arg6[%get3A_195, %get3A_196] {strides = array<i32>} : memref<50x128xf32, #tpu.memory_space<vmem>>, vector<1x16xf32>,
      %get3A_198 = vector.shape_cast %get3A_197 : vector<1x16xf32> to vector<16xf32>
      %add3A_199 = arith.addf %add3A_151, %get3A_198 : vector<16xf32>
      %get3A_200 = arith.constant 3 : i32
      %get3A_201 = arith.index_cast %get3A_200 : i32 to index
      %get3A_202 = arith.constant 96 : index
      %get3A_203 = tpu.vector_load %arg6[%get3A_201, %get3A_202] {strides = array<i32>} : memref<50x128xf32, #tpu.memory_space<vmem>>, vector<1x16xf32>,
      %get3A_204 = vector.shape_cast %get3A_203 : vector<1x16xf32> to vector<16xf32>
      %add3A_205 = arith.addf %add3A_157, %get3A_204 : vector<16xf32>
      %get3A_206 = arith.constant 3 : i32
      %get3A_207 = arith.index_cast %get3A_206 : i32 to index
      %get3A_208 = arith.constant 112 : index
      %get3A_209 = tpu.vector_load %arg6[%get3A_207, %get3A_208] {strides = array<i32>} : memref<50x128xf32, #tpu.memory_space<vmem>>, vector<1x16xf32>,
      %get3A_210 = vector.shape_cast %get3A_209 : vector<1x16xf32> to vector<16xf32>
      %add3A_211 = arith.addf %add3A_163, %get3A_210 : vector<16xf32>
      %get3A_212 = arith.constant 4 : i32
      %get3A_213 = arith.index_cast %get3A_212 : i32 to index
      %get3A_214 = arith.constant 0 : index
      %get3A_215 = tpu.vector_load %arg6[%get3A_213, %get3A_214] {strides = array<i32>} : memref<50x128xf32, #tpu.memory_space<vmem>>, vector<1x16xf32>,
      %get3A_216 = vector.shape_cast %get3A_215 : vector<1x16xf32> to vector<16xf32>
      %add3A_217 = arith.addf %add3A_169, %get3A_216 : vector<16xf32>
      %get3A_218 = arith.constant 4 : i32
      %get3A_219 = arith.index_cast %get3A_218 : i32 to index
      %get3A_220 = arith.constant 16 : index
      %get3A_221 = tpu.vector_load %arg6[%get3A_219, %get3A_220] {strides = array<i32>} : memref<50x128xf32, #tpu.memory_space<vmem>>, vector<1x16xf32>,
      %get3A_222 = vector.shape_cast %get3A_221 : vector<1x16xf32> to vector<16xf32>
      %add3A_223 = arith.addf %add3A_175, %get3A_222 : vector<16xf32>
      %get3A_224 = arith.constant 4 : i32
      %get3A_225 = arith.index_cast %get3A_224 : i32 to index
      %get3A_226 = arith.constant 32 : index
      %get3A_227 = tpu.vector_load %arg6[%get3A_225, %get3A_226] {strides = array<i32>} : memref<50x128xf32, #tpu.memory_space<vmem>>, vector<1x16xf32>,
      %get3A_228 = vector.shape_cast %get3A_227 : vector<1x16xf32> to vector<16xf32>
      %add3A_229 = arith.addf %add3A_181, %get3A_228 : vector<16xf32>
      %get3A_230 = arith.constant 4 : i32
      %get3A_231 = arith.index_cast %get3A_230 : i32 to index
      %get3A_232 = arith.constant 48 : index
      %get3A_233 = tpu.vector_load %arg6[%get3A_231, %get3A_232] {strides = array<i32>} : memref<50x128xf32, #tpu.memory_space<vmem>>, vector<1x16xf32>,
      %get3A_234 = vector.shape_cast %get3A_233 : vector<1x16xf32> to vector<16xf32>
      %add3A_235 = arith.addf %add3A_187, %get3A_234 : vector<16xf32>
      %get3A_236 = arith.constant 4 : i32
      %get3A_237 = arith.index_cast %get3A_236 : i32 to index
      %get3A_238 = arith.constant 64 : index
      %get3A_239 = tpu.vector_load %arg6[%get3A_237, %get3A_238] {strides = array<i32>} : memref<50x128xf32, #tpu.memory_space<vmem>>, vector<1x16xf32>,
      %get3A_240 = vector.shape_cast %get3A_239 : vector<1x16xf32> to vector<16xf32>
      %add3A_241 = arith.addf %add3A_193, %get3A_240 : vector<16xf32>
      %get3A_242 = arith.constant 4 : i32
      %get3A_243 = arith.index_cast %get3A_242 : i32 to index
      %get3A_244 = arith.constant 80 : index
      %get3A_245 = tpu.vector_load %arg6[%get3A_243, %get3A_244] {strides = array<i32>} : memref<50x128xf32, #tpu.memory_space<vmem>>, vector<1x16xf32>,
      %get3A_246 = vector.shape_cast %get3A_245 : vector<1x16xf32> to vector<16xf32>
      %add3A_247 = arith.addf %add3A_199, %get3A_246 : vector<16xf32>
      %get3A_248 = arith.constant 4 : i32
      %get3A_249 = arith.index_cast %get3A_248 : i32 to index
      %get3A_250 = arith.constant 96 : index
      %get3A_251 = tpu.vector_load %arg6[%get3A_249, %get3A_250] {strides = array<i32>} : memref<50x128xf32, #tpu.memory_space<vmem>>, vector<1x16xf32>,
      %get3A_252 = vector.shape_cast %get3A_251 : vector<1x16xf32> to vector<16xf32>
      %add3A_253 = arith.addf %add3A_205, %get3A_252 : vector<16xf32>
      %get3A_254 = arith.constant 4 : i32
      %get3A_255 = arith.index_cast %get3A_254 : i32 to index
      %get3A_256 = arith.constant 112 : index
      %get3A_257 = tpu.vector_load %arg6[%get3A_255, %get3A_256] {strides = array<i32>} : memref<50x128xf32, #tpu.memory_space<vmem>>, vector<1x16xf32>,
      %get3A_258 = vector.shape_cast %get3A_257 : vector<1x16xf32> to vector<16xf32>
      %add3A_259 = arith.addf %add3A_211, %get3A_258 : vector<16xf32>
      %get3A_260 = arith.constant 5 : i32
      %get3A_261 = arith.index_cast %get3A_260 : i32 to index
      %get3A_262 = arith.constant 0 : index
      %get3A_263 = tpu.vector_load %arg6[%get3A_261, %get3A_262] {strides = array<i32>} : memref<50x128xf32, #tpu.memory_space<vmem>>, vector<1x16xf32>,
      %get3A_264 = vector.shape_cast %get3A_263 : vector<1x16xf32> to vector<16xf32>
      %add3A_265 = arith.addf %add3A_217, %get3A_264 : vector<16xf32>
      %get3A_266 = arith.constant 5 : i32
      %get3A_267 = arith.index_cast %get3A_266 : i32 to index
      %get3A_268 = arith.constant 16 : index
      %get3A_269 = tpu.vector_load %arg6[%get3A_267, %get3A_268] {strides = array<i32>} : memref<50x128xf32, #tpu.memory_space<vmem>>, vector<1x16xf32>,
      %get3A_270 = vector.shape_cast %get3A_269 : vector<1x16xf32> to vector<16xf32>
      %add3A_271 = arith.addf %add3A_223, %get3A_270 : vector<16xf32>
      %get3A_272 = arith.constant 5 : i32
      %get3A_273 = arith.index_cast %get3A_272 : i32 to index
      %get3A_274 = arith.constant 32 : index
      %get3A_275 = tpu.vector_load %arg6[%get3A_273, %get3A_274] {strides = array<i32>} : memref<50x128xf32, #tpu.memory_space<vmem>>, vector<1x16xf32>,
      %get3A_276 = vector.shape_cast %get3A_275 : vector<1x16xf32> to vector<16xf32>
      %add3A_277 = arith.addf %add3A_229, %get3A_276 : vector<16xf32>
      %get3A_278 = arith.constant 5 : i32
      %get3A_279 = arith.index_cast %get3A_278 : i32 to index
      %get3A_280 = arith.constant 48 : index
      %get3A_281 = tpu.vector_load %arg6[%get3A_279, %get3A_280] {strides = array<i32>} : memref<50x128xf32, #tpu.memory_space<vmem>>, vector<1x16xf32>,
      %get3A_282 = vector.shape_cast %get3A_281 : vector<1x16xf32> to vector<16xf32>
      %add3A_283 = arith.addf %add3A_235, %get3A_282 : vector<16xf32>
      %get3A_284 = arith.constant 5 : i32
      %get3A_285 = arith.index_cast %get3A_284 : i32 to index
      %get3A_286 = arith.constant 64 : index
      %get3A_287 = tpu.vector_load %arg6[%get3A_285, %get3A_286] {strides = array<i32>} : memref<50x128xf32, #tpu.memory_space<vmem>>, vector<1x16xf32>,
      %get3A_288 = vector.shape_cast %get3A_287 : vector<1x16xf32> to vector<16xf32>
      %add3A_289 = arith.addf %add3A_241, %get3A_288 : vector<16xf32>
      %get3A_290 = arith.constant 5 : i32
      %get3A_291 = arith.index_cast %get3A_290 : i32 to index
      %get3A_292 = arith.constant 80 : index
      %get3A_293 = tpu.vector_load %arg6[%get3A_291, %get3A_292] {strides = array<i32>} : memref<50x128xf32, #tpu.memory_space<vmem>>, vector<1x16xf32>,
      %get3A_294 = vector.shape_cast %get3A_293 : vector<1x16xf32> to vector<16xf32>
      %add3A_295 = arith.addf %add3A_247, %get3A_294 : vector<16xf32>
      %get3A_296 = arith.constant 5 : i32
      %get3A_297 = arith.index_cast %get3A_296 : i32 to index
      %get3A_298 = arith.constant 96 : index
      %get3A_299 = tpu.vector_load %arg6[%get3A_297, %get3A_298] {strides = array<i32>} : memref<50x128xf32, #tpu.memory_space<vmem>>, vector<1x16xf32>,
      %get3A_300 = vector.shape_cast %get3A_299 : vector<1x16xf32> to vector<16xf32>
      %add3A_301 = arith.addf %add3A_253, %get3A_300 : vector<16xf32>
      %get3A_302 = arith.constant 5 : i32
      %get3A_303 = arith.index_cast %get3A_302 : i32 to index
      %get3A_304 = arith.constant 112 : index
      %get3A_305 = tpu.vector_load %arg6[%get3A_303, %get3A_304] {strides = array<i32>} : memref<50x128xf32, #tpu.memory_space<vmem>>, vector<1x16xf32>,
      %get3A_306 = vector.shape_cast %get3A_305 : vector<1x16xf32> to vector<16xf32>
      %add3A_307 = arith.addf %add3A_259, %get3A_306 : vector<16xf32>
      %get3A_308 = arith.constant 6 : i32
      %get3A_309 = arith.index_cast %get3A_308 : i32 to index
      %get3A_310 = arith.constant 0 : index
      %get3A_311 = tpu.vector_load %arg6[%get3A_309, %get3A_310] {strides = array<i32>} : memref<50x128xf32, #tpu.memory_space<vmem>>, vector<1x16xf32>,
      %get3A_312 = vector.shape_cast %get3A_311 : vector<1x16xf32> to vector<16xf32>
      %add3A_313 = arith.addf %add3A_265, %get3A_312 : vector<16xf32>
      %get3A_314 = arith.constant 6 : i32
      %get3A_315 = arith.index_cast %get3A_314 : i32 to index
      %get3A_316 = arith.constant 16 : index
      %get3A_317 = tpu.vector_load %arg6[%get3A_315, %get3A_316] {strides = array<i32>} : memref<50x128xf32, #tpu.memory_space<vmem>>, vector<1x16xf32>,
      %get3A_318 = vector.shape_cast %get3A_317 : vector<1x16xf32> to vector<16xf32>
      %add3A_319 = arith.addf %add3A_271, %get3A_318 : vector<16xf32>
      %get3A_320 = arith.constant 6 : i32
      %get3A_321 = arith.index_cast %get3A_320 : i32 to index
      %get3A_322 = arith.constant 32 : index
      %get3A_323 = tpu.vector_load %arg6[%get3A_321, %get3A_322] {strides = array<i32>} : memref<50x128xf32, #tpu.memory_space<vmem>>, vector<1x16xf32>,
      %get3A_324 = vector.shape_cast %get3A_323 : vector<1x16xf32> to vector<16xf32>
      %add3A_325 = arith.addf %add3A_277, %get3A_324 : vector<16xf32>
      %get3A_326 = arith.constant 6 : i32
      %get3A_327 = arith.index_cast %get3A_326 : i32 to index
      %get3A_328 = arith.constant 48 : index
      %get3A_329 = tpu.vector_load %arg6[%get3A_327, %get3A_328] {strides = array<i32>} : memref<50x128xf32, #tpu.memory_space<vmem>>, vector<1x16xf32>,
      %get3A_330 = vector.shape_cast %get3A_329 : vector<1x16xf32> to vector<16xf32>
      %add3A_331 = arith.addf %add3A_283, %get3A_330 : vector<16xf32>
      %get3A_332 = arith.constant 6 : i32
      %get3A_333 = arith.index_cast %get3A_332 : i32 to index
      %get3A_334 = arith.constant 64 : index
      %get3A_335 = tpu.vector_load %arg6[%get3A_333, %get3A_334] {strides = array<i32>} : memref<50x128xf32, #tpu.memory_space<vmem>>, vector<1x16xf32>,
      %get3A_336 = vector.shape_cast %get3A_335 : vector<1x16xf32> to vector<16xf32>
      %add3A_337 = arith.addf %add3A_289, %get3A_336 : vector<16xf32>
      %get3A_338 = arith.constant 6 : i32
      %get3A_339 = arith.index_cast %get3A_338 : i32 to index
      %get3A_340 = arith.constant 80 : index
      %get3A_341 = tpu.vector_load %arg6[%get3A_339, %get3A_340] {strides = array<i32>} : memref<50x128xf32, #tpu.memory_space<vmem>>, vector<1x16xf32>,
      %get3A_342 = vector.shape_cast %get3A_341 : vector<1x16xf32> to vector<16xf32>
      %add3A_343 = arith.addf %add3A_295, %get3A_342 : vector<16xf32>
      %get3A_344 = arith.constant 6 : i32
      %get3A_345 = arith.index_cast %get3A_344 : i32 to index
      %get3A_346 = arith.constant 96 : index
      %get3A_347 = tpu.vector_load %arg6[%get3A_345, %get3A_346] {strides = array<i32>} : memref<50x128xf32, #tpu.memory_space<vmem>>, vector<1x16xf32>,
      %get3A_348 = vector.shape_cast %get3A_347 : vector<1x16xf32> to vector<16xf32>
      %add3A_349 = arith.addf %add3A_301, %get3A_348 : vector<16xf32>
      %get3A_350 = arith.constant 6 : i32
      %get3A_351 = arith.index_cast %get3A_350 : i32 to index
      %get3A_352 = arith.constant 112 : index
      %get3A_353 = tpu.vector_load %arg6[%get3A_351, %get3A_352] {strides = array<i32>} : memref<50x128xf32, #tpu.memory_space<vmem>>, vector<1x16xf32>,
      %get3A_354 = vector.shape_cast %get3A_353 : vector<1x16xf32> to vector<16xf32>
      %add3A_355 = arith.addf %add3A_307, %get3A_354 : vector<16xf32>
      %get3A_356 = arith.constant 7 : i32
      %get3A_357 = arith.index_cast %get3A_356 : i32 to index
      %get3A_358 = arith.constant 0 : index
      %get3A_359 = tpu.vector_load %arg6[%get3A_357, %get3A_358] {strides = array<i32>} : memref<50x128xf32, #tpu.memory_space<vmem>>, vector<1x16xf32>,
      %get3A_360 = vector.shape_cast %get3A_359 : vector<1x16xf32> to vector<16xf32>
      %add3A_361 = arith.addf %add3A_313, %get3A_360 : vector<16xf32>
      %get3A_362 = arith.constant 7 : i32
      %get3A_363 = arith.index_cast %get3A_362 : i32 to index
      %get3A_364 = arith.constant 16 : index
      %get3A_365 = tpu.vector_load %arg6[%get3A_363, %get3A_364] {strides = array<i32>} : memref<50x128xf32, #tpu.memory_space<vmem>>, vector<1x16xf32>,
      %get3A_366 = vector.shape_cast %get3A_365 : vector<1x16xf32> to vector<16xf32>
      %add3A_367 = arith.addf %add3A_319, %get3A_366 : vector<16xf32>
      %get3A_368 = arith.constant 7 : i32
      %get3A_369 = arith.index_cast %get3A_368 : i32 to index
      %get3A_370 = arith.constant 32 : index
      %get3A_371 = tpu.vector_load %arg6[%get3A_369, %get3A_370] {strides = array<i32>} : memref<50x128xf32, #tpu.memory_space<vmem>>, vector<1x16xf32>,
      %get3A_372 = vector.shape_cast %get3A_371 : vector<1x16xf32> to vector<16xf32>
      %add3A_373 = arith.addf %add3A_325, %get3A_372 : vector<16xf32>
      %get3A_374 = arith.constant 7 : i32
      %get3A_375 = arith.index_cast %get3A_374 : i32 to index
      %get3A_376 = arith.constant 48 : index
      %get3A_377 = tpu.vector_load %arg6[%get3A_375, %get3A_376] {strides = array<i32>} : memref<50x128xf32, #tpu.memory_space<vmem>>, vector<1x16xf32>,
      %get3A_378 = vector.shape_cast %get3A_377 : vector<1x16xf32> to vector<16xf32>
      %add3A_379 = arith.addf %add3A_331, %get3A_378 : vector<16xf32>
      %get3A_380 = arith.constant 7 : i32
      %get3A_381 = arith.index_cast %get3A_380 : i32 to index
      %get3A_382 = arith.constant 64 : index
      %get3A_383 = tpu.vector_load %arg6[%get3A_381, %get3A_382] {strides = array<i32>} : memref<50x128xf32, #tpu.memory_space<vmem>>, vector<1x16xf32>,
      %get3A_384 = vector.shape_cast %get3A_383 : vector<1x16xf32> to vector<16xf32>
      %add3A_385 = arith.addf %add3A_337, %get3A_384 : vector<16xf32>
      %get3A_386 = arith.constant 7 : i32
      %get3A_387 = arith.index_cast %get3A_386 : i32 to index
      %get3A_388 = arith.constant 80 : index
      %get3A_389 = tpu.vector_load %arg6[%get3A_387, %get3A_388] {strides = array<i32>} : memref<50x128xf32, #tpu.memory_space<vmem>>, vector<1x16xf32>,
      %get3A_390 = vector.shape_cast %get3A_389 : vector<1x16xf32> to vector<16xf32>
      %add3A_391 = arith.addf %add3A_343, %get3A_390 : vector<16xf32>
      %get3A_392 = arith.constant 7 : i32
      %get3A_393 = arith.index_cast %get3A_392 : i32 to index
      %get3A_394 = arith.constant 96 : index
      %get3A_395 = tpu.vector_load %arg6[%get3A_393, %get3A_394] {strides = array<i32>} : memref<50x128xf32, #tpu.memory_space<vmem>>, vector<1x16xf32>,
      %get3A_396 = vector.shape_cast %get3A_395 : vector<1x16xf32> to vector<16xf32>
      %add3A_397 = arith.addf %add3A_349, %get3A_396 : vector<16xf32>
      %get3A_398 = arith.constant 7 : i32
      %get3A_399 = arith.index_cast %get3A_398 : i32 to index
      %get3A_400 = arith.constant 112 : index
      %get3A_401 = tpu.vector_load %arg6[%get3A_399, %get3A_400] {strides = array<i32>} : memref<50x128xf32, #tpu.memory_space<vmem>>, vector<1x16xf32>,
      %get3A_402 = vector.shape_cast %get3A_401 : vector<1x16xf32> to vector<16xf32>
      %add3A_403 = arith.addf %add3A_355, %get3A_402 : vector<16xf32>
      %get3A_404 = arith.constant 8 : i32
      %get3A_405 = arith.index_cast %get3A_404 : i32 to index
      %get3A_406 = arith.constant 0 : index
      %get3A_407 = tpu.vector_load %arg6[%get3A_405, %get3A_406] {strides = array<i32>} : memref<50x128xf32, #tpu.memory_space<vmem>>, vector<1x16xf32>,
      %get3A_408 = vector.shape_cast %get3A_407 : vector<1x16xf32> to vector<16xf32>
      %add3A_409 = arith.addf %add3A_361, %get3A_408 : vector<16xf32>
      %get3A_410 = arith.constant 8 : i32
      %get3A_411 = arith.index_cast %get3A_410 : i32 to index
      %get3A_412 = arith.constant 16 : index
      %get3A_413 = tpu.vector_load %arg6[%get3A_411, %get3A_412] {strides = array<i32>} : memref<50x128xf32, #tpu.memory_space<vmem>>, vector<1x16xf32>,
      %get3A_414 = vector.shape_cast %get3A_413 : vector<1x16xf32> to vector<16xf32>
      %add3A_415 = arith.addf %add3A_367, %get3A_414 : vector<16xf32>
      %get3A_416 = arith.constant 8 : i32
      %get3A_417 = arith.index_cast %get3A_416 : i32 to index
      %get3A_418 = arith.constant 32 : index
      %get3A_419 = tpu.vector_load %arg6[%get3A_417, %get3A_418] {strides = array<i32>} : memref<50x128xf32, #tpu.memory_space<vmem>>, vector<1x16xf32>,
      %get3A_420 = vector.shape_cast %get3A_419 : vector<1x16xf32> to vector<16xf32>
      %add3A_421 = arith.addf %add3A_373, %get3A_420 : vector<16xf32>
      %get3A_422 = arith.constant 8 : i32
      %get3A_423 = arith.index_cast %get3A_422 : i32 to index
      %get3A_424 = arith.constant 48 : index
      %get3A_425 = tpu.vector_load %arg6[%get3A_423, %get3A_424] {strides = array<i32>} : memref<50x128xf32, #tpu.memory_space<vmem>>, vector<1x16xf32>,
      %get3A_426 = vector.shape_cast %get3A_425 : vector<1x16xf32> to vector<16xf32>
      %add3A_427 = arith.addf %add3A_379, %get3A_426 : vector<16xf32>
      %get3A_428 = arith.constant 8 : i32
      %get3A_429 = arith.index_cast %get3A_428 : i32 to index
      %get3A_430 = arith.constant 64 : index
      %get3A_431 = tpu.vector_load %arg6[%get3A_429, %get3A_430] {strides = array<i32>} : memref<50x128xf32, #tpu.memory_space<vmem>>, vector<1x16xf32>,
      %get3A_432 = vector.shape_cast %get3A_431 : vector<1x16xf32> to vector<16xf32>
      %add3A_433 = arith.addf %add3A_385, %get3A_432 : vector<16xf32>
      %get3A_434 = arith.constant 8 : i32
      %get3A_435 = arith.index_cast %get3A_434 : i32 to index
      %get3A_436 = arith.constant 80 : index
      %get3A_437 = tpu.vector_load %arg6[%get3A_435, %get3A_436] {strides = array<i32>} : memref<50x128xf32, #tpu.memory_space<vmem>>, vector<1x16xf32>,
      %get3A_438 = vector.shape_cast %get3A_437 : vector<1x16xf32> to vector<16xf32>
      %add3A_439 = arith.addf %add3A_391, %get3A_438 : vector<16xf32>
      %get3A_440 = arith.constant 8 : i32
      %get3A_441 = arith.index_cast %get3A_440 : i32 to index
      %get3A_442 = arith.constant 96 : index
      %get3A_443 = tpu.vector_load %arg6[%get3A_441, %get3A_442] {strides = array<i32>} : memref<50x128xf32, #tpu.memory_space<vmem>>, vector<1x16xf32>,
      %get3A_444 = vector.shape_cast %get3A_443 : vector<1x16xf32> to vector<16xf32>
      %add3A_445 = arith.addf %add3A_397, %get3A_444 : vector<16xf32>
      %get3A_446 = arith.constant 8 : i32
      %get3A_447 = arith.index_cast %get3A_446 : i32 to index
      %get3A_448 = arith.constant 112 : index
      %get3A_449 = tpu.vector_load %arg6[%get3A_447, %get3A_448] {strides = array<i32>} : memref<50x128xf32, #tpu.memory_space<vmem>>, vector<1x16xf32>,
      %get3A_450 = vector.shape_cast %get3A_449 : vector<1x16xf32> to vector<16xf32>
      %add3A_451 = arith.addf %add3A_403, %get3A_450 : vector<16xf32>
      %get3A_452 = arith.constant 9 : i32
      %get3A_453 = arith.index_cast %get3A_452 : i32 to index
      %get3A_454 = arith.constant 0 : index
      %get3A_455 = tpu.vector_load %arg6[%get3A_453, %get3A_454] {strides = array<i32>} : memref<50x128xf32, #tpu.memory_space<vmem>>, vector<1x16xf32>,
      %get3A_456 = vector.shape_cast %get3A_455 : vector<1x16xf32> to vector<16xf32>
      %add3A_457 = arith.addf %add3A_409, %get3A_456 : vector<16xf32>
      %get3A_458 = arith.constant 9 : i32
      %get3A_459 = arith.index_cast %get3A_458 : i32 to index
      %get3A_460 = arith.constant 16 : index
      %get3A_461 = tpu.vector_load %arg6[%get3A_459, %get3A_460] {strides = array<i32>} : memref<50x128xf32, #tpu.memory_space<vmem>>, vector<1x16xf32>,
      %get3A_462 = vector.shape_cast %get3A_461 : vector<1x16xf32> to vector<16xf32>
      %add3A_463 = arith.addf %add3A_415, %get3A_462 : vector<16xf32>
      %get3A_464 = arith.constant 9 : i32
      %get3A_465 = arith.index_cast %get3A_464 : i32 to index
      %get3A_466 = arith.constant 32 : index
      %get3A_467 = tpu.vector_load %arg6[%get3A_465, %get3A_466] {strides = array<i32>} : memref<50x128xf32, #tpu.memory_space<vmem>>, vector<1x16xf32>,
      %get3A_468 = vector.shape_cast %get3A_467 : vector<1x16xf32> to vector<16xf32>
      %add3A_469 = arith.addf %add3A_421, %get3A_468 : vector<16xf32>
      %get3A_470 = arith.constant 9 : i32
      %get3A_471 = arith.index_cast %get3A_470 : i32 to index
      %get3A_472 = arith.constant 48 : index
      %get3A_473 = tpu.vector_load %arg6[%get3A_471, %get3A_472] {strides = array<i32>} : memref<50x128xf32, #tpu.memory_space<vmem>>, vector<1x16xf32>,
      %get3A_474 = vector.shape_cast %get3A_473 : vector<1x16xf32> to vector<16xf32>
      %add3A_475 = arith.addf %add3A_427, %get3A_474 : vector<16xf32>
      %get3A_476 = arith.constant 9 : i32
      %get3A_477 = arith.index_cast %get3A_476 : i32 to index
      %get3A_478 = arith.constant 64 : index
      %get3A_479 = tpu.vector_load %arg6[%get3A_477, %get3A_478] {strides = array<i32>} : memref<50x128xf32, #tpu.memory_space<vmem>>, vector<1x16xf32>,
      %get3A_480 = vector.shape_cast %get3A_479 : vector<1x16xf32> to vector<16xf32>
      %add3A_481 = arith.addf %add3A_433, %get3A_480 : vector<16xf32>
      %get3A_482 = arith.constant 9 : i32
      %get3A_483 = arith.index_cast %get3A_482 : i32 to index
      %get3A_484 = arith.constant 80 : index
      %get3A_485 = tpu.vector_load %arg6[%get3A_483, %get3A_484] {strides = array<i32>} : memref<50x128xf32, #tpu.memory_space<vmem>>, vector<1x16xf32>,
      %get3A_486 = vector.shape_cast %get3A_485 : vector<1x16xf32> to vector<16xf32>
      %add3A_487 = arith.addf %add3A_439, %get3A_486 : vector<16xf32>
      %get3A_488 = arith.constant 9 : i32
      %get3A_489 = arith.index_cast %get3A_488 : i32 to index
      %get3A_490 = arith.constant 96 : index
      %get3A_491 = tpu.vector_load %arg6[%get3A_489, %get3A_490] {strides = array<i32>} : memref<50x128xf32, #tpu.memory_space<vmem>>, vector<1x16xf32>,
      %get3A_492 = vector.shape_cast %get3A_491 : vector<1x16xf32> to vector<16xf32>
      %add3A_493 = arith.addf %add3A_445, %get3A_492 : vector<16xf32>
      %get3A_494 = arith.constant 9 : i32
      %get3A_495 = arith.index_cast %get3A_494 : i32 to index
      %get3A_496 = arith.constant 112 : index
      %get3A_497 = tpu.vector_load %arg6[%get3A_495, %get3A_496] {strides = array<i32>} : memref<50x128xf32, #tpu.memory_space<vmem>>, vector<1x16xf32>,
      %get3A_498 = vector.shape_cast %get3A_497 : vector<1x16xf32> to vector<16xf32>
      %add3A_499 = arith.addf %add3A_451, %get3A_498 : vector<16xf32>
      %get3A_500 = arith.constant 10 : i32
      %get3A_501 = arith.index_cast %get3A_500 : i32 to index
      %get3A_502 = arith.constant 0 : index
      %get3A_503 = tpu.vector_load %arg6[%get3A_501, %get3A_502] {strides = array<i32>} : memref<50x128xf32, #tpu.memory_space<vmem>>, vector<1x16xf32>,
      %get3A_504 = vector.shape_cast %get3A_503 : vector<1x16xf32> to vector<16xf32>
      %add3A_505 = arith.addf %add3A_457, %get3A_504 : vector<16xf32>
      %get3A_506 = arith.constant 10 : i32
      %get3A_507 = arith.index_cast %get3A_506 : i32 to index
      %get3A_508 = arith.constant 16 : index
      %get3A_509 = tpu.vector_load %arg6[%get3A_507, %get3A_508] {strides = array<i32>} : memref<50x128xf32, #tpu.memory_space<vmem>>, vector<1x16xf32>,
      %get3A_510 = vector.shape_cast %get3A_509 : vector<1x16xf32> to vector<16xf32>
      %add3A_511 = arith.addf %add3A_463, %get3A_510 : vector<16xf32>
      %get3A_512 = arith.constant 10 : i32
      %get3A_513 = arith.index_cast %get3A_512 : i32 to index
      %get3A_514 = arith.constant 32 : index
      %get3A_515 = tpu.vector_load %arg6[%get3A_513, %get3A_514] {strides = array<i32>} : memref<50x128xf32, #tpu.memory_space<vmem>>, vector<1x16xf32>,
      %get3A_516 = vector.shape_cast %get3A_515 : vector<1x16xf32> to vector<16xf32>
      %add3A_517 = arith.addf %add3A_469, %get3A_516 : vector<16xf32>
      %get3A_518 = arith.constant 10 : i32
      %get3A_519 = arith.index_cast %get3A_518 : i32 to index
      %get3A_520 = arith.constant 48 : index
      %get3A_521 = tpu.vector_load %arg6[%get3A_519, %get3A_520] {strides = array<i32>} : memref<50x128xf32, #tpu.memory_space<vmem>>, vector<1x16xf32>,
      %get3A_522 = vector.shape_cast %get3A_521 : vector<1x16xf32> to vector<16xf32>
      %add3A_523 = arith.addf %add3A_475, %get3A_522 : vector<16xf32>
      %get3A_524 = arith.constant 10 : i32
      %get3A_525 = arith.index_cast %get3A_524 : i32 to index
      %get3A_526 = arith.constant 64 : index
      %get3A_527 = tpu.vector_load %arg6[%get3A_525, %get3A_526] {strides = array<i32>} : memref<50x128xf32, #tpu.memory_space<vmem>>, vector<1x16xf32>,
      %get3A_528 = vector.shape_cast %get3A_527 : vector<1x16xf32> to vector<16xf32>
      %add3A_529 = arith.addf %add3A_481, %get3A_528 : vector<16xf32>
      %get3A_530 = arith.constant 10 : i32
      %get3A_531 = arith.index_cast %get3A_530 : i32 to index
      %get3A_532 = arith.constant 80 : index
      %get3A_533 = tpu.vector_load %arg6[%get3A_531, %get3A_532] {strides = array<i32>} : memref<50x128xf32, #tpu.memory_space<vmem>>, vector<1x16xf32>,
      %get3A_534 = vector.shape_cast %get3A_533 : vector<1x16xf32> to vector<16xf32>
      %add3A_535 = arith.addf %add3A_487, %get3A_534 : vector<16xf32>
      %get3A_536 = arith.constant 10 : i32
      %get3A_537 = arith.index_cast %get3A_536 : i32 to index
      %get3A_538 = arith.constant 96 : index
      %get3A_539 = tpu.vector_load %arg6[%get3A_537, %get3A_538] {strides = array<i32>} : memref<50x128xf32, #tpu.memory_space<vmem>>, vector<1x16xf32>,
      %get3A_540 = vector.shape_cast %get3A_539 : vector<1x16xf32> to vector<16xf32>
      %add3A_541 = arith.addf %add3A_493, %get3A_540 : vector<16xf32>
      %get3A_542 = arith.constant 10 : i32
      %get3A_543 = arith.index_cast %get3A_542 : i32 to index
      %get3A_544 = arith.constant 112 : index
      %get3A_545 = tpu.vector_load %arg6[%get3A_543, %get3A_544] {strides = array<i32>} : memref<50x128xf32, #tpu.memory_space<vmem>>, vector<1x16xf32>,
      %get3A_546 = vector.shape_cast %get3A_545 : vector<1x16xf32> to vector<16xf32>
      %add3A_547 = arith.addf %add3A_499, %get3A_546 : vector<16xf32>
      %get3A_548 = arith.constant 11 : i32
      %get3A_549 = arith.index_cast %get3A_548 : i32 to index
      %get3A_550 = arith.constant 0 : index
      %get3A_551 = tpu.vector_load %arg6[%get3A_549, %get3A_550] {strides = array<i32>} : memref<50x128xf32, #tpu.memory_space<vmem>>, vector<1x16xf32>,
      %get3A_552 = vector.shape_cast %get3A_551 : vector<1x16xf32> to vector<16xf32>
      %add3A_553 = arith.addf %add3A_505, %get3A_552 : vector<16xf32>
      %get3A_554 = arith.constant 11 : i32
      %get3A_555 = arith.index_cast %get3A_554 : i32 to index
      %get3A_556 = arith.constant 16 : index
      %get3A_557 = tpu.vector_load %arg6[%get3A_555, %get3A_556] {strides = array<i32>} : memref<50x128xf32, #tpu.memory_space<vmem>>, vector<1x16xf32>,
      %get3A_558 = vector.shape_cast %get3A_557 : vector<1x16xf32> to vector<16xf32>
      %add3A_559 = arith.addf %add3A_511, %get3A_558 : vector<16xf32>
      %get3A_560 = arith.constant 11 : i32
      %get3A_561 = arith.index_cast %get3A_560 : i32 to index
      %get3A_562 = arith.constant 32 : index
      %get3A_563 = tpu.vector_load %arg6[%get3A_561, %get3A_562] {strides = array<i32>} : memref<50x128xf32, #tpu.memory_space<vmem>>, vector<1x16xf32>,
      %get3A_564 = vector.shape_cast %get3A_563 : vector<1x16xf32> to vector<16xf32>
      %add3A_565 = arith.addf %add3A_517, %get3A_564 : vector<16xf32>
      %get3A_566 = arith.constant 11 : i32
      %get3A_567 = arith.index_cast %get3A_566 : i32 to index
      %get3A_568 = arith.constant 48 : index
      %get3A_569 = tpu.vector_load %arg6[%get3A_567, %get3A_568] {strides = array<i32>} : memref<50x128xf32, #tpu.memory_space<vmem>>, vector<1x16xf32>,
      %get3A_570 = vector.shape_cast %get3A_569 : vector<1x16xf32> to vector<16xf32>
      %add3A_571 = arith.addf %add3A_523, %get3A_570 : vector<16xf32>
      %get3A_572 = arith.constant 11 : i32
      %get3A_573 = arith.index_cast %get3A_572 : i32 to index
      %get3A_574 = arith.constant 64 : index
      %get3A_575 = tpu.vector_load %arg6[%get3A_573, %get3A_574] {strides = array<i32>} : memref<50x128xf32, #tpu.memory_space<vmem>>, vector<1x16xf32>,
      %get3A_576 = vector.shape_cast %get3A_575 : vector<1x16xf32> to vector<16xf32>
      %add3A_577 = arith.addf %add3A_529, %get3A_576 : vector<16xf32>
      %get3A_578 = arith.constant 11 : i32
      %get3A_579 = arith.index_cast %get3A_578 : i32 to index
      %get3A_580 = arith.constant 80 : index
      %get3A_581 = tpu.vector_load %arg6[%get3A_579, %get3A_580] {strides = array<i32>} : memref<50x128xf32, #tpu.memory_space<vmem>>, vector<1x16xf32>,
      %get3A_582 = vector.shape_cast %get3A_581 : vector<1x16xf32> to vector<16xf32>
      %add3A_583 = arith.addf %add3A_535, %get3A_582 : vector<16xf32>
      %get3A_584 = arith.constant 11 : i32
      %get3A_585 = arith.index_cast %get3A_584 : i32 to index
      %get3A_586 = arith.constant 96 : index
      %get3A_587 = tpu.vector_load %arg6[%get3A_585, %get3A_586] {strides = array<i32>} : memref<50x128xf32, #tpu.memory_space<vmem>>, vector<1x16xf32>,
      %get3A_588 = vector.shape_cast %get3A_587 : vector<1x16xf32> to vector<16xf32>
      %add3A_589 = arith.addf %add3A_541, %get3A_588 : vector<16xf32>
      %get3A_590 = arith.constant 11 : i32
      %get3A_591 = arith.index_cast %get3A_590 : i32 to index
      %get3A_592 = arith.constant 112 : index
      %get3A_593 = tpu.vector_load %arg6[%get3A_591, %get3A_592] {strides = array<i32>} : memref<50x128xf32, #tpu.memory_space<vmem>>, vector<1x16xf32>,
      %get3A_594 = vector.shape_cast %get3A_593 : vector<1x16xf32> to vector<16xf32>
      %add3A_595 = arith.addf %add3A_547, %get3A_594 : vector<16xf32>
      %get3A_596 = arith.constant 12 : i32
      %get3A_597 = arith.index_cast %get3A_596 : i32 to index
      %get3A_598 = arith.constant 0 : index
      %get3A_599 = tpu.vector_load %arg6[%get3A_597, %get3A_598] {strides = array<i32>} : memref<50x128xf32, #tpu.memory_space<vmem>>, vector<1x16xf32>,
      %get3A_600 = vector.shape_cast %get3A_599 : vector<1x16xf32> to vector<16xf32>
      %add3A_601 = arith.addf %add3A_553, %get3A_600 : vector<16xf32>
      %get3A_602 = arith.constant 12 : i32
      %get3A_603 = arith.index_cast %get3A_602 : i32 to index
      %get3A_604 = arith.constant 16 : index
      %get3A_605 = tpu.vector_load %arg6[%get3A_603, %get3A_604] {strides = array<i32>} : memref<50x128xf32, #tpu.memory_space<vmem>>, vector<1x16xf32>,
      %get3A_606 = vector.shape_cast %get3A_605 : vector<1x16xf32> to vector<16xf32>
      %add3A_607 = arith.addf %add3A_559, %get3A_606 : vector<16xf32>
      %get3A_608 = arith.constant 12 : i32
      %get3A_609 = arith.index_cast %get3A_608 : i32 to index
      %get3A_610 = arith.constant 32 : index
      %get3A_611 = tpu.vector_load %arg6[%get3A_609, %get3A_610] {strides = array<i32>} : memref<50x128xf32, #tpu.memory_space<vmem>>, vector<1x16xf32>,
      %get3A_612 = vector.shape_cast %get3A_611 : vector<1x16xf32> to vector<16xf32>
      %add3A_613 = arith.addf %add3A_565, %get3A_612 : vector<16xf32>
      %get3A_614 = arith.constant 12 : i32
      %get3A_615 = arith.index_cast %get3A_614 : i32 to index
      %get3A_616 = arith.constant 48 : index
      %get3A_617 = tpu.vector_load %arg6[%get3A_615, %get3A_616] {strides = array<i32>} : memref<50x128xf32, #tpu.memory_space<vmem>>, vector<1x16xf32>,
      %get3A_618 = vector.shape_cast %get3A_617 : vector<1x16xf32> to vector<16xf32>
      %add3A_619 = arith.addf %add3A_571, %get3A_618 : vector<16xf32>
      %get3A_620 = arith.constant 12 : i32
      %get3A_621 = arith.index_cast %get3A_620 : i32 to index
      %get3A_622 = arith.constant 64 : index
      %get3A_623 = tpu.vector_load %arg6[%get3A_621, %get3A_622] {strides = array<i32>} : memref<50x128xf32, #tpu.memory_space<vmem>>, vector<1x16xf32>,
      %get3A_624 = vector.shape_cast %get3A_623 : vector<1x16xf32> to vector<16xf32>
      %add3A_625 = arith.addf %add3A_577, %get3A_624 : vector<16xf32>
      %get3A_626 = arith.constant 12 : i32
      %get3A_627 = arith.index_cast %get3A_626 : i32 to index
      %get3A_628 = arith.constant 80 : index
      %get3A_629 = tpu.vector_load %arg6[%get3A_627, %get3A_628] {strides = array<i32>} : memref<50x128xf32, #tpu.memory_space<vmem>>, vector<1x16xf32>,
      %get3A_630 = vector.shape_cast %get3A_629 : vector<1x16xf32> to vector<16xf32>
      %add3A_631 = arith.addf %add3A_583, %get3A_630 : vector<16xf32>
      %get3A_632 = arith.constant 12 : i32
      %get3A_633 = arith.index_cast %get3A_632 : i32 to index
      %get3A_634 = arith.constant 96 : index
      %get3A_635 = tpu.vector_load %arg6[%get3A_633, %get3A_634] {strides = array<i32>} : memref<50x128xf32, #tpu.memory_space<vmem>>, vector<1x16xf32>,
      %get3A_636 = vector.shape_cast %get3A_635 : vector<1x16xf32> to vector<16xf32>
      %add3A_637 = arith.addf %add3A_589, %get3A_636 : vector<16xf32>
      %get3A_638 = arith.constant 12 : i32
      %get3A_639 = arith.index_cast %get3A_638 : i32 to index
      %get3A_640 = arith.constant 112 : index
      %get3A_641 = tpu.vector_load %arg6[%get3A_639, %get3A_640] {strides = array<i32>} : memref<50x128xf32, #tpu.memory_space<vmem>>, vector<1x16xf32>,
      %get3A_642 = vector.shape_cast %get3A_641 : vector<1x16xf32> to vector<16xf32>
      %add3A_643 = arith.addf %add3A_595, %get3A_642 : vector<16xf32>
      %get3A_644 = arith.constant 13 : i32
      %get3A_645 = arith.index_cast %get3A_644 : i32 to index
      %get3A_646 = arith.constant 0 : index
      %get3A_647 = tpu.vector_load %arg6[%get3A_645, %get3A_646] {strides = array<i32>} : memref<50x128xf32, #tpu.memory_space<vmem>>, vector<1x16xf32>,
      %get3A_648 = vector.shape_cast %get3A_647 : vector<1x16xf32> to vector<16xf32>
      %add3A_649 = arith.addf %add3A_601, %get3A_648 : vector<16xf32>
      %get3A_650 = arith.constant 13 : i32
      %get3A_651 = arith.index_cast %get3A_650 : i32 to index
      %get3A_652 = arith.constant 16 : index
      %get3A_653 = tpu.vector_load %arg6[%get3A_651, %get3A_652] {strides = array<i32>} : memref<50x128xf32, #tpu.memory_space<vmem>>, vector<1x16xf32>,
      %get3A_654 = vector.shape_cast %get3A_653 : vector<1x16xf32> to vector<16xf32>
      %add3A_655 = arith.addf %add3A_607, %get3A_654 : vector<16xf32>
      %get3A_656 = arith.constant 13 : i32
      %get3A_657 = arith.index_cast %get3A_656 : i32 to index
      %get3A_658 = arith.constant 32 : index
      %get3A_659 = tpu.vector_load %arg6[%get3A_657, %get3A_658] {strides = array<i32>} : memref<50x128xf32, #tpu.memory_space<vmem>>, vector<1x16xf32>,
      %get3A_660 = vector.shape_cast %get3A_659 : vector<1x16xf32> to vector<16xf32>
      %add3A_661 = arith.addf %add3A_613, %get3A_660 : vector<16xf32>
      %get3A_662 = arith.constant 13 : i32
      %get3A_663 = arith.index_cast %get3A_662 : i32 to index
      %get3A_664 = arith.constant 48 : index
      %get3A_665 = tpu.vector_load %arg6[%get3A_663, %get3A_664] {strides = array<i32>} : memref<50x128xf32, #tpu.memory_space<vmem>>, vector<1x16xf32>,
      %get3A_666 = vector.shape_cast %get3A_665 : vector<1x16xf32> to vector<16xf32>
      %add3A_667 = arith.addf %add3A_619, %get3A_666 : vector<16xf32>
      %get3A_668 = arith.constant 13 : i32
      %get3A_669 = arith.index_cast %get3A_668 : i32 to index
      %get3A_670 = arith.constant 64 : index
      %get3A_671 = tpu.vector_load %arg6[%get3A_669, %get3A_670] {strides = array<i32>} : memref<50x128xf32, #tpu.memory_space<vmem>>, vector<1x16xf32>,
      %get3A_672 = vector.shape_cast %get3A_671 : vector<1x16xf32> to vector<16xf32>
      %add3A_673 = arith.addf %add3A_625, %get3A_672 : vector<16xf32>
      %get3A_674 = arith.constant 13 : i32
      %get3A_675 = arith.index_cast %get3A_674 : i32 to index
      %get3A_676 = arith.constant 80 : index
      %get3A_677 = tpu.vector_load %arg6[%get3A_675, %get3A_676] {strides = array<i32>} : memref<50x128xf32, #tpu.memory_space<vmem>>, vector<1x16xf32>,
      %get3A_678 = vector.shape_cast %get3A_677 : vector<1x16xf32> to vector<16xf32>
      %add3A_679 = arith.addf %add3A_631, %get3A_678 : vector<16xf32>
      %get3A_680 = arith.constant 13 : i32
      %get3A_681 = arith.index_cast %get3A_680 : i32 to index
      %get3A_682 = arith.constant 96 : index
      %get3A_683 = tpu.vector_load %arg6[%get3A_681, %get3A_682] {strides = array<i32>} : memref<50x128xf32, #tpu.memory_space<vmem>>, vector<1x16xf32>,
      %get3A_684 = vector.shape_cast %get3A_683 : vector<1x16xf32> to vector<16xf32>
      %add3A_685 = arith.addf %add3A_637, %get3A_684 : vector<16xf32>
      %get3A_686 = arith.constant 13 : i32
      %get3A_687 = arith.index_cast %get3A_686 : i32 to index
      %get3A_688 = arith.constant 112 : index
      %get3A_689 = tpu.vector_load %arg6[%get3A_687, %get3A_688] {strides = array<i32>} : memref<50x128xf32, #tpu.memory_space<vmem>>, vector<1x16xf32>,
      %get3A_690 = vector.shape_cast %get3A_689 : vector<1x16xf32> to vector<16xf32>
      %add3A_691 = arith.addf %add3A_643, %get3A_690 : vector<16xf32>
      %get3A_692 = arith.constant 14 : i32
      %get3A_693 = arith.index_cast %get3A_692 : i32 to index
      %get3A_694 = arith.constant 0 : index
      %get3A_695 = tpu.vector_load %arg6[%get3A_693, %get3A_694] {strides = array<i32>} : memref<50x128xf32, #tpu.memory_space<vmem>>, vector<1x16xf32>,
      %get3A_696 = vector.shape_cast %get3A_695 : vector<1x16xf32> to vector<16xf32>
      %add3A_697 = arith.addf %add3A_649, %get3A_696 : vector<16xf32>
      %get3A_698 = arith.constant 14 : i32
      %get3A_699 = arith.index_cast %get3A_698 : i32 to index
      %get3A_700 = arith.constant 16 : index
      %get3A_701 = tpu.vector_load %arg6[%get3A_699, %get3A_700] {strides = array<i32>} : memref<50x128xf32, #tpu.memory_space<vmem>>, vector<1x16xf32>,
      %get3A_702 = vector.shape_cast %get3A_701 : vector<1x16xf32> to vector<16xf32>
      %add3A_703 = arith.addf %add3A_655, %get3A_702 : vector<16xf32>
      %get3A_704 = arith.constant 14 : i32
      %get3A_705 = arith.index_cast %get3A_704 : i32 to index
      %get3A_706 = arith.constant 32 : index
      %get3A_707 = tpu.vector_load %arg6[%get3A_705, %get3A_706] {strides = array<i32>} : memref<50x128xf32, #tpu.memory_space<vmem>>, vector<1x16xf32>,
      %get3A_708 = vector.shape_cast %get3A_707 : vector<1x16xf32> to vector<16xf32>
      %add3A_709 = arith.addf %add3A_661, %get3A_708 : vector<16xf32>
      %get3A_710 = arith.constant 14 : i32
      %get3A_711 = arith.index_cast %get3A_710 : i32 to index
      %get3A_712 = arith.constant 48 : index
      %get3A_713 = tpu.vector_load %arg6[%get3A_711, %get3A_712] {strides = array<i32>} : memref<50x128xf32, #tpu.memory_space<vmem>>, vector<1x16xf32>,
      %get3A_714 = vector.shape_cast %get3A_713 : vector<1x16xf32> to vector<16xf32>
      %add3A_715 = arith.addf %add3A_667, %get3A_714 : vector<16xf32>
      %get3A_716 = arith.constant 14 : i32
      %get3A_717 = arith.index_cast %get3A_716 : i32 to index
      %get3A_718 = arith.constant 64 : index
      %get3A_719 = tpu.vector_load %arg6[%get3A_717, %get3A_718] {strides = array<i32>} : memref<50x128xf32, #tpu.memory_space<vmem>>, vector<1x16xf32>,
      %get3A_720 = vector.shape_cast %get3A_719 : vector<1x16xf32> to vector<16xf32>
      %add3A_721 = arith.addf %add3A_673, %get3A_720 : vector<16xf32>
      %get3A_722 = arith.constant 14 : i32
      %get3A_723 = arith.index_cast %get3A_722 : i32 to index
      %get3A_724 = arith.constant 80 : index
      %get3A_725 = tpu.vector_load %arg6[%get3A_723, %get3A_724] {strides = array<i32>} : memref<50x128xf32, #tpu.memory_space<vmem>>, vector<1x16xf32>,
      %get3A_726 = vector.shape_cast %get3A_725 : vector<1x16xf32> to vector<16xf32>
      %add3A_727 = arith.addf %add3A_679, %get3A_726 : vector<16xf32>
      %get3A_728 = arith.constant 14 : i32
      %get3A_729 = arith.index_cast %get3A_728 : i32 to index
      %get3A_730 = arith.constant 96 : index
      %get3A_731 = tpu.vector_load %arg6[%get3A_729, %get3A_730] {strides = array<i32>} : memref<50x128xf32, #tpu.memory_space<vmem>>, vector<1x16xf32>,
      %get3A_732 = vector.shape_cast %get3A_731 : vector<1x16xf32> to vector<16xf32>
      %add3A_733 = arith.addf %add3A_685, %get3A_732 : vector<16xf32>
      %get3A_734 = arith.constant 14 : i32
      %get3A_735 = arith.index_cast %get3A_734 : i32 to index
      %get3A_736 = arith.constant 112 : index
      %get3A_737 = tpu.vector_load %arg6[%get3A_735, %get3A_736] {strides = array<i32>} : memref<50x128xf32, #tpu.memory_space<vmem>>, vector<1x16xf32>,
      %get3A_738 = vector.shape_cast %get3A_737 : vector<1x16xf32> to vector<16xf32>
      %add3A_739 = arith.addf %add3A_691, %get3A_738 : vector<16xf32>
      %get3A_740 = arith.constant 15 : i32
      %get3A_741 = arith.index_cast %get3A_740 : i32 to index
      %get3A_742 = arith.constant 0 : index
      %get3A_743 = tpu.vector_load %arg6[%get3A_741, %get3A_742] {strides = array<i32>} : memref<50x128xf32, #tpu.memory_space<vmem>>, vector<1x16xf32>,
      %get3A_744 = vector.shape_cast %get3A_743 : vector<1x16xf32> to vector<16xf32>
      %add3A_745 = arith.addf %add3A_697, %get3A_744 : vector<16xf32>
      %get3A_746 = arith.constant 15 : i32
      %get3A_747 = arith.index_cast %get3A_746 : i32 to index
      %get3A_748 = arith.constant 16 : index
      %get3A_749 = tpu.vector_load %arg6[%get3A_747, %get3A_748] {strides = array<i32>} : memref<50x128xf32, #tpu.memory_space<vmem>>, vector<1x16xf32>,
      %get3A_750 = vector.shape_cast %get3A_749 : vector<1x16xf32> to vector<16xf32>
      %add3A_751 = arith.addf %add3A_703, %get3A_750 : vector<16xf32>
      %get3A_752 = arith.constant 15 : i32
      %get3A_753 = arith.index_cast %get3A_752 : i32 to index
      %get3A_754 = arith.constant 32 : index
      %get3A_755 = tpu.vector_load %arg6[%get3A_753, %get3A_754] {strides = array<i32>} : memref<50x128xf32, #tpu.memory_space<vmem>>, vector<1x16xf32>,
      %get3A_756 = vector.shape_cast %get3A_755 : vector<1x16xf32> to vector<16xf32>
      %add3A_757 = arith.addf %add3A_709, %get3A_756 : vector<16xf32>
      %get3A_758 = arith.constant 15 : i32
      %get3A_759 = arith.index_cast %get3A_758 : i32 to index
      %get3A_760 = arith.constant 48 : index
      %get3A_761 = tpu.vector_load %arg6[%get3A_759, %get3A_760] {strides = array<i32>} : memref<50x128xf32, #tpu.memory_space<vmem>>, vector<1x16xf32>,
      %get3A_762 = vector.shape_cast %get3A_761 : vector<1x16xf32> to vector<16xf32>
      %add3A_763 = arith.addf %add3A_715, %get3A_762 : vector<16xf32>
      %get3A_764 = arith.constant 15 : i32
      %get3A_765 = arith.index_cast %get3A_764 : i32 to index
      %get3A_766 = arith.constant 64 : index
      %get3A_767 = tpu.vector_load %arg6[%get3A_765, %get3A_766] {strides = array<i32>} : memref<50x128xf32, #tpu.memory_space<vmem>>, vector<1x16xf32>,
      %get3A_768 = vector.shape_cast %get3A_767 : vector<1x16xf32> to vector<16xf32>
      %add3A_769 = arith.addf %add3A_721, %get3A_768 : vector<16xf32>
      %get3A_770 = arith.constant 15 : i32
      %get3A_771 = arith.index_cast %get3A_770 : i32 to index
      %get3A_772 = arith.constant 80 : index
      %get3A_773 = tpu.vector_load %arg6[%get3A_771, %get3A_772] {strides = array<i32>} : memref<50x128xf32, #tpu.memory_space<vmem>>, vector<1x16xf32>,
      %get3A_774 = vector.shape_cast %get3A_773 : vector<1x16xf32> to vector<16xf32>
      %add3A_775 = arith.addf %add3A_727, %get3A_774 : vector<16xf32>
      %get3A_776 = arith.constant 15 : i32
      %get3A_777 = arith.index_cast %get3A_776 : i32 to index
      %get3A_778 = arith.constant 96 : index
      %get3A_779 = tpu.vector_load %arg6[%get3A_777, %get3A_778] {strides = array<i32>} : memref<50x128xf32, #tpu.memory_space<vmem>>, vector<1x16xf32>,
      %get3A_780 = vector.shape_cast %get3A_779 : vector<1x16xf32> to vector<16xf32>
      %add3A_781 = arith.addf %add3A_733, %get3A_780 : vector<16xf32>
      %get3A_782 = arith.constant 15 : i32
      %get3A_783 = arith.index_cast %get3A_782 : i32 to index
      %get3A_784 = arith.constant 112 : index
      %get3A_785 = tpu.vector_load %arg6[%get3A_783, %get3A_784] {strides = array<i32>} : memref<50x128xf32, #tpu.memory_space<vmem>>, vector<1x16xf32>,
      %get3A_786 = vector.shape_cast %get3A_785 : vector<1x16xf32> to vector<16xf32>
      %add3A_787 = arith.addf %add3A_739, %get3A_786 : vector<16xf32>
      %get3A_788 = arith.constant 16 : i32
      %get3A_789 = arith.index_cast %get3A_788 : i32 to index
      %get3A_790 = arith.constant 0 : index
      %get3A_791 = tpu.vector_load %arg6[%get3A_789, %get3A_790] {strides = array<i32>} : memref<50x128xf32, #tpu.memory_space<vmem>>, vector<1x16xf32>,
      %get3A_792 = vector.shape_cast %get3A_791 : vector<1x16xf32> to vector<16xf32>
      %add3A_793 = arith.addf %add3A_745, %get3A_792 : vector<16xf32>
      %get3A_794 = arith.constant 16 : i32
      %get3A_795 = arith.index_cast %get3A_794 : i32 to index
      %get3A_796 = arith.constant 16 : index
      %get3A_797 = tpu.vector_load %arg6[%get3A_795, %get3A_796] {strides = array<i32>} : memref<50x128xf32, #tpu.memory_space<vmem>>, vector<1x16xf32>,
      %get3A_798 = vector.shape_cast %get3A_797 : vector<1x16xf32> to vector<16xf32>
      %add3A_799 = arith.addf %add3A_751, %get3A_798 : vector<16xf32>
      %get3A_800 = arith.constant 16 : i32
      %get3A_801 = arith.index_cast %get3A_800 : i32 to index
      %get3A_802 = arith.constant 32 : index
      %get3A_803 = tpu.vector_load %arg6[%get3A_801, %get3A_802] {strides = array<i32>} : memref<50x128xf32, #tpu.memory_space<vmem>>, vector<1x16xf32>,
      %get3A_804 = vector.shape_cast %get3A_803 : vector<1x16xf32> to vector<16xf32>
      %add3A_805 = arith.addf %add3A_757, %get3A_804 : vector<16xf32>
      %get3A_806 = arith.constant 16 : i32
      %get3A_807 = arith.index_cast %get3A_806 : i32 to index
      %get3A_808 = arith.constant 48 : index
      %get3A_809 = tpu.vector_load %arg6[%get3A_807, %get3A_808] {strides = array<i32>} : memref<50x128xf32, #tpu.memory_space<vmem>>, vector<1x16xf32>,
      %get3A_810 = vector.shape_cast %get3A_809 : vector<1x16xf32> to vector<16xf32>
      %add3A_811 = arith.addf %add3A_763, %get3A_810 : vector<16xf32>
      %get3A_812 = arith.constant 16 : i32
      %get3A_813 = arith.index_cast %get3A_812 : i32 to index
      %get3A_814 = arith.constant 64 : index
      %get3A_815 = tpu.vector_load %arg6[%get3A_813, %get3A_814] {strides = array<i32>} : memref<50x128xf32, #tpu.memory_space<vmem>>, vector<1x16xf32>,
      %get3A_816 = vector.shape_cast %get3A_815 : vector<1x16xf32> to vector<16xf32>
      %add3A_817 = arith.addf %add3A_769, %get3A_816 : vector<16xf32>
      %get3A_818 = arith.constant 16 : i32
      %get3A_819 = arith.index_cast %get3A_818 : i32 to index
      %get3A_820 = arith.constant 80 : index
      %get3A_821 = tpu.vector_load %arg6[%get3A_819, %get3A_820] {strides = array<i32>} : memref<50x128xf32, #tpu.memory_space<vmem>>, vector<1x16xf32>,
      %get3A_822 = vector.shape_cast %get3A_821 : vector<1x16xf32> to vector<16xf32>
      %add3A_823 = arith.addf %add3A_775, %get3A_822 : vector<16xf32>
      %get3A_824 = arith.constant 16 : i32
      %get3A_825 = arith.index_cast %get3A_824 : i32 to index
      %get3A_826 = arith.constant 96 : index
      %get3A_827 = tpu.vector_load %arg6[%get3A_825, %get3A_826] {strides = array<i32>} : memref<50x128xf32, #tpu.memory_space<vmem>>, vector<1x16xf32>,
      %get3A_828 = vector.shape_cast %get3A_827 : vector<1x16xf32> to vector<16xf32>
      %add3A_829 = arith.addf %add3A_781, %get3A_828 : vector<16xf32>
      %get3A_830 = arith.constant 16 : i32
      %get3A_831 = arith.index_cast %get3A_830 : i32 to index
      %get3A_832 = arith.constant 112 : index
      %get3A_833 = tpu.vector_load %arg6[%get3A_831, %get3A_832] {strides = array<i32>} : memref<50x128xf32, #tpu.memory_space<vmem>>, vector<1x16xf32>,
      %get3A_834 = vector.shape_cast %get3A_833 : vector<1x16xf32> to vector<16xf32>
      %add3A_835 = arith.addf %add3A_787, %get3A_834 : vector<16xf32>
      %get3A_836 = arith.constant 17 : i32
      %get3A_837 = arith.index_cast %get3A_836 : i32 to index
      %get3A_838 = arith.constant 0 : index
      %get3A_839 = tpu.vector_load %arg6[%get3A_837, %get3A_838] {strides = array<i32>} : memref<50x128xf32, #tpu.memory_space<vmem>>, vector<1x16xf32>,
      %get3A_840 = vector.shape_cast %get3A_839 : vector<1x16xf32> to vector<16xf32>
      %add3A_841 = arith.addf %add3A_793, %get3A_840 : vector<16xf32>
      %get3A_842 = arith.constant 17 : i32
      %get3A_843 = arith.index_cast %get3A_842 : i32 to index
      %get3A_844 = arith.constant 16 : index
      %get3A_845 = tpu.vector_load %arg6[%get3A_843, %get3A_844] {strides = array<i32>} : memref<50x128xf32, #tpu.memory_space<vmem>>, vector<1x16xf32>,
      %get3A_846 = vector.shape_cast %get3A_845 : vector<1x16xf32> to vector<16xf32>
      %add3A_847 = arith.addf %add3A_799, %get3A_846 : vector<16xf32>
      %get3A_848 = arith.constant 17 : i32
      %get3A_849 = arith.index_cast %get3A_848 : i32 to index
      %get3A_850 = arith.constant 32 : index
      %get3A_851 = tpu.vector_load %arg6[%get3A_849, %get3A_850] {strides = array<i32>} : memref<50x128xf32, #tpu.memory_space<vmem>>, vector<1x16xf32>,
      %get3A_852 = vector.shape_cast %get3A_851 : vector<1x16xf32> to vector<16xf32>
      %add3A_853 = arith.addf %add3A_805, %get3A_852 : vector<16xf32>
      %get3A_854 = arith.constant 17 : i32
      %get3A_855 = arith.index_cast %get3A_854 : i32 to index
      %get3A_856 = arith.constant 48 : index
      %get3A_857 = tpu.vector_load %arg6[%get3A_855, %get3A_856] {strides = array<i32>} : memref<50x128xf32, #tpu.memory_space<vmem>>, vector<1x16xf32>,
      %get3A_858 = vector.shape_cast %get3A_857 : vector<1x16xf32> to vector<16xf32>
      %add3A_859 = arith.addf %add3A_811, %get3A_858 : vector<16xf32>
      %get3A_860 = arith.constant 17 : i32
      %get3A_861 = arith.index_cast %get3A_860 : i32 to index
      %get3A_862 = arith.constant 64 : index
      %get3A_863 = tpu.vector_load %arg6[%get3A_861, %get3A_862] {strides = array<i32>} : memref<50x128xf32, #tpu.memory_space<vmem>>, vector<1x16xf32>,
      %get3A_864 = vector.shape_cast %get3A_863 : vector<1x16xf32> to vector<16xf32>
      %add3A_865 = arith.addf %add3A_817, %get3A_864 : vector<16xf32>
      %get3A_866 = arith.constant 17 : i32
      %get3A_867 = arith.index_cast %get3A_866 : i32 to index
      %get3A_868 = arith.constant 80 : index
      %get3A_869 = tpu.vector_load %arg6[%get3A_867, %get3A_868] {strides = array<i32>} : memref<50x128xf32, #tpu.memory_space<vmem>>, vector<1x16xf32>,
      %get3A_870 = vector.shape_cast %get3A_869 : vector<1x16xf32> to vector<16xf32>
      %add3A_871 = arith.addf %add3A_823, %get3A_870 : vector<16xf32>
      %get3A_872 = arith.constant 17 : i32
      %get3A_873 = arith.index_cast %get3A_872 : i32 to index
      %get3A_874 = arith.constant 96 : index
      %get3A_875 = tpu.vector_load %arg6[%get3A_873, %get3A_874] {strides = array<i32>} : memref<50x128xf32, #tpu.memory_space<vmem>>, vector<1x16xf32>,
      %get3A_876 = vector.shape_cast %get3A_875 : vector<1x16xf32> to vector<16xf32>
      %add3A_877 = arith.addf %add3A_829, %get3A_876 : vector<16xf32>
      %get3A_878 = arith.constant 17 : i32
      %get3A_879 = arith.index_cast %get3A_878 : i32 to index
      %get3A_880 = arith.constant 112 : index
      %get3A_881 = tpu.vector_load %arg6[%get3A_879, %get3A_880] {strides = array<i32>} : memref<50x128xf32, #tpu.memory_space<vmem>>, vector<1x16xf32>,
      %get3A_882 = vector.shape_cast %get3A_881 : vector<1x16xf32> to vector<16xf32>
      %add3A_883 = arith.addf %add3A_835, %get3A_882 : vector<16xf32>
      %get3A_884 = arith.constant 18 : i32
      %get3A_885 = arith.index_cast %get3A_884 : i32 to index
      %get3A_886 = arith.constant 0 : index
      %get3A_887 = tpu.vector_load %arg6[%get3A_885, %get3A_886] {strides = array<i32>} : memref<50x128xf32, #tpu.memory_space<vmem>>, vector<1x16xf32>,
      %get3A_888 = vector.shape_cast %get3A_887 : vector<1x16xf32> to vector<16xf32>
      %add3A_889 = arith.addf %add3A_841, %get3A_888 : vector<16xf32>
      %get3A_890 = arith.constant 18 : i32
      %get3A_891 = arith.index_cast %get3A_890 : i32 to index
      %get3A_892 = arith.constant 16 : index
      %get3A_893 = tpu.vector_load %arg6[%get3A_891, %get3A_892] {strides = array<i32>} : memref<50x128xf32, #tpu.memory_space<vmem>>, vector<1x16xf32>,
      %get3A_894 = vector.shape_cast %get3A_893 : vector<1x16xf32> to vector<16xf32>
      %add3A_895 = arith.addf %add3A_847, %get3A_894 : vector<16xf32>
      %get3A_896 = arith.constant 18 : i32
      %get3A_897 = arith.index_cast %get3A_896 : i32 to index
      %get3A_898 = arith.constant 32 : index
      %get3A_899 = tpu.vector_load %arg6[%get3A_897, %get3A_898] {strides = array<i32>} : memref<50x128xf32, #tpu.memory_space<vmem>>, vector<1x16xf32>,
      %get3A_900 = vector.shape_cast %get3A_899 : vector<1x16xf32> to vector<16xf32>
      %add3A_901 = arith.addf %add3A_853, %get3A_900 : vector<16xf32>
      %get3A_902 = arith.constant 18 : i32
      %get3A_903 = arith.index_cast %get3A_902 : i32 to index
      %get3A_904 = arith.constant 48 : index
      %get3A_905 = tpu.vector_load %arg6[%get3A_903, %get3A_904] {strides = array<i32>} : memref<50x128xf32, #tpu.memory_space<vmem>>, vector<1x16xf32>,
      %get3A_906 = vector.shape_cast %get3A_905 : vector<1x16xf32> to vector<16xf32>
      %add3A_907 = arith.addf %add3A_859, %get3A_906 : vector<16xf32>
      %get3A_908 = arith.constant 18 : i32
      %get3A_909 = arith.index_cast %get3A_908 : i32 to index
      %get3A_910 = arith.constant 64 : index
      %get3A_911 = tpu.vector_load %arg6[%get3A_909, %get3A_910] {strides = array<i32>} : memref<50x128xf32, #tpu.memory_space<vmem>>, vector<1x16xf32>,
      %get3A_912 = vector.shape_cast %get3A_911 : vector<1x16xf32> to vector<16xf32>
      %add3A_913 = arith.addf %add3A_865, %get3A_912 : vector<16xf32>
      %get3A_914 = arith.constant 18 : i32
      %get3A_915 = arith.index_cast %get3A_914 : i32 to index
      %get3A_916 = arith.constant 80 : index
      %get3A_917 = tpu.vector_load %arg6[%get3A_915, %get3A_916] {strides = array<i32>} : memref<50x128xf32, #tpu.memory_space<vmem>>, vector<1x16xf32>,
      %get3A_918 = vector.shape_cast %get3A_917 : vector<1x16xf32> to vector<16xf32>
      %add3A_919 = arith.addf %add3A_871, %get3A_918 : vector<16xf32>
      %get3A_920 = arith.constant 18 : i32
      %get3A_921 = arith.index_cast %get3A_920 : i32 to index
      %get3A_922 = arith.constant 96 : index
      %get3A_923 = tpu.vector_load %arg6[%get3A_921, %get3A_922] {strides = array<i32>} : memref<50x128xf32, #tpu.memory_space<vmem>>, vector<1x16xf32>,
      %get3A_924 = vector.shape_cast %get3A_923 : vector<1x16xf32> to vector<16xf32>
      %add3A_925 = arith.addf %add3A_877, %get3A_924 : vector<16xf32>
      %get3A_926 = arith.constant 18 : i32
      %get3A_927 = arith.index_cast %get3A_926 : i32 to index
      %get3A_928 = arith.constant 112 : index
      %get3A_929 = tpu.vector_load %arg6[%get3A_927, %get3A_928] {strides = array<i32>} : memref<50x128xf32, #tpu.memory_space<vmem>>, vector<1x16xf32>,
      %get3A_930 = vector.shape_cast %get3A_929 : vector<1x16xf32> to vector<16xf32>
      %add3A_931 = arith.addf %add3A_883, %get3A_930 : vector<16xf32>
      %get3A_932 = arith.constant 19 : i32
      %get3A_933 = arith.index_cast %get3A_932 : i32 to index
      %get3A_934 = arith.constant 0 : index
      %get3A_935 = tpu.vector_load %arg6[%get3A_933, %get3A_934] {strides = array<i32>} : memref<50x128xf32, #tpu.memory_space<vmem>>, vector<1x16xf32>,
      %get3A_936 = vector.shape_cast %get3A_935 : vector<1x16xf32> to vector<16xf32>
      %add3A_937 = arith.addf %add3A_889, %get3A_936 : vector<16xf32>
      %get3A_938 = arith.constant 19 : i32
      %get3A_939 = arith.index_cast %get3A_938 : i32 to index
      %get3A_940 = arith.constant 16 : index
      %get3A_941 = tpu.vector_load %arg6[%get3A_939, %get3A_940] {strides = array<i32>} : memref<50x128xf32, #tpu.memory_space<vmem>>, vector<1x16xf32>,
      %get3A_942 = vector.shape_cast %get3A_941 : vector<1x16xf32> to vector<16xf32>
      %add3A_943 = arith.addf %add3A_895, %get3A_942 : vector<16xf32>
      %get3A_944 = arith.constant 19 : i32
      %get3A_945 = arith.index_cast %get3A_944 : i32 to index
      %get3A_946 = arith.constant 32 : index
      %get3A_947 = tpu.vector_load %arg6[%get3A_945, %get3A_946] {strides = array<i32>} : memref<50x128xf32, #tpu.memory_space<vmem>>, vector<1x16xf32>,
      %get3A_948 = vector.shape_cast %get3A_947 : vector<1x16xf32> to vector<16xf32>
      %add3A_949 = arith.addf %add3A_901, %get3A_948 : vector<16xf32>
      %get3A_950 = arith.constant 19 : i32
      %get3A_951 = arith.index_cast %get3A_950 : i32 to index
      %get3A_952 = arith.constant 48 : index
      %get3A_953 = tpu.vector_load %arg6[%get3A_951, %get3A_952] {strides = array<i32>} : memref<50x128xf32, #tpu.memory_space<vmem>>, vector<1x16xf32>,
      %get3A_954 = vector.shape_cast %get3A_953 : vector<1x16xf32> to vector<16xf32>
      %add3A_955 = arith.addf %add3A_907, %get3A_954 : vector<16xf32>
      %get3A_956 = arith.constant 19 : i32
      %get3A_957 = arith.index_cast %get3A_956 : i32 to index
      %get3A_958 = arith.constant 64 : index
      %get3A_959 = tpu.vector_load %arg6[%get3A_957, %get3A_958] {strides = array<i32>} : memref<50x128xf32, #tpu.memory_space<vmem>>, vector<1x16xf32>,
      %get3A_960 = vector.shape_cast %get3A_959 : vector<1x16xf32> to vector<16xf32>
      %add3A_961 = arith.addf %add3A_913, %get3A_960 : vector<16xf32>
      %get3A_962 = arith.constant 19 : i32
      %get3A_963 = arith.index_cast %get3A_962 : i32 to index
      %get3A_964 = arith.constant 80 : index
      %get3A_965 = tpu.vector_load %arg6[%get3A_963, %get3A_964] {strides = array<i32>} : memref<50x128xf32, #tpu.memory_space<vmem>>, vector<1x16xf32>,
      %get3A_966 = vector.shape_cast %get3A_965 : vector<1x16xf32> to vector<16xf32>
      %add3A_967 = arith.addf %add3A_919, %get3A_966 : vector<16xf32>
      %get3A_968 = arith.constant 19 : i32
      %get3A_969 = arith.index_cast %get3A_968 : i32 to index
      %get3A_970 = arith.constant 96 : index
      %get3A_971 = tpu.vector_load %arg6[%get3A_969, %get3A_970] {strides = array<i32>} : memref<50x128xf32, #tpu.memory_space<vmem>>, vector<1x16xf32>,
      %get3A_972 = vector.shape_cast %get3A_971 : vector<1x16xf32> to vector<16xf32>
      %add3A_973 = arith.addf %add3A_925, %get3A_972 : vector<16xf32>
      %get3A_974 = arith.constant 19 : i32
      %get3A_975 = arith.index_cast %get3A_974 : i32 to index
      %get3A_976 = arith.constant 112 : index
      %get3A_977 = tpu.vector_load %arg6[%get3A_975, %get3A_976] {strides = array<i32>} : memref<50x128xf32, #tpu.memory_space<vmem>>, vector<1x16xf32>,
      %get3A_978 = vector.shape_cast %get3A_977 : vector<1x16xf32> to vector<16xf32>
      %add3A_979 = arith.addf %add3A_931, %get3A_978 : vector<16xf32>
      %get3A_980 = arith.constant 20 : i32
      %get3A_981 = arith.index_cast %get3A_980 : i32 to index
      %get3A_982 = arith.constant 0 : index
      %get3A_983 = tpu.vector_load %arg6[%get3A_981, %get3A_982] {strides = array<i32>} : memref<50x128xf32, #tpu.memory_space<vmem>>, vector<1x16xf32>,
      %get3A_984 = vector.shape_cast %get3A_983 : vector<1x16xf32> to vector<16xf32>
      %add3A_985 = arith.addf %add3A_937, %get3A_984 : vector<16xf32>
      %get3A_986 = arith.constant 20 : i32
      %get3A_987 = arith.index_cast %get3A_986 : i32 to index
      %get3A_988 = arith.constant 16 : index
      %get3A_989 = tpu.vector_load %arg6[%get3A_987, %get3A_988] {strides = array<i32>} : memref<50x128xf32, #tpu.memory_space<vmem>>, vector<1x16xf32>,
      %get3A_990 = vector.shape_cast %get3A_989 : vector<1x16xf32> to vector<16xf32>
      %add3A_991 = arith.addf %add3A_943, %get3A_990 : vector<16xf32>
      %get3A_992 = arith.constant 20 : i32
      %get3A_993 = arith.index_cast %get3A_992 : i32 to index
      %get3A_994 = arith.constant 32 : index
      %get3A_995 = tpu.vector_load %arg6[%get3A_993, %get3A_994] {strides = array<i32>} : memref<50x128xf32, #tpu.memory_space<vmem>>, vector<1x16xf32>,
      %get3A_996 = vector.shape_cast %get3A_995 : vector<1x16xf32> to vector<16xf32>
      %add3A_997 = arith.addf %add3A_949, %get3A_996 : vector<16xf32>
      %get3A_998 = arith.constant 20 : i32
      %get3A_999 = arith.index_cast %get3A_998 : i32 to index
      %get3A_1000 = arith.constant 48 : index
      %get3A_1001 = tpu.vector_load %arg6[%get3A_999, %get3A_1000] {strides = array<i32>} : memref<50x128xf32, #tpu.memory_space<vmem>>, vector<1x16xf32>,
      %get3A_1002 = vector.shape_cast %get3A_1001 : vector<1x16xf32> to vector<16xf32>
      %add3A_1003 = arith.addf %add3A_955, %get3A_1002 : vector<16xf32>
      %get3A_1004 = arith.constant 20 : i32
      %get3A_1005 = arith.index_cast %get3A_1004 : i32 to index
      %get3A_1006 = arith.constant 64 : index
      %get3A_1007 = tpu.vector_load %arg6[%get3A_1005, %get3A_1006] {strides = array<i32>} : memref<50x128xf32, #tpu.memory_space<vmem>>, vector<1x16xf32>,
      %get3A_1008 = vector.shape_cast %get3A_1007 : vector<1x16xf32> to vector<16xf32>
      %add3A_1009 = arith.addf %add3A_961, %get3A_1008 : vector<16xf32>
      %get3A_1010 = arith.constant 20 : i32
      %get3A_1011 = arith.index_cast %get3A_1010 : i32 to index
      %get3A_1012 = arith.constant 80 : index
      %get3A_1013 = tpu.vector_load %arg6[%get3A_1011, %get3A_1012] {strides = array<i32>} : memref<50x128xf32, #tpu.memory_space<vmem>>, vector<1x16xf32>,
      %get3A_1014 = vector.shape_cast %get3A_1013 : vector<1x16xf32> to vector<16xf32>
      %add3A_1015 = arith.addf %add3A_967, %get3A_1014 : vector<16xf32>
      %get3A_1016 = arith.constant 20 : i32
      %get3A_1017 = arith.index_cast %get3A_1016 : i32 to index
      %get3A_1018 = arith.constant 96 : index
      %get3A_1019 = tpu.vector_load %arg6[%get3A_1017, %get3A_1018] {strides = array<i32>} : memref<50x128xf32, #tpu.memory_space<vmem>>, vector<1x16xf32>,
      %get3A_1020 = vector.shape_cast %get3A_1019 : vector<1x16xf32> to vector<16xf32>
      %add3A_1021 = arith.addf %add3A_973, %get3A_1020 : vector<16xf32>
      %get3A_1022 = arith.constant 20 : i32
      %get3A_1023 = arith.index_cast %get3A_1022 : i32 to index
      %get3A_1024 = arith.constant 112 : index
      %get3A_1025 = tpu.vector_load %arg6[%get3A_1023, %get3A_1024] {strides = array<i32>} : memref<50x128xf32, #tpu.memory_space<vmem>>, vector<1x16xf32>,
      %get3A_1026 = vector.shape_cast %get3A_1025 : vector<1x16xf32> to vector<16xf32>
      %add3A_1027 = arith.addf %add3A_979, %get3A_1026 : vector<16xf32>
      %get3A_1028 = arith.constant 21 : i32
      %get3A_1029 = arith.index_cast %get3A_1028 : i32 to index
      %get3A_1030 = arith.constant 0 : index
      %get3A_1031 = tpu.vector_load %arg6[%get3A_1029, %get3A_1030] {strides = array<i32>} : memref<50x128xf32, #tpu.memory_space<vmem>>, vector<1x16xf32>,
      %get3A_1032 = vector.shape_cast %get3A_1031 : vector<1x16xf32> to vector<16xf32>
      %add3A_1033 = arith.addf %add3A_985, %get3A_1032 : vector<16xf32>
      %get3A_1034 = arith.constant 21 : i32
      %get3A_1035 = arith.index_cast %get3A_1034 : i32 to index
      %get3A_1036 = arith.constant 16 : index
      %get3A_1037 = tpu.vector_load %arg6[%get3A_1035, %get3A_1036] {strides = array<i32>} : memref<50x128xf32, #tpu.memory_space<vmem>>, vector<1x16xf32>,
      %get3A_1038 = vector.shape_cast %get3A_1037 : vector<1x16xf32> to vector<16xf32>
      %add3A_1039 = arith.addf %add3A_991, %get3A_1038 : vector<16xf32>
      %get3A_1040 = arith.constant 21 : i32
      %get3A_1041 = arith.index_cast %get3A_1040 : i32 to index
      %get3A_1042 = arith.constant 32 : index
      %get3A_1043 = tpu.vector_load %arg6[%get3A_1041, %get3A_1042] {strides = array<i32>} : memref<50x128xf32, #tpu.memory_space<vmem>>, vector<1x16xf32>,
      %get3A_1044 = vector.shape_cast %get3A_1043 : vector<1x16xf32> to vector<16xf32>
      %add3A_1045 = arith.addf %add3A_997, %get3A_1044 : vector<16xf32>
      %get3A_1046 = arith.constant 21 : i32
      %get3A_1047 = arith.index_cast %get3A_1046 : i32 to index
      %get3A_1048 = arith.constant 48 : index
      %get3A_1049 = tpu.vector_load %arg6[%get3A_1047, %get3A_1048] {strides = array<i32>} : memref<50x128xf32, #tpu.memory_space<vmem>>, vector<1x16xf32>,
      %get3A_1050 = vector.shape_cast %get3A_1049 : vector<1x16xf32> to vector<16xf32>
      %add3A_1051 = arith.addf %add3A_1003, %get3A_1050 : vector<16xf32>
      %get3A_1052 = arith.constant 21 : i32
      %get3A_1053 = arith.index_cast %get3A_1052 : i32 to index
      %get3A_1054 = arith.constant 64 : index
      %get3A_1055 = tpu.vector_load %arg6[%get3A_1053, %get3A_1054] {strides = array<i32>} : memref<50x128xf32, #tpu.memory_space<vmem>>, vector<1x16xf32>,
      %get3A_1056 = vector.shape_cast %get3A_1055 : vector<1x16xf32> to vector<16xf32>
      %add3A_1057 = arith.addf %add3A_1009, %get3A_1056 : vector<16xf32>
      %get3A_1058 = arith.constant 21 : i32
      %get3A_1059 = arith.index_cast %get3A_1058 : i32 to index
      %get3A_1060 = arith.constant 80 : index
      %get3A_1061 = tpu.vector_load %arg6[%get3A_1059, %get3A_1060] {strides = array<i32>} : memref<50x128xf32, #tpu.memory_space<vmem>>, vector<1x16xf32>,
      %get3A_1062 = vector.shape_cast %get3A_1061 : vector<1x16xf32> to vector<16xf32>
      %add3A_1063 = arith.addf %add3A_1015, %get3A_1062 : vector<16xf32>
      %get3A_1064 = arith.constant 21 : i32
      %get3A_1065 = arith.index_cast %get3A_1064 : i32 to index
      %get3A_1066 = arith.constant 96 : index
      %get3A_1067 = tpu.vector_load %arg6[%get3A_1065, %get3A_1066] {strides = array<i32>} : memref<50x128xf32, #tpu.memory_space<vmem>>, vector<1x16xf32>,
      %get3A_1068 = vector.shape_cast %get3A_1067 : vector<1x16xf32> to vector<16xf32>
      %add3A_1069 = arith.addf %add3A_1021, %get3A_1068 : vector<16xf32>
      %get3A_1070 = arith.constant 21 : i32
      %get3A_1071 = arith.index_cast %get3A_1070 : i32 to index
      %get3A_1072 = arith.constant 112 : index
      %get3A_1073 = tpu.vector_load %arg6[%get3A_1071, %get3A_1072] {strides = array<i32>} : memref<50x128xf32, #tpu.memory_space<vmem>>, vector<1x16xf32>,
      %get3A_1074 = vector.shape_cast %get3A_1073 : vector<1x16xf32> to vector<16xf32>
      %add3A_1075 = arith.addf %add3A_1027, %get3A_1074 : vector<16xf32>
      %get3A_1076 = arith.constant 22 : i32
      %get3A_1077 = arith.index_cast %get3A_1076 : i32 to index
      %get3A_1078 = arith.constant 0 : index
      %get3A_1079 = tpu.vector_load %arg6[%get3A_1077, %get3A_1078] {strides = array<i32>} : memref<50x128xf32, #tpu.memory_space<vmem>>, vector<1x16xf32>,
      %get3A_1080 = vector.shape_cast %get3A_1079 : vector<1x16xf32> to vector<16xf32>
      %add3A_1081 = arith.addf %add3A_1033, %get3A_1080 : vector<16xf32>
      %get3A_1082 = arith.constant 22 : i32
      %get3A_1083 = arith.index_cast %get3A_1082 : i32 to index
      %get3A_1084 = arith.constant 16 : index
      %get3A_1085 = tpu.vector_load %arg6[%get3A_1083, %get3A_1084] {strides = array<i32>} : memref<50x128xf32, #tpu.memory_space<vmem>>, vector<1x16xf32>,
      %get3A_1086 = vector.shape_cast %get3A_1085 : vector<1x16xf32> to vector<16xf32>
      %add3A_1087 = arith.addf %add3A_1039, %get3A_1086 : vector<16xf32>
      %get3A_1088 = arith.constant 22 : i32
      %get3A_1089 = arith.index_cast %get3A_1088 : i32 to index
      %get3A_1090 = arith.constant 32 : index
      %get3A_1091 = tpu.vector_load %arg6[%get3A_1089, %get3A_1090] {strides = array<i32>} : memref<50x128xf32, #tpu.memory_space<vmem>>, vector<1x16xf32>,
      %get3A_1092 = vector.shape_cast %get3A_1091 : vector<1x16xf32> to vector<16xf32>
      %add3A_1093 = arith.addf %add3A_1045, %get3A_1092 : vector<16xf32>
      %get3A_1094 = arith.constant 22 : i32
      %get3A_1095 = arith.index_cast %get3A_1094 : i32 to index
      %get3A_1096 = arith.constant 48 : index
      %get3A_1097 = tpu.vector_load %arg6[%get3A_1095, %get3A_1096] {strides = array<i32>} : memref<50x128xf32, #tpu.memory_space<vmem>>, vector<1x16xf32>,
      %get3A_1098 = vector.shape_cast %get3A_1097 : vector<1x16xf32> to vector<16xf32>
      %add3A_1099 = arith.addf %add3A_1051, %get3A_1098 : vector<16xf32>
      %get3A_1100 = arith.constant 22 : i32
      %get3A_1101 = arith.index_cast %get3A_1100 : i32 to index
      %get3A_1102 = arith.constant 64 : index
      %get3A_1103 = tpu.vector_load %arg6[%get3A_1101, %get3A_1102] {strides = array<i32>} : memref<50x128xf32, #tpu.memory_space<vmem>>, vector<1x16xf32>,
      %get3A_1104 = vector.shape_cast %get3A_1103 : vector<1x16xf32> to vector<16xf32>
      %add3A_1105 = arith.addf %add3A_1057, %get3A_1104 : vector<16xf32>
      %get3A_1106 = arith.constant 22 : i32
      %get3A_1107 = arith.index_cast %get3A_1106 : i32 to index
      %get3A_1108 = arith.constant 80 : index
      %get3A_1109 = tpu.vector_load %arg6[%get3A_1107, %get3A_1108] {strides = array<i32>} : memref<50x128xf32, #tpu.memory_space<vmem>>, vector<1x16xf32>,
      %get3A_1110 = vector.shape_cast %get3A_1109 : vector<1x16xf32> to vector<16xf32>
      %add3A_1111 = arith.addf %add3A_1063, %get3A_1110 : vector<16xf32>
      %get3A_1112 = arith.constant 22 : i32
      %get3A_1113 = arith.index_cast %get3A_1112 : i32 to index
      %get3A_1114 = arith.constant 96 : index
      %get3A_1115 = tpu.vector_load %arg6[%get3A_1113, %get3A_1114] {strides = array<i32>} : memref<50x128xf32, #tpu.memory_space<vmem>>, vector<1x16xf32>,
      %get3A_1116 = vector.shape_cast %get3A_1115 : vector<1x16xf32> to vector<16xf32>
      %add3A_1117 = arith.addf %add3A_1069, %get3A_1116 : vector<16xf32>
      %get3A_1118 = arith.constant 22 : i32
      %get3A_1119 = arith.index_cast %get3A_1118 : i32 to index
      %get3A_1120 = arith.constant 112 : index
      %get3A_1121 = tpu.vector_load %arg6[%get3A_1119, %get3A_1120] {strides = array<i32>} : memref<50x128xf32, #tpu.memory_space<vmem>>, vector<1x16xf32>,
      %get3A_1122 = vector.shape_cast %get3A_1121 : vector<1x16xf32> to vector<16xf32>
      %add3A_1123 = arith.addf %add3A_1075, %get3A_1122 : vector<16xf32>
      %get3A_1124 = arith.constant 23 : i32
      %get3A_1125 = arith.index_cast %get3A_1124 : i32 to index
      %get3A_1126 = arith.constant 0 : index
      %get3A_1127 = tpu.vector_load %arg6[%get3A_1125, %get3A_1126] {strides = array<i32>} : memref<50x128xf32, #tpu.memory_space<vmem>>, vector<1x16xf32>,
      %get3A_1128 = vector.shape_cast %get3A_1127 : vector<1x16xf32> to vector<16xf32>
      %add3A_1129 = arith.addf %add3A_1081, %get3A_1128 : vector<16xf32>
      %get3A_1130 = arith.constant 23 : i32
      %get3A_1131 = arith.index_cast %get3A_1130 : i32 to index
      %get3A_1132 = arith.constant 16 : index
      %get3A_1133 = tpu.vector_load %arg6[%get3A_1131, %get3A_1132] {strides = array<i32>} : memref<50x128xf32, #tpu.memory_space<vmem>>, vector<1x16xf32>,
      %get3A_1134 = vector.shape_cast %get3A_1133 : vector<1x16xf32> to vector<16xf32>
      %add3A_1135 = arith.addf %add3A_1087, %get3A_1134 : vector<16xf32>
      %get3A_1136 = arith.constant 23 : i32
      %get3A_1137 = arith.index_cast %get3A_1136 : i32 to index
      %get3A_1138 = arith.constant 32 : index
      %get3A_1139 = tpu.vector_load %arg6[%get3A_1137, %get3A_1138] {strides = array<i32>} : memref<50x128xf32, #tpu.memory_space<vmem>>, vector<1x16xf32>,
      %get3A_1140 = vector.shape_cast %get3A_1139 : vector<1x16xf32> to vector<16xf32>
      %add3A_1141 = arith.addf %add3A_1093, %get3A_1140 : vector<16xf32>
      %get3A_1142 = arith.constant 23 : i32
      %get3A_1143 = arith.index_cast %get3A_1142 : i32 to index
      %get3A_1144 = arith.constant 48 : index
      %get3A_1145 = tpu.vector_load %arg6[%get3A_1143, %get3A_1144] {strides = array<i32>} : memref<50x128xf32, #tpu.memory_space<vmem>>, vector<1x16xf32>,
      %get3A_1146 = vector.shape_cast %get3A_1145 : vector<1x16xf32> to vector<16xf32>
      %add3A_1147 = arith.addf %add3A_1099, %get3A_1146 : vector<16xf32>
      %get3A_1148 = arith.constant 23 : i32
      %get3A_1149 = arith.index_cast %get3A_1148 : i32 to index
      %get3A_1150 = arith.constant 64 : index
      %get3A_1151 = tpu.vector_load %arg6[%get3A_1149, %get3A_1150] {strides = array<i32>} : memref<50x128xf32, #tpu.memory_space<vmem>>, vector<1x16xf32>,
      %get3A_1152 = vector.shape_cast %get3A_1151 : vector<1x16xf32> to vector<16xf32>
      %add3A_1153 = arith.addf %add3A_1105, %get3A_1152 : vector<16xf32>
      %get3A_1154 = arith.constant 23 : i32
      %get3A_1155 = arith.index_cast %get3A_1154 : i32 to index
      %get3A_1156 = arith.constant 80 : index
      %get3A_1157 = tpu.vector_load %arg6[%get3A_1155, %get3A_1156] {strides = array<i32>} : memref<50x128xf32, #tpu.memory_space<vmem>>, vector<1x16xf32>,
      %get3A_1158 = vector.shape_cast %get3A_1157 : vector<1x16xf32> to vector<16xf32>
      %add3A_1159 = arith.addf %add3A_1111, %get3A_1158 : vector<16xf32>
      %get3A_1160 = arith.constant 23 : i32
      %get3A_1161 = arith.index_cast %get3A_1160 : i32 to index
      %get3A_1162 = arith.constant 96 : index
      %get3A_1163 = tpu.vector_load %arg6[%get3A_1161, %get3A_1162] {strides = array<i32>} : memref<50x128xf32, #tpu.memory_space<vmem>>, vector<1x16xf32>,
      %get3A_1164 = vector.shape_cast %get3A_1163 : vector<1x16xf32> to vector<16xf32>
      %add3A_1165 = arith.addf %add3A_1117, %get3A_1164 : vector<16xf32>
      %get3A_1166 = arith.constant 23 : i32
      %get3A_1167 = arith.index_cast %get3A_1166 : i32 to index
      %get3A_1168 = arith.constant 112 : index
      %get3A_1169 = tpu.vector_load %arg6[%get3A_1167, %get3A_1168] {strides = array<i32>} : memref<50x128xf32, #tpu.memory_space<vmem>>, vector<1x16xf32>,
      %get3A_1170 = vector.shape_cast %get3A_1169 : vector<1x16xf32> to vector<16xf32>
      %add3A_1171 = arith.addf %add3A_1123, %get3A_1170 : vector<16xf32>
      %get3A_1172 = arith.constant 24 : i32
      %get3A_1173 = arith.index_cast %get3A_1172 : i32 to index
      %get3A_1174 = arith.constant 0 : index
      %get3A_1175 = tpu.vector_load %arg6[%get3A_1173, %get3A_1174] {strides = array<i32>} : memref<50x128xf32, #tpu.memory_space<vmem>>, vector<1x16xf32>,
      %get3A_1176 = vector.shape_cast %get3A_1175 : vector<1x16xf32> to vector<16xf32>
      %add3A_1177 = arith.addf %add3A_1129, %get3A_1176 : vector<16xf32>
      %get3A_1178 = arith.constant 24 : i32
      %get3A_1179 = arith.index_cast %get3A_1178 : i32 to index
      %get3A_1180 = arith.constant 16 : index
      %get3A_1181 = tpu.vector_load %arg6[%get3A_1179, %get3A_1180] {strides = array<i32>} : memref<50x128xf32, #tpu.memory_space<vmem>>, vector<1x16xf32>,
      %get3A_1182 = vector.shape_cast %get3A_1181 : vector<1x16xf32> to vector<16xf32>
      %add3A_1183 = arith.addf %add3A_1135, %get3A_1182 : vector<16xf32>
      %get3A_1184 = arith.constant 24 : i32
      %get3A_1185 = arith.index_cast %get3A_1184 : i32 to index
      %get3A_1186 = arith.constant 32 : index
      %get3A_1187 = tpu.vector_load %arg6[%get3A_1185, %get3A_1186] {strides = array<i32>} : memref<50x128xf32, #tpu.memory_space<vmem>>, vector<1x16xf32>,
      %get3A_1188 = vector.shape_cast %get3A_1187 : vector<1x16xf32> to vector<16xf32>
      %add3A_1189 = arith.addf %add3A_1141, %get3A_1188 : vector<16xf32>
      %get3A_1190 = arith.constant 24 : i32
      %get3A_1191 = arith.index_cast %get3A_1190 : i32 to index
      %get3A_1192 = arith.constant 48 : index
      %get3A_1193 = tpu.vector_load %arg6[%get3A_1191, %get3A_1192] {strides = array<i32>} : memref<50x128xf32, #tpu.memory_space<vmem>>, vector<1x16xf32>,
      %get3A_1194 = vector.shape_cast %get3A_1193 : vector<1x16xf32> to vector<16xf32>
      %add3A_1195 = arith.addf %add3A_1147, %get3A_1194 : vector<16xf32>
      %get3A_1196 = arith.constant 24 : i32
      %get3A_1197 = arith.index_cast %get3A_1196 : i32 to index
      %get3A_1198 = arith.constant 64 : index
      %get3A_1199 = tpu.vector_load %arg6[%get3A_1197, %get3A_1198] {strides = array<i32>} : memref<50x128xf32, #tpu.memory_space<vmem>>, vector<1x16xf32>,
      %get3A_1200 = vector.shape_cast %get3A_1199 : vector<1x16xf32> to vector<16xf32>
      %add3A_1201 = arith.addf %add3A_1153, %get3A_1200 : vector<16xf32>
      %get3A_1202 = arith.constant 24 : i32
      %get3A_1203 = arith.index_cast %get3A_1202 : i32 to index
      %get3A_1204 = arith.constant 80 : index
      %get3A_1205 = tpu.vector_load %arg6[%get3A_1203, %get3A_1204] {strides = array<i32>} : memref<50x128xf32, #tpu.memory_space<vmem>>, vector<1x16xf32>,
      %get3A_1206 = vector.shape_cast %get3A_1205 : vector<1x16xf32> to vector<16xf32>
      %add3A_1207 = arith.addf %add3A_1159, %get3A_1206 : vector<16xf32>
      %get3A_1208 = arith.constant 24 : i32
      %get3A_1209 = arith.index_cast %get3A_1208 : i32 to index
      %get3A_1210 = arith.constant 96 : index
      %get3A_1211 = tpu.vector_load %arg6[%get3A_1209, %get3A_1210] {strides = array<i32>} : memref<50x128xf32, #tpu.memory_space<vmem>>, vector<1x16xf32>,
      %get3A_1212 = vector.shape_cast %get3A_1211 : vector<1x16xf32> to vector<16xf32>
      %add3A_1213 = arith.addf %add3A_1165, %get3A_1212 : vector<16xf32>
      %get3A_1214 = arith.constant 24 : i32
      %get3A_1215 = arith.index_cast %get3A_1214 : i32 to index
      %get3A_1216 = arith.constant 112 : index
      %get3A_1217 = tpu.vector_load %arg6[%get3A_1215, %get3A_1216] {strides = array<i32>} : memref<50x128xf32, #tpu.memory_space<vmem>>, vector<1x16xf32>,
      %get3A_1218 = vector.shape_cast %get3A_1217 : vector<1x16xf32> to vector<16xf32>
      %add3A_1219 = arith.addf %add3A_1171, %get3A_1218 : vector<16xf32>
      %get3A_1220 = arith.constant 25 : i32
      %get3A_1221 = arith.index_cast %get3A_1220 : i32 to index
      %get3A_1222 = arith.constant 0 : index
      %get3A_1223 = tpu.vector_load %arg6[%get3A_1221, %get3A_1222] {strides = array<i32>} : memref<50x128xf32, #tpu.memory_space<vmem>>, vector<1x16xf32>,
      %get3A_1224 = vector.shape_cast %get3A_1223 : vector<1x16xf32> to vector<16xf32>
      %add3A_1225 = arith.addf %add3A_1177, %get3A_1224 : vector<16xf32>
      %get3A_1226 = arith.constant 25 : i32
      %get3A_1227 = arith.index_cast %get3A_1226 : i32 to index
      %get3A_1228 = arith.constant 16 : index
      %get3A_1229 = tpu.vector_load %arg6[%get3A_1227, %get3A_1228] {strides = array<i32>} : memref<50x128xf32, #tpu.memory_space<vmem>>, vector<1x16xf32>,
      %get3A_1230 = vector.shape_cast %get3A_1229 : vector<1x16xf32> to vector<16xf32>
      %add3A_1231 = arith.addf %add3A_1183, %get3A_1230 : vector<16xf32>
      %get3A_1232 = arith.constant 25 : i32
      %get3A_1233 = arith.index_cast %get3A_1232 : i32 to index
      %get3A_1234 = arith.constant 32 : index
      %get3A_1235 = tpu.vector_load %arg6[%get3A_1233, %get3A_1234] {strides = array<i32>} : memref<50x128xf32, #tpu.memory_space<vmem>>, vector<1x16xf32>,
      %get3A_1236 = vector.shape_cast %get3A_1235 : vector<1x16xf32> to vector<16xf32>
      %add3A_1237 = arith.addf %add3A_1189, %get3A_1236 : vector<16xf32>
      %get3A_1238 = arith.constant 25 : i32
      %get3A_1239 = arith.index_cast %get3A_1238 : i32 to index
      %get3A_1240 = arith.constant 48 : index
      %get3A_1241 = tpu.vector_load %arg6[%get3A_1239, %get3A_1240] {strides = array<i32>} : memref<50x128xf32, #tpu.memory_space<vmem>>, vector<1x16xf32>,
      %get3A_1242 = vector.shape_cast %get3A_1241 : vector<1x16xf32> to vector<16xf32>
      %add3A_1243 = arith.addf %add3A_1195, %get3A_1242 : vector<16xf32>
      %get3A_1244 = arith.constant 25 : i32
      %get3A_1245 = arith.index_cast %get3A_1244 : i32 to index
      %get3A_1246 = arith.constant 64 : index
      %get3A_1247 = tpu.vector_load %arg6[%get3A_1245, %get3A_1246] {strides = array<i32>} : memref<50x128xf32, #tpu.memory_space<vmem>>, vector<1x16xf32>,
      %get3A_1248 = vector.shape_cast %get3A_1247 : vector<1x16xf32> to vector<16xf32>
      %add3A_1249 = arith.addf %add3A_1201, %get3A_1248 : vector<16xf32>
      %get3A_1250 = arith.constant 25 : i32
      %get3A_1251 = arith.index_cast %get3A_1250 : i32 to index
      %get3A_1252 = arith.constant 80 : index
      %get3A_1253 = tpu.vector_load %arg6[%get3A_1251, %get3A_1252] {strides = array<i32>} : memref<50x128xf32, #tpu.memory_space<vmem>>, vector<1x16xf32>,
      %get3A_1254 = vector.shape_cast %get3A_1253 : vector<1x16xf32> to vector<16xf32>
      %add3A_1255 = arith.addf %add3A_1207, %get3A_1254 : vector<16xf32>
      %get3A_1256 = arith.constant 25 : i32
      %get3A_1257 = arith.index_cast %get3A_1256 : i32 to index
      %get3A_1258 = arith.constant 96 : index
      %get3A_1259 = tpu.vector_load %arg6[%get3A_1257, %get3A_1258] {strides = array<i32>} : memref<50x128xf32, #tpu.memory_space<vmem>>, vector<1x16xf32>,
      %get3A_1260 = vector.shape_cast %get3A_1259 : vector<1x16xf32> to vector<16xf32>
      %add3A_1261 = arith.addf %add3A_1213, %get3A_1260 : vector<16xf32>
      %get3A_1262 = arith.constant 25 : i32
      %get3A_1263 = arith.index_cast %get3A_1262 : i32 to index
      %get3A_1264 = arith.constant 112 : index
      %get3A_1265 = tpu.vector_load %arg6[%get3A_1263, %get3A_1264] {strides = array<i32>} : memref<50x128xf32, #tpu.memory_space<vmem>>, vector<1x16xf32>,
      %get3A_1266 = vector.shape_cast %get3A_1265 : vector<1x16xf32> to vector<16xf32>
      %add3A_1267 = arith.addf %add3A_1219, %get3A_1266 : vector<16xf32>
      %get3A_1268 = arith.constant 26 : i32
      %get3A_1269 = arith.index_cast %get3A_1268 : i32 to index
      %get3A_1270 = arith.constant 0 : index
      %get3A_1271 = tpu.vector_load %arg6[%get3A_1269, %get3A_1270] {strides = array<i32>} : memref<50x128xf32, #tpu.memory_space<vmem>>, vector<1x16xf32>,
      %get3A_1272 = vector.shape_cast %get3A_1271 : vector<1x16xf32> to vector<16xf32>
      %add3A_1273 = arith.addf %add3A_1225, %get3A_1272 : vector<16xf32>
      %get3A_1274 = arith.constant 26 : i32
      %get3A_1275 = arith.index_cast %get3A_1274 : i32 to index
      %get3A_1276 = arith.constant 16 : index
      %get3A_1277 = tpu.vector_load %arg6[%get3A_1275, %get3A_1276] {strides = array<i32>} : memref<50x128xf32, #tpu.memory_space<vmem>>, vector<1x16xf32>,
      %get3A_1278 = vector.shape_cast %get3A_1277 : vector<1x16xf32> to vector<16xf32>
      %add3A_1279 = arith.addf %add3A_1231, %get3A_1278 : vector<16xf32>
      %get3A_1280 = arith.constant 26 : i32
      %get3A_1281 = arith.index_cast %get3A_1280 : i32 to index
      %get3A_1282 = arith.constant 32 : index
      %get3A_1283 = tpu.vector_load %arg6[%get3A_1281, %get3A_1282] {strides = array<i32>} : memref<50x128xf32, #tpu.memory_space<vmem>>, vector<1x16xf32>,
      %get3A_1284 = vector.shape_cast %get3A_1283 : vector<1x16xf32> to vector<16xf32>
      %add3A_1285 = arith.addf %add3A_1237, %get3A_1284 : vector<16xf32>
      %get3A_1286 = arith.constant 26 : i32
      %get3A_1287 = arith.index_cast %get3A_1286 : i32 to index
      %get3A_1288 = arith.constant 48 : index
      %get3A_1289 = tpu.vector_load %arg6[%get3A_1287, %get3A_1288] {strides = array<i32>} : memref<50x128xf32, #tpu.memory_space<vmem>>, vector<1x16xf32>,
      %get3A_1290 = vector.shape_cast %get3A_1289 : vector<1x16xf32> to vector<16xf32>
      %add3A_1291 = arith.addf %add3A_1243, %get3A_1290 : vector<16xf32>
      %get3A_1292 = arith.constant 26 : i32
      %get3A_1293 = arith.index_cast %get3A_1292 : i32 to index
      %get3A_1294 = arith.constant 64 : index
      %get3A_1295 = tpu.vector_load %arg6[%get3A_1293, %get3A_1294] {strides = array<i32>} : memref<50x128xf32, #tpu.memory_space<vmem>>, vector<1x16xf32>,
      %get3A_1296 = vector.shape_cast %get3A_1295 : vector<1x16xf32> to vector<16xf32>
      %add3A_1297 = arith.addf %add3A_1249, %get3A_1296 : vector<16xf32>
      %get3A_1298 = arith.constant 26 : i32
      %get3A_1299 = arith.index_cast %get3A_1298 : i32 to index
      %get3A_1300 = arith.constant 80 : index
      %get3A_1301 = tpu.vector_load %arg6[%get3A_1299, %get3A_1300] {strides = array<i32>} : memref<50x128xf32, #tpu.memory_space<vmem>>, vector<1x16xf32>,
      %get3A_1302 = vector.shape_cast %get3A_1301 : vector<1x16xf32> to vector<16xf32>
      %add3A_1303 = arith.addf %add3A_1255, %get3A_1302 : vector<16xf32>
      %get3A_1304 = arith.constant 26 : i32
      %get3A_1305 = arith.index_cast %get3A_1304 : i32 to index
      %get3A_1306 = arith.constant 96 : index
      %get3A_1307 = tpu.vector_load %arg6[%get3A_1305, %get3A_1306] {strides = array<i32>} : memref<50x128xf32, #tpu.memory_space<vmem>>, vector<1x16xf32>,
      %get3A_1308 = vector.shape_cast %get3A_1307 : vector<1x16xf32> to vector<16xf32>
      %add3A_1309 = arith.addf %add3A_1261, %get3A_1308 : vector<16xf32>
      %get3A_1310 = arith.constant 26 : i32
      %get3A_1311 = arith.index_cast %get3A_1310 : i32 to index
      %get3A_1312 = arith.constant 112 : index
      %get3A_1313 = tpu.vector_load %arg6[%get3A_1311, %get3A_1312] {strides = array<i32>} : memref<50x128xf32, #tpu.memory_space<vmem>>, vector<1x16xf32>,
      %get3A_1314 = vector.shape_cast %get3A_1313 : vector<1x16xf32> to vector<16xf32>
      %add3A_1315 = arith.addf %add3A_1267, %get3A_1314 : vector<16xf32>
      %get3A_1316 = arith.constant 27 : i32
      %get3A_1317 = arith.index_cast %get3A_1316 : i32 to index
      %get3A_1318 = arith.constant 0 : index
      %get3A_1319 = tpu.vector_load %arg6[%get3A_1317, %get3A_1318] {strides = array<i32>} : memref<50x128xf32, #tpu.memory_space<vmem>>, vector<1x16xf32>,
      %get3A_1320 = vector.shape_cast %get3A_1319 : vector<1x16xf32> to vector<16xf32>
      %add3A_1321 = arith.addf %add3A_1273, %get3A_1320 : vector<16xf32>
      %get3A_1322 = arith.constant 27 : i32
      %get3A_1323 = arith.index_cast %get3A_1322 : i32 to index
      %get3A_1324 = arith.constant 16 : index
      %get3A_1325 = tpu.vector_load %arg6[%get3A_1323, %get3A_1324] {strides = array<i32>} : memref<50x128xf32, #tpu.memory_space<vmem>>, vector<1x16xf32>,
      %get3A_1326 = vector.shape_cast %get3A_1325 : vector<1x16xf32> to vector<16xf32>
      %add3A_1327 = arith.addf %add3A_1279, %get3A_1326 : vector<16xf32>
      %get3A_1328 = arith.constant 27 : i32
      %get3A_1329 = arith.index_cast %get3A_1328 : i32 to index
      %get3A_1330 = arith.constant 32 : index
      %get3A_1331 = tpu.vector_load %arg6[%get3A_1329, %get3A_1330] {strides = array<i32>} : memref<50x128xf32, #tpu.memory_space<vmem>>, vector<1x16xf32>,
      %get3A_1332 = vector.shape_cast %get3A_1331 : vector<1x16xf32> to vector<16xf32>
      %add3A_1333 = arith.addf %add3A_1285, %get3A_1332 : vector<16xf32>
      %get3A_1334 = arith.constant 27 : i32
      %get3A_1335 = arith.index_cast %get3A_1334 : i32 to index
      %get3A_1336 = arith.constant 48 : index
      %get3A_1337 = tpu.vector_load %arg6[%get3A_1335, %get3A_1336] {strides = array<i32>} : memref<50x128xf32, #tpu.memory_space<vmem>>, vector<1x16xf32>,
      %get3A_1338 = vector.shape_cast %get3A_1337 : vector<1x16xf32> to vector<16xf32>
      %add3A_1339 = arith.addf %add3A_1291, %get3A_1338 : vector<16xf32>
      %get3A_1340 = arith.constant 27 : i32
      %get3A_1341 = arith.index_cast %get3A_1340 : i32 to index
      %get3A_1342 = arith.constant 64 : index
      %get3A_1343 = tpu.vector_load %arg6[%get3A_1341, %get3A_1342] {strides = array<i32>} : memref<50x128xf32, #tpu.memory_space<vmem>>, vector<1x16xf32>,
      %get3A_1344 = vector.shape_cast %get3A_1343 : vector<1x16xf32> to vector<16xf32>
      %add3A_1345 = arith.addf %add3A_1297, %get3A_1344 : vector<16xf32>
      %get3A_1346 = arith.constant 27 : i32
      %get3A_1347 = arith.index_cast %get3A_1346 : i32 to index
      %get3A_1348 = arith.constant 80 : index
      %get3A_1349 = tpu.vector_load %arg6[%get3A_1347, %get3A_1348] {strides = array<i32>} : memref<50x128xf32, #tpu.memory_space<vmem>>, vector<1x16xf32>,
      %get3A_1350 = vector.shape_cast %get3A_1349 : vector<1x16xf32> to vector<16xf32>
      %add3A_1351 = arith.addf %add3A_1303, %get3A_1350 : vector<16xf32>
      %get3A_1352 = arith.constant 27 : i32
      %get3A_1353 = arith.index_cast %get3A_1352 : i32 to index
      %get3A_1354 = arith.constant 96 : index
      %get3A_1355 = tpu.vector_load %arg6[%get3A_1353, %get3A_1354] {strides = array<i32>} : memref<50x128xf32, #tpu.memory_space<vmem>>, vector<1x16xf32>,
      %get3A_1356 = vector.shape_cast %get3A_1355 : vector<1x16xf32> to vector<16xf32>
      %add3A_1357 = arith.addf %add3A_1309, %get3A_1356 : vector<16xf32>
      %get3A_1358 = arith.constant 27 : i32
      %get3A_1359 = arith.index_cast %get3A_1358 : i32 to index
      %get3A_1360 = arith.constant 112 : index
      %get3A_1361 = tpu.vector_load %arg6[%get3A_1359, %get3A_1360] {strides = array<i32>} : memref<50x128xf32, #tpu.memory_space<vmem>>, vector<1x16xf32>,
      %get3A_1362 = vector.shape_cast %get3A_1361 : vector<1x16xf32> to vector<16xf32>
      %add3A_1363 = arith.addf %add3A_1315, %get3A_1362 : vector<16xf32>
      %get3A_1364 = arith.constant 28 : i32
      %get3A_1365 = arith.index_cast %get3A_1364 : i32 to index
      %get3A_1366 = arith.constant 0 : index
      %get3A_1367 = tpu.vector_load %arg6[%get3A_1365, %get3A_1366] {strides = array<i32>} : memref<50x128xf32, #tpu.memory_space<vmem>>, vector<1x16xf32>,
      %get3A_1368 = vector.shape_cast %get3A_1367 : vector<1x16xf32> to vector<16xf32>
      %add3A_1369 = arith.addf %add3A_1321, %get3A_1368 : vector<16xf32>
      %get3A_1370 = arith.constant 28 : i32
      %get3A_1371 = arith.index_cast %get3A_1370 : i32 to index
      %get3A_1372 = arith.constant 16 : index
      %get3A_1373 = tpu.vector_load %arg6[%get3A_1371, %get3A_1372] {strides = array<i32>} : memref<50x128xf32, #tpu.memory_space<vmem>>, vector<1x16xf32>,
      %get3A_1374 = vector.shape_cast %get3A_1373 : vector<1x16xf32> to vector<16xf32>
      %add3A_1375 = arith.addf %add3A_1327, %get3A_1374 : vector<16xf32>
      %get3A_1376 = arith.constant 28 : i32
      %get3A_1377 = arith.index_cast %get3A_1376 : i32 to index
      %get3A_1378 = arith.constant 32 : index
      %get3A_1379 = tpu.vector_load %arg6[%get3A_1377, %get3A_1378] {strides = array<i32>} : memref<50x128xf32, #tpu.memory_space<vmem>>, vector<1x16xf32>,
      %get3A_1380 = vector.shape_cast %get3A_1379 : vector<1x16xf32> to vector<16xf32>
      %add3A_1381 = arith.addf %add3A_1333, %get3A_1380 : vector<16xf32>
      %get3A_1382 = arith.constant 28 : i32
      %get3A_1383 = arith.index_cast %get3A_1382 : i32 to index
      %get3A_1384 = arith.constant 48 : index
      %get3A_1385 = tpu.vector_load %arg6[%get3A_1383, %get3A_1384] {strides = array<i32>} : memref<50x128xf32, #tpu.memory_space<vmem>>, vector<1x16xf32>,
      %get3A_1386 = vector.shape_cast %get3A_1385 : vector<1x16xf32> to vector<16xf32>
      %add3A_1387 = arith.addf %add3A_1339, %get3A_1386 : vector<16xf32>
      %get3A_1388 = arith.constant 28 : i32
      %get3A_1389 = arith.index_cast %get3A_1388 : i32 to index
      %get3A_1390 = arith.constant 64 : index
      %get3A_1391 = tpu.vector_load %arg6[%get3A_1389, %get3A_1390] {strides = array<i32>} : memref<50x128xf32, #tpu.memory_space<vmem>>, vector<1x16xf32>,
      %get3A_1392 = vector.shape_cast %get3A_1391 : vector<1x16xf32> to vector<16xf32>
      %add3A_1393 = arith.addf %add3A_1345, %get3A_1392 : vector<16xf32>
      %get3A_1394 = arith.constant 28 : i32
      %get3A_1395 = arith.index_cast %get3A_1394 : i32 to index
      %get3A_1396 = arith.constant 80 : index
      %get3A_1397 = tpu.vector_load %arg6[%get3A_1395, %get3A_1396] {strides = array<i32>} : memref<50x128xf32, #tpu.memory_space<vmem>>, vector<1x16xf32>,
      %get3A_1398 = vector.shape_cast %get3A_1397 : vector<1x16xf32> to vector<16xf32>
      %add3A_1399 = arith.addf %add3A_1351, %get3A_1398 : vector<16xf32>
      %get3A_1400 = arith.constant 28 : i32
      %get3A_1401 = arith.index_cast %get3A_1400 : i32 to index
      %get3A_1402 = arith.constant 96 : index
      %get3A_1403 = tpu.vector_load %arg6[%get3A_1401, %get3A_1402] {strides = array<i32>} : memref<50x128xf32, #tpu.memory_space<vmem>>, vector<1x16xf32>,
      %get3A_1404 = vector.shape_cast %get3A_1403 : vector<1x16xf32> to vector<16xf32>
      %add3A_1405 = arith.addf %add3A_1357, %get3A_1404 : vector<16xf32>
      %get3A_1406 = arith.constant 28 : i32
      %get3A_1407 = arith.index_cast %get3A_1406 : i32 to index
      %get3A_1408 = arith.constant 112 : index
      %get3A_1409 = tpu.vector_load %arg6[%get3A_1407, %get3A_1408] {strides = array<i32>} : memref<50x128xf32, #tpu.memory_space<vmem>>, vector<1x16xf32>,
      %get3A_1410 = vector.shape_cast %get3A_1409 : vector<1x16xf32> to vector<16xf32>
      %add3A_1411 = arith.addf %add3A_1363, %get3A_1410 : vector<16xf32>
      %get3A_1412 = arith.constant 29 : i32
      %get3A_1413 = arith.index_cast %get3A_1412 : i32 to index
      %get3A_1414 = arith.constant 0 : index
      %get3A_1415 = tpu.vector_load %arg6[%get3A_1413, %get3A_1414] {strides = array<i32>} : memref<50x128xf32, #tpu.memory_space<vmem>>, vector<1x16xf32>,
      %get3A_1416 = vector.shape_cast %get3A_1415 : vector<1x16xf32> to vector<16xf32>
      %add3A_1417 = arith.addf %add3A_1369, %get3A_1416 : vector<16xf32>
      %get3A_1418 = arith.constant 29 : i32
      %get3A_1419 = arith.index_cast %get3A_1418 : i32 to index
      %get3A_1420 = arith.constant 16 : index
      %get3A_1421 = tpu.vector_load %arg6[%get3A_1419, %get3A_1420] {strides = array<i32>} : memref<50x128xf32, #tpu.memory_space<vmem>>, vector<1x16xf32>,
      %get3A_1422 = vector.shape_cast %get3A_1421 : vector<1x16xf32> to vector<16xf32>
      %add3A_1423 = arith.addf %add3A_1375, %get3A_1422 : vector<16xf32>
      %get3A_1424 = arith.constant 29 : i32
      %get3A_1425 = arith.index_cast %get3A_1424 : i32 to index
      %get3A_1426 = arith.constant 32 : index
      %get3A_1427 = tpu.vector_load %arg6[%get3A_1425, %get3A_1426] {strides = array<i32>} : memref<50x128xf32, #tpu.memory_space<vmem>>, vector<1x16xf32>,
      %get3A_1428 = vector.shape_cast %get3A_1427 : vector<1x16xf32> to vector<16xf32>
      %add3A_1429 = arith.addf %add3A_1381, %get3A_1428 : vector<16xf32>
      %get3A_1430 = arith.constant 29 : i32
      %get3A_1431 = arith.index_cast %get3A_1430 : i32 to index
      %get3A_1432 = arith.constant 48 : index
      %get3A_1433 = tpu.vector_load %arg6[%get3A_1431, %get3A_1432] {strides = array<i32>} : memref<50x128xf32, #tpu.memory_space<vmem>>, vector<1x16xf32>,
      %get3A_1434 = vector.shape_cast %get3A_1433 : vector<1x16xf32> to vector<16xf32>
      %add3A_1435 = arith.addf %add3A_1387, %get3A_1434 : vector<16xf32>
      %get3A_1436 = arith.constant 29 : i32
      %get3A_1437 = arith.index_cast %get3A_1436 : i32 to index
      %get3A_1438 = arith.constant 64 : index
      %get3A_1439 = tpu.vector_load %arg6[%get3A_1437, %get3A_1438] {strides = array<i32>} : memref<50x128xf32, #tpu.memory_space<vmem>>, vector<1x16xf32>,
      %get3A_1440 = vector.shape_cast %get3A_1439 : vector<1x16xf32> to vector<16xf32>
      %add3A_1441 = arith.addf %add3A_1393, %get3A_1440 : vector<16xf32>
      %get3A_1442 = arith.constant 29 : i32
      %get3A_1443 = arith.index_cast %get3A_1442 : i32 to index
      %get3A_1444 = arith.constant 80 : index
      %get3A_1445 = tpu.vector_load %arg6[%get3A_1443, %get3A_1444] {strides = array<i32>} : memref<50x128xf32, #tpu.memory_space<vmem>>, vector<1x16xf32>,
      %get3A_1446 = vector.shape_cast %get3A_1445 : vector<1x16xf32> to vector<16xf32>
      %add3A_1447 = arith.addf %add3A_1399, %get3A_1446 : vector<16xf32>
      %get3A_1448 = arith.constant 29 : i32
      %get3A_1449 = arith.index_cast %get3A_1448 : i32 to index
      %get3A_1450 = arith.constant 96 : index
      %get3A_1451 = tpu.vector_load %arg6[%get3A_1449, %get3A_1450] {strides = array<i32>} : memref<50x128xf32, #tpu.memory_space<vmem>>, vector<1x16xf32>,
      %get3A_1452 = vector.shape_cast %get3A_1451 : vector<1x16xf32> to vector<16xf32>
      %add3A_1453 = arith.addf %add3A_1405, %get3A_1452 : vector<16xf32>
      %get3A_1454 = arith.constant 29 : i32
      %get3A_1455 = arith.index_cast %get3A_1454 : i32 to index
      %get3A_1456 = arith.constant 112 : index
      %get3A_1457 = tpu.vector_load %arg6[%get3A_1455, %get3A_1456] {strides = array<i32>} : memref<50x128xf32, #tpu.memory_space<vmem>>, vector<1x16xf32>,
      %get3A_1458 = vector.shape_cast %get3A_1457 : vector<1x16xf32> to vector<16xf32>
      %add3A_1459 = arith.addf %add3A_1411, %get3A_1458 : vector<16xf32>
      %get3A_1460 = arith.constant 30 : i32
      %get3A_1461 = arith.index_cast %get3A_1460 : i32 to index
      %get3A_1462 = arith.constant 0 : index
      %get3A_1463 = tpu.vector_load %arg6[%get3A_1461, %get3A_1462] {strides = array<i32>} : memref<50x128xf32, #tpu.memory_space<vmem>>, vector<1x16xf32>,
      %get3A_1464 = vector.shape_cast %get3A_1463 : vector<1x16xf32> to vector<16xf32>
      %add3A_1465 = arith.addf %add3A_1417, %get3A_1464 : vector<16xf32>
      %get3A_1466 = arith.constant 30 : i32
      %get3A_1467 = arith.index_cast %get3A_1466 : i32 to index
      %get3A_1468 = arith.constant 16 : index
      %get3A_1469 = tpu.vector_load %arg6[%get3A_1467, %get3A_1468] {strides = array<i32>} : memref<50x128xf32, #tpu.memory_space<vmem>>, vector<1x16xf32>,
      %get3A_1470 = vector.shape_cast %get3A_1469 : vector<1x16xf32> to vector<16xf32>
      %add3A_1471 = arith.addf %add3A_1423, %get3A_1470 : vector<16xf32>
      %get3A_1472 = arith.constant 30 : i32
      %get3A_1473 = arith.index_cast %get3A_1472 : i32 to index
      %get3A_1474 = arith.constant 32 : index
      %get3A_1475 = tpu.vector_load %arg6[%get3A_1473, %get3A_1474] {strides = array<i32>} : memref<50x128xf32, #tpu.memory_space<vmem>>, vector<1x16xf32>,
      %get3A_1476 = vector.shape_cast %get3A_1475 : vector<1x16xf32> to vector<16xf32>
      %add3A_1477 = arith.addf %add3A_1429, %get3A_1476 : vector<16xf32>
      %get3A_1478 = arith.constant 30 : i32
      %get3A_1479 = arith.index_cast %get3A_1478 : i32 to index
      %get3A_1480 = arith.constant 48 : index
      %get3A_1481 = tpu.vector_load %arg6[%get3A_1479, %get3A_1480] {strides = array<i32>} : memref<50x128xf32, #tpu.memory_space<vmem>>, vector<1x16xf32>,
      %get3A_1482 = vector.shape_cast %get3A_1481 : vector<1x16xf32> to vector<16xf32>
      %add3A_1483 = arith.addf %add3A_1435, %get3A_1482 : vector<16xf32>
      %get3A_1484 = arith.constant 30 : i32
      %get3A_1485 = arith.index_cast %get3A_1484 : i32 to index
      %get3A_1486 = arith.constant 64 : index
      %get3A_1487 = tpu.vector_load %arg6[%get3A_1485, %get3A_1486] {strides = array<i32>} : memref<50x128xf32, #tpu.memory_space<vmem>>, vector<1x16xf32>,
      %get3A_1488 = vector.shape_cast %get3A_1487 : vector<1x16xf32> to vector<16xf32>
      %add3A_1489 = arith.addf %add3A_1441, %get3A_1488 : vector<16xf32>
      %get3A_1490 = arith.constant 30 : i32
      %get3A_1491 = arith.index_cast %get3A_1490 : i32 to index
      %get3A_1492 = arith.constant 80 : index
      %get3A_1493 = tpu.vector_load %arg6[%get3A_1491, %get3A_1492] {strides = array<i32>} : memref<50x128xf32, #tpu.memory_space<vmem>>, vector<1x16xf32>,
      %get3A_1494 = vector.shape_cast %get3A_1493 : vector<1x16xf32> to vector<16xf32>
      %add3A_1495 = arith.addf %add3A_1447, %get3A_1494 : vector<16xf32>
      %get3A_1496 = arith.constant 30 : i32
      %get3A_1497 = arith.index_cast %get3A_1496 : i32 to index
      %get3A_1498 = arith.constant 96 : index
      %get3A_1499 = tpu.vector_load %arg6[%get3A_1497, %get3A_1498] {strides = array<i32>} : memref<50x128xf32, #tpu.memory_space<vmem>>, vector<1x16xf32>,
      %get3A_1500 = vector.shape_cast %get3A_1499 : vector<1x16xf32> to vector<16xf32>
      %add3A_1501 = arith.addf %add3A_1453, %get3A_1500 : vector<16xf32>
      %get3A_1502 = arith.constant 30 : i32
      %get3A_1503 = arith.index_cast %get3A_1502 : i32 to index
      %get3A_1504 = arith.constant 112 : index
      %get3A_1505 = tpu.vector_load %arg6[%get3A_1503, %get3A_1504] {strides = array<i32>} : memref<50x128xf32, #tpu.memory_space<vmem>>, vector<1x16xf32>,
      %get3A_1506 = vector.shape_cast %get3A_1505 : vector<1x16xf32> to vector<16xf32>
      %add3A_1507 = arith.addf %add3A_1459, %get3A_1506 : vector<16xf32>
      %get3A_1508 = arith.constant 31 : i32
      %get3A_1509 = arith.index_cast %get3A_1508 : i32 to index
      %get3A_1510 = arith.constant 0 : index
      %get3A_1511 = tpu.vector_load %arg6[%get3A_1509, %get3A_1510] {strides = array<i32>} : memref<50x128xf32, #tpu.memory_space<vmem>>, vector<1x16xf32>,
      %get3A_1512 = vector.shape_cast %get3A_1511 : vector<1x16xf32> to vector<16xf32>
      %add3A_1513 = arith.addf %add3A_1465, %get3A_1512 : vector<16xf32>
      %get3A_1514 = arith.constant 31 : i32
      %get3A_1515 = arith.index_cast %get3A_1514 : i32 to index
      %get3A_1516 = arith.constant 16 : index
      %get3A_1517 = tpu.vector_load %arg6[%get3A_1515, %get3A_1516] {strides = array<i32>} : memref<50x128xf32, #tpu.memory_space<vmem>>, vector<1x16xf32>,
      %get3A_1518 = vector.shape_cast %get3A_1517 : vector<1x16xf32> to vector<16xf32>
      %add3A_1519 = arith.addf %add3A_1471, %get3A_1518 : vector<16xf32>
      %get3A_1520 = arith.constant 31 : i32
      %get3A_1521 = arith.index_cast %get3A_1520 : i32 to index
      %get3A_1522 = arith.constant 32 : index
      %get3A_1523 = tpu.vector_load %arg6[%get3A_1521, %get3A_1522] {strides = array<i32>} : memref<50x128xf32, #tpu.memory_space<vmem>>, vector<1x16xf32>,
      %get3A_1524 = vector.shape_cast %get3A_1523 : vector<1x16xf32> to vector<16xf32>
      %add3A_1525 = arith.addf %add3A_1477, %get3A_1524 : vector<16xf32>
      %get3A_1526 = arith.constant 31 : i32
      %get3A_1527 = arith.index_cast %get3A_1526 : i32 to index
      %get3A_1528 = arith.constant 48 : index
      %get3A_1529 = tpu.vector_load %arg6[%get3A_1527, %get3A_1528] {strides = array<i32>} : memref<50x128xf32, #tpu.memory_space<vmem>>, vector<1x16xf32>,
      %get3A_1530 = vector.shape_cast %get3A_1529 : vector<1x16xf32> to vector<16xf32>
      %add3A_1531 = arith.addf %add3A_1483, %get3A_1530 : vector<16xf32>
      %get3A_1532 = arith.constant 31 : i32
      %get3A_1533 = arith.index_cast %get3A_1532 : i32 to index
      %get3A_1534 = arith.constant 64 : index
      %get3A_1535 = tpu.vector_load %arg6[%get3A_1533, %get3A_1534] {strides = array<i32>} : memref<50x128xf32, #tpu.memory_space<vmem>>, vector<1x16xf32>,
      %get3A_1536 = vector.shape_cast %get3A_1535 : vector<1x16xf32> to vector<16xf32>
      %add3A_1537 = arith.addf %add3A_1489, %get3A_1536 : vector<16xf32>
      %get3A_1538 = arith.constant 31 : i32
      %get3A_1539 = arith.index_cast %get3A_1538 : i32 to index
      %get3A_1540 = arith.constant 80 : index
      %get3A_1541 = tpu.vector_load %arg6[%get3A_1539, %get3A_1540] {strides = array<i32>} : memref<50x128xf32, #tpu.memory_space<vmem>>, vector<1x16xf32>,
      %get3A_1542 = vector.shape_cast %get3A_1541 : vector<1x16xf32> to vector<16xf32>
      %add3A_1543 = arith.addf %add3A_1495, %get3A_1542 : vector<16xf32>
      %get3A_1544 = arith.constant 31 : i32
      %get3A_1545 = arith.index_cast %get3A_1544 : i32 to index
      %get3A_1546 = arith.constant 96 : index
      %get3A_1547 = tpu.vector_load %arg6[%get3A_1545, %get3A_1546] {strides = array<i32>} : memref<50x128xf32, #tpu.memory_space<vmem>>, vector<1x16xf32>,
      %get3A_1548 = vector.shape_cast %get3A_1547 : vector<1x16xf32> to vector<16xf32>
      %add3A_1549 = arith.addf %add3A_1501, %get3A_1548 : vector<16xf32>
      %get3A_1550 = arith.constant 31 : i32
      %get3A_1551 = arith.index_cast %get3A_1550 : i32 to index
      %get3A_1552 = arith.constant 112 : index
      %get3A_1553 = tpu.vector_load %arg6[%get3A_1551, %get3A_1552] {strides = array<i32>} : memref<50x128xf32, #tpu.memory_space<vmem>>, vector<1x16xf32>,
      %get3A_1554 = vector.shape_cast %get3A_1553 : vector<1x16xf32> to vector<16xf32>
      %add3A_1555 = arith.addf %add3A_1507, %get3A_1554 : vector<16xf32>
      %get3A_1556 = arith.constant 32 : i32
      %get3A_1557 = arith.index_cast %get3A_1556 : i32 to index
      %get3A_1558 = arith.constant 0 : index
      %get3A_1559 = tpu.vector_load %arg6[%get3A_1557, %get3A_1558] {strides = array<i32>} : memref<50x128xf32, #tpu.memory_space<vmem>>, vector<1x16xf32>,
      %get3A_1560 = vector.shape_cast %get3A_1559 : vector<1x16xf32> to vector<16xf32>
      %add3A_1561 = arith.addf %add3A_1513, %get3A_1560 : vector<16xf32>
      %get3A_1562 = arith.constant 32 : i32
      %get3A_1563 = arith.index_cast %get3A_1562 : i32 to index
      %get3A_1564 = arith.constant 16 : index
      %get3A_1565 = tpu.vector_load %arg6[%get3A_1563, %get3A_1564] {strides = array<i32>} : memref<50x128xf32, #tpu.memory_space<vmem>>, vector<1x16xf32>,
      %get3A_1566 = vector.shape_cast %get3A_1565 : vector<1x16xf32> to vector<16xf32>
      %add3A_1567 = arith.addf %add3A_1519, %get3A_1566 : vector<16xf32>
      %get3A_1568 = arith.constant 32 : i32
      %get3A_1569 = arith.index_cast %get3A_1568 : i32 to index
      %get3A_1570 = arith.constant 32 : index
      %get3A_1571 = tpu.vector_load %arg6[%get3A_1569, %get3A_1570] {strides = array<i32>} : memref<50x128xf32, #tpu.memory_space<vmem>>, vector<1x16xf32>,
      %get3A_1572 = vector.shape_cast %get3A_1571 : vector<1x16xf32> to vector<16xf32>
      %add3A_1573 = arith.addf %add3A_1525, %get3A_1572 : vector<16xf32>
      %get3A_1574 = arith.constant 32 : i32
      %get3A_1575 = arith.index_cast %get3A_1574 : i32 to index
      %get3A_1576 = arith.constant 48 : index
      %get3A_1577 = tpu.vector_load %arg6[%get3A_1575, %get3A_1576] {strides = array<i32>} : memref<50x128xf32, #tpu.memory_space<vmem>>, vector<1x16xf32>,
      %get3A_1578 = vector.shape_cast %get3A_1577 : vector<1x16xf32> to vector<16xf32>
      %add3A_1579 = arith.addf %add3A_1531, %get3A_1578 : vector<16xf32>
      %get3A_1580 = arith.constant 32 : i32
      %get3A_1581 = arith.index_cast %get3A_1580 : i32 to index
      %get3A_1582 = arith.constant 64 : index
      %get3A_1583 = tpu.vector_load %arg6[%get3A_1581, %get3A_1582] {strides = array<i32>} : memref<50x128xf32, #tpu.memory_space<vmem>>, vector<1x16xf32>,
      %get3A_1584 = vector.shape_cast %get3A_1583 : vector<1x16xf32> to vector<16xf32>
      %add3A_1585 = arith.addf %add3A_1537, %get3A_1584 : vector<16xf32>
      %get3A_1586 = arith.constant 32 : i32
      %get3A_1587 = arith.index_cast %get3A_1586 : i32 to index
      %get3A_1588 = arith.constant 80 : index
      %get3A_1589 = tpu.vector_load %arg6[%get3A_1587, %get3A_1588] {strides = array<i32>} : memref<50x128xf32, #tpu.memory_space<vmem>>, vector<1x16xf32>,
      %get3A_1590 = vector.shape_cast %get3A_1589 : vector<1x16xf32> to vector<16xf32>
      %add3A_1591 = arith.addf %add3A_1543, %get3A_1590 : vector<16xf32>
      %get3A_1592 = arith.constant 32 : i32
      %get3A_1593 = arith.index_cast %get3A_1592 : i32 to index
      %get3A_1594 = arith.constant 96 : index
      %get3A_1595 = tpu.vector_load %arg6[%get3A_1593, %get3A_1594] {strides = array<i32>} : memref<50x128xf32, #tpu.memory_space<vmem>>, vector<1x16xf32>,
      %get3A_1596 = vector.shape_cast %get3A_1595 : vector<1x16xf32> to vector<16xf32>
      %add3A_1597 = arith.addf %add3A_1549, %get3A_1596 : vector<16xf32>
      %get3A_1598 = arith.constant 32 : i32
      %get3A_1599 = arith.index_cast %get3A_1598 : i32 to index
      %get3A_1600 = arith.constant 112 : index
      %get3A_1601 = tpu.vector_load %arg6[%get3A_1599, %get3A_1600] {strides = array<i32>} : memref<50x128xf32, #tpu.memory_space<vmem>>, vector<1x16xf32>,
      %get3A_1602 = vector.shape_cast %get3A_1601 : vector<1x16xf32> to vector<16xf32>
      %add3A_1603 = arith.addf %add3A_1555, %get3A_1602 : vector<16xf32>
      %get3A_1604 = arith.constant 33 : i32
      %get3A_1605 = arith.index_cast %get3A_1604 : i32 to index
      %get3A_1606 = arith.constant 0 : index
      %get3A_1607 = tpu.vector_load %arg6[%get3A_1605, %get3A_1606] {strides = array<i32>} : memref<50x128xf32, #tpu.memory_space<vmem>>, vector<1x16xf32>,
      %get3A_1608 = vector.shape_cast %get3A_1607 : vector<1x16xf32> to vector<16xf32>
      %add3A_1609 = arith.addf %add3A_1561, %get3A_1608 : vector<16xf32>
      %get3A_1610 = arith.constant 33 : i32
      %get3A_1611 = arith.index_cast %get3A_1610 : i32 to index
      %get3A_1612 = arith.constant 16 : index
      %get3A_1613 = tpu.vector_load %arg6[%get3A_1611, %get3A_1612] {strides = array<i32>} : memref<50x128xf32, #tpu.memory_space<vmem>>, vector<1x16xf32>,
      %get3A_1614 = vector.shape_cast %get3A_1613 : vector<1x16xf32> to vector<16xf32>
      %add3A_1615 = arith.addf %add3A_1567, %get3A_1614 : vector<16xf32>
      %get3A_1616 = arith.constant 33 : i32
      %get3A_1617 = arith.index_cast %get3A_1616 : i32 to index
      %get3A_1618 = arith.constant 32 : index
      %get3A_1619 = tpu.vector_load %arg6[%get3A_1617, %get3A_1618] {strides = array<i32>} : memref<50x128xf32, #tpu.memory_space<vmem>>, vector<1x16xf32>,
      %get3A_1620 = vector.shape_cast %get3A_1619 : vector<1x16xf32> to vector<16xf32>
      %add3A_1621 = arith.addf %add3A_1573, %get3A_1620 : vector<16xf32>
      %get3A_1622 = arith.constant 33 : i32
      %get3A_1623 = arith.index_cast %get3A_1622 : i32 to index
      %get3A_1624 = arith.constant 48 : index
      %get3A_1625 = tpu.vector_load %arg6[%get3A_1623, %get3A_1624] {strides = array<i32>} : memref<50x128xf32, #tpu.memory_space<vmem>>, vector<1x16xf32>,
      %get3A_1626 = vector.shape_cast %get3A_1625 : vector<1x16xf32> to vector<16xf32>
      %add3A_1627 = arith.addf %add3A_1579, %get3A_1626 : vector<16xf32>
      %get3A_1628 = arith.constant 33 : i32
      %get3A_1629 = arith.index_cast %get3A_1628 : i32 to index
      %get3A_1630 = arith.constant 64 : index
      %get3A_1631 = tpu.vector_load %arg6[%get3A_1629, %get3A_1630] {strides = array<i32>} : memref<50x128xf32, #tpu.memory_space<vmem>>, vector<1x16xf32>,
      %get3A_1632 = vector.shape_cast %get3A_1631 : vector<1x16xf32> to vector<16xf32>
      %add3A_1633 = arith.addf %add3A_1585, %get3A_1632 : vector<16xf32>
      %get3A_1634 = arith.constant 33 : i32
      %get3A_1635 = arith.index_cast %get3A_1634 : i32 to index
      %get3A_1636 = arith.constant 80 : index
      %get3A_1637 = tpu.vector_load %arg6[%get3A_1635, %get3A_1636] {strides = array<i32>} : memref<50x128xf32, #tpu.memory_space<vmem>>, vector<1x16xf32>,
      %get3A_1638 = vector.shape_cast %get3A_1637 : vector<1x16xf32> to vector<16xf32>
      %add3A_1639 = arith.addf %add3A_1591, %get3A_1638 : vector<16xf32>
      %get3A_1640 = arith.constant 33 : i32
      %get3A_1641 = arith.index_cast %get3A_1640 : i32 to index
      %get3A_1642 = arith.constant 96 : index
      %get3A_1643 = tpu.vector_load %arg6[%get3A_1641, %get3A_1642] {strides = array<i32>} : memref<50x128xf32, #tpu.memory_space<vmem>>, vector<1x16xf32>,
      %get3A_1644 = vector.shape_cast %get3A_1643 : vector<1x16xf32> to vector<16xf32>
      %add3A_1645 = arith.addf %add3A_1597, %get3A_1644 : vector<16xf32>
      %get3A_1646 = arith.constant 33 : i32
      %get3A_1647 = arith.index_cast %get3A_1646 : i32 to index
      %get3A_1648 = arith.constant 112 : index
      %get3A_1649 = tpu.vector_load %arg6[%get3A_1647, %get3A_1648] {strides = array<i32>} : memref<50x128xf32, #tpu.memory_space<vmem>>, vector<1x16xf32>,
      %get3A_1650 = vector.shape_cast %get3A_1649 : vector<1x16xf32> to vector<16xf32>
      %add3A_1651 = arith.addf %add3A_1603, %get3A_1650 : vector<16xf32>
      %get3A_1652 = arith.constant 34 : i32
      %get3A_1653 = arith.index_cast %get3A_1652 : i32 to index
      %get3A_1654 = arith.constant 0 : index
      %get3A_1655 = tpu.vector_load %arg6[%get3A_1653, %get3A_1654] {strides = array<i32>} : memref<50x128xf32, #tpu.memory_space<vmem>>, vector<1x16xf32>,
      %get3A_1656 = vector.shape_cast %get3A_1655 : vector<1x16xf32> to vector<16xf32>
      %add3A_1657 = arith.addf %add3A_1609, %get3A_1656 : vector<16xf32>
      %get3A_1658 = arith.constant 34 : i32
      %get3A_1659 = arith.index_cast %get3A_1658 : i32 to index
      %get3A_1660 = arith.constant 16 : index
      %get3A_1661 = tpu.vector_load %arg6[%get3A_1659, %get3A_1660] {strides = array<i32>} : memref<50x128xf32, #tpu.memory_space<vmem>>, vector<1x16xf32>,
      %get3A_1662 = vector.shape_cast %get3A_1661 : vector<1x16xf32> to vector<16xf32>
      %add3A_1663 = arith.addf %add3A_1615, %get3A_1662 : vector<16xf32>
      %get3A_1664 = arith.constant 34 : i32
      %get3A_1665 = arith.index_cast %get3A_1664 : i32 to index
      %get3A_1666 = arith.constant 32 : index
      %get3A_1667 = tpu.vector_load %arg6[%get3A_1665, %get3A_1666] {strides = array<i32>} : memref<50x128xf32, #tpu.memory_space<vmem>>, vector<1x16xf32>,
      %get3A_1668 = vector.shape_cast %get3A_1667 : vector<1x16xf32> to vector<16xf32>
      %add3A_1669 = arith.addf %add3A_1621, %get3A_1668 : vector<16xf32>
      %get3A_1670 = arith.constant 34 : i32
      %get3A_1671 = arith.index_cast %get3A_1670 : i32 to index
      %get3A_1672 = arith.constant 48 : index
      %get3A_1673 = tpu.vector_load %arg6[%get3A_1671, %get3A_1672] {strides = array<i32>} : memref<50x128xf32, #tpu.memory_space<vmem>>, vector<1x16xf32>,
      %get3A_1674 = vector.shape_cast %get3A_1673 : vector<1x16xf32> to vector<16xf32>
      %add3A_1675 = arith.addf %add3A_1627, %get3A_1674 : vector<16xf32>
      %get3A_1676 = arith.constant 34 : i32
      %get3A_1677 = arith.index_cast %get3A_1676 : i32 to index
      %get3A_1678 = arith.constant 64 : index
      %get3A_1679 = tpu.vector_load %arg6[%get3A_1677, %get3A_1678] {strides = array<i32>} : memref<50x128xf32, #tpu.memory_space<vmem>>, vector<1x16xf32>,
      %get3A_1680 = vector.shape_cast %get3A_1679 : vector<1x16xf32> to vector<16xf32>
      %add3A_1681 = arith.addf %add3A_1633, %get3A_1680 : vector<16xf32>
      %get3A_1682 = arith.constant 34 : i32
      %get3A_1683 = arith.index_cast %get3A_1682 : i32 to index
      %get3A_1684 = arith.constant 80 : index
      %get3A_1685 = tpu.vector_load %arg6[%get3A_1683, %get3A_1684] {strides = array<i32>} : memref<50x128xf32, #tpu.memory_space<vmem>>, vector<1x16xf32>,
      %get3A_1686 = vector.shape_cast %get3A_1685 : vector<1x16xf32> to vector<16xf32>
      %add3A_1687 = arith.addf %add3A_1639, %get3A_1686 : vector<16xf32>
      %get3A_1688 = arith.constant 34 : i32
      %get3A_1689 = arith.index_cast %get3A_1688 : i32 to index
      %get3A_1690 = arith.constant 96 : index
      %get3A_1691 = tpu.vector_load %arg6[%get3A_1689, %get3A_1690] {strides = array<i32>} : memref<50x128xf32, #tpu.memory_space<vmem>>, vector<1x16xf32>,
      %get3A_1692 = vector.shape_cast %get3A_1691 : vector<1x16xf32> to vector<16xf32>
      %add3A_1693 = arith.addf %add3A_1645, %get3A_1692 : vector<16xf32>
      %get3A_1694 = arith.constant 34 : i32
      %get3A_1695 = arith.index_cast %get3A_1694 : i32 to index
      %get3A_1696 = arith.constant 112 : index
      %get3A_1697 = tpu.vector_load %arg6[%get3A_1695, %get3A_1696] {strides = array<i32>} : memref<50x128xf32, #tpu.memory_space<vmem>>, vector<1x16xf32>,
      %get3A_1698 = vector.shape_cast %get3A_1697 : vector<1x16xf32> to vector<16xf32>
      %add3A_1699 = arith.addf %add3A_1651, %get3A_1698 : vector<16xf32>
      %get3A_1700 = arith.constant 35 : i32
      %get3A_1701 = arith.index_cast %get3A_1700 : i32 to index
      %get3A_1702 = arith.constant 0 : index
      %get3A_1703 = tpu.vector_load %arg6[%get3A_1701, %get3A_1702] {strides = array<i32>} : memref<50x128xf32, #tpu.memory_space<vmem>>, vector<1x16xf32>,
      %get3A_1704 = vector.shape_cast %get3A_1703 : vector<1x16xf32> to vector<16xf32>
      %add3A_1705 = arith.addf %add3A_1657, %get3A_1704 : vector<16xf32>
      %get3A_1706 = arith.constant 35 : i32
      %get3A_1707 = arith.index_cast %get3A_1706 : i32 to index
      %get3A_1708 = arith.constant 16 : index
      %get3A_1709 = tpu.vector_load %arg6[%get3A_1707, %get3A_1708] {strides = array<i32>} : memref<50x128xf32, #tpu.memory_space<vmem>>, vector<1x16xf32>,
      %get3A_1710 = vector.shape_cast %get3A_1709 : vector<1x16xf32> to vector<16xf32>
      %add3A_1711 = arith.addf %add3A_1663, %get3A_1710 : vector<16xf32>
      %get3A_1712 = arith.constant 35 : i32
      %get3A_1713 = arith.index_cast %get3A_1712 : i32 to index
      %get3A_1714 = arith.constant 32 : index
      %get3A_1715 = tpu.vector_load %arg6[%get3A_1713, %get3A_1714] {strides = array<i32>} : memref<50x128xf32, #tpu.memory_space<vmem>>, vector<1x16xf32>,
      %get3A_1716 = vector.shape_cast %get3A_1715 : vector<1x16xf32> to vector<16xf32>
      %add3A_1717 = arith.addf %add3A_1669, %get3A_1716 : vector<16xf32>
      %get3A_1718 = arith.constant 35 : i32
      %get3A_1719 = arith.index_cast %get3A_1718 : i32 to index
      %get3A_1720 = arith.constant 48 : index
      %get3A_1721 = tpu.vector_load %arg6[%get3A_1719, %get3A_1720] {strides = array<i32>} : memref<50x128xf32, #tpu.memory_space<vmem>>, vector<1x16xf32>,
      %get3A_1722 = vector.shape_cast %get3A_1721 : vector<1x16xf32> to vector<16xf32>
      %add3A_1723 = arith.addf %add3A_1675, %get3A_1722 : vector<16xf32>
      %get3A_1724 = arith.constant 35 : i32
      %get3A_1725 = arith.index_cast %get3A_1724 : i32 to index
      %get3A_1726 = arith.constant 64 : index
      %get3A_1727 = tpu.vector_load %arg6[%get3A_1725, %get3A_1726] {strides = array<i32>} : memref<50x128xf32, #tpu.memory_space<vmem>>, vector<1x16xf32>,
      %get3A_1728 = vector.shape_cast %get3A_1727 : vector<1x16xf32> to vector<16xf32>
      %add3A_1729 = arith.addf %add3A_1681, %get3A_1728 : vector<16xf32>
      %get3A_1730 = arith.constant 35 : i32
      %get3A_1731 = arith.index_cast %get3A_1730 : i32 to index
      %get3A_1732 = arith.constant 80 : index
      %get3A_1733 = tpu.vector_load %arg6[%get3A_1731, %get3A_1732] {strides = array<i32>} : memref<50x128xf32, #tpu.memory_space<vmem>>, vector<1x16xf32>,
      %get3A_1734 = vector.shape_cast %get3A_1733 : vector<1x16xf32> to vector<16xf32>
      %add3A_1735 = arith.addf %add3A_1687, %get3A_1734 : vector<16xf32>
      %get3A_1736 = arith.constant 35 : i32
      %get3A_1737 = arith.index_cast %get3A_1736 : i32 to index
      %get3A_1738 = arith.constant 96 : index
      %get3A_1739 = tpu.vector_load %arg6[%get3A_1737, %get3A_1738] {strides = array<i32>} : memref<50x128xf32, #tpu.memory_space<vmem>>, vector<1x16xf32>,
      %get3A_1740 = vector.shape_cast %get3A_1739 : vector<1x16xf32> to vector<16xf32>
      %add3A_1741 = arith.addf %add3A_1693, %get3A_1740 : vector<16xf32>
      %get3A_1742 = arith.constant 35 : i32
      %get3A_1743 = arith.index_cast %get3A_1742 : i32 to index
      %get3A_1744 = arith.constant 112 : index
      %get3A_1745 = tpu.vector_load %arg6[%get3A_1743, %get3A_1744] {strides = array<i32>} : memref<50x128xf32, #tpu.memory_space<vmem>>, vector<1x16xf32>,
      %get3A_1746 = vector.shape_cast %get3A_1745 : vector<1x16xf32> to vector<16xf32>
      %add3A_1747 = arith.addf %add3A_1699, %get3A_1746 : vector<16xf32>
      %get3A_1748 = arith.constant 36 : i32
      %get3A_1749 = arith.index_cast %get3A_1748 : i32 to index
      %get3A_1750 = arith.constant 0 : index
      %get3A_1751 = tpu.vector_load %arg6[%get3A_1749, %get3A_1750] {strides = array<i32>} : memref<50x128xf32, #tpu.memory_space<vmem>>, vector<1x16xf32>,
      %get3A_1752 = vector.shape_cast %get3A_1751 : vector<1x16xf32> to vector<16xf32>
      %add3A_1753 = arith.addf %add3A_1705, %get3A_1752 : vector<16xf32>
      %get3A_1754 = arith.constant 36 : i32
      %get3A_1755 = arith.index_cast %get3A_1754 : i32 to index
      %get3A_1756 = arith.constant 16 : index
      %get3A_1757 = tpu.vector_load %arg6[%get3A_1755, %get3A_1756] {strides = array<i32>} : memref<50x128xf32, #tpu.memory_space<vmem>>, vector<1x16xf32>,
      %get3A_1758 = vector.shape_cast %get3A_1757 : vector<1x16xf32> to vector<16xf32>
      %add3A_1759 = arith.addf %add3A_1711, %get3A_1758 : vector<16xf32>
      %get3A_1760 = arith.constant 36 : i32
      %get3A_1761 = arith.index_cast %get3A_1760 : i32 to index
      %get3A_1762 = arith.constant 32 : index
      %get3A_1763 = tpu.vector_load %arg6[%get3A_1761, %get3A_1762] {strides = array<i32>} : memref<50x128xf32, #tpu.memory_space<vmem>>, vector<1x16xf32>,
      %get3A_1764 = vector.shape_cast %get3A_1763 : vector<1x16xf32> to vector<16xf32>
      %add3A_1765 = arith.addf %add3A_1717, %get3A_1764 : vector<16xf32>
      %get3A_1766 = arith.constant 36 : i32
      %get3A_1767 = arith.index_cast %get3A_1766 : i32 to index
      %get3A_1768 = arith.constant 48 : index
      %get3A_1769 = tpu.vector_load %arg6[%get3A_1767, %get3A_1768] {strides = array<i32>} : memref<50x128xf32, #tpu.memory_space<vmem>>, vector<1x16xf32>,
      %get3A_1770 = vector.shape_cast %get3A_1769 : vector<1x16xf32> to vector<16xf32>
      %add3A_1771 = arith.addf %add3A_1723, %get3A_1770 : vector<16xf32>
      %get3A_1772 = arith.constant 36 : i32
      %get3A_1773 = arith.index_cast %get3A_1772 : i32 to index
      %get3A_1774 = arith.constant 64 : index
      %get3A_1775 = tpu.vector_load %arg6[%get3A_1773, %get3A_1774] {strides = array<i32>} : memref<50x128xf32, #tpu.memory_space<vmem>>, vector<1x16xf32>,
      %get3A_1776 = vector.shape_cast %get3A_1775 : vector<1x16xf32> to vector<16xf32>
      %add3A_1777 = arith.addf %add3A_1729, %get3A_1776 : vector<16xf32>
      %get3A_1778 = arith.constant 36 : i32
      %get3A_1779 = arith.index_cast %get3A_1778 : i32 to index
      %get3A_1780 = arith.constant 80 : index
      %get3A_1781 = tpu.vector_load %arg6[%get3A_1779, %get3A_1780] {strides = array<i32>} : memref<50x128xf32, #tpu.memory_space<vmem>>, vector<1x16xf32>,
      %get3A_1782 = vector.shape_cast %get3A_1781 : vector<1x16xf32> to vector<16xf32>
      %add3A_1783 = arith.addf %add3A_1735, %get3A_1782 : vector<16xf32>
      %get3A_1784 = arith.constant 36 : i32
      %get3A_1785 = arith.index_cast %get3A_1784 : i32 to index
      %get3A_1786 = arith.constant 96 : index
      %get3A_1787 = tpu.vector_load %arg6[%get3A_1785, %get3A_1786] {strides = array<i32>} : memref<50x128xf32, #tpu.memory_space<vmem>>, vector<1x16xf32>,
      %get3A_1788 = vector.shape_cast %get3A_1787 : vector<1x16xf32> to vector<16xf32>
      %add3A_1789 = arith.addf %add3A_1741, %get3A_1788 : vector<16xf32>
      %get3A_1790 = arith.constant 36 : i32
      %get3A_1791 = arith.index_cast %get3A_1790 : i32 to index
      %get3A_1792 = arith.constant 112 : index
      %get3A_1793 = tpu.vector_load %arg6[%get3A_1791, %get3A_1792] {strides = array<i32>} : memref<50x128xf32, #tpu.memory_space<vmem>>, vector<1x16xf32>,
      %get3A_1794 = vector.shape_cast %get3A_1793 : vector<1x16xf32> to vector<16xf32>
      %add3A_1795 = arith.addf %add3A_1747, %get3A_1794 : vector<16xf32>
      %get3A_1796 = arith.constant 37 : i32
      %get3A_1797 = arith.index_cast %get3A_1796 : i32 to index
      %get3A_1798 = arith.constant 0 : index
      %get3A_1799 = tpu.vector_load %arg6[%get3A_1797, %get3A_1798] {strides = array<i32>} : memref<50x128xf32, #tpu.memory_space<vmem>>, vector<1x16xf32>,
      %get3A_1800 = vector.shape_cast %get3A_1799 : vector<1x16xf32> to vector<16xf32>
      %add3A_1801 = arith.addf %add3A_1753, %get3A_1800 : vector<16xf32>
      %get3A_1802 = arith.constant 37 : i32
      %get3A_1803 = arith.index_cast %get3A_1802 : i32 to index
      %get3A_1804 = arith.constant 16 : index
      %get3A_1805 = tpu.vector_load %arg6[%get3A_1803, %get3A_1804] {strides = array<i32>} : memref<50x128xf32, #tpu.memory_space<vmem>>, vector<1x16xf32>,
      %get3A_1806 = vector.shape_cast %get3A_1805 : vector<1x16xf32> to vector<16xf32>
      %add3A_1807 = arith.addf %add3A_1759, %get3A_1806 : vector<16xf32>
      %get3A_1808 = arith.constant 37 : i32
      %get3A_1809 = arith.index_cast %get3A_1808 : i32 to index
      %get3A_1810 = arith.constant 32 : index
      %get3A_1811 = tpu.vector_load %arg6[%get3A_1809, %get3A_1810] {strides = array<i32>} : memref<50x128xf32, #tpu.memory_space<vmem>>, vector<1x16xf32>,
      %get3A_1812 = vector.shape_cast %get3A_1811 : vector<1x16xf32> to vector<16xf32>
      %add3A_1813 = arith.addf %add3A_1765, %get3A_1812 : vector<16xf32>
      %get3A_1814 = arith.constant 37 : i32
      %get3A_1815 = arith.index_cast %get3A_1814 : i32 to index
      %get3A_1816 = arith.constant 48 : index
      %get3A_1817 = tpu.vector_load %arg6[%get3A_1815, %get3A_1816] {strides = array<i32>} : memref<50x128xf32, #tpu.memory_space<vmem>>, vector<1x16xf32>,
      %get3A_1818 = vector.shape_cast %get3A_1817 : vector<1x16xf32> to vector<16xf32>
      %add3A_1819 = arith.addf %add3A_1771, %get3A_1818 : vector<16xf32>
      %get3A_1820 = arith.constant 37 : i32
      %get3A_1821 = arith.index_cast %get3A_1820 : i32 to index
      %get3A_1822 = arith.constant 64 : index
      %get3A_1823 = tpu.vector_load %arg6[%get3A_1821, %get3A_1822] {strides = array<i32>} : memref<50x128xf32, #tpu.memory_space<vmem>>, vector<1x16xf32>,
      %get3A_1824 = vector.shape_cast %get3A_1823 : vector<1x16xf32> to vector<16xf32>
      %add3A_1825 = arith.addf %add3A_1777, %get3A_1824 : vector<16xf32>
      %get3A_1826 = arith.constant 37 : i32
      %get3A_1827 = arith.index_cast %get3A_1826 : i32 to index
      %get3A_1828 = arith.constant 80 : index
      %get3A_1829 = tpu.vector_load %arg6[%get3A_1827, %get3A_1828] {strides = array<i32>} : memref<50x128xf32, #tpu.memory_space<vmem>>, vector<1x16xf32>,
      %get3A_1830 = vector.shape_cast %get3A_1829 : vector<1x16xf32> to vector<16xf32>
      %add3A_1831 = arith.addf %add3A_1783, %get3A_1830 : vector<16xf32>
      %get3A_1832 = arith.constant 37 : i32
      %get3A_1833 = arith.index_cast %get3A_1832 : i32 to index
      %get3A_1834 = arith.constant 96 : index
      %get3A_1835 = tpu.vector_load %arg6[%get3A_1833, %get3A_1834] {strides = array<i32>} : memref<50x128xf32, #tpu.memory_space<vmem>>, vector<1x16xf32>,
      %get3A_1836 = vector.shape_cast %get3A_1835 : vector<1x16xf32> to vector<16xf32>
      %add3A_1837 = arith.addf %add3A_1789, %get3A_1836 : vector<16xf32>
      %get3A_1838 = arith.constant 37 : i32
      %get3A_1839 = arith.index_cast %get3A_1838 : i32 to index
      %get3A_1840 = arith.constant 112 : index
      %get3A_1841 = tpu.vector_load %arg6[%get3A_1839, %get3A_1840] {strides = array<i32>} : memref<50x128xf32, #tpu.memory_space<vmem>>, vector<1x16xf32>,
      %get3A_1842 = vector.shape_cast %get3A_1841 : vector<1x16xf32> to vector<16xf32>
      %add3A_1843 = arith.addf %add3A_1795, %get3A_1842 : vector<16xf32>
      %get3A_1844 = arith.constant 38 : i32
      %get3A_1845 = arith.index_cast %get3A_1844 : i32 to index
      %get3A_1846 = arith.constant 0 : index
      %get3A_1847 = tpu.vector_load %arg6[%get3A_1845, %get3A_1846] {strides = array<i32>} : memref<50x128xf32, #tpu.memory_space<vmem>>, vector<1x16xf32>,
      %get3A_1848 = vector.shape_cast %get3A_1847 : vector<1x16xf32> to vector<16xf32>
      %add3A_1849 = arith.addf %add3A_1801, %get3A_1848 : vector<16xf32>
      %get3A_1850 = arith.constant 38 : i32
      %get3A_1851 = arith.index_cast %get3A_1850 : i32 to index
      %get3A_1852 = arith.constant 16 : index
      %get3A_1853 = tpu.vector_load %arg6[%get3A_1851, %get3A_1852] {strides = array<i32>} : memref<50x128xf32, #tpu.memory_space<vmem>>, vector<1x16xf32>,
      %get3A_1854 = vector.shape_cast %get3A_1853 : vector<1x16xf32> to vector<16xf32>
      %add3A_1855 = arith.addf %add3A_1807, %get3A_1854 : vector<16xf32>
      %get3A_1856 = arith.constant 38 : i32
      %get3A_1857 = arith.index_cast %get3A_1856 : i32 to index
      %get3A_1858 = arith.constant 32 : index
      %get3A_1859 = tpu.vector_load %arg6[%get3A_1857, %get3A_1858] {strides = array<i32>} : memref<50x128xf32, #tpu.memory_space<vmem>>, vector<1x16xf32>,
      %get3A_1860 = vector.shape_cast %get3A_1859 : vector<1x16xf32> to vector<16xf32>
      %add3A_1861 = arith.addf %add3A_1813, %get3A_1860 : vector<16xf32>
      %get3A_1862 = arith.constant 38 : i32
      %get3A_1863 = arith.index_cast %get3A_1862 : i32 to index
      %get3A_1864 = arith.constant 48 : index
      %get3A_1865 = tpu.vector_load %arg6[%get3A_1863, %get3A_1864] {strides = array<i32>} : memref<50x128xf32, #tpu.memory_space<vmem>>, vector<1x16xf32>,
      %get3A_1866 = vector.shape_cast %get3A_1865 : vector<1x16xf32> to vector<16xf32>
      %add3A_1867 = arith.addf %add3A_1819, %get3A_1866 : vector<16xf32>
      %get3A_1868 = arith.constant 38 : i32
      %get3A_1869 = arith.index_cast %get3A_1868 : i32 to index
      %get3A_1870 = arith.constant 64 : index
      %get3A_1871 = tpu.vector_load %arg6[%get3A_1869, %get3A_1870] {strides = array<i32>} : memref<50x128xf32, #tpu.memory_space<vmem>>, vector<1x16xf32>,
      %get3A_1872 = vector.shape_cast %get3A_1871 : vector<1x16xf32> to vector<16xf32>
      %add3A_1873 = arith.addf %add3A_1825, %get3A_1872 : vector<16xf32>
      %get3A_1874 = arith.constant 38 : i32
      %get3A_1875 = arith.index_cast %get3A_1874 : i32 to index
      %get3A_1876 = arith.constant 80 : index
      %get3A_1877 = tpu.vector_load %arg6[%get3A_1875, %get3A_1876] {strides = array<i32>} : memref<50x128xf32, #tpu.memory_space<vmem>>, vector<1x16xf32>,
      %get3A_1878 = vector.shape_cast %get3A_1877 : vector<1x16xf32> to vector<16xf32>
      %add3A_1879 = arith.addf %add3A_1831, %get3A_1878 : vector<16xf32>
      %get3A_1880 = arith.constant 38 : i32
      %get3A_1881 = arith.index_cast %get3A_1880 : i32 to index
      %get3A_1882 = arith.constant 96 : index
      %get3A_1883 = tpu.vector_load %arg6[%get3A_1881, %get3A_1882] {strides = array<i32>} : memref<50x128xf32, #tpu.memory_space<vmem>>, vector<1x16xf32>,
      %get3A_1884 = vector.shape_cast %get3A_1883 : vector<1x16xf32> to vector<16xf32>
      %add3A_1885 = arith.addf %add3A_1837, %get3A_1884 : vector<16xf32>
      %get3A_1886 = arith.constant 38 : i32
      %get3A_1887 = arith.index_cast %get3A_1886 : i32 to index
      %get3A_1888 = arith.constant 112 : index
      %get3A_1889 = tpu.vector_load %arg6[%get3A_1887, %get3A_1888] {strides = array<i32>} : memref<50x128xf32, #tpu.memory_space<vmem>>, vector<1x16xf32>,
      %get3A_1890 = vector.shape_cast %get3A_1889 : vector<1x16xf32> to vector<16xf32>
      %add3A_1891 = arith.addf %add3A_1843, %get3A_1890 : vector<16xf32>
      %get3A_1892 = arith.constant 39 : i32
      %get3A_1893 = arith.index_cast %get3A_1892 : i32 to index
      %get3A_1894 = arith.constant 0 : index
      %get3A_1895 = tpu.vector_load %arg6[%get3A_1893, %get3A_1894] {strides = array<i32>} : memref<50x128xf32, #tpu.memory_space<vmem>>, vector<1x16xf32>,
      %get3A_1896 = vector.shape_cast %get3A_1895 : vector<1x16xf32> to vector<16xf32>
      %add3A_1897 = arith.addf %add3A_1849, %get3A_1896 : vector<16xf32>
      %get3A_1898 = arith.constant 39 : i32
      %get3A_1899 = arith.index_cast %get3A_1898 : i32 to index
      %get3A_1900 = arith.constant 16 : index
      %get3A_1901 = tpu.vector_load %arg6[%get3A_1899, %get3A_1900] {strides = array<i32>} : memref<50x128xf32, #tpu.memory_space<vmem>>, vector<1x16xf32>,
      %get3A_1902 = vector.shape_cast %get3A_1901 : vector<1x16xf32> to vector<16xf32>
      %add3A_1903 = arith.addf %add3A_1855, %get3A_1902 : vector<16xf32>
      %get3A_1904 = arith.constant 39 : i32
      %get3A_1905 = arith.index_cast %get3A_1904 : i32 to index
      %get3A_1906 = arith.constant 32 : index
      %get3A_1907 = tpu.vector_load %arg6[%get3A_1905, %get3A_1906] {strides = array<i32>} : memref<50x128xf32, #tpu.memory_space<vmem>>, vector<1x16xf32>,
      %get3A_1908 = vector.shape_cast %get3A_1907 : vector<1x16xf32> to vector<16xf32>
      %add3A_1909 = arith.addf %add3A_1861, %get3A_1908 : vector<16xf32>
      %get3A_1910 = arith.constant 39 : i32
      %get3A_1911 = arith.index_cast %get3A_1910 : i32 to index
      %get3A_1912 = arith.constant 48 : index
      %get3A_1913 = tpu.vector_load %arg6[%get3A_1911, %get3A_1912] {strides = array<i32>} : memref<50x128xf32, #tpu.memory_space<vmem>>, vector<1x16xf32>,
      %get3A_1914 = vector.shape_cast %get3A_1913 : vector<1x16xf32> to vector<16xf32>
      %add3A_1915 = arith.addf %add3A_1867, %get3A_1914 : vector<16xf32>
      %get3A_1916 = arith.constant 39 : i32
      %get3A_1917 = arith.index_cast %get3A_1916 : i32 to index
      %get3A_1918 = arith.constant 64 : index
      %get3A_1919 = tpu.vector_load %arg6[%get3A_1917, %get3A_1918] {strides = array<i32>} : memref<50x128xf32, #tpu.memory_space<vmem>>, vector<1x16xf32>,
      %get3A_1920 = vector.shape_cast %get3A_1919 : vector<1x16xf32> to vector<16xf32>
      %add3A_1921 = arith.addf %add3A_1873, %get3A_1920 : vector<16xf32>
      %get3A_1922 = arith.constant 39 : i32
      %get3A_1923 = arith.index_cast %get3A_1922 : i32 to index
      %get3A_1924 = arith.constant 80 : index
      %get3A_1925 = tpu.vector_load %arg6[%get3A_1923, %get3A_1924] {strides = array<i32>} : memref<50x128xf32, #tpu.memory_space<vmem>>, vector<1x16xf32>,
      %get3A_1926 = vector.shape_cast %get3A_1925 : vector<1x16xf32> to vector<16xf32>
      %add3A_1927 = arith.addf %add3A_1879, %get3A_1926 : vector<16xf32>
      %get3A_1928 = arith.constant 39 : i32
      %get3A_1929 = arith.index_cast %get3A_1928 : i32 to index
      %get3A_1930 = arith.constant 96 : index
      %get3A_1931 = tpu.vector_load %arg6[%get3A_1929, %get3A_1930] {strides = array<i32>} : memref<50x128xf32, #tpu.memory_space<vmem>>, vector<1x16xf32>,
      %get3A_1932 = vector.shape_cast %get3A_1931 : vector<1x16xf32> to vector<16xf32>
      %add3A_1933 = arith.addf %add3A_1885, %get3A_1932 : vector<16xf32>
      %get3A_1934 = arith.constant 39 : i32
      %get3A_1935 = arith.index_cast %get3A_1934 : i32 to index
      %get3A_1936 = arith.constant 112 : index
      %get3A_1937 = tpu.vector_load %arg6[%get3A_1935, %get3A_1936] {strides = array<i32>} : memref<50x128xf32, #tpu.memory_space<vmem>>, vector<1x16xf32>,
      %get3A_1938 = vector.shape_cast %get3A_1937 : vector<1x16xf32> to vector<16xf32>
      %add3A_1939 = arith.addf %add3A_1891, %get3A_1938 : vector<16xf32>
      %get3A_1940 = arith.constant 40 : i32
      %get3A_1941 = arith.index_cast %get3A_1940 : i32 to index
      %get3A_1942 = arith.constant 0 : index
      %get3A_1943 = tpu.vector_load %arg6[%get3A_1941, %get3A_1942] {strides = array<i32>} : memref<50x128xf32, #tpu.memory_space<vmem>>, vector<1x16xf32>,
      %get3A_1944 = vector.shape_cast %get3A_1943 : vector<1x16xf32> to vector<16xf32>
      %add3A_1945 = arith.addf %add3A_1897, %get3A_1944 : vector<16xf32>
      %get3A_1946 = arith.constant 40 : i32
      %get3A_1947 = arith.index_cast %get3A_1946 : i32 to index
      %get3A_1948 = arith.constant 16 : index
      %get3A_1949 = tpu.vector_load %arg6[%get3A_1947, %get3A_1948] {strides = array<i32>} : memref<50x128xf32, #tpu.memory_space<vmem>>, vector<1x16xf32>,
      %get3A_1950 = vector.shape_cast %get3A_1949 : vector<1x16xf32> to vector<16xf32>
      %add3A_1951 = arith.addf %add3A_1903, %get3A_1950 : vector<16xf32>
      %get3A_1952 = arith.constant 40 : i32
      %get3A_1953 = arith.index_cast %get3A_1952 : i32 to index
      %get3A_1954 = arith.constant 32 : index
      %get3A_1955 = tpu.vector_load %arg6[%get3A_1953, %get3A_1954] {strides = array<i32>} : memref<50x128xf32, #tpu.memory_space<vmem>>, vector<1x16xf32>,
      %get3A_1956 = vector.shape_cast %get3A_1955 : vector<1x16xf32> to vector<16xf32>
      %add3A_1957 = arith.addf %add3A_1909, %get3A_1956 : vector<16xf32>
      %get3A_1958 = arith.constant 40 : i32
      %get3A_1959 = arith.index_cast %get3A_1958 : i32 to index
      %get3A_1960 = arith.constant 48 : index
      %get3A_1961 = tpu.vector_load %arg6[%get3A_1959, %get3A_1960] {strides = array<i32>} : memref<50x128xf32, #tpu.memory_space<vmem>>, vector<1x16xf32>,
      %get3A_1962 = vector.shape_cast %get3A_1961 : vector<1x16xf32> to vector<16xf32>
      %add3A_1963 = arith.addf %add3A_1915, %get3A_1962 : vector<16xf32>
      %get3A_1964 = arith.constant 40 : i32
      %get3A_1965 = arith.index_cast %get3A_1964 : i32 to index
      %get3A_1966 = arith.constant 64 : index
      %get3A_1967 = tpu.vector_load %arg6[%get3A_1965, %get3A_1966] {strides = array<i32>} : memref<50x128xf32, #tpu.memory_space<vmem>>, vector<1x16xf32>,
      %get3A_1968 = vector.shape_cast %get3A_1967 : vector<1x16xf32> to vector<16xf32>
      %add3A_1969 = arith.addf %add3A_1921, %get3A_1968 : vector<16xf32>
      %get3A_1970 = arith.constant 40 : i32
      %get3A_1971 = arith.index_cast %get3A_1970 : i32 to index
      %get3A_1972 = arith.constant 80 : index
      %get3A_1973 = tpu.vector_load %arg6[%get3A_1971, %get3A_1972] {strides = array<i32>} : memref<50x128xf32, #tpu.memory_space<vmem>>, vector<1x16xf32>,
      %get3A_1974 = vector.shape_cast %get3A_1973 : vector<1x16xf32> to vector<16xf32>
      %add3A_1975 = arith.addf %add3A_1927, %get3A_1974 : vector<16xf32>
      %get3A_1976 = arith.constant 40 : i32
      %get3A_1977 = arith.index_cast %get3A_1976 : i32 to index
      %get3A_1978 = arith.constant 96 : index
      %get3A_1979 = tpu.vector_load %arg6[%get3A_1977, %get3A_1978] {strides = array<i32>} : memref<50x128xf32, #tpu.memory_space<vmem>>, vector<1x16xf32>,
      %get3A_1980 = vector.shape_cast %get3A_1979 : vector<1x16xf32> to vector<16xf32>
      %add3A_1981 = arith.addf %add3A_1933, %get3A_1980 : vector<16xf32>
      %get3A_1982 = arith.constant 40 : i32
      %get3A_1983 = arith.index_cast %get3A_1982 : i32 to index
      %get3A_1984 = arith.constant 112 : index
      %get3A_1985 = tpu.vector_load %arg6[%get3A_1983, %get3A_1984] {strides = array<i32>} : memref<50x128xf32, #tpu.memory_space<vmem>>, vector<1x16xf32>,
      %get3A_1986 = vector.shape_cast %get3A_1985 : vector<1x16xf32> to vector<16xf32>
      %add3A_1987 = arith.addf %add3A_1939, %get3A_1986 : vector<16xf32>
      %get3A_1988 = arith.constant 41 : i32
      %get3A_1989 = arith.index_cast %get3A_1988 : i32 to index
      %get3A_1990 = arith.constant 0 : index
      %get3A_1991 = tpu.vector_load %arg6[%get3A_1989, %get3A_1990] {strides = array<i32>} : memref<50x128xf32, #tpu.memory_space<vmem>>, vector<1x16xf32>,
      %get3A_1992 = vector.shape_cast %get3A_1991 : vector<1x16xf32> to vector<16xf32>
      %add3A_1993 = arith.addf %add3A_1945, %get3A_1992 : vector<16xf32>
      %get3A_1994 = arith.constant 41 : i32
      %get3A_1995 = arith.index_cast %get3A_1994 : i32 to index
      %get3A_1996 = arith.constant 16 : index
      %get3A_1997 = tpu.vector_load %arg6[%get3A_1995, %get3A_1996] {strides = array<i32>} : memref<50x128xf32, #tpu.memory_space<vmem>>, vector<1x16xf32>,
      %get3A_1998 = vector.shape_cast %get3A_1997 : vector<1x16xf32> to vector<16xf32>
      %add3A_1999 = arith.addf %add3A_1951, %get3A_1998 : vector<16xf32>
      %get3A_2000 = arith.constant 41 : i32
      %get3A_2001 = arith.index_cast %get3A_2000 : i32 to index
      %get3A_2002 = arith.constant 32 : index
      %get3A_2003 = tpu.vector_load %arg6[%get3A_2001, %get3A_2002] {strides = array<i32>} : memref<50x128xf32, #tpu.memory_space<vmem>>, vector<1x16xf32>,
      %get3A_2004 = vector.shape_cast %get3A_2003 : vector<1x16xf32> to vector<16xf32>
      %add3A_2005 = arith.addf %add3A_1957, %get3A_2004 : vector<16xf32>
      %get3A_2006 = arith.constant 41 : i32
      %get3A_2007 = arith.index_cast %get3A_2006 : i32 to index
      %get3A_2008 = arith.constant 48 : index
      %get3A_2009 = tpu.vector_load %arg6[%get3A_2007, %get3A_2008] {strides = array<i32>} : memref<50x128xf32, #tpu.memory_space<vmem>>, vector<1x16xf32>,
      %get3A_2010 = vector.shape_cast %get3A_2009 : vector<1x16xf32> to vector<16xf32>
      %add3A_2011 = arith.addf %add3A_1963, %get3A_2010 : vector<16xf32>
      %get3A_2012 = arith.constant 41 : i32
      %get3A_2013 = arith.index_cast %get3A_2012 : i32 to index
      %get3A_2014 = arith.constant 64 : index
      %get3A_2015 = tpu.vector_load %arg6[%get3A_2013, %get3A_2014] {strides = array<i32>} : memref<50x128xf32, #tpu.memory_space<vmem>>, vector<1x16xf32>,
      %get3A_2016 = vector.shape_cast %get3A_2015 : vector<1x16xf32> to vector<16xf32>
      %add3A_2017 = arith.addf %add3A_1969, %get3A_2016 : vector<16xf32>
      %get3A_2018 = arith.constant 41 : i32
      %get3A_2019 = arith.index_cast %get3A_2018 : i32 to index
      %get3A_2020 = arith.constant 80 : index
      %get3A_2021 = tpu.vector_load %arg6[%get3A_2019, %get3A_2020] {strides = array<i32>} : memref<50x128xf32, #tpu.memory_space<vmem>>, vector<1x16xf32>,
      %get3A_2022 = vector.shape_cast %get3A_2021 : vector<1x16xf32> to vector<16xf32>
      %add3A_2023 = arith.addf %add3A_1975, %get3A_2022 : vector<16xf32>
      %get3A_2024 = arith.constant 41 : i32
      %get3A_2025 = arith.index_cast %get3A_2024 : i32 to index
      %get3A_2026 = arith.constant 96 : index
      %get3A_2027 = tpu.vector_load %arg6[%get3A_2025, %get3A_2026] {strides = array<i32>} : memref<50x128xf32, #tpu.memory_space<vmem>>, vector<1x16xf32>,
      %get3A_2028 = vector.shape_cast %get3A_2027 : vector<1x16xf32> to vector<16xf32>
      %add3A_2029 = arith.addf %add3A_1981, %get3A_2028 : vector<16xf32>
      %get3A_2030 = arith.constant 41 : i32
      %get3A_2031 = arith.index_cast %get3A_2030 : i32 to index
      %get3A_2032 = arith.constant 112 : index
      %get3A_2033 = tpu.vector_load %arg6[%get3A_2031, %get3A_2032] {strides = array<i32>} : memref<50x128xf32, #tpu.memory_space<vmem>>, vector<1x16xf32>,
      %get3A_2034 = vector.shape_cast %get3A_2033 : vector<1x16xf32> to vector<16xf32>
      %add3A_2035 = arith.addf %add3A_1987, %get3A_2034 : vector<16xf32>
      %get3A_2036 = arith.constant 42 : i32
      %get3A_2037 = arith.index_cast %get3A_2036 : i32 to index
      %get3A_2038 = arith.constant 0 : index
      %get3A_2039 = tpu.vector_load %arg6[%get3A_2037, %get3A_2038] {strides = array<i32>} : memref<50x128xf32, #tpu.memory_space<vmem>>, vector<1x16xf32>,
      %get3A_2040 = vector.shape_cast %get3A_2039 : vector<1x16xf32> to vector<16xf32>
      %add3A_2041 = arith.addf %add3A_1993, %get3A_2040 : vector<16xf32>
      %get3A_2042 = arith.constant 42 : i32
      %get3A_2043 = arith.index_cast %get3A_2042 : i32 to index
      %get3A_2044 = arith.constant 16 : index
      %get3A_2045 = tpu.vector_load %arg6[%get3A_2043, %get3A_2044] {strides = array<i32>} : memref<50x128xf32, #tpu.memory_space<vmem>>, vector<1x16xf32>,
      %get3A_2046 = vector.shape_cast %get3A_2045 : vector<1x16xf32> to vector<16xf32>
      %add3A_2047 = arith.addf %add3A_1999, %get3A_2046 : vector<16xf32>
      %get3A_2048 = arith.constant 42 : i32
      %get3A_2049 = arith.index_cast %get3A_2048 : i32 to index
      %get3A_2050 = arith.constant 32 : index
      %get3A_2051 = tpu.vector_load %arg6[%get3A_2049, %get3A_2050] {strides = array<i32>} : memref<50x128xf32, #tpu.memory_space<vmem>>, vector<1x16xf32>,
      %get3A_2052 = vector.shape_cast %get3A_2051 : vector<1x16xf32> to vector<16xf32>
      %add3A_2053 = arith.addf %add3A_2005, %get3A_2052 : vector<16xf32>
      %get3A_2054 = arith.constant 42 : i32
      %get3A_2055 = arith.index_cast %get3A_2054 : i32 to index
      %get3A_2056 = arith.constant 48 : index
      %get3A_2057 = tpu.vector_load %arg6[%get3A_2055, %get3A_2056] {strides = array<i32>} : memref<50x128xf32, #tpu.memory_space<vmem>>, vector<1x16xf32>,
      %get3A_2058 = vector.shape_cast %get3A_2057 : vector<1x16xf32> to vector<16xf32>
      %add3A_2059 = arith.addf %add3A_2011, %get3A_2058 : vector<16xf32>
      %get3A_2060 = arith.constant 42 : i32
      %get3A_2061 = arith.index_cast %get3A_2060 : i32 to index
      %get3A_2062 = arith.constant 64 : index
      %get3A_2063 = tpu.vector_load %arg6[%get3A_2061, %get3A_2062] {strides = array<i32>} : memref<50x128xf32, #tpu.memory_space<vmem>>, vector<1x16xf32>,
      %get3A_2064 = vector.shape_cast %get3A_2063 : vector<1x16xf32> to vector<16xf32>
      %add3A_2065 = arith.addf %add3A_2017, %get3A_2064 : vector<16xf32>
      %get3A_2066 = arith.constant 42 : i32
      %get3A_2067 = arith.index_cast %get3A_2066 : i32 to index
      %get3A_2068 = arith.constant 80 : index
      %get3A_2069 = tpu.vector_load %arg6[%get3A_2067, %get3A_2068] {strides = array<i32>} : memref<50x128xf32, #tpu.memory_space<vmem>>, vector<1x16xf32>,
      %get3A_2070 = vector.shape_cast %get3A_2069 : vector<1x16xf32> to vector<16xf32>
      %add3A_2071 = arith.addf %add3A_2023, %get3A_2070 : vector<16xf32>
      %get3A_2072 = arith.constant 42 : i32
      %get3A_2073 = arith.index_cast %get3A_2072 : i32 to index
      %get3A_2074 = arith.constant 96 : index
      %get3A_2075 = tpu.vector_load %arg6[%get3A_2073, %get3A_2074] {strides = array<i32>} : memref<50x128xf32, #tpu.memory_space<vmem>>, vector<1x16xf32>,
      %get3A_2076 = vector.shape_cast %get3A_2075 : vector<1x16xf32> to vector<16xf32>
      %add3A_2077 = arith.addf %add3A_2029, %get3A_2076 : vector<16xf32>
      %get3A_2078 = arith.constant 42 : i32
      %get3A_2079 = arith.index_cast %get3A_2078 : i32 to index
      %get3A_2080 = arith.constant 112 : index
      %get3A_2081 = tpu.vector_load %arg6[%get3A_2079, %get3A_2080] {strides = array<i32>} : memref<50x128xf32, #tpu.memory_space<vmem>>, vector<1x16xf32>,
      %get3A_2082 = vector.shape_cast %get3A_2081 : vector<1x16xf32> to vector<16xf32>
      %add3A_2083 = arith.addf %add3A_2035, %get3A_2082 : vector<16xf32>
      %get3A_2084 = arith.constant 43 : i32
      %get3A_2085 = arith.index_cast %get3A_2084 : i32 to index
      %get3A_2086 = arith.constant 0 : index
      %get3A_2087 = tpu.vector_load %arg6[%get3A_2085, %get3A_2086] {strides = array<i32>} : memref<50x128xf32, #tpu.memory_space<vmem>>, vector<1x16xf32>,
      %get3A_2088 = vector.shape_cast %get3A_2087 : vector<1x16xf32> to vector<16xf32>
      %add3A_2089 = arith.addf %add3A_2041, %get3A_2088 : vector<16xf32>
      %get3A_2090 = arith.constant 43 : i32
      %get3A_2091 = arith.index_cast %get3A_2090 : i32 to index
      %get3A_2092 = arith.constant 16 : index
      %get3A_2093 = tpu.vector_load %arg6[%get3A_2091, %get3A_2092] {strides = array<i32>} : memref<50x128xf32, #tpu.memory_space<vmem>>, vector<1x16xf32>,
      %get3A_2094 = vector.shape_cast %get3A_2093 : vector<1x16xf32> to vector<16xf32>
      %add3A_2095 = arith.addf %add3A_2047, %get3A_2094 : vector<16xf32>
      %get3A_2096 = arith.constant 43 : i32
      %get3A_2097 = arith.index_cast %get3A_2096 : i32 to index
      %get3A_2098 = arith.constant 32 : index
      %get3A_2099 = tpu.vector_load %arg6[%get3A_2097, %get3A_2098] {strides = array<i32>} : memref<50x128xf32, #tpu.memory_space<vmem>>, vector<1x16xf32>,
      %get3A_2100 = vector.shape_cast %get3A_2099 : vector<1x16xf32> to vector<16xf32>
      %add3A_2101 = arith.addf %add3A_2053, %get3A_2100 : vector<16xf32>
      %get3A_2102 = arith.constant 43 : i32
      %get3A_2103 = arith.index_cast %get3A_2102 : i32 to index
      %get3A_2104 = arith.constant 48 : index
      %get3A_2105 = tpu.vector_load %arg6[%get3A_2103, %get3A_2104] {strides = array<i32>} : memref<50x128xf32, #tpu.memory_space<vmem>>, vector<1x16xf32>,
      %get3A_2106 = vector.shape_cast %get3A_2105 : vector<1x16xf32> to vector<16xf32>
      %add3A_2107 = arith.addf %add3A_2059, %get3A_2106 : vector<16xf32>
      %get3A_2108 = arith.constant 43 : i32
      %get3A_2109 = arith.index_cast %get3A_2108 : i32 to index
      %get3A_2110 = arith.constant 64 : index
      %get3A_2111 = tpu.vector_load %arg6[%get3A_2109, %get3A_2110] {strides = array<i32>} : memref<50x128xf32, #tpu.memory_space<vmem>>, vector<1x16xf32>,
      %get3A_2112 = vector.shape_cast %get3A_2111 : vector<1x16xf32> to vector<16xf32>
      %add3A_2113 = arith.addf %add3A_2065, %get3A_2112 : vector<16xf32>
      %get3A_2114 = arith.constant 43 : i32
      %get3A_2115 = arith.index_cast %get3A_2114 : i32 to index
      %get3A_2116 = arith.constant 80 : index
      %get3A_2117 = tpu.vector_load %arg6[%get3A_2115, %get3A_2116] {strides = array<i32>} : memref<50x128xf32, #tpu.memory_space<vmem>>, vector<1x16xf32>,
      %get3A_2118 = vector.shape_cast %get3A_2117 : vector<1x16xf32> to vector<16xf32>
      %add3A_2119 = arith.addf %add3A_2071, %get3A_2118 : vector<16xf32>
      %get3A_2120 = arith.constant 43 : i32
      %get3A_2121 = arith.index_cast %get3A_2120 : i32 to index
      %get3A_2122 = arith.constant 96 : index
      %get3A_2123 = tpu.vector_load %arg6[%get3A_2121, %get3A_2122] {strides = array<i32>} : memref<50x128xf32, #tpu.memory_space<vmem>>, vector<1x16xf32>,
      %get3A_2124 = vector.shape_cast %get3A_2123 : vector<1x16xf32> to vector<16xf32>
      %add3A_2125 = arith.addf %add3A_2077, %get3A_2124 : vector<16xf32>
      %get3A_2126 = arith.constant 43 : i32
      %get3A_2127 = arith.index_cast %get3A_2126 : i32 to index
      %get3A_2128 = arith.constant 112 : index
      %get3A_2129 = tpu.vector_load %arg6[%get3A_2127, %get3A_2128] {strides = array<i32>} : memref<50x128xf32, #tpu.memory_space<vmem>>, vector<1x16xf32>,
      %get3A_2130 = vector.shape_cast %get3A_2129 : vector<1x16xf32> to vector<16xf32>
      %add3A_2131 = arith.addf %add3A_2083, %get3A_2130 : vector<16xf32>
      %get3A_2132 = arith.constant 44 : i32
      %get3A_2133 = arith.index_cast %get3A_2132 : i32 to index
      %get3A_2134 = arith.constant 0 : index
      %get3A_2135 = tpu.vector_load %arg6[%get3A_2133, %get3A_2134] {strides = array<i32>} : memref<50x128xf32, #tpu.memory_space<vmem>>, vector<1x16xf32>,
      %get3A_2136 = vector.shape_cast %get3A_2135 : vector<1x16xf32> to vector<16xf32>
      %add3A_2137 = arith.addf %add3A_2089, %get3A_2136 : vector<16xf32>
      %get3A_2138 = arith.constant 44 : i32
      %get3A_2139 = arith.index_cast %get3A_2138 : i32 to index
      %get3A_2140 = arith.constant 16 : index
      %get3A_2141 = tpu.vector_load %arg6[%get3A_2139, %get3A_2140] {strides = array<i32>} : memref<50x128xf32, #tpu.memory_space<vmem>>, vector<1x16xf32>,
      %get3A_2142 = vector.shape_cast %get3A_2141 : vector<1x16xf32> to vector<16xf32>
      %add3A_2143 = arith.addf %add3A_2095, %get3A_2142 : vector<16xf32>
      %get3A_2144 = arith.constant 44 : i32
      %get3A_2145 = arith.index_cast %get3A_2144 : i32 to index
      %get3A_2146 = arith.constant 32 : index
      %get3A_2147 = tpu.vector_load %arg6[%get3A_2145, %get3A_2146] {strides = array<i32>} : memref<50x128xf32, #tpu.memory_space<vmem>>, vector<1x16xf32>,
      %get3A_2148 = vector.shape_cast %get3A_2147 : vector<1x16xf32> to vector<16xf32>
      %add3A_2149 = arith.addf %add3A_2101, %get3A_2148 : vector<16xf32>
      %get3A_2150 = arith.constant 44 : i32
      %get3A_2151 = arith.index_cast %get3A_2150 : i32 to index
      %get3A_2152 = arith.constant 48 : index
      %get3A_2153 = tpu.vector_load %arg6[%get3A_2151, %get3A_2152] {strides = array<i32>} : memref<50x128xf32, #tpu.memory_space<vmem>>, vector<1x16xf32>,
      %get3A_2154 = vector.shape_cast %get3A_2153 : vector<1x16xf32> to vector<16xf32>
      %add3A_2155 = arith.addf %add3A_2107, %get3A_2154 : vector<16xf32>
      %get3A_2156 = arith.constant 44 : i32
      %get3A_2157 = arith.index_cast %get3A_2156 : i32 to index
      %get3A_2158 = arith.constant 64 : index
      %get3A_2159 = tpu.vector_load %arg6[%get3A_2157, %get3A_2158] {strides = array<i32>} : memref<50x128xf32, #tpu.memory_space<vmem>>, vector<1x16xf32>,
      %get3A_2160 = vector.shape_cast %get3A_2159 : vector<1x16xf32> to vector<16xf32>
      %add3A_2161 = arith.addf %add3A_2113, %get3A_2160 : vector<16xf32>
      %get3A_2162 = arith.constant 44 : i32
      %get3A_2163 = arith.index_cast %get3A_2162 : i32 to index
      %get3A_2164 = arith.constant 80 : index
      %get3A_2165 = tpu.vector_load %arg6[%get3A_2163, %get3A_2164] {strides = array<i32>} : memref<50x128xf32, #tpu.memory_space<vmem>>, vector<1x16xf32>,
      %get3A_2166 = vector.shape_cast %get3A_2165 : vector<1x16xf32> to vector<16xf32>
      %add3A_2167 = arith.addf %add3A_2119, %get3A_2166 : vector<16xf32>
      %get3A_2168 = arith.constant 44 : i32
      %get3A_2169 = arith.index_cast %get3A_2168 : i32 to index
      %get3A_2170 = arith.constant 96 : index
      %get3A_2171 = tpu.vector_load %arg6[%get3A_2169, %get3A_2170] {strides = array<i32>} : memref<50x128xf32, #tpu.memory_space<vmem>>, vector<1x16xf32>,
      %get3A_2172 = vector.shape_cast %get3A_2171 : vector<1x16xf32> to vector<16xf32>
      %add3A_2173 = arith.addf %add3A_2125, %get3A_2172 : vector<16xf32>
      %get3A_2174 = arith.constant 44 : i32
      %get3A_2175 = arith.index_cast %get3A_2174 : i32 to index
      %get3A_2176 = arith.constant 112 : index
      %get3A_2177 = tpu.vector_load %arg6[%get3A_2175, %get3A_2176] {strides = array<i32>} : memref<50x128xf32, #tpu.memory_space<vmem>>, vector<1x16xf32>,
      %get3A_2178 = vector.shape_cast %get3A_2177 : vector<1x16xf32> to vector<16xf32>
      %add3A_2179 = arith.addf %add3A_2131, %get3A_2178 : vector<16xf32>
      %get3A_2180 = arith.constant 45 : i32
      %get3A_2181 = arith.index_cast %get3A_2180 : i32 to index
      %get3A_2182 = arith.constant 0 : index
      %get3A_2183 = tpu.vector_load %arg6[%get3A_2181, %get3A_2182] {strides = array<i32>} : memref<50x128xf32, #tpu.memory_space<vmem>>, vector<1x16xf32>,
      %get3A_2184 = vector.shape_cast %get3A_2183 : vector<1x16xf32> to vector<16xf32>
      %add3A_2185 = arith.addf %add3A_2137, %get3A_2184 : vector<16xf32>
      %get3A_2186 = arith.constant 45 : i32
      %get3A_2187 = arith.index_cast %get3A_2186 : i32 to index
      %get3A_2188 = arith.constant 16 : index
      %get3A_2189 = tpu.vector_load %arg6[%get3A_2187, %get3A_2188] {strides = array<i32>} : memref<50x128xf32, #tpu.memory_space<vmem>>, vector<1x16xf32>,
      %get3A_2190 = vector.shape_cast %get3A_2189 : vector<1x16xf32> to vector<16xf32>
      %add3A_2191 = arith.addf %add3A_2143, %get3A_2190 : vector<16xf32>
      %get3A_2192 = arith.constant 45 : i32
      %get3A_2193 = arith.index_cast %get3A_2192 : i32 to index
      %get3A_2194 = arith.constant 32 : index
      %get3A_2195 = tpu.vector_load %arg6[%get3A_2193, %get3A_2194] {strides = array<i32>} : memref<50x128xf32, #tpu.memory_space<vmem>>, vector<1x16xf32>,
      %get3A_2196 = vector.shape_cast %get3A_2195 : vector<1x16xf32> to vector<16xf32>
      %add3A_2197 = arith.addf %add3A_2149, %get3A_2196 : vector<16xf32>
      %get3A_2198 = arith.constant 45 : i32
      %get3A_2199 = arith.index_cast %get3A_2198 : i32 to index
      %get3A_2200 = arith.constant 48 : index
      %get3A_2201 = tpu.vector_load %arg6[%get3A_2199, %get3A_2200] {strides = array<i32>} : memref<50x128xf32, #tpu.memory_space<vmem>>, vector<1x16xf32>,
      %get3A_2202 = vector.shape_cast %get3A_2201 : vector<1x16xf32> to vector<16xf32>
      %add3A_2203 = arith.addf %add3A_2155, %get3A_2202 : vector<16xf32>
      %get3A_2204 = arith.constant 45 : i32
      %get3A_2205 = arith.index_cast %get3A_2204 : i32 to index
      %get3A_2206 = arith.constant 64 : index
      %get3A_2207 = tpu.vector_load %arg6[%get3A_2205, %get3A_2206] {strides = array<i32>} : memref<50x128xf32, #tpu.memory_space<vmem>>, vector<1x16xf32>,
      %get3A_2208 = vector.shape_cast %get3A_2207 : vector<1x16xf32> to vector<16xf32>
      %add3A_2209 = arith.addf %add3A_2161, %get3A_2208 : vector<16xf32>
      %get3A_2210 = arith.constant 45 : i32
      %get3A_2211 = arith.index_cast %get3A_2210 : i32 to index
      %get3A_2212 = arith.constant 80 : index
      %get3A_2213 = tpu.vector_load %arg6[%get3A_2211, %get3A_2212] {strides = array<i32>} : memref<50x128xf32, #tpu.memory_space<vmem>>, vector<1x16xf32>,
      %get3A_2214 = vector.shape_cast %get3A_2213 : vector<1x16xf32> to vector<16xf32>
      %add3A_2215 = arith.addf %add3A_2167, %get3A_2214 : vector<16xf32>
      %get3A_2216 = arith.constant 45 : i32
      %get3A_2217 = arith.index_cast %get3A_2216 : i32 to index
      %get3A_2218 = arith.constant 96 : index
      %get3A_2219 = tpu.vector_load %arg6[%get3A_2217, %get3A_2218] {strides = array<i32>} : memref<50x128xf32, #tpu.memory_space<vmem>>, vector<1x16xf32>,
      %get3A_2220 = vector.shape_cast %get3A_2219 : vector<1x16xf32> to vector<16xf32>
      %add3A_2221 = arith.addf %add3A_2173, %get3A_2220 : vector<16xf32>
      %get3A_2222 = arith.constant 45 : i32
      %get3A_2223 = arith.index_cast %get3A_2222 : i32 to index
      %get3A_2224 = arith.constant 112 : index
      %get3A_2225 = tpu.vector_load %arg6[%get3A_2223, %get3A_2224] {strides = array<i32>} : memref<50x128xf32, #tpu.memory_space<vmem>>, vector<1x16xf32>,
      %get3A_2226 = vector.shape_cast %get3A_2225 : vector<1x16xf32> to vector<16xf32>
      %add3A_2227 = arith.addf %add3A_2179, %get3A_2226 : vector<16xf32>
      %get3A_2228 = arith.constant 46 : i32
      %get3A_2229 = arith.index_cast %get3A_2228 : i32 to index
      %get3A_2230 = arith.constant 0 : index
      %get3A_2231 = tpu.vector_load %arg6[%get3A_2229, %get3A_2230] {strides = array<i32>} : memref<50x128xf32, #tpu.memory_space<vmem>>, vector<1x16xf32>,
      %get3A_2232 = vector.shape_cast %get3A_2231 : vector<1x16xf32> to vector<16xf32>
      %add3A_2233 = arith.addf %add3A_2185, %get3A_2232 : vector<16xf32>
      %get3A_2234 = arith.constant 46 : i32
      %get3A_2235 = arith.index_cast %get3A_2234 : i32 to index
      %get3A_2236 = arith.constant 16 : index
      %get3A_2237 = tpu.vector_load %arg6[%get3A_2235, %get3A_2236] {strides = array<i32>} : memref<50x128xf32, #tpu.memory_space<vmem>>, vector<1x16xf32>,
      %get3A_2238 = vector.shape_cast %get3A_2237 : vector<1x16xf32> to vector<16xf32>
      %add3A_2239 = arith.addf %add3A_2191, %get3A_2238 : vector<16xf32>
      %get3A_2240 = arith.constant 46 : i32
      %get3A_2241 = arith.index_cast %get3A_2240 : i32 to index
      %get3A_2242 = arith.constant 32 : index
      %get3A_2243 = tpu.vector_load %arg6[%get3A_2241, %get3A_2242] {strides = array<i32>} : memref<50x128xf32, #tpu.memory_space<vmem>>, vector<1x16xf32>,
      %get3A_2244 = vector.shape_cast %get3A_2243 : vector<1x16xf32> to vector<16xf32>
      %add3A_2245 = arith.addf %add3A_2197, %get3A_2244 : vector<16xf32>
      %get3A_2246 = arith.constant 46 : i32
      %get3A_2247 = arith.index_cast %get3A_2246 : i32 to index
      %get3A_2248 = arith.constant 48 : index
      %get3A_2249 = tpu.vector_load %arg6[%get3A_2247, %get3A_2248] {strides = array<i32>} : memref<50x128xf32, #tpu.memory_space<vmem>>, vector<1x16xf32>,
      %get3A_2250 = vector.shape_cast %get3A_2249 : vector<1x16xf32> to vector<16xf32>
      %add3A_2251 = arith.addf %add3A_2203, %get3A_2250 : vector<16xf32>
      %get3A_2252 = arith.constant 46 : i32
      %get3A_2253 = arith.index_cast %get3A_2252 : i32 to index
      %get3A_2254 = arith.constant 64 : index
      %get3A_2255 = tpu.vector_load %arg6[%get3A_2253, %get3A_2254] {strides = array<i32>} : memref<50x128xf32, #tpu.memory_space<vmem>>, vector<1x16xf32>,
      %get3A_2256 = vector.shape_cast %get3A_2255 : vector<1x16xf32> to vector<16xf32>
      %add3A_2257 = arith.addf %add3A_2209, %get3A_2256 : vector<16xf32>
      %get3A_2258 = arith.constant 46 : i32
      %get3A_2259 = arith.index_cast %get3A_2258 : i32 to index
      %get3A_2260 = arith.constant 80 : index
      %get3A_2261 = tpu.vector_load %arg6[%get3A_2259, %get3A_2260] {strides = array<i32>} : memref<50x128xf32, #tpu.memory_space<vmem>>, vector<1x16xf32>,
      %get3A_2262 = vector.shape_cast %get3A_2261 : vector<1x16xf32> to vector<16xf32>
      %add3A_2263 = arith.addf %add3A_2215, %get3A_2262 : vector<16xf32>
      %get3A_2264 = arith.constant 46 : i32
      %get3A_2265 = arith.index_cast %get3A_2264 : i32 to index
      %get3A_2266 = arith.constant 96 : index
      %get3A_2267 = tpu.vector_load %arg6[%get3A_2265, %get3A_2266] {strides = array<i32>} : memref<50x128xf32, #tpu.memory_space<vmem>>, vector<1x16xf32>,
      %get3A_2268 = vector.shape_cast %get3A_2267 : vector<1x16xf32> to vector<16xf32>
      %add3A_2269 = arith.addf %add3A_2221, %get3A_2268 : vector<16xf32>
      %get3A_2270 = arith.constant 46 : i32
      %get3A_2271 = arith.index_cast %get3A_2270 : i32 to index
      %get3A_2272 = arith.constant 112 : index
      %get3A_2273 = tpu.vector_load %arg6[%get3A_2271, %get3A_2272] {strides = array<i32>} : memref<50x128xf32, #tpu.memory_space<vmem>>, vector<1x16xf32>,
      %get3A_2274 = vector.shape_cast %get3A_2273 : vector<1x16xf32> to vector<16xf32>
      %add3A_2275 = arith.addf %add3A_2227, %get3A_2274 : vector<16xf32>
      %get3A_2276 = arith.constant 47 : i32
      %get3A_2277 = arith.index_cast %get3A_2276 : i32 to index
      %get3A_2278 = arith.constant 0 : index
      %get3A_2279 = tpu.vector_load %arg6[%get3A_2277, %get3A_2278] {strides = array<i32>} : memref<50x128xf32, #tpu.memory_space<vmem>>, vector<1x16xf32>,
      %get3A_2280 = vector.shape_cast %get3A_2279 : vector<1x16xf32> to vector<16xf32>
      %add3A_2281 = arith.addf %add3A_2233, %get3A_2280 : vector<16xf32>
      %get3A_2282 = arith.constant 47 : i32
      %get3A_2283 = arith.index_cast %get3A_2282 : i32 to index
      %get3A_2284 = arith.constant 16 : index
      %get3A_2285 = tpu.vector_load %arg6[%get3A_2283, %get3A_2284] {strides = array<i32>} : memref<50x128xf32, #tpu.memory_space<vmem>>, vector<1x16xf32>,
      %get3A_2286 = vector.shape_cast %get3A_2285 : vector<1x16xf32> to vector<16xf32>
      %add3A_2287 = arith.addf %add3A_2239, %get3A_2286 : vector<16xf32>
      %get3A_2288 = arith.constant 47 : i32
      %get3A_2289 = arith.index_cast %get3A_2288 : i32 to index
      %get3A_2290 = arith.constant 32 : index
      %get3A_2291 = tpu.vector_load %arg6[%get3A_2289, %get3A_2290] {strides = array<i32>} : memref<50x128xf32, #tpu.memory_space<vmem>>, vector<1x16xf32>,
      %get3A_2292 = vector.shape_cast %get3A_2291 : vector<1x16xf32> to vector<16xf32>
      %add3A_2293 = arith.addf %add3A_2245, %get3A_2292 : vector<16xf32>
      %get3A_2294 = arith.constant 47 : i32
      %get3A_2295 = arith.index_cast %get3A_2294 : i32 to index
      %get3A_2296 = arith.constant 48 : index
      %get3A_2297 = tpu.vector_load %arg6[%get3A_2295, %get3A_2296] {strides = array<i32>} : memref<50x128xf32, #tpu.memory_space<vmem>>, vector<1x16xf32>,
      %get3A_2298 = vector.shape_cast %get3A_2297 : vector<1x16xf32> to vector<16xf32>
      %add3A_2299 = arith.addf %add3A_2251, %get3A_2298 : vector<16xf32>
      %get3A_2300 = arith.constant 47 : i32
      %get3A_2301 = arith.index_cast %get3A_2300 : i32 to index
      %get3A_2302 = arith.constant 64 : index
      %get3A_2303 = tpu.vector_load %arg6[%get3A_2301, %get3A_2302] {strides = array<i32>} : memref<50x128xf32, #tpu.memory_space<vmem>>, vector<1x16xf32>,
      %get3A_2304 = vector.shape_cast %get3A_2303 : vector<1x16xf32> to vector<16xf32>
      %add3A_2305 = arith.addf %add3A_2257, %get3A_2304 : vector<16xf32>
      %get3A_2306 = arith.constant 47 : i32
      %get3A_2307 = arith.index_cast %get3A_2306 : i32 to index
      %get3A_2308 = arith.constant 80 : index
      %get3A_2309 = tpu.vector_load %arg6[%get3A_2307, %get3A_2308] {strides = array<i32>} : memref<50x128xf32, #tpu.memory_space<vmem>>, vector<1x16xf32>,
      %get3A_2310 = vector.shape_cast %get3A_2309 : vector<1x16xf32> to vector<16xf32>
      %add3A_2311 = arith.addf %add3A_2263, %get3A_2310 : vector<16xf32>
      %get3A_2312 = arith.constant 47 : i32
      %get3A_2313 = arith.index_cast %get3A_2312 : i32 to index
      %get3A_2314 = arith.constant 96 : index
      %get3A_2315 = tpu.vector_load %arg6[%get3A_2313, %get3A_2314] {strides = array<i32>} : memref<50x128xf32, #tpu.memory_space<vmem>>, vector<1x16xf32>,
      %get3A_2316 = vector.shape_cast %get3A_2315 : vector<1x16xf32> to vector<16xf32>
      %add3A_2317 = arith.addf %add3A_2269, %get3A_2316 : vector<16xf32>
      %get3A_2318 = arith.constant 47 : i32
      %get3A_2319 = arith.index_cast %get3A_2318 : i32 to index
      %get3A_2320 = arith.constant 112 : index
      %get3A_2321 = tpu.vector_load %arg6[%get3A_2319, %get3A_2320] {strides = array<i32>} : memref<50x128xf32, #tpu.memory_space<vmem>>, vector<1x16xf32>,
      %get3A_2322 = vector.shape_cast %get3A_2321 : vector<1x16xf32> to vector<16xf32>
      %add3A_2323 = arith.addf %add3A_2275, %get3A_2322 : vector<16xf32>
      %get3A_2324 = arith.constant 48 : i32
      %get3A_2325 = arith.index_cast %get3A_2324 : i32 to index
      %get3A_2326 = arith.constant 0 : index
      %get3A_2327 = tpu.vector_load %arg6[%get3A_2325, %get3A_2326] {strides = array<i32>} : memref<50x128xf32, #tpu.memory_space<vmem>>, vector<1x16xf32>,
      %get3A_2328 = vector.shape_cast %get3A_2327 : vector<1x16xf32> to vector<16xf32>
      %add3A_2329 = arith.addf %add3A_2281, %get3A_2328 : vector<16xf32>
      %get3A_2330 = arith.constant 48 : i32
      %get3A_2331 = arith.index_cast %get3A_2330 : i32 to index
      %get3A_2332 = arith.constant 16 : index
      %get3A_2333 = tpu.vector_load %arg6[%get3A_2331, %get3A_2332] {strides = array<i32>} : memref<50x128xf32, #tpu.memory_space<vmem>>, vector<1x16xf32>,
      %get3A_2334 = vector.shape_cast %get3A_2333 : vector<1x16xf32> to vector<16xf32>
      %add3A_2335 = arith.addf %add3A_2287, %get3A_2334 : vector<16xf32>
      %get3A_2336 = arith.constant 48 : i32
      %get3A_2337 = arith.index_cast %get3A_2336 : i32 to index
      %get3A_2338 = arith.constant 32 : index
      %get3A_2339 = tpu.vector_load %arg6[%get3A_2337, %get3A_2338] {strides = array<i32>} : memref<50x128xf32, #tpu.memory_space<vmem>>, vector<1x16xf32>,
      %get3A_2340 = vector.shape_cast %get3A_2339 : vector<1x16xf32> to vector<16xf32>
      %add3A_2341 = arith.addf %add3A_2293, %get3A_2340 : vector<16xf32>
      %get3A_2342 = arith.constant 48 : i32
      %get3A_2343 = arith.index_cast %get3A_2342 : i32 to index
      %get3A_2344 = arith.constant 48 : index
      %get3A_2345 = tpu.vector_load %arg6[%get3A_2343, %get3A_2344] {strides = array<i32>} : memref<50x128xf32, #tpu.memory_space<vmem>>, vector<1x16xf32>,
      %get3A_2346 = vector.shape_cast %get3A_2345 : vector<1x16xf32> to vector<16xf32>
      %add3A_2347 = arith.addf %add3A_2299, %get3A_2346 : vector<16xf32>
      %get3A_2348 = arith.constant 48 : i32
      %get3A_2349 = arith.index_cast %get3A_2348 : i32 to index
      %get3A_2350 = arith.constant 64 : index
      %get3A_2351 = tpu.vector_load %arg6[%get3A_2349, %get3A_2350] {strides = array<i32>} : memref<50x128xf32, #tpu.memory_space<vmem>>, vector<1x16xf32>,
      %get3A_2352 = vector.shape_cast %get3A_2351 : vector<1x16xf32> to vector<16xf32>
      %add3A_2353 = arith.addf %add3A_2305, %get3A_2352 : vector<16xf32>
      %get3A_2354 = arith.constant 48 : i32
      %get3A_2355 = arith.index_cast %get3A_2354 : i32 to index
      %get3A_2356 = arith.constant 80 : index
      %get3A_2357 = tpu.vector_load %arg6[%get3A_2355, %get3A_2356] {strides = array<i32>} : memref<50x128xf32, #tpu.memory_space<vmem>>, vector<1x16xf32>,
      %get3A_2358 = vector.shape_cast %get3A_2357 : vector<1x16xf32> to vector<16xf32>
      %add3A_2359 = arith.addf %add3A_2311, %get3A_2358 : vector<16xf32>
      %get3A_2360 = arith.constant 48 : i32
      %get3A_2361 = arith.index_cast %get3A_2360 : i32 to index
      %get3A_2362 = arith.constant 96 : index
      %get3A_2363 = tpu.vector_load %arg6[%get3A_2361, %get3A_2362] {strides = array<i32>} : memref<50x128xf32, #tpu.memory_space<vmem>>, vector<1x16xf32>,
      %get3A_2364 = vector.shape_cast %get3A_2363 : vector<1x16xf32> to vector<16xf32>
      %add3A_2365 = arith.addf %add3A_2317, %get3A_2364 : vector<16xf32>
      %get3A_2366 = arith.constant 48 : i32
      %get3A_2367 = arith.index_cast %get3A_2366 : i32 to index
      %get3A_2368 = arith.constant 112 : index
      %get3A_2369 = tpu.vector_load %arg6[%get3A_2367, %get3A_2368] {strides = array<i32>} : memref<50x128xf32, #tpu.memory_space<vmem>>, vector<1x16xf32>,
      %get3A_2370 = vector.shape_cast %get3A_2369 : vector<1x16xf32> to vector<16xf32>
      %add3A_2371 = arith.addf %add3A_2323, %get3A_2370 : vector<16xf32>
      %get3A_2372 = arith.constant 49 : i32
      %get3A_2373 = arith.index_cast %get3A_2372 : i32 to index
      %get3A_2374 = arith.constant 0 : index
      %get3A_2375 = tpu.vector_load %arg6[%get3A_2373, %get3A_2374] {strides = array<i32>} : memref<50x128xf32, #tpu.memory_space<vmem>>, vector<1x16xf32>,
      %get3A_2376 = vector.shape_cast %get3A_2375 : vector<1x16xf32> to vector<16xf32>
      %add3A_2377 = arith.addf %add3A_2329, %get3A_2376 : vector<16xf32>
      %get3A_2378 = arith.constant 49 : i32
      %get3A_2379 = arith.index_cast %get3A_2378 : i32 to index
      %get3A_2380 = arith.constant 16 : index
      %get3A_2381 = tpu.vector_load %arg6[%get3A_2379, %get3A_2380] {strides = array<i32>} : memref<50x128xf32, #tpu.memory_space<vmem>>, vector<1x16xf32>,
      %get3A_2382 = vector.shape_cast %get3A_2381 : vector<1x16xf32> to vector<16xf32>
      %add3A_2383 = arith.addf %add3A_2335, %get3A_2382 : vector<16xf32>
      %get3A_2384 = arith.constant 49 : i32
      %get3A_2385 = arith.index_cast %get3A_2384 : i32 to index
      %get3A_2386 = arith.constant 32 : index
      %get3A_2387 = tpu.vector_load %arg6[%get3A_2385, %get3A_2386] {strides = array<i32>} : memref<50x128xf32, #tpu.memory_space<vmem>>, vector<1x16xf32>,
      %get3A_2388 = vector.shape_cast %get3A_2387 : vector<1x16xf32> to vector<16xf32>
      %add3A_2389 = arith.addf %add3A_2341, %get3A_2388 : vector<16xf32>
      %get3A_2390 = arith.constant 49 : i32
      %get3A_2391 = arith.index_cast %get3A_2390 : i32 to index
      %get3A_2392 = arith.constant 48 : index
      %get3A_2393 = tpu.vector_load %arg6[%get3A_2391, %get3A_2392] {strides = array<i32>} : memref<50x128xf32, #tpu.memory_space<vmem>>, vector<1x16xf32>,
      %get3A_2394 = vector.shape_cast %get3A_2393 : vector<1x16xf32> to vector<16xf32>
      %add3A_2395 = arith.addf %add3A_2347, %get3A_2394 : vector<16xf32>
      %get3A_2396 = arith.constant 49 : i32
      %get3A_2397 = arith.index_cast %get3A_2396 : i32 to index
      %get3A_2398 = arith.constant 64 : index
      %get3A_2399 = tpu.vector_load %arg6[%get3A_2397, %get3A_2398] {strides = array<i32>} : memref<50x128xf32, #tpu.memory_space<vmem>>, vector<1x16xf32>,
      %get3A_2400 = vector.shape_cast %get3A_2399 : vector<1x16xf32> to vector<16xf32>
      %add3A_2401 = arith.addf %add3A_2353, %get3A_2400 : vector<16xf32>
      %get3A_2402 = arith.constant 49 : i32
      %get3A_2403 = arith.index_cast %get3A_2402 : i32 to index
      %get3A_2404 = arith.constant 80 : index
      %get3A_2405 = tpu.vector_load %arg6[%get3A_2403, %get3A_2404] {strides = array<i32>} : memref<50x128xf32, #tpu.memory_space<vmem>>, vector<1x16xf32>,
      %get3A_2406 = vector.shape_cast %get3A_2405 : vector<1x16xf32> to vector<16xf32>
      %add3A_2407 = arith.addf %add3A_2359, %get3A_2406 : vector<16xf32>
      %get3A_2408 = arith.constant 49 : i32
      %get3A_2409 = arith.index_cast %get3A_2408 : i32 to index
      %get3A_2410 = arith.constant 96 : index
      %get3A_2411 = tpu.vector_load %arg6[%get3A_2409, %get3A_2410] {strides = array<i32>} : memref<50x128xf32, #tpu.memory_space<vmem>>, vector<1x16xf32>,
      %get3A_2412 = vector.shape_cast %get3A_2411 : vector<1x16xf32> to vector<16xf32>
      %add3A_2413 = arith.addf %add3A_2365, %get3A_2412 : vector<16xf32>
      %get3A_2414 = arith.constant 49 : i32
      %get3A_2415 = arith.index_cast %get3A_2414 : i32 to index
      %get3A_2416 = arith.constant 112 : index
      %get3A_2417 = tpu.vector_load %arg6[%get3A_2415, %get3A_2416] {strides = array<i32>} : memref<50x128xf32, #tpu.memory_space<vmem>>, vector<1x16xf32>,
      %get3A_2418 = vector.shape_cast %get3A_2417 : vector<1x16xf32> to vector<16xf32>
      %add3A_2419 = arith.addf %add3A_2371, %get3A_2418 : vector<16xf32>
      %mul3A_2420 = arith.constant 2.000000e-02 : f32
      %mul3A_2421 = vector.broadcast %mul3A_2420 : f32 to vector<16xf32>
      %mul3A_2422 = arith.mulf %add3A_2377, %mul3A_2421 : vector<16xf32>
      %swap3A = arith.index_cast %mul3A_15 : i32 to index
      %swap3A_2423 = arith.constant 0 : index
      %swap3A_2424 = tpu.vector_load %arg8[%swap3A, %swap3A_2423] {strides = array<i32>} : memref<80x128xf32, #tpu.memory_space<vmem>>, vector<1x16xf32>,
      %swap3A_2425 = vector.shape_cast %swap3A_2424 : vector<1x16xf32> to vector<16xf32>
      %swap3A_2426 = vector.shape_cast %mul3A_2422 : vector<16xf32> to vector<1x16xf32>
      tpu.vector_store %arg8[%swap3A, %swap3A_2423], %swap3A_2426 {strides = array<i32>} : memref<80x128xf32, #tpu.memory_space<vmem>>, vector<1x16xf32>,
      %mul3A_2427 = arith.constant 2.000000e-02 : f32
      %mul3A_2428 = vector.broadcast %mul3A_2427 : f32 to vector<16xf32>
      %mul3A_2429 = arith.mulf %add3A_2383, %mul3A_2428 : vector<16xf32>
      %swap3A_2430 = arith.index_cast %mul3A_15 : i32 to index
      %swap3A_2431 = arith.constant 16 : index
      %swap3A_2432 = tpu.vector_load %arg8[%swap3A_2430, %swap3A_2431] {strides = array<i32>} : memref<80x128xf32, #tpu.memory_space<vmem>>, vector<1x16xf32>,
      %swap3A_2433 = vector.shape_cast %swap3A_2432 : vector<1x16xf32> to vector<16xf32>
      %swap3A_2434 = vector.shape_cast %mul3A_2429 : vector<16xf32> to vector<1x16xf32>
      tpu.vector_store %arg8[%swap3A_2430, %swap3A_2431], %swap3A_2434 {strides = array<i32>} : memref<80x128xf32, #tpu.memory_space<vmem>>, vector<1x16xf32>,
      %mul3A_2435 = arith.constant 2.000000e-02 : f32
      %mul3A_2436 = vector.broadcast %mul3A_2435 : f32 to vector<16xf32>
      %mul3A_2437 = arith.mulf %add3A_2389, %mul3A_2436 : vector<16xf32>
      %swap3A_2438 = arith.index_cast %mul3A_15 : i32 to index
      %swap3A_2439 = arith.constant 32 : index
      %swap3A_2440 = tpu.vector_load %arg8[%swap3A_2438, %swap3A_2439] {strides = array<i32>} : memref<80x128xf32, #tpu.memory_space<vmem>>, vector<1x16xf32>,
      %swap3A_2441 = vector.shape_cast %swap3A_2440 : vector<1x16xf32> to vector<16xf32>
      %swap3A_2442 = vector.shape_cast %mul3A_2437 : vector<16xf32> to vector<1x16xf32>
      tpu.vector_store %arg8[%swap3A_2438, %swap3A_2439], %swap3A_2442 {strides = array<i32>} : memref<80x128xf32, #tpu.memory_space<vmem>>, vector<1x16xf32>,
      %mul3A_2443 = arith.constant 2.000000e-02 : f32
      %mul3A_2444 = vector.broadcast %mul3A_2443 : f32 to vector<16xf32>
      %mul3A_2445 = arith.mulf %add3A_2395, %mul3A_2444 : vector<16xf32>
      %swap3A_2446 = arith.index_cast %mul3A_15 : i32 to index
      %swap3A_2447 = arith.constant 48 : index
      %swap3A_2448 = tpu.vector_load %arg8[%swap3A_2446, %swap3A_2447] {strides = array<i32>} : memref<80x128xf32, #tpu.memory_space<vmem>>, vector<1x16xf32>,
      %swap3A_2449 = vector.shape_cast %swap3A_2448 : vector<1x16xf32> to vector<16xf32>
      %swap3A_2450 = vector.shape_cast %mul3A_2445 : vector<16xf32> to vector<1x16xf32>
      tpu.vector_store %arg8[%swap3A_2446, %swap3A_2447], %swap3A_2450 {strides = array<i32>} : memref<80x128xf32, #tpu.memory_space<vmem>>, vector<1x16xf32>,
      %mul3A_2451 = arith.constant 2.000000e-02 : f32
      %mul3A_2452 = vector.broadcast %mul3A_2451 : f32 to vector<16xf32>
      %mul3A_2453 = arith.mulf %add3A_2401, %mul3A_2452 : vector<16xf32>
      %swap3A_2454 = arith.index_cast %mul3A_15 : i32 to index
      %swap3A_2455 = arith.constant 64 : index
      %swap3A_2456 = tpu.vector_load %arg8[%swap3A_2454, %swap3A_2455] {strides = array<i32>} : memref<80x128xf32, #tpu.memory_space<vmem>>, vector<1x16xf32>,
      %swap3A_2457 = vector.shape_cast %swap3A_2456 : vector<1x16xf32> to vector<16xf32>
      %swap3A_2458 = vector.shape_cast %mul3A_2453 : vector<16xf32> to vector<1x16xf32>
      tpu.vector_store %arg8[%swap3A_2454, %swap3A_2455], %swap3A_2458 {strides = array<i32>} : memref<80x128xf32, #tpu.memory_space<vmem>>, vector<1x16xf32>,
      %mul3A_2459 = arith.constant 2.000000e-02 : f32
      %mul3A_2460 = vector.broadcast %mul3A_2459 : f32 to vector<16xf32>
      %mul3A_2461 = arith.mulf %add3A_2407, %mul3A_2460 : vector<16xf32>
      %swap3A_2462 = arith.index_cast %mul3A_15 : i32 to index
      %swap3A_2463 = arith.constant 80 : index
      %swap3A_2464 = tpu.vector_load %arg8[%swap3A_2462, %swap3A_2463] {strides = array<i32>} : memref<80x128xf32, #tpu.memory_space<vmem>>, vector<1x16xf32>,
      %swap3A_2465 = vector.shape_cast %swap3A_2464 : vector<1x16xf32> to vector<16xf32>
      %swap3A_2466 = vector.shape_cast %mul3A_2461 : vector<16xf32> to vector<1x16xf32>
      tpu.vector_store %arg8[%swap3A_2462, %swap3A_2463], %swap3A_2466 {strides = array<i32>} : memref<80x128xf32, #tpu.memory_space<vmem>>, vector<1x16xf32>,
      %mul3A_2467 = arith.constant 2.000000e-02 : f32
      %mul3A_2468 = vector.broadcast %mul3A_2467 : f32 to vector<16xf32>
      %mul3A_2469 = arith.mulf %add3A_2413, %mul3A_2468 : vector<16xf32>
      %swap3A_2470 = arith.index_cast %mul3A_15 : i32 to index
      %swap3A_2471 = arith.constant 96 : index
      %swap3A_2472 = tpu.vector_load %arg8[%swap3A_2470, %swap3A_2471] {strides = array<i32>} : memref<80x128xf32, #tpu.memory_space<vmem>>, vector<1x16xf32>,
      %swap3A_2473 = vector.shape_cast %swap3A_2472 : vector<1x16xf32> to vector<16xf32>
      %swap3A_2474 = vector.shape_cast %mul3A_2469 : vector<16xf32> to vector<1x16xf32>
      tpu.vector_store %arg8[%swap3A_2470, %swap3A_2471], %swap3A_2474 {strides = array<i32>} : memref<80x128xf32, #tpu.memory_space<vmem>>, vector<1x16xf32>,
      %mul3A_2475 = arith.constant 2.000000e-02 : f32
      %mul3A_2476 = vector.broadcast %mul3A_2475 : f32 to vector<16xf32>
      %mul3A_2477 = arith.mulf %add3A_2419, %mul3A_2476 : vector<16xf32>
      %swap3A_2478 = arith.index_cast %mul3A_15 : i32 to index
      %swap3A_2479 = arith.constant 112 : index
      %swap3A_2480 = tpu.vector_load %arg8[%swap3A_2478, %swap3A_2479] {strides = array<i32>} : memref<80x128xf32, #tpu.memory_space<vmem>>, vector<1x16xf32>,
      %swap3A_2481 = vector.shape_cast %swap3A_2480 : vector<1x16xf32> to vector<16xf32>
      %swap3A_2482 = vector.shape_cast %mul3A_2477 : vector<16xf32> to vector<1x16xf32>
      tpu.vector_store %arg8[%swap3A_2478, %swap3A_2479], %swap3A_2482 {strides = array<i32>} : memref<80x128xf32, #tpu.memory_space<vmem>>, vector<1x16xf32>,
      %add3A_2483 = arith.constant 1 : i32
      %add3A_2484 = arith.addi %mul3A_15, %add3A_2483 : i32
      %dma_wait3A_2485 = arith.constant 0 : i32
      %dma_wait3A_2486 = tpu.memref_slice %arg5[%add3A_2484, %dma_wait3A_2485] : memref<80x56xi32, #tpu.memory_space<vmem>> -> memref<1x50xi32, #tpu.memory_space<vmem>>
      %dma_wait3A_2487 = tpu.memref_squeeze %dma_wait3A_2486 : memref<1x50xi32, #tpu.memory_space<vmem>> -> memref<50xi32, #tpu.memory_space<vmem>>
      %dma_wait3A_2488 = arith.constant 0 : i32
      %dma_wait3A_2489 = arith.constant 0 : i32
      %dma_wait3A_2490 = tpu.memref_slice %arg3[%dma_wait3A_2488, %dma_wait3A_2489] : memref<100000x128xf32, #tpu.memory_space<hbm>> -> memref<100000x128xf32, #tpu.memory_space<hbm>>
      tpu.wait_indirect_dma semaphore(%arg10 : memref<!tpu.dma_semaphore, #tpu.memory_space<semaphore_mem>>) src(%dma_wait3A_2490 : memref<100000x128xf32, #tpu.memory_space<hbm>>) dst(%arg7 : memref<50x128xf32, #tpu.memory_space<vmem>>)
      %add3A_2491 = arith.constant 2 : i32
      %add3A_2492 = arith.addi %mul3A_15, %add3A_2491 : i32
      %lt3A = arith.constant 80 : i32
      %lt3A_2493 = arith.cmpi slt, %add3A_2492, %lt3A : i32
      %convert_element_type3A = arith.extui %lt3A_2493 : i1 to i32
      %cond3A = arith.constant 0 : i32
      %cond3A_2494 = arith.cmpi ne, %convert_element_type3A, %cond3A : i32
      scf.if %cond3A_2494 {
        %add3A_4953 = arith.constant 2 : i32
        %add3A_4954 = arith.addi %mul3A_15, %add3A_4953 : i32
        %dma_start3A_4955 = arith.constant 0 : i32
        %dma_start3A_4956 = tpu.memref_slice %arg5[%add3A_4954, %dma_start3A_4955] : memref<80x56xi32, #tpu.memory_space<vmem>> -> memref<1x50xi32, #tpu.memory_space<vmem>>
        %dma_start3A_4957 = tpu.memref_squeeze %dma_start3A_4956 : memref<1x50xi32, #tpu.memory_space<vmem>> -> memref<50xi32, #tpu.memory_space<vmem>>
        %dma_start3A_4958 = arith.constant 0 : i32
        %dma_start3A_4959 = arith.constant 0 : i32
        %dma_start3A_4960 = tpu.memref_slice %arg3[%dma_start3A_4958, %dma_start3A_4959] : memref<100000x128xf32, #tpu.memory_space<hbm>> -> memref<100000x128xf32, #tpu.memory_space<hbm>>
        tpu.enqueue_indirect_dma source(%dma_start3A_4960 : memref<100000x128xf32, #tpu.memory_space<hbm>>) target(%arg6 : memref<50x128xf32, #tpu.memory_space<vmem>>) offsets(%dma_start3A_4957 : memref<50xi32, #tpu.memory_space<vmem>>) semaphore(%arg9 : memref<!tpu.dma_semaphore, #tpu.memory_space<semaphore_mem>>)
      } else {
      }
      %add3A_2495 = arith.constant 1 : i32
      %add3A_2496 = arith.addi %mul3A_15, %add3A_2495 : i32
      %get3A_2497 = arith.constant 0 : i32
      %get3A_2498 = arith.index_cast %get3A_2497 : i32 to index
      %get3A_2499 = arith.constant 0 : index
      %get3A_2500 = tpu.vector_load %arg7[%get3A_2498, %get3A_2499] {strides = array<i32>} : memref<50x128xf32, #tpu.memory_space<vmem>>, vector<1x16xf32>,
      %get3A_2501 = vector.shape_cast %get3A_2500 : vector<1x16xf32> to vector<16xf32>
      %get3A_2502 = arith.constant 0 : i32
      %get3A_2503 = arith.index_cast %get3A_2502 : i32 to index
      %get3A_2504 = arith.constant 16 : index
      %get3A_2505 = tpu.vector_load %arg7[%get3A_2503, %get3A_2504] {strides = array<i32>} : memref<50x128xf32, #tpu.memory_space<vmem>>, vector<1x16xf32>,
      %get3A_2506 = vector.shape_cast %get3A_2505 : vector<1x16xf32> to vector<16xf32>
      %get3A_2507 = arith.constant 0 : i32
      %get3A_2508 = arith.index_cast %get3A_2507 : i32 to index
      %get3A_2509 = arith.constant 32 : index
      %get3A_2510 = tpu.vector_load %arg7[%get3A_2508, %get3A_2509] {strides = array<i32>} : memref<50x128xf32, #tpu.memory_space<vmem>>, vector<1x16xf32>,
      %get3A_2511 = vector.shape_cast %get3A_2510 : vector<1x16xf32> to vector<16xf32>
      %get3A_2512 = arith.constant 0 : i32
      %get3A_2513 = arith.index_cast %get3A_2512 : i32 to index
      %get3A_2514 = arith.constant 48 : index
      %get3A_2515 = tpu.vector_load %arg7[%get3A_2513, %get3A_2514] {strides = array<i32>} : memref<50x128xf32, #tpu.memory_space<vmem>>, vector<1x16xf32>,
      %get3A_2516 = vector.shape_cast %get3A_2515 : vector<1x16xf32> to vector<16xf32>
      %get3A_2517 = arith.constant 0 : i32
      %get3A_2518 = arith.index_cast %get3A_2517 : i32 to index
      %get3A_2519 = arith.constant 64 : index
      %get3A_2520 = tpu.vector_load %arg7[%get3A_2518, %get3A_2519] {strides = array<i32>} : memref<50x128xf32, #tpu.memory_space<vmem>>, vector<1x16xf32>,
      %get3A_2521 = vector.shape_cast %get3A_2520 : vector<1x16xf32> to vector<16xf32>
      %get3A_2522 = arith.constant 0 : i32
      %get3A_2523 = arith.index_cast %get3A_2522 : i32 to index
      %get3A_2524 = arith.constant 80 : index
      %get3A_2525 = tpu.vector_load %arg7[%get3A_2523, %get3A_2524] {strides = array<i32>} : memref<50x128xf32, #tpu.memory_space<vmem>>, vector<1x16xf32>,
      %get3A_2526 = vector.shape_cast %get3A_2525 : vector<1x16xf32> to vector<16xf32>
      %get3A_2527 = arith.constant 0 : i32
      %get3A_2528 = arith.index_cast %get3A_2527 : i32 to index
      %get3A_2529 = arith.constant 96 : index
      %get3A_2530 = tpu.vector_load %arg7[%get3A_2528, %get3A_2529] {strides = array<i32>} : memref<50x128xf32, #tpu.memory_space<vmem>>, vector<1x16xf32>,
      %get3A_2531 = vector.shape_cast %get3A_2530 : vector<1x16xf32> to vector<16xf32>
      %get3A_2532 = arith.constant 0 : i32
      %get3A_2533 = arith.index_cast %get3A_2532 : i32 to index
      %get3A_2534 = arith.constant 112 : index
      %get3A_2535 = tpu.vector_load %arg7[%get3A_2533, %get3A_2534] {strides = array<i32>} : memref<50x128xf32, #tpu.memory_space<vmem>>, vector<1x16xf32>,
      %get3A_2536 = vector.shape_cast %get3A_2535 : vector<1x16xf32> to vector<16xf32>
      %get3A_2537 = arith.constant 1 : i32
      %get3A_2538 = arith.index_cast %get3A_2537 : i32 to index
      %get3A_2539 = arith.constant 0 : index
      %get3A_2540 = tpu.vector_load %arg7[%get3A_2538, %get3A_2539] {strides = array<i32>} : memref<50x128xf32, #tpu.memory_space<vmem>>, vector<1x16xf32>,
      %get3A_2541 = vector.shape_cast %get3A_2540 : vector<1x16xf32> to vector<16xf32>
      %add3A_2542 = arith.addf %get3A_2501, %get3A_2541 : vector<16xf32>
      %get3A_2543 = arith.constant 1 : i32
      %get3A_2544 = arith.index_cast %get3A_2543 : i32 to index
      %get3A_2545 = arith.constant 16 : index
      %get3A_2546 = tpu.vector_load %arg7[%get3A_2544, %get3A_2545] {strides = array<i32>} : memref<50x128xf32, #tpu.memory_space<vmem>>, vector<1x16xf32>,
      %get3A_2547 = vector.shape_cast %get3A_2546 : vector<1x16xf32> to vector<16xf32>
      %add3A_2548 = arith.addf %get3A_2506, %get3A_2547 : vector<16xf32>
      %get3A_2549 = arith.constant 1 : i32
      %get3A_2550 = arith.index_cast %get3A_2549 : i32 to index
      %get3A_2551 = arith.constant 32 : index
      %get3A_2552 = tpu.vector_load %arg7[%get3A_2550, %get3A_2551] {strides = array<i32>} : memref<50x128xf32, #tpu.memory_space<vmem>>, vector<1x16xf32>,
      %get3A_2553 = vector.shape_cast %get3A_2552 : vector<1x16xf32> to vector<16xf32>
      %add3A_2554 = arith.addf %get3A_2511, %get3A_2553 : vector<16xf32>
      %get3A_2555 = arith.constant 1 : i32
      %get3A_2556 = arith.index_cast %get3A_2555 : i32 to index
      %get3A_2557 = arith.constant 48 : index
      %get3A_2558 = tpu.vector_load %arg7[%get3A_2556, %get3A_2557] {strides = array<i32>} : memref<50x128xf32, #tpu.memory_space<vmem>>, vector<1x16xf32>,
      %get3A_2559 = vector.shape_cast %get3A_2558 : vector<1x16xf32> to vector<16xf32>
      %add3A_2560 = arith.addf %get3A_2516, %get3A_2559 : vector<16xf32>
      %get3A_2561 = arith.constant 1 : i32
      %get3A_2562 = arith.index_cast %get3A_2561 : i32 to index
      %get3A_2563 = arith.constant 64 : index
      %get3A_2564 = tpu.vector_load %arg7[%get3A_2562, %get3A_2563] {strides = array<i32>} : memref<50x128xf32, #tpu.memory_space<vmem>>, vector<1x16xf32>,
      %get3A_2565 = vector.shape_cast %get3A_2564 : vector<1x16xf32> to vector<16xf32>
      %add3A_2566 = arith.addf %get3A_2521, %get3A_2565 : vector<16xf32>
      %get3A_2567 = arith.constant 1 : i32
      %get3A_2568 = arith.index_cast %get3A_2567 : i32 to index
      %get3A_2569 = arith.constant 80 : index
      %get3A_2570 = tpu.vector_load %arg7[%get3A_2568, %get3A_2569] {strides = array<i32>} : memref<50x128xf32, #tpu.memory_space<vmem>>, vector<1x16xf32>,
      %get3A_2571 = vector.shape_cast %get3A_2570 : vector<1x16xf32> to vector<16xf32>
      %add3A_2572 = arith.addf %get3A_2526, %get3A_2571 : vector<16xf32>
      %get3A_2573 = arith.constant 1 : i32
      %get3A_2574 = arith.index_cast %get3A_2573 : i32 to index
      %get3A_2575 = arith.constant 96 : index
      %get3A_2576 = tpu.vector_load %arg7[%get3A_2574, %get3A_2575] {strides = array<i32>} : memref<50x128xf32, #tpu.memory_space<vmem>>, vector<1x16xf32>,
      %get3A_2577 = vector.shape_cast %get3A_2576 : vector<1x16xf32> to vector<16xf32>
      %add3A_2578 = arith.addf %get3A_2531, %get3A_2577 : vector<16xf32>
      %get3A_2579 = arith.constant 1 : i32
      %get3A_2580 = arith.index_cast %get3A_2579 : i32 to index
      %get3A_2581 = arith.constant 112 : index
      %get3A_2582 = tpu.vector_load %arg7[%get3A_2580, %get3A_2581] {strides = array<i32>} : memref<50x128xf32, #tpu.memory_space<vmem>>, vector<1x16xf32>,
      %get3A_2583 = vector.shape_cast %get3A_2582 : vector<1x16xf32> to vector<16xf32>
      %add3A_2584 = arith.addf %get3A_2536, %get3A_2583 : vector<16xf32>
      %get3A_2585 = arith.constant 2 : i32
      %get3A_2586 = arith.index_cast %get3A_2585 : i32 to index
      %get3A_2587 = arith.constant 0 : index
      %get3A_2588 = tpu.vector_load %arg7[%get3A_2586, %get3A_2587] {strides = array<i32>} : memref<50x128xf32, #tpu.memory_space<vmem>>, vector<1x16xf32>,
      %get3A_2589 = vector.shape_cast %get3A_2588 : vector<1x16xf32> to vector<16xf32>
      %add3A_2590 = arith.addf %add3A_2542, %get3A_2589 : vector<16xf32>
      %get3A_2591 = arith.constant 2 : i32
      %get3A_2592 = arith.index_cast %get3A_2591 : i32 to index
      %get3A_2593 = arith.constant 16 : index
      %get3A_2594 = tpu.vector_load %arg7[%get3A_2592, %get3A_2593] {strides = array<i32>} : memref<50x128xf32, #tpu.memory_space<vmem>>, vector<1x16xf32>,
      %get3A_2595 = vector.shape_cast %get3A_2594 : vector<1x16xf32> to vector<16xf32>
      %add3A_2596 = arith.addf %add3A_2548, %get3A_2595 : vector<16xf32>
      %get3A_2597 = arith.constant 2 : i32
      %get3A_2598 = arith.index_cast %get3A_2597 : i32 to index
      %get3A_2599 = arith.constant 32 : index
      %get3A_2600 = tpu.vector_load %arg7[%get3A_2598, %get3A_2599] {strides = array<i32>} : memref<50x128xf32, #tpu.memory_space<vmem>>, vector<1x16xf32>,
      %get3A_2601 = vector.shape_cast %get3A_2600 : vector<1x16xf32> to vector<16xf32>
      %add3A_2602 = arith.addf %add3A_2554, %get3A_2601 : vector<16xf32>
      %get3A_2603 = arith.constant 2 : i32
      %get3A_2604 = arith.index_cast %get3A_2603 : i32 to index
      %get3A_2605 = arith.constant 48 : index
      %get3A_2606 = tpu.vector_load %arg7[%get3A_2604, %get3A_2605] {strides = array<i32>} : memref<50x128xf32, #tpu.memory_space<vmem>>, vector<1x16xf32>,
      %get3A_2607 = vector.shape_cast %get3A_2606 : vector<1x16xf32> to vector<16xf32>
      %add3A_2608 = arith.addf %add3A_2560, %get3A_2607 : vector<16xf32>
      %get3A_2609 = arith.constant 2 : i32
      %get3A_2610 = arith.index_cast %get3A_2609 : i32 to index
      %get3A_2611 = arith.constant 64 : index
      %get3A_2612 = tpu.vector_load %arg7[%get3A_2610, %get3A_2611] {strides = array<i32>} : memref<50x128xf32, #tpu.memory_space<vmem>>, vector<1x16xf32>,
      %get3A_2613 = vector.shape_cast %get3A_2612 : vector<1x16xf32> to vector<16xf32>
      %add3A_2614 = arith.addf %add3A_2566, %get3A_2613 : vector<16xf32>
      %get3A_2615 = arith.constant 2 : i32
      %get3A_2616 = arith.index_cast %get3A_2615 : i32 to index
      %get3A_2617 = arith.constant 80 : index
      %get3A_2618 = tpu.vector_load %arg7[%get3A_2616, %get3A_2617] {strides = array<i32>} : memref<50x128xf32, #tpu.memory_space<vmem>>, vector<1x16xf32>,
      %get3A_2619 = vector.shape_cast %get3A_2618 : vector<1x16xf32> to vector<16xf32>
      %add3A_2620 = arith.addf %add3A_2572, %get3A_2619 : vector<16xf32>
      %get3A_2621 = arith.constant 2 : i32
      %get3A_2622 = arith.index_cast %get3A_2621 : i32 to index
      %get3A_2623 = arith.constant 96 : index
      %get3A_2624 = tpu.vector_load %arg7[%get3A_2622, %get3A_2623] {strides = array<i32>} : memref<50x128xf32, #tpu.memory_space<vmem>>, vector<1x16xf32>,
      %get3A_2625 = vector.shape_cast %get3A_2624 : vector<1x16xf32> to vector<16xf32>
      %add3A_2626 = arith.addf %add3A_2578, %get3A_2625 : vector<16xf32>
      %get3A_2627 = arith.constant 2 : i32
      %get3A_2628 = arith.index_cast %get3A_2627 : i32 to index
      %get3A_2629 = arith.constant 112 : index
      %get3A_2630 = tpu.vector_load %arg7[%get3A_2628, %get3A_2629] {strides = array<i32>} : memref<50x128xf32, #tpu.memory_space<vmem>>, vector<1x16xf32>,
      %get3A_2631 = vector.shape_cast %get3A_2630 : vector<1x16xf32> to vector<16xf32>
      %add3A_2632 = arith.addf %add3A_2584, %get3A_2631 : vector<16xf32>
      %get3A_2633 = arith.constant 3 : i32
      %get3A_2634 = arith.index_cast %get3A_2633 : i32 to index
      %get3A_2635 = arith.constant 0 : index
      %get3A_2636 = tpu.vector_load %arg7[%get3A_2634, %get3A_2635] {strides = array<i32>} : memref<50x128xf32, #tpu.memory_space<vmem>>, vector<1x16xf32>,
      %get3A_2637 = vector.shape_cast %get3A_2636 : vector<1x16xf32> to vector<16xf32>
      %add3A_2638 = arith.addf %add3A_2590, %get3A_2637 : vector<16xf32>
      %get3A_2639 = arith.constant 3 : i32
      %get3A_2640 = arith.index_cast %get3A_2639 : i32 to index
      %get3A_2641 = arith.constant 16 : index
      %get3A_2642 = tpu.vector_load %arg7[%get3A_2640, %get3A_2641] {strides = array<i32>} : memref<50x128xf32, #tpu.memory_space<vmem>>, vector<1x16xf32>,
      %get3A_2643 = vector.shape_cast %get3A_2642 : vector<1x16xf32> to vector<16xf32>
      %add3A_2644 = arith.addf %add3A_2596, %get3A_2643 : vector<16xf32>
      %get3A_2645 = arith.constant 3 : i32
      %get3A_2646 = arith.index_cast %get3A_2645 : i32 to index
      %get3A_2647 = arith.constant 32 : index
      %get3A_2648 = tpu.vector_load %arg7[%get3A_2646, %get3A_2647] {strides = array<i32>} : memref<50x128xf32, #tpu.memory_space<vmem>>, vector<1x16xf32>,
      %get3A_2649 = vector.shape_cast %get3A_2648 : vector<1x16xf32> to vector<16xf32>
      %add3A_2650 = arith.addf %add3A_2602, %get3A_2649 : vector<16xf32>
      %get3A_2651 = arith.constant 3 : i32
      %get3A_2652 = arith.index_cast %get3A_2651 : i32 to index
      %get3A_2653 = arith.constant 48 : index
      %get3A_2654 = tpu.vector_load %arg7[%get3A_2652, %get3A_2653] {strides = array<i32>} : memref<50x128xf32, #tpu.memory_space<vmem>>, vector<1x16xf32>,
      %get3A_2655 = vector.shape_cast %get3A_2654 : vector<1x16xf32> to vector<16xf32>
      %add3A_2656 = arith.addf %add3A_2608, %get3A_2655 : vector<16xf32>
      %get3A_2657 = arith.constant 3 : i32
      %get3A_2658 = arith.index_cast %get3A_2657 : i32 to index
      %get3A_2659 = arith.constant 64 : index
      %get3A_2660 = tpu.vector_load %arg7[%get3A_2658, %get3A_2659] {strides = array<i32>} : memref<50x128xf32, #tpu.memory_space<vmem>>, vector<1x16xf32>,
      %get3A_2661 = vector.shape_cast %get3A_2660 : vector<1x16xf32> to vector<16xf32>
      %add3A_2662 = arith.addf %add3A_2614, %get3A_2661 : vector<16xf32>
      %get3A_2663 = arith.constant 3 : i32
      %get3A_2664 = arith.index_cast %get3A_2663 : i32 to index
      %get3A_2665 = arith.constant 80 : index
      %get3A_2666 = tpu.vector_load %arg7[%get3A_2664, %get3A_2665] {strides = array<i32>} : memref<50x128xf32, #tpu.memory_space<vmem>>, vector<1x16xf32>,
      %get3A_2667 = vector.shape_cast %get3A_2666 : vector<1x16xf32> to vector<16xf32>
      %add3A_2668 = arith.addf %add3A_2620, %get3A_2667 : vector<16xf32>
      %get3A_2669 = arith.constant 3 : i32
      %get3A_2670 = arith.index_cast %get3A_2669 : i32 to index
      %get3A_2671 = arith.constant 96 : index
      %get3A_2672 = tpu.vector_load %arg7[%get3A_2670, %get3A_2671] {strides = array<i32>} : memref<50x128xf32, #tpu.memory_space<vmem>>, vector<1x16xf32>,
      %get3A_2673 = vector.shape_cast %get3A_2672 : vector<1x16xf32> to vector<16xf32>
      %add3A_2674 = arith.addf %add3A_2626, %get3A_2673 : vector<16xf32>
      %get3A_2675 = arith.constant 3 : i32
      %get3A_2676 = arith.index_cast %get3A_2675 : i32 to index
      %get3A_2677 = arith.constant 112 : index
      %get3A_2678 = tpu.vector_load %arg7[%get3A_2676, %get3A_2677] {strides = array<i32>} : memref<50x128xf32, #tpu.memory_space<vmem>>, vector<1x16xf32>,
      %get3A_2679 = vector.shape_cast %get3A_2678 : vector<1x16xf32> to vector<16xf32>
      %add3A_2680 = arith.addf %add3A_2632, %get3A_2679 : vector<16xf32>
      %get3A_2681 = arith.constant 4 : i32
      %get3A_2682 = arith.index_cast %get3A_2681 : i32 to index
      %get3A_2683 = arith.constant 0 : index
      %get3A_2684 = tpu.vector_load %arg7[%get3A_2682, %get3A_2683] {strides = array<i32>} : memref<50x128xf32, #tpu.memory_space<vmem>>, vector<1x16xf32>,
      %get3A_2685 = vector.shape_cast %get3A_2684 : vector<1x16xf32> to vector<16xf32>
      %add3A_2686 = arith.addf %add3A_2638, %get3A_2685 : vector<16xf32>
      %get3A_2687 = arith.constant 4 : i32
      %get3A_2688 = arith.index_cast %get3A_2687 : i32 to index
      %get3A_2689 = arith.constant 16 : index
      %get3A_2690 = tpu.vector_load %arg7[%get3A_2688, %get3A_2689] {strides = array<i32>} : memref<50x128xf32, #tpu.memory_space<vmem>>, vector<1x16xf32>,
      %get3A_2691 = vector.shape_cast %get3A_2690 : vector<1x16xf32> to vector<16xf32>
      %add3A_2692 = arith.addf %add3A_2644, %get3A_2691 : vector<16xf32>
      %get3A_2693 = arith.constant 4 : i32
      %get3A_2694 = arith.index_cast %get3A_2693 : i32 to index
      %get3A_2695 = arith.constant 32 : index
      %get3A_2696 = tpu.vector_load %arg7[%get3A_2694, %get3A_2695] {strides = array<i32>} : memref<50x128xf32, #tpu.memory_space<vmem>>, vector<1x16xf32>,
      %get3A_2697 = vector.shape_cast %get3A_2696 : vector<1x16xf32> to vector<16xf32>
      %add3A_2698 = arith.addf %add3A_2650, %get3A_2697 : vector<16xf32>
      %get3A_2699 = arith.constant 4 : i32
      %get3A_2700 = arith.index_cast %get3A_2699 : i32 to index
      %get3A_2701 = arith.constant 48 : index
      %get3A_2702 = tpu.vector_load %arg7[%get3A_2700, %get3A_2701] {strides = array<i32>} : memref<50x128xf32, #tpu.memory_space<vmem>>, vector<1x16xf32>,
      %get3A_2703 = vector.shape_cast %get3A_2702 : vector<1x16xf32> to vector<16xf32>
      %add3A_2704 = arith.addf %add3A_2656, %get3A_2703 : vector<16xf32>
      %get3A_2705 = arith.constant 4 : i32
      %get3A_2706 = arith.index_cast %get3A_2705 : i32 to index
      %get3A_2707 = arith.constant 64 : index
      %get3A_2708 = tpu.vector_load %arg7[%get3A_2706, %get3A_2707] {strides = array<i32>} : memref<50x128xf32, #tpu.memory_space<vmem>>, vector<1x16xf32>,
      %get3A_2709 = vector.shape_cast %get3A_2708 : vector<1x16xf32> to vector<16xf32>
      %add3A_2710 = arith.addf %add3A_2662, %get3A_2709 : vector<16xf32>
      %get3A_2711 = arith.constant 4 : i32
      %get3A_2712 = arith.index_cast %get3A_2711 : i32 to index
      %get3A_2713 = arith.constant 80 : index
      %get3A_2714 = tpu.vector_load %arg7[%get3A_2712, %get3A_2713] {strides = array<i32>} : memref<50x128xf32, #tpu.memory_space<vmem>>, vector<1x16xf32>,
      %get3A_2715 = vector.shape_cast %get3A_2714 : vector<1x16xf32> to vector<16xf32>
      %add3A_2716 = arith.addf %add3A_2668, %get3A_2715 : vector<16xf32>
      %get3A_2717 = arith.constant 4 : i32
      %get3A_2718 = arith.index_cast %get3A_2717 : i32 to index
      %get3A_2719 = arith.constant 96 : index
      %get3A_2720 = tpu.vector_load %arg7[%get3A_2718, %get3A_2719] {strides = array<i32>} : memref<50x128xf32, #tpu.memory_space<vmem>>, vector<1x16xf32>,
      %get3A_2721 = vector.shape_cast %get3A_2720 : vector<1x16xf32> to vector<16xf32>
      %add3A_2722 = arith.addf %add3A_2674, %get3A_2721 : vector<16xf32>
      %get3A_2723 = arith.constant 4 : i32
      %get3A_2724 = arith.index_cast %get3A_2723 : i32 to index
      %get3A_2725 = arith.constant 112 : index
      %get3A_2726 = tpu.vector_load %arg7[%get3A_2724, %get3A_2725] {strides = array<i32>} : memref<50x128xf32, #tpu.memory_space<vmem>>, vector<1x16xf32>,
      %get3A_2727 = vector.shape_cast %get3A_2726 : vector<1x16xf32> to vector<16xf32>
      %add3A_2728 = arith.addf %add3A_2680, %get3A_2727 : vector<16xf32>
      %get3A_2729 = arith.constant 5 : i32
      %get3A_2730 = arith.index_cast %get3A_2729 : i32 to index
      %get3A_2731 = arith.constant 0 : index
      %get3A_2732 = tpu.vector_load %arg7[%get3A_2730, %get3A_2731] {strides = array<i32>} : memref<50x128xf32, #tpu.memory_space<vmem>>, vector<1x16xf32>,
      %get3A_2733 = vector.shape_cast %get3A_2732 : vector<1x16xf32> to vector<16xf32>
      %add3A_2734 = arith.addf %add3A_2686, %get3A_2733 : vector<16xf32>
      %get3A_2735 = arith.constant 5 : i32
      %get3A_2736 = arith.index_cast %get3A_2735 : i32 to index
      %get3A_2737 = arith.constant 16 : index
      %get3A_2738 = tpu.vector_load %arg7[%get3A_2736, %get3A_2737] {strides = array<i32>} : memref<50x128xf32, #tpu.memory_space<vmem>>, vector<1x16xf32>,
      %get3A_2739 = vector.shape_cast %get3A_2738 : vector<1x16xf32> to vector<16xf32>
      %add3A_2740 = arith.addf %add3A_2692, %get3A_2739 : vector<16xf32>
      %get3A_2741 = arith.constant 5 : i32
      %get3A_2742 = arith.index_cast %get3A_2741 : i32 to index
      %get3A_2743 = arith.constant 32 : index
      %get3A_2744 = tpu.vector_load %arg7[%get3A_2742, %get3A_2743] {strides = array<i32>} : memref<50x128xf32, #tpu.memory_space<vmem>>, vector<1x16xf32>,
      %get3A_2745 = vector.shape_cast %get3A_2744 : vector<1x16xf32> to vector<16xf32>
      %add3A_2746 = arith.addf %add3A_2698, %get3A_2745 : vector<16xf32>
      %get3A_2747 = arith.constant 5 : i32
      %get3A_2748 = arith.index_cast %get3A_2747 : i32 to index
      %get3A_2749 = arith.constant 48 : index
      %get3A_2750 = tpu.vector_load %arg7[%get3A_2748, %get3A_2749] {strides = array<i32>} : memref<50x128xf32, #tpu.memory_space<vmem>>, vector<1x16xf32>,
      %get3A_2751 = vector.shape_cast %get3A_2750 : vector<1x16xf32> to vector<16xf32>
      %add3A_2752 = arith.addf %add3A_2704, %get3A_2751 : vector<16xf32>
      %get3A_2753 = arith.constant 5 : i32
      %get3A_2754 = arith.index_cast %get3A_2753 : i32 to index
      %get3A_2755 = arith.constant 64 : index
      %get3A_2756 = tpu.vector_load %arg7[%get3A_2754, %get3A_2755] {strides = array<i32>} : memref<50x128xf32, #tpu.memory_space<vmem>>, vector<1x16xf32>,
      %get3A_2757 = vector.shape_cast %get3A_2756 : vector<1x16xf32> to vector<16xf32>
      %add3A_2758 = arith.addf %add3A_2710, %get3A_2757 : vector<16xf32>
      %get3A_2759 = arith.constant 5 : i32
      %get3A_2760 = arith.index_cast %get3A_2759 : i32 to index
      %get3A_2761 = arith.constant 80 : index
      %get3A_2762 = tpu.vector_load %arg7[%get3A_2760, %get3A_2761] {strides = array<i32>} : memref<50x128xf32, #tpu.memory_space<vmem>>, vector<1x16xf32>,
      %get3A_2763 = vector.shape_cast %get3A_2762 : vector<1x16xf32> to vector<16xf32>
      %add3A_2764 = arith.addf %add3A_2716, %get3A_2763 : vector<16xf32>
      %get3A_2765 = arith.constant 5 : i32
      %get3A_2766 = arith.index_cast %get3A_2765 : i32 to index
      %get3A_2767 = arith.constant 96 : index
      %get3A_2768 = tpu.vector_load %arg7[%get3A_2766, %get3A_2767] {strides = array<i32>} : memref<50x128xf32, #tpu.memory_space<vmem>>, vector<1x16xf32>,
      %get3A_2769 = vector.shape_cast %get3A_2768 : vector<1x16xf32> to vector<16xf32>
      %add3A_2770 = arith.addf %add3A_2722, %get3A_2769 : vector<16xf32>
      %get3A_2771 = arith.constant 5 : i32
      %get3A_2772 = arith.index_cast %get3A_2771 : i32 to index
      %get3A_2773 = arith.constant 112 : index
      %get3A_2774 = tpu.vector_load %arg7[%get3A_2772, %get3A_2773] {strides = array<i32>} : memref<50x128xf32, #tpu.memory_space<vmem>>, vector<1x16xf32>,
      %get3A_2775 = vector.shape_cast %get3A_2774 : vector<1x16xf32> to vector<16xf32>
      %add3A_2776 = arith.addf %add3A_2728, %get3A_2775 : vector<16xf32>
      %get3A_2777 = arith.constant 6 : i32
      %get3A_2778 = arith.index_cast %get3A_2777 : i32 to index
      %get3A_2779 = arith.constant 0 : index
      %get3A_2780 = tpu.vector_load %arg7[%get3A_2778, %get3A_2779] {strides = array<i32>} : memref<50x128xf32, #tpu.memory_space<vmem>>, vector<1x16xf32>,
      %get3A_2781 = vector.shape_cast %get3A_2780 : vector<1x16xf32> to vector<16xf32>
      %add3A_2782 = arith.addf %add3A_2734, %get3A_2781 : vector<16xf32>
      %get3A_2783 = arith.constant 6 : i32
      %get3A_2784 = arith.index_cast %get3A_2783 : i32 to index
      %get3A_2785 = arith.constant 16 : index
      %get3A_2786 = tpu.vector_load %arg7[%get3A_2784, %get3A_2785] {strides = array<i32>} : memref<50x128xf32, #tpu.memory_space<vmem>>, vector<1x16xf32>,
      %get3A_2787 = vector.shape_cast %get3A_2786 : vector<1x16xf32> to vector<16xf32>
      %add3A_2788 = arith.addf %add3A_2740, %get3A_2787 : vector<16xf32>
      %get3A_2789 = arith.constant 6 : i32
      %get3A_2790 = arith.index_cast %get3A_2789 : i32 to index
      %get3A_2791 = arith.constant 32 : index
      %get3A_2792 = tpu.vector_load %arg7[%get3A_2790, %get3A_2791] {strides = array<i32>} : memref<50x128xf32, #tpu.memory_space<vmem>>, vector<1x16xf32>,
      %get3A_2793 = vector.shape_cast %get3A_2792 : vector<1x16xf32> to vector<16xf32>
      %add3A_2794 = arith.addf %add3A_2746, %get3A_2793 : vector<16xf32>
      %get3A_2795 = arith.constant 6 : i32
      %get3A_2796 = arith.index_cast %get3A_2795 : i32 to index
      %get3A_2797 = arith.constant 48 : index
      %get3A_2798 = tpu.vector_load %arg7[%get3A_2796, %get3A_2797] {strides = array<i32>} : memref<50x128xf32, #tpu.memory_space<vmem>>, vector<1x16xf32>,
      %get3A_2799 = vector.shape_cast %get3A_2798 : vector<1x16xf32> to vector<16xf32>
      %add3A_2800 = arith.addf %add3A_2752, %get3A_2799 : vector<16xf32>
      %get3A_2801 = arith.constant 6 : i32
      %get3A_2802 = arith.index_cast %get3A_2801 : i32 to index
      %get3A_2803 = arith.constant 64 : index
      %get3A_2804 = tpu.vector_load %arg7[%get3A_2802, %get3A_2803] {strides = array<i32>} : memref<50x128xf32, #tpu.memory_space<vmem>>, vector<1x16xf32>,
      %get3A_2805 = vector.shape_cast %get3A_2804 : vector<1x16xf32> to vector<16xf32>
      %add3A_2806 = arith.addf %add3A_2758, %get3A_2805 : vector<16xf32>
      %get3A_2807 = arith.constant 6 : i32
      %get3A_2808 = arith.index_cast %get3A_2807 : i32 to index
      %get3A_2809 = arith.constant 80 : index
      %get3A_2810 = tpu.vector_load %arg7[%get3A_2808, %get3A_2809] {strides = array<i32>} : memref<50x128xf32, #tpu.memory_space<vmem>>, vector<1x16xf32>,
      %get3A_2811 = vector.shape_cast %get3A_2810 : vector<1x16xf32> to vector<16xf32>
      %add3A_2812 = arith.addf %add3A_2764, %get3A_2811 : vector<16xf32>
      %get3A_2813 = arith.constant 6 : i32
      %get3A_2814 = arith.index_cast %get3A_2813 : i32 to index
      %get3A_2815 = arith.constant 96 : index
      %get3A_2816 = tpu.vector_load %arg7[%get3A_2814, %get3A_2815] {strides = array<i32>} : memref<50x128xf32, #tpu.memory_space<vmem>>, vector<1x16xf32>,
      %get3A_2817 = vector.shape_cast %get3A_2816 : vector<1x16xf32> to vector<16xf32>
      %add3A_2818 = arith.addf %add3A_2770, %get3A_2817 : vector<16xf32>
      %get3A_2819 = arith.constant 6 : i32
      %get3A_2820 = arith.index_cast %get3A_2819 : i32 to index
      %get3A_2821 = arith.constant 112 : index
      %get3A_2822 = tpu.vector_load %arg7[%get3A_2820, %get3A_2821] {strides = array<i32>} : memref<50x128xf32, #tpu.memory_space<vmem>>, vector<1x16xf32>,
      %get3A_2823 = vector.shape_cast %get3A_2822 : vector<1x16xf32> to vector<16xf32>
      %add3A_2824 = arith.addf %add3A_2776, %get3A_2823 : vector<16xf32>
      %get3A_2825 = arith.constant 7 : i32
      %get3A_2826 = arith.index_cast %get3A_2825 : i32 to index
      %get3A_2827 = arith.constant 0 : index
      %get3A_2828 = tpu.vector_load %arg7[%get3A_2826, %get3A_2827] {strides = array<i32>} : memref<50x128xf32, #tpu.memory_space<vmem>>, vector<1x16xf32>,
      %get3A_2829 = vector.shape_cast %get3A_2828 : vector<1x16xf32> to vector<16xf32>
      %add3A_2830 = arith.addf %add3A_2782, %get3A_2829 : vector<16xf32>
      %get3A_2831 = arith.constant 7 : i32
      %get3A_2832 = arith.index_cast %get3A_2831 : i32 to index
      %get3A_2833 = arith.constant 16 : index
      %get3A_2834 = tpu.vector_load %arg7[%get3A_2832, %get3A_2833] {strides = array<i32>} : memref<50x128xf32, #tpu.memory_space<vmem>>, vector<1x16xf32>,
      %get3A_2835 = vector.shape_cast %get3A_2834 : vector<1x16xf32> to vector<16xf32>
      %add3A_2836 = arith.addf %add3A_2788, %get3A_2835 : vector<16xf32>
      %get3A_2837 = arith.constant 7 : i32
      %get3A_2838 = arith.index_cast %get3A_2837 : i32 to index
      %get3A_2839 = arith.constant 32 : index
      %get3A_2840 = tpu.vector_load %arg7[%get3A_2838, %get3A_2839] {strides = array<i32>} : memref<50x128xf32, #tpu.memory_space<vmem>>, vector<1x16xf32>,
      %get3A_2841 = vector.shape_cast %get3A_2840 : vector<1x16xf32> to vector<16xf32>
      %add3A_2842 = arith.addf %add3A_2794, %get3A_2841 : vector<16xf32>
      %get3A_2843 = arith.constant 7 : i32
      %get3A_2844 = arith.index_cast %get3A_2843 : i32 to index
      %get3A_2845 = arith.constant 48 : index
      %get3A_2846 = tpu.vector_load %arg7[%get3A_2844, %get3A_2845] {strides = array<i32>} : memref<50x128xf32, #tpu.memory_space<vmem>>, vector<1x16xf32>,
      %get3A_2847 = vector.shape_cast %get3A_2846 : vector<1x16xf32> to vector<16xf32>
      %add3A_2848 = arith.addf %add3A_2800, %get3A_2847 : vector<16xf32>
      %get3A_2849 = arith.constant 7 : i32
      %get3A_2850 = arith.index_cast %get3A_2849 : i32 to index
      %get3A_2851 = arith.constant 64 : index
      %get3A_2852 = tpu.vector_load %arg7[%get3A_2850, %get3A_2851] {strides = array<i32>} : memref<50x128xf32, #tpu.memory_space<vmem>>, vector<1x16xf32>,
      %get3A_2853 = vector.shape_cast %get3A_2852 : vector<1x16xf32> to vector<16xf32>
      %add3A_2854 = arith.addf %add3A_2806, %get3A_2853 : vector<16xf32>
      %get3A_2855 = arith.constant 7 : i32
      %get3A_2856 = arith.index_cast %get3A_2855 : i32 to index
      %get3A_2857 = arith.constant 80 : index
      %get3A_2858 = tpu.vector_load %arg7[%get3A_2856, %get3A_2857] {strides = array<i32>} : memref<50x128xf32, #tpu.memory_space<vmem>>, vector<1x16xf32>,
      %get3A_2859 = vector.shape_cast %get3A_2858 : vector<1x16xf32> to vector<16xf32>
      %add3A_2860 = arith.addf %add3A_2812, %get3A_2859 : vector<16xf32>
      %get3A_2861 = arith.constant 7 : i32
      %get3A_2862 = arith.index_cast %get3A_2861 : i32 to index
      %get3A_2863 = arith.constant 96 : index
      %get3A_2864 = tpu.vector_load %arg7[%get3A_2862, %get3A_2863] {strides = array<i32>} : memref<50x128xf32, #tpu.memory_space<vmem>>, vector<1x16xf32>,
      %get3A_2865 = vector.shape_cast %get3A_2864 : vector<1x16xf32> to vector<16xf32>
      %add3A_2866 = arith.addf %add3A_2818, %get3A_2865 : vector<16xf32>
      %get3A_2867 = arith.constant 7 : i32
      %get3A_2868 = arith.index_cast %get3A_2867 : i32 to index
      %get3A_2869 = arith.constant 112 : index
      %get3A_2870 = tpu.vector_load %arg7[%get3A_2868, %get3A_2869] {strides = array<i32>} : memref<50x128xf32, #tpu.memory_space<vmem>>, vector<1x16xf32>,
      %get3A_2871 = vector.shape_cast %get3A_2870 : vector<1x16xf32> to vector<16xf32>
      %add3A_2872 = arith.addf %add3A_2824, %get3A_2871 : vector<16xf32>
      %get3A_2873 = arith.constant 8 : i32
      %get3A_2874 = arith.index_cast %get3A_2873 : i32 to index
      %get3A_2875 = arith.constant 0 : index
      %get3A_2876 = tpu.vector_load %arg7[%get3A_2874, %get3A_2875] {strides = array<i32>} : memref<50x128xf32, #tpu.memory_space<vmem>>, vector<1x16xf32>,
      %get3A_2877 = vector.shape_cast %get3A_2876 : vector<1x16xf32> to vector<16xf32>
      %add3A_2878 = arith.addf %add3A_2830, %get3A_2877 : vector<16xf32>
      %get3A_2879 = arith.constant 8 : i32
      %get3A_2880 = arith.index_cast %get3A_2879 : i32 to index
      %get3A_2881 = arith.constant 16 : index
      %get3A_2882 = tpu.vector_load %arg7[%get3A_2880, %get3A_2881] {strides = array<i32>} : memref<50x128xf32, #tpu.memory_space<vmem>>, vector<1x16xf32>,
      %get3A_2883 = vector.shape_cast %get3A_2882 : vector<1x16xf32> to vector<16xf32>
      %add3A_2884 = arith.addf %add3A_2836, %get3A_2883 : vector<16xf32>
      %get3A_2885 = arith.constant 8 : i32
      %get3A_2886 = arith.index_cast %get3A_2885 : i32 to index
      %get3A_2887 = arith.constant 32 : index
      %get3A_2888 = tpu.vector_load %arg7[%get3A_2886, %get3A_2887] {strides = array<i32>} : memref<50x128xf32, #tpu.memory_space<vmem>>, vector<1x16xf32>,
      %get3A_2889 = vector.shape_cast %get3A_2888 : vector<1x16xf32> to vector<16xf32>
      %add3A_2890 = arith.addf %add3A_2842, %get3A_2889 : vector<16xf32>
      %get3A_2891 = arith.constant 8 : i32
      %get3A_2892 = arith.index_cast %get3A_2891 : i32 to index
      %get3A_2893 = arith.constant 48 : index
      %get3A_2894 = tpu.vector_load %arg7[%get3A_2892, %get3A_2893] {strides = array<i32>} : memref<50x128xf32, #tpu.memory_space<vmem>>, vector<1x16xf32>,
      %get3A_2895 = vector.shape_cast %get3A_2894 : vector<1x16xf32> to vector<16xf32>
      %add3A_2896 = arith.addf %add3A_2848, %get3A_2895 : vector<16xf32>
      %get3A_2897 = arith.constant 8 : i32
      %get3A_2898 = arith.index_cast %get3A_2897 : i32 to index
      %get3A_2899 = arith.constant 64 : index
      %get3A_2900 = tpu.vector_load %arg7[%get3A_2898, %get3A_2899] {strides = array<i32>} : memref<50x128xf32, #tpu.memory_space<vmem>>, vector<1x16xf32>,
      %get3A_2901 = vector.shape_cast %get3A_2900 : vector<1x16xf32> to vector<16xf32>
      %add3A_2902 = arith.addf %add3A_2854, %get3A_2901 : vector<16xf32>
      %get3A_2903 = arith.constant 8 : i32
      %get3A_2904 = arith.index_cast %get3A_2903 : i32 to index
      %get3A_2905 = arith.constant 80 : index
      %get3A_2906 = tpu.vector_load %arg7[%get3A_2904, %get3A_2905] {strides = array<i32>} : memref<50x128xf32, #tpu.memory_space<vmem>>, vector<1x16xf32>,
      %get3A_2907 = vector.shape_cast %get3A_2906 : vector<1x16xf32> to vector<16xf32>
      %add3A_2908 = arith.addf %add3A_2860, %get3A_2907 : vector<16xf32>
      %get3A_2909 = arith.constant 8 : i32
      %get3A_2910 = arith.index_cast %get3A_2909 : i32 to index
      %get3A_2911 = arith.constant 96 : index
      %get3A_2912 = tpu.vector_load %arg7[%get3A_2910, %get3A_2911] {strides = array<i32>} : memref<50x128xf32, #tpu.memory_space<vmem>>, vector<1x16xf32>,
      %get3A_2913 = vector.shape_cast %get3A_2912 : vector<1x16xf32> to vector<16xf32>
      %add3A_2914 = arith.addf %add3A_2866, %get3A_2913 : vector<16xf32>
      %get3A_2915 = arith.constant 8 : i32
      %get3A_2916 = arith.index_cast %get3A_2915 : i32 to index
      %get3A_2917 = arith.constant 112 : index
      %get3A_2918 = tpu.vector_load %arg7[%get3A_2916, %get3A_2917] {strides = array<i32>} : memref<50x128xf32, #tpu.memory_space<vmem>>, vector<1x16xf32>,
      %get3A_2919 = vector.shape_cast %get3A_2918 : vector<1x16xf32> to vector<16xf32>
      %add3A_2920 = arith.addf %add3A_2872, %get3A_2919 : vector<16xf32>
      %get3A_2921 = arith.constant 9 : i32
      %get3A_2922 = arith.index_cast %get3A_2921 : i32 to index
      %get3A_2923 = arith.constant 0 : index
      %get3A_2924 = tpu.vector_load %arg7[%get3A_2922, %get3A_2923] {strides = array<i32>} : memref<50x128xf32, #tpu.memory_space<vmem>>, vector<1x16xf32>,
      %get3A_2925 = vector.shape_cast %get3A_2924 : vector<1x16xf32> to vector<16xf32>
      %add3A_2926 = arith.addf %add3A_2878, %get3A_2925 : vector<16xf32>
      %get3A_2927 = arith.constant 9 : i32
      %get3A_2928 = arith.index_cast %get3A_2927 : i32 to index
      %get3A_2929 = arith.constant 16 : index
      %get3A_2930 = tpu.vector_load %arg7[%get3A_2928, %get3A_2929] {strides = array<i32>} : memref<50x128xf32, #tpu.memory_space<vmem>>, vector<1x16xf32>,
      %get3A_2931 = vector.shape_cast %get3A_2930 : vector<1x16xf32> to vector<16xf32>
      %add3A_2932 = arith.addf %add3A_2884, %get3A_2931 : vector<16xf32>
      %get3A_2933 = arith.constant 9 : i32
      %get3A_2934 = arith.index_cast %get3A_2933 : i32 to index
      %get3A_2935 = arith.constant 32 : index
      %get3A_2936 = tpu.vector_load %arg7[%get3A_2934, %get3A_2935] {strides = array<i32>} : memref<50x128xf32, #tpu.memory_space<vmem>>, vector<1x16xf32>,
      %get3A_2937 = vector.shape_cast %get3A_2936 : vector<1x16xf32> to vector<16xf32>
      %add3A_2938 = arith.addf %add3A_2890, %get3A_2937 : vector<16xf32>
      %get3A_2939 = arith.constant 9 : i32
      %get3A_2940 = arith.index_cast %get3A_2939 : i32 to index
      %get3A_2941 = arith.constant 48 : index
      %get3A_2942 = tpu.vector_load %arg7[%get3A_2940, %get3A_2941] {strides = array<i32>} : memref<50x128xf32, #tpu.memory_space<vmem>>, vector<1x16xf32>,
      %get3A_2943 = vector.shape_cast %get3A_2942 : vector<1x16xf32> to vector<16xf32>
      %add3A_2944 = arith.addf %add3A_2896, %get3A_2943 : vector<16xf32>
      %get3A_2945 = arith.constant 9 : i32
      %get3A_2946 = arith.index_cast %get3A_2945 : i32 to index
      %get3A_2947 = arith.constant 64 : index
      %get3A_2948 = tpu.vector_load %arg7[%get3A_2946, %get3A_2947] {strides = array<i32>} : memref<50x128xf32, #tpu.memory_space<vmem>>, vector<1x16xf32>,
      %get3A_2949 = vector.shape_cast %get3A_2948 : vector<1x16xf32> to vector<16xf32>
      %add3A_2950 = arith.addf %add3A_2902, %get3A_2949 : vector<16xf32>
      %get3A_2951 = arith.constant 9 : i32
      %get3A_2952 = arith.index_cast %get3A_2951 : i32 to index
      %get3A_2953 = arith.constant 80 : index
      %get3A_2954 = tpu.vector_load %arg7[%get3A_2952, %get3A_2953] {strides = array<i32>} : memref<50x128xf32, #tpu.memory_space<vmem>>, vector<1x16xf32>,
      %get3A_2955 = vector.shape_cast %get3A_2954 : vector<1x16xf32> to vector<16xf32>
      %add3A_2956 = arith.addf %add3A_2908, %get3A_2955 : vector<16xf32>
      %get3A_2957 = arith.constant 9 : i32
      %get3A_2958 = arith.index_cast %get3A_2957 : i32 to index
      %get3A_2959 = arith.constant 96 : index
      %get3A_2960 = tpu.vector_load %arg7[%get3A_2958, %get3A_2959] {strides = array<i32>} : memref<50x128xf32, #tpu.memory_space<vmem>>, vector<1x16xf32>,
      %get3A_2961 = vector.shape_cast %get3A_2960 : vector<1x16xf32> to vector<16xf32>
      %add3A_2962 = arith.addf %add3A_2914, %get3A_2961 : vector<16xf32>
      %get3A_2963 = arith.constant 9 : i32
      %get3A_2964 = arith.index_cast %get3A_2963 : i32 to index
      %get3A_2965 = arith.constant 112 : index
      %get3A_2966 = tpu.vector_load %arg7[%get3A_2964, %get3A_2965] {strides = array<i32>} : memref<50x128xf32, #tpu.memory_space<vmem>>, vector<1x16xf32>,
      %get3A_2967 = vector.shape_cast %get3A_2966 : vector<1x16xf32> to vector<16xf32>
      %add3A_2968 = arith.addf %add3A_2920, %get3A_2967 : vector<16xf32>
      %get3A_2969 = arith.constant 10 : i32
      %get3A_2970 = arith.index_cast %get3A_2969 : i32 to index
      %get3A_2971 = arith.constant 0 : index
      %get3A_2972 = tpu.vector_load %arg7[%get3A_2970, %get3A_2971] {strides = array<i32>} : memref<50x128xf32, #tpu.memory_space<vmem>>, vector<1x16xf32>,
      %get3A_2973 = vector.shape_cast %get3A_2972 : vector<1x16xf32> to vector<16xf32>
      %add3A_2974 = arith.addf %add3A_2926, %get3A_2973 : vector<16xf32>
      %get3A_2975 = arith.constant 10 : i32
      %get3A_2976 = arith.index_cast %get3A_2975 : i32 to index
      %get3A_2977 = arith.constant 16 : index
      %get3A_2978 = tpu.vector_load %arg7[%get3A_2976, %get3A_2977] {strides = array<i32>} : memref<50x128xf32, #tpu.memory_space<vmem>>, vector<1x16xf32>,
      %get3A_2979 = vector.shape_cast %get3A_2978 : vector<1x16xf32> to vector<16xf32>
      %add3A_2980 = arith.addf %add3A_2932, %get3A_2979 : vector<16xf32>
      %get3A_2981 = arith.constant 10 : i32
      %get3A_2982 = arith.index_cast %get3A_2981 : i32 to index
      %get3A_2983 = arith.constant 32 : index
      %get3A_2984 = tpu.vector_load %arg7[%get3A_2982, %get3A_2983] {strides = array<i32>} : memref<50x128xf32, #tpu.memory_space<vmem>>, vector<1x16xf32>,
      %get3A_2985 = vector.shape_cast %get3A_2984 : vector<1x16xf32> to vector<16xf32>
      %add3A_2986 = arith.addf %add3A_2938, %get3A_2985 : vector<16xf32>
      %get3A_2987 = arith.constant 10 : i32
      %get3A_2988 = arith.index_cast %get3A_2987 : i32 to index
      %get3A_2989 = arith.constant 48 : index
      %get3A_2990 = tpu.vector_load %arg7[%get3A_2988, %get3A_2989] {strides = array<i32>} : memref<50x128xf32, #tpu.memory_space<vmem>>, vector<1x16xf32>,
      %get3A_2991 = vector.shape_cast %get3A_2990 : vector<1x16xf32> to vector<16xf32>
      %add3A_2992 = arith.addf %add3A_2944, %get3A_2991 : vector<16xf32>
      %get3A_2993 = arith.constant 10 : i32
      %get3A_2994 = arith.index_cast %get3A_2993 : i32 to index
      %get3A_2995 = arith.constant 64 : index
      %get3A_2996 = tpu.vector_load %arg7[%get3A_2994, %get3A_2995] {strides = array<i32>} : memref<50x128xf32, #tpu.memory_space<vmem>>, vector<1x16xf32>,
      %get3A_2997 = vector.shape_cast %get3A_2996 : vector<1x16xf32> to vector<16xf32>
      %add3A_2998 = arith.addf %add3A_2950, %get3A_2997 : vector<16xf32>
      %get3A_2999 = arith.constant 10 : i32
      %get3A_3000 = arith.index_cast %get3A_2999 : i32 to index
      %get3A_3001 = arith.constant 80 : index
      %get3A_3002 = tpu.vector_load %arg7[%get3A_3000, %get3A_3001] {strides = array<i32>} : memref<50x128xf32, #tpu.memory_space<vmem>>, vector<1x16xf32>,
      %get3A_3003 = vector.shape_cast %get3A_3002 : vector<1x16xf32> to vector<16xf32>
      %add3A_3004 = arith.addf %add3A_2956, %get3A_3003 : vector<16xf32>
      %get3A_3005 = arith.constant 10 : i32
      %get3A_3006 = arith.index_cast %get3A_3005 : i32 to index
      %get3A_3007 = arith.constant 96 : index
      %get3A_3008 = tpu.vector_load %arg7[%get3A_3006, %get3A_3007] {strides = array<i32>} : memref<50x128xf32, #tpu.memory_space<vmem>>, vector<1x16xf32>,
      %get3A_3009 = vector.shape_cast %get3A_3008 : vector<1x16xf32> to vector<16xf32>
      %add3A_3010 = arith.addf %add3A_2962, %get3A_3009 : vector<16xf32>
      %get3A_3011 = arith.constant 10 : i32
      %get3A_3012 = arith.index_cast %get3A_3011 : i32 to index
      %get3A_3013 = arith.constant 112 : index
      %get3A_3014 = tpu.vector_load %arg7[%get3A_3012, %get3A_3013] {strides = array<i32>} : memref<50x128xf32, #tpu.memory_space<vmem>>, vector<1x16xf32>,
      %get3A_3015 = vector.shape_cast %get3A_3014 : vector<1x16xf32> to vector<16xf32>
      %add3A_3016 = arith.addf %add3A_2968, %get3A_3015 : vector<16xf32>
      %get3A_3017 = arith.constant 11 : i32
      %get3A_3018 = arith.index_cast %get3A_3017 : i32 to index
      %get3A_3019 = arith.constant 0 : index
      %get3A_3020 = tpu.vector_load %arg7[%get3A_3018, %get3A_3019] {strides = array<i32>} : memref<50x128xf32, #tpu.memory_space<vmem>>, vector<1x16xf32>,
      %get3A_3021 = vector.shape_cast %get3A_3020 : vector<1x16xf32> to vector<16xf32>
      %add3A_3022 = arith.addf %add3A_2974, %get3A_3021 : vector<16xf32>
      %get3A_3023 = arith.constant 11 : i32
      %get3A_3024 = arith.index_cast %get3A_3023 : i32 to index
      %get3A_3025 = arith.constant 16 : index
      %get3A_3026 = tpu.vector_load %arg7[%get3A_3024, %get3A_3025] {strides = array<i32>} : memref<50x128xf32, #tpu.memory_space<vmem>>, vector<1x16xf32>,
      %get3A_3027 = vector.shape_cast %get3A_3026 : vector<1x16xf32> to vector<16xf32>
      %add3A_3028 = arith.addf %add3A_2980, %get3A_3027 : vector<16xf32>
      %get3A_3029 = arith.constant 11 : i32
      %get3A_3030 = arith.index_cast %get3A_3029 : i32 to index
      %get3A_3031 = arith.constant 32 : index
      %get3A_3032 = tpu.vector_load %arg7[%get3A_3030, %get3A_3031] {strides = array<i32>} : memref<50x128xf32, #tpu.memory_space<vmem>>, vector<1x16xf32>,
      %get3A_3033 = vector.shape_cast %get3A_3032 : vector<1x16xf32> to vector<16xf32>
      %add3A_3034 = arith.addf %add3A_2986, %get3A_3033 : vector<16xf32>
      %get3A_3035 = arith.constant 11 : i32
      %get3A_3036 = arith.index_cast %get3A_3035 : i32 to index
      %get3A_3037 = arith.constant 48 : index
      %get3A_3038 = tpu.vector_load %arg7[%get3A_3036, %get3A_3037] {strides = array<i32>} : memref<50x128xf32, #tpu.memory_space<vmem>>, vector<1x16xf32>,
      %get3A_3039 = vector.shape_cast %get3A_3038 : vector<1x16xf32> to vector<16xf32>
      %add3A_3040 = arith.addf %add3A_2992, %get3A_3039 : vector<16xf32>
      %get3A_3041 = arith.constant 11 : i32
      %get3A_3042 = arith.index_cast %get3A_3041 : i32 to index
      %get3A_3043 = arith.constant 64 : index
      %get3A_3044 = tpu.vector_load %arg7[%get3A_3042, %get3A_3043] {strides = array<i32>} : memref<50x128xf32, #tpu.memory_space<vmem>>, vector<1x16xf32>,
      %get3A_3045 = vector.shape_cast %get3A_3044 : vector<1x16xf32> to vector<16xf32>
      %add3A_3046 = arith.addf %add3A_2998, %get3A_3045 : vector<16xf32>
      %get3A_3047 = arith.constant 11 : i32
      %get3A_3048 = arith.index_cast %get3A_3047 : i32 to index
      %get3A_3049 = arith.constant 80 : index
      %get3A_3050 = tpu.vector_load %arg7[%get3A_3048, %get3A_3049] {strides = array<i32>} : memref<50x128xf32, #tpu.memory_space<vmem>>, vector<1x16xf32>,
      %get3A_3051 = vector.shape_cast %get3A_3050 : vector<1x16xf32> to vector<16xf32>
      %add3A_3052 = arith.addf %add3A_3004, %get3A_3051 : vector<16xf32>
      %get3A_3053 = arith.constant 11 : i32
      %get3A_3054 = arith.index_cast %get3A_3053 : i32 to index
      %get3A_3055 = arith.constant 96 : index
      %get3A_3056 = tpu.vector_load %arg7[%get3A_3054, %get3A_3055] {strides = array<i32>} : memref<50x128xf32, #tpu.memory_space<vmem>>, vector<1x16xf32>,
      %get3A_3057 = vector.shape_cast %get3A_3056 : vector<1x16xf32> to vector<16xf32>
      %add3A_3058 = arith.addf %add3A_3010, %get3A_3057 : vector<16xf32>
      %get3A_3059 = arith.constant 11 : i32
      %get3A_3060 = arith.index_cast %get3A_3059 : i32 to index
      %get3A_3061 = arith.constant 112 : index
      %get3A_3062 = tpu.vector_load %arg7[%get3A_3060, %get3A_3061] {strides = array<i32>} : memref<50x128xf32, #tpu.memory_space<vmem>>, vector<1x16xf32>,
      %get3A_3063 = vector.shape_cast %get3A_3062 : vector<1x16xf32> to vector<16xf32>
      %add3A_3064 = arith.addf %add3A_3016, %get3A_3063 : vector<16xf32>
      %get3A_3065 = arith.constant 12 : i32
      %get3A_3066 = arith.index_cast %get3A_3065 : i32 to index
      %get3A_3067 = arith.constant 0 : index
      %get3A_3068 = tpu.vector_load %arg7[%get3A_3066, %get3A_3067] {strides = array<i32>} : memref<50x128xf32, #tpu.memory_space<vmem>>, vector<1x16xf32>,
      %get3A_3069 = vector.shape_cast %get3A_3068 : vector<1x16xf32> to vector<16xf32>
      %add3A_3070 = arith.addf %add3A_3022, %get3A_3069 : vector<16xf32>
      %get3A_3071 = arith.constant 12 : i32
      %get3A_3072 = arith.index_cast %get3A_3071 : i32 to index
      %get3A_3073 = arith.constant 16 : index
      %get3A_3074 = tpu.vector_load %arg7[%get3A_3072, %get3A_3073] {strides = array<i32>} : memref<50x128xf32, #tpu.memory_space<vmem>>, vector<1x16xf32>,
      %get3A_3075 = vector.shape_cast %get3A_3074 : vector<1x16xf32> to vector<16xf32>
      %add3A_3076 = arith.addf %add3A_3028, %get3A_3075 : vector<16xf32>
      %get3A_3077 = arith.constant 12 : i32
      %get3A_3078 = arith.index_cast %get3A_3077 : i32 to index
      %get3A_3079 = arith.constant 32 : index
      %get3A_3080 = tpu.vector_load %arg7[%get3A_3078, %get3A_3079] {strides = array<i32>} : memref<50x128xf32, #tpu.memory_space<vmem>>, vector<1x16xf32>,
      %get3A_3081 = vector.shape_cast %get3A_3080 : vector<1x16xf32> to vector<16xf32>
      %add3A_3082 = arith.addf %add3A_3034, %get3A_3081 : vector<16xf32>
      %get3A_3083 = arith.constant 12 : i32
      %get3A_3084 = arith.index_cast %get3A_3083 : i32 to index
      %get3A_3085 = arith.constant 48 : index
      %get3A_3086 = tpu.vector_load %arg7[%get3A_3084, %get3A_3085] {strides = array<i32>} : memref<50x128xf32, #tpu.memory_space<vmem>>, vector<1x16xf32>,
      %get3A_3087 = vector.shape_cast %get3A_3086 : vector<1x16xf32> to vector<16xf32>
      %add3A_3088 = arith.addf %add3A_3040, %get3A_3087 : vector<16xf32>
      %get3A_3089 = arith.constant 12 : i32
      %get3A_3090 = arith.index_cast %get3A_3089 : i32 to index
      %get3A_3091 = arith.constant 64 : index
      %get3A_3092 = tpu.vector_load %arg7[%get3A_3090, %get3A_3091] {strides = array<i32>} : memref<50x128xf32, #tpu.memory_space<vmem>>, vector<1x16xf32>,
      %get3A_3093 = vector.shape_cast %get3A_3092 : vector<1x16xf32> to vector<16xf32>
      %add3A_3094 = arith.addf %add3A_3046, %get3A_3093 : vector<16xf32>
      %get3A_3095 = arith.constant 12 : i32
      %get3A_3096 = arith.index_cast %get3A_3095 : i32 to index
      %get3A_3097 = arith.constant 80 : index
      %get3A_3098 = tpu.vector_load %arg7[%get3A_3096, %get3A_3097] {strides = array<i32>} : memref<50x128xf32, #tpu.memory_space<vmem>>, vector<1x16xf32>,
      %get3A_3099 = vector.shape_cast %get3A_3098 : vector<1x16xf32> to vector<16xf32>
      %add3A_3100 = arith.addf %add3A_3052, %get3A_3099 : vector<16xf32>
      %get3A_3101 = arith.constant 12 : i32
      %get3A_3102 = arith.index_cast %get3A_3101 : i32 to index
      %get3A_3103 = arith.constant 96 : index
      %get3A_3104 = tpu.vector_load %arg7[%get3A_3102, %get3A_3103] {strides = array<i32>} : memref<50x128xf32, #tpu.memory_space<vmem>>, vector<1x16xf32>,
      %get3A_3105 = vector.shape_cast %get3A_3104 : vector<1x16xf32> to vector<16xf32>
      %add3A_3106 = arith.addf %add3A_3058, %get3A_3105 : vector<16xf32>
      %get3A_3107 = arith.constant 12 : i32
      %get3A_3108 = arith.index_cast %get3A_3107 : i32 to index
      %get3A_3109 = arith.constant 112 : index
      %get3A_3110 = tpu.vector_load %arg7[%get3A_3108, %get3A_3109] {strides = array<i32>} : memref<50x128xf32, #tpu.memory_space<vmem>>, vector<1x16xf32>,
      %get3A_3111 = vector.shape_cast %get3A_3110 : vector<1x16xf32> to vector<16xf32>
      %add3A_3112 = arith.addf %add3A_3064, %get3A_3111 : vector<16xf32>
      %get3A_3113 = arith.constant 13 : i32
      %get3A_3114 = arith.index_cast %get3A_3113 : i32 to index
      %get3A_3115 = arith.constant 0 : index
      %get3A_3116 = tpu.vector_load %arg7[%get3A_3114, %get3A_3115] {strides = array<i32>} : memref<50x128xf32, #tpu.memory_space<vmem>>, vector<1x16xf32>,
      %get3A_3117 = vector.shape_cast %get3A_3116 : vector<1x16xf32> to vector<16xf32>
      %add3A_3118 = arith.addf %add3A_3070, %get3A_3117 : vector<16xf32>
      %get3A_3119 = arith.constant 13 : i32
      %get3A_3120 = arith.index_cast %get3A_3119 : i32 to index
      %get3A_3121 = arith.constant 16 : index
      %get3A_3122 = tpu.vector_load %arg7[%get3A_3120, %get3A_3121] {strides = array<i32>} : memref<50x128xf32, #tpu.memory_space<vmem>>, vector<1x16xf32>,
      %get3A_3123 = vector.shape_cast %get3A_3122 : vector<1x16xf32> to vector<16xf32>
      %add3A_3124 = arith.addf %add3A_3076, %get3A_3123 : vector<16xf32>
      %get3A_3125 = arith.constant 13 : i32
      %get3A_3126 = arith.index_cast %get3A_3125 : i32 to index
      %get3A_3127 = arith.constant 32 : index
      %get3A_3128 = tpu.vector_load %arg7[%get3A_3126, %get3A_3127] {strides = array<i32>} : memref<50x128xf32, #tpu.memory_space<vmem>>, vector<1x16xf32>,
      %get3A_3129 = vector.shape_cast %get3A_3128 : vector<1x16xf32> to vector<16xf32>
      %add3A_3130 = arith.addf %add3A_3082, %get3A_3129 : vector<16xf32>
      %get3A_3131 = arith.constant 13 : i32
      %get3A_3132 = arith.index_cast %get3A_3131 : i32 to index
      %get3A_3133 = arith.constant 48 : index
      %get3A_3134 = tpu.vector_load %arg7[%get3A_3132, %get3A_3133] {strides = array<i32>} : memref<50x128xf32, #tpu.memory_space<vmem>>, vector<1x16xf32>,
      %get3A_3135 = vector.shape_cast %get3A_3134 : vector<1x16xf32> to vector<16xf32>
      %add3A_3136 = arith.addf %add3A_3088, %get3A_3135 : vector<16xf32>
      %get3A_3137 = arith.constant 13 : i32
      %get3A_3138 = arith.index_cast %get3A_3137 : i32 to index
      %get3A_3139 = arith.constant 64 : index
      %get3A_3140 = tpu.vector_load %arg7[%get3A_3138, %get3A_3139] {strides = array<i32>} : memref<50x128xf32, #tpu.memory_space<vmem>>, vector<1x16xf32>,
      %get3A_3141 = vector.shape_cast %get3A_3140 : vector<1x16xf32> to vector<16xf32>
      %add3A_3142 = arith.addf %add3A_3094, %get3A_3141 : vector<16xf32>
      %get3A_3143 = arith.constant 13 : i32
      %get3A_3144 = arith.index_cast %get3A_3143 : i32 to index
      %get3A_3145 = arith.constant 80 : index
      %get3A_3146 = tpu.vector_load %arg7[%get3A_3144, %get3A_3145] {strides = array<i32>} : memref<50x128xf32, #tpu.memory_space<vmem>>, vector<1x16xf32>,
      %get3A_3147 = vector.shape_cast %get3A_3146 : vector<1x16xf32> to vector<16xf32>
      %add3A_3148 = arith.addf %add3A_3100, %get3A_3147 : vector<16xf32>
      %get3A_3149 = arith.constant 13 : i32
      %get3A_3150 = arith.index_cast %get3A_3149 : i32 to index
      %get3A_3151 = arith.constant 96 : index
      %get3A_3152 = tpu.vector_load %arg7[%get3A_3150, %get3A_3151] {strides = array<i32>} : memref<50x128xf32, #tpu.memory_space<vmem>>, vector<1x16xf32>,
      %get3A_3153 = vector.shape_cast %get3A_3152 : vector<1x16xf32> to vector<16xf32>
      %add3A_3154 = arith.addf %add3A_3106, %get3A_3153 : vector<16xf32>
      %get3A_3155 = arith.constant 13 : i32
      %get3A_3156 = arith.index_cast %get3A_3155 : i32 to index
      %get3A_3157 = arith.constant 112 : index
      %get3A_3158 = tpu.vector_load %arg7[%get3A_3156, %get3A_3157] {strides = array<i32>} : memref<50x128xf32, #tpu.memory_space<vmem>>, vector<1x16xf32>,
      %get3A_3159 = vector.shape_cast %get3A_3158 : vector<1x16xf32> to vector<16xf32>
      %add3A_3160 = arith.addf %add3A_3112, %get3A_3159 : vector<16xf32>
      %get3A_3161 = arith.constant 14 : i32
      %get3A_3162 = arith.index_cast %get3A_3161 : i32 to index
      %get3A_3163 = arith.constant 0 : index
      %get3A_3164 = tpu.vector_load %arg7[%get3A_3162, %get3A_3163] {strides = array<i32>} : memref<50x128xf32, #tpu.memory_space<vmem>>, vector<1x16xf32>,
      %get3A_3165 = vector.shape_cast %get3A_3164 : vector<1x16xf32> to vector<16xf32>
      %add3A_3166 = arith.addf %add3A_3118, %get3A_3165 : vector<16xf32>
      %get3A_3167 = arith.constant 14 : i32
      %get3A_3168 = arith.index_cast %get3A_3167 : i32 to index
      %get3A_3169 = arith.constant 16 : index
      %get3A_3170 = tpu.vector_load %arg7[%get3A_3168, %get3A_3169] {strides = array<i32>} : memref<50x128xf32, #tpu.memory_space<vmem>>, vector<1x16xf32>,
      %get3A_3171 = vector.shape_cast %get3A_3170 : vector<1x16xf32> to vector<16xf32>
      %add3A_3172 = arith.addf %add3A_3124, %get3A_3171 : vector<16xf32>
      %get3A_3173 = arith.constant 14 : i32
      %get3A_3174 = arith.index_cast %get3A_3173 : i32 to index
      %get3A_3175 = arith.constant 32 : index
      %get3A_3176 = tpu.vector_load %arg7[%get3A_3174, %get3A_3175] {strides = array<i32>} : memref<50x128xf32, #tpu.memory_space<vmem>>, vector<1x16xf32>,
      %get3A_3177 = vector.shape_cast %get3A_3176 : vector<1x16xf32> to vector<16xf32>
      %add3A_3178 = arith.addf %add3A_3130, %get3A_3177 : vector<16xf32>
      %get3A_3179 = arith.constant 14 : i32
      %get3A_3180 = arith.index_cast %get3A_3179 : i32 to index
      %get3A_3181 = arith.constant 48 : index
      %get3A_3182 = tpu.vector_load %arg7[%get3A_3180, %get3A_3181] {strides = array<i32>} : memref<50x128xf32, #tpu.memory_space<vmem>>, vector<1x16xf32>,
      %get3A_3183 = vector.shape_cast %get3A_3182 : vector<1x16xf32> to vector<16xf32>
      %add3A_3184 = arith.addf %add3A_3136, %get3A_3183 : vector<16xf32>
      %get3A_3185 = arith.constant 14 : i32
      %get3A_3186 = arith.index_cast %get3A_3185 : i32 to index
      %get3A_3187 = arith.constant 64 : index
      %get3A_3188 = tpu.vector_load %arg7[%get3A_3186, %get3A_3187] {strides = array<i32>} : memref<50x128xf32, #tpu.memory_space<vmem>>, vector<1x16xf32>,
      %get3A_3189 = vector.shape_cast %get3A_3188 : vector<1x16xf32> to vector<16xf32>
      %add3A_3190 = arith.addf %add3A_3142, %get3A_3189 : vector<16xf32>
      %get3A_3191 = arith.constant 14 : i32
      %get3A_3192 = arith.index_cast %get3A_3191 : i32 to index
      %get3A_3193 = arith.constant 80 : index
      %get3A_3194 = tpu.vector_load %arg7[%get3A_3192, %get3A_3193] {strides = array<i32>} : memref<50x128xf32, #tpu.memory_space<vmem>>, vector<1x16xf32>,
      %get3A_3195 = vector.shape_cast %get3A_3194 : vector<1x16xf32> to vector<16xf32>
      %add3A_3196 = arith.addf %add3A_3148, %get3A_3195 : vector<16xf32>
      %get3A_3197 = arith.constant 14 : i32
      %get3A_3198 = arith.index_cast %get3A_3197 : i32 to index
      %get3A_3199 = arith.constant 96 : index
      %get3A_3200 = tpu.vector_load %arg7[%get3A_3198, %get3A_3199] {strides = array<i32>} : memref<50x128xf32, #tpu.memory_space<vmem>>, vector<1x16xf32>,
      %get3A_3201 = vector.shape_cast %get3A_3200 : vector<1x16xf32> to vector<16xf32>
      %add3A_3202 = arith.addf %add3A_3154, %get3A_3201 : vector<16xf32>
      %get3A_3203 = arith.constant 14 : i32
      %get3A_3204 = arith.index_cast %get3A_3203 : i32 to index
      %get3A_3205 = arith.constant 112 : index
      %get3A_3206 = tpu.vector_load %arg7[%get3A_3204, %get3A_3205] {strides = array<i32>} : memref<50x128xf32, #tpu.memory_space<vmem>>, vector<1x16xf32>,
      %get3A_3207 = vector.shape_cast %get3A_3206 : vector<1x16xf32> to vector<16xf32>
      %add3A_3208 = arith.addf %add3A_3160, %get3A_3207 : vector<16xf32>
      %get3A_3209 = arith.constant 15 : i32
      %get3A_3210 = arith.index_cast %get3A_3209 : i32 to index
      %get3A_3211 = arith.constant 0 : index
      %get3A_3212 = tpu.vector_load %arg7[%get3A_3210, %get3A_3211] {strides = array<i32>} : memref<50x128xf32, #tpu.memory_space<vmem>>, vector<1x16xf32>,
      %get3A_3213 = vector.shape_cast %get3A_3212 : vector<1x16xf32> to vector<16xf32>
      %add3A_3214 = arith.addf %add3A_3166, %get3A_3213 : vector<16xf32>
      %get3A_3215 = arith.constant 15 : i32
      %get3A_3216 = arith.index_cast %get3A_3215 : i32 to index
      %get3A_3217 = arith.constant 16 : index
      %get3A_3218 = tpu.vector_load %arg7[%get3A_3216, %get3A_3217] {strides = array<i32>} : memref<50x128xf32, #tpu.memory_space<vmem>>, vector<1x16xf32>,
      %get3A_3219 = vector.shape_cast %get3A_3218 : vector<1x16xf32> to vector<16xf32>
      %add3A_3220 = arith.addf %add3A_3172, %get3A_3219 : vector<16xf32>
      %get3A_3221 = arith.constant 15 : i32
      %get3A_3222 = arith.index_cast %get3A_3221 : i32 to index
      %get3A_3223 = arith.constant 32 : index
      %get3A_3224 = tpu.vector_load %arg7[%get3A_3222, %get3A_3223] {strides = array<i32>} : memref<50x128xf32, #tpu.memory_space<vmem>>, vector<1x16xf32>,
      %get3A_3225 = vector.shape_cast %get3A_3224 : vector<1x16xf32> to vector<16xf32>
      %add3A_3226 = arith.addf %add3A_3178, %get3A_3225 : vector<16xf32>
      %get3A_3227 = arith.constant 15 : i32
      %get3A_3228 = arith.index_cast %get3A_3227 : i32 to index
      %get3A_3229 = arith.constant 48 : index
      %get3A_3230 = tpu.vector_load %arg7[%get3A_3228, %get3A_3229] {strides = array<i32>} : memref<50x128xf32, #tpu.memory_space<vmem>>, vector<1x16xf32>,
      %get3A_3231 = vector.shape_cast %get3A_3230 : vector<1x16xf32> to vector<16xf32>
      %add3A_3232 = arith.addf %add3A_3184, %get3A_3231 : vector<16xf32>
      %get3A_3233 = arith.constant 15 : i32
      %get3A_3234 = arith.index_cast %get3A_3233 : i32 to index
      %get3A_3235 = arith.constant 64 : index
      %get3A_3236 = tpu.vector_load %arg7[%get3A_3234, %get3A_3235] {strides = array<i32>} : memref<50x128xf32, #tpu.memory_space<vmem>>, vector<1x16xf32>,
      %get3A_3237 = vector.shape_cast %get3A_3236 : vector<1x16xf32> to vector<16xf32>
      %add3A_3238 = arith.addf %add3A_3190, %get3A_3237 : vector<16xf32>
      %get3A_3239 = arith.constant 15 : i32
      %get3A_3240 = arith.index_cast %get3A_3239 : i32 to index
      %get3A_3241 = arith.constant 80 : index
      %get3A_3242 = tpu.vector_load %arg7[%get3A_3240, %get3A_3241] {strides = array<i32>} : memref<50x128xf32, #tpu.memory_space<vmem>>, vector<1x16xf32>,
      %get3A_3243 = vector.shape_cast %get3A_3242 : vector<1x16xf32> to vector<16xf32>
      %add3A_3244 = arith.addf %add3A_3196, %get3A_3243 : vector<16xf32>
      %get3A_3245 = arith.constant 15 : i32
      %get3A_3246 = arith.index_cast %get3A_3245 : i32 to index
      %get3A_3247 = arith.constant 96 : index
      %get3A_3248 = tpu.vector_load %arg7[%get3A_3246, %get3A_3247] {strides = array<i32>} : memref<50x128xf32, #tpu.memory_space<vmem>>, vector<1x16xf32>,
      %get3A_3249 = vector.shape_cast %get3A_3248 : vector<1x16xf32> to vector<16xf32>
      %add3A_3250 = arith.addf %add3A_3202, %get3A_3249 : vector<16xf32>
      %get3A_3251 = arith.constant 15 : i32
      %get3A_3252 = arith.index_cast %get3A_3251 : i32 to index
      %get3A_3253 = arith.constant 112 : index
      %get3A_3254 = tpu.vector_load %arg7[%get3A_3252, %get3A_3253] {strides = array<i32>} : memref<50x128xf32, #tpu.memory_space<vmem>>, vector<1x16xf32>,
      %get3A_3255 = vector.shape_cast %get3A_3254 : vector<1x16xf32> to vector<16xf32>
      %add3A_3256 = arith.addf %add3A_3208, %get3A_3255 : vector<16xf32>
      %get3A_3257 = arith.constant 16 : i32
      %get3A_3258 = arith.index_cast %get3A_3257 : i32 to index
      %get3A_3259 = arith.constant 0 : index
      %get3A_3260 = tpu.vector_load %arg7[%get3A_3258, %get3A_3259] {strides = array<i32>} : memref<50x128xf32, #tpu.memory_space<vmem>>, vector<1x16xf32>,
      %get3A_3261 = vector.shape_cast %get3A_3260 : vector<1x16xf32> to vector<16xf32>
      %add3A_3262 = arith.addf %add3A_3214, %get3A_3261 : vector<16xf32>
      %get3A_3263 = arith.constant 16 : i32
      %get3A_3264 = arith.index_cast %get3A_3263 : i32 to index
      %get3A_3265 = arith.constant 16 : index
      %get3A_3266 = tpu.vector_load %arg7[%get3A_3264, %get3A_3265] {strides = array<i32>} : memref<50x128xf32, #tpu.memory_space<vmem>>, vector<1x16xf32>,
      %get3A_3267 = vector.shape_cast %get3A_3266 : vector<1x16xf32> to vector<16xf32>
      %add3A_3268 = arith.addf %add3A_3220, %get3A_3267 : vector<16xf32>
      %get3A_3269 = arith.constant 16 : i32
      %get3A_3270 = arith.index_cast %get3A_3269 : i32 to index
      %get3A_3271 = arith.constant 32 : index
      %get3A_3272 = tpu.vector_load %arg7[%get3A_3270, %get3A_3271] {strides = array<i32>} : memref<50x128xf32, #tpu.memory_space<vmem>>, vector<1x16xf32>,
      %get3A_3273 = vector.shape_cast %get3A_3272 : vector<1x16xf32> to vector<16xf32>
      %add3A_3274 = arith.addf %add3A_3226, %get3A_3273 : vector<16xf32>
      %get3A_3275 = arith.constant 16 : i32
      %get3A_3276 = arith.index_cast %get3A_3275 : i32 to index
      %get3A_3277 = arith.constant 48 : index
      %get3A_3278 = tpu.vector_load %arg7[%get3A_3276, %get3A_3277] {strides = array<i32>} : memref<50x128xf32, #tpu.memory_space<vmem>>, vector<1x16xf32>,
      %get3A_3279 = vector.shape_cast %get3A_3278 : vector<1x16xf32> to vector<16xf32>
      %add3A_3280 = arith.addf %add3A_3232, %get3A_3279 : vector<16xf32>
      %get3A_3281 = arith.constant 16 : i32
      %get3A_3282 = arith.index_cast %get3A_3281 : i32 to index
      %get3A_3283 = arith.constant 64 : index
      %get3A_3284 = tpu.vector_load %arg7[%get3A_3282, %get3A_3283] {strides = array<i32>} : memref<50x128xf32, #tpu.memory_space<vmem>>, vector<1x16xf32>,
      %get3A_3285 = vector.shape_cast %get3A_3284 : vector<1x16xf32> to vector<16xf32>
      %add3A_3286 = arith.addf %add3A_3238, %get3A_3285 : vector<16xf32>
      %get3A_3287 = arith.constant 16 : i32
      %get3A_3288 = arith.index_cast %get3A_3287 : i32 to index
      %get3A_3289 = arith.constant 80 : index
      %get3A_3290 = tpu.vector_load %arg7[%get3A_3288, %get3A_3289] {strides = array<i32>} : memref<50x128xf32, #tpu.memory_space<vmem>>, vector<1x16xf32>,
      %get3A_3291 = vector.shape_cast %get3A_3290 : vector<1x16xf32> to vector<16xf32>
      %add3A_3292 = arith.addf %add3A_3244, %get3A_3291 : vector<16xf32>
      %get3A_3293 = arith.constant 16 : i32
      %get3A_3294 = arith.index_cast %get3A_3293 : i32 to index
      %get3A_3295 = arith.constant 96 : index
      %get3A_3296 = tpu.vector_load %arg7[%get3A_3294, %get3A_3295] {strides = array<i32>} : memref<50x128xf32, #tpu.memory_space<vmem>>, vector<1x16xf32>,
      %get3A_3297 = vector.shape_cast %get3A_3296 : vector<1x16xf32> to vector<16xf32>
      %add3A_3298 = arith.addf %add3A_3250, %get3A_3297 : vector<16xf32>
      %get3A_3299 = arith.constant 16 : i32
      %get3A_3300 = arith.index_cast %get3A_3299 : i32 to index
      %get3A_3301 = arith.constant 112 : index
      %get3A_3302 = tpu.vector_load %arg7[%get3A_3300, %get3A_3301] {strides = array<i32>} : memref<50x128xf32, #tpu.memory_space<vmem>>, vector<1x16xf32>,
      %get3A_3303 = vector.shape_cast %get3A_3302 : vector<1x16xf32> to vector<16xf32>
      %add3A_3304 = arith.addf %add3A_3256, %get3A_3303 : vector<16xf32>
      %get3A_3305 = arith.constant 17 : i32
      %get3A_3306 = arith.index_cast %get3A_3305 : i32 to index
      %get3A_3307 = arith.constant 0 : index
      %get3A_3308 = tpu.vector_load %arg7[%get3A_3306, %get3A_3307] {strides = array<i32>} : memref<50x128xf32, #tpu.memory_space<vmem>>, vector<1x16xf32>,
      %get3A_3309 = vector.shape_cast %get3A_3308 : vector<1x16xf32> to vector<16xf32>
      %add3A_3310 = arith.addf %add3A_3262, %get3A_3309 : vector<16xf32>
      %get3A_3311 = arith.constant 17 : i32
      %get3A_3312 = arith.index_cast %get3A_3311 : i32 to index
      %get3A_3313 = arith.constant 16 : index
      %get3A_3314 = tpu.vector_load %arg7[%get3A_3312, %get3A_3313] {strides = array<i32>} : memref<50x128xf32, #tpu.memory_space<vmem>>, vector<1x16xf32>,
      %get3A_3315 = vector.shape_cast %get3A_3314 : vector<1x16xf32> to vector<16xf32>
      %add3A_3316 = arith.addf %add3A_3268, %get3A_3315 : vector<16xf32>
      %get3A_3317 = arith.constant 17 : i32
      %get3A_3318 = arith.index_cast %get3A_3317 : i32 to index
      %get3A_3319 = arith.constant 32 : index
      %get3A_3320 = tpu.vector_load %arg7[%get3A_3318, %get3A_3319] {strides = array<i32>} : memref<50x128xf32, #tpu.memory_space<vmem>>, vector<1x16xf32>,
      %get3A_3321 = vector.shape_cast %get3A_3320 : vector<1x16xf32> to vector<16xf32>
      %add3A_3322 = arith.addf %add3A_3274, %get3A_3321 : vector<16xf32>
      %get3A_3323 = arith.constant 17 : i32
      %get3A_3324 = arith.index_cast %get3A_3323 : i32 to index
      %get3A_3325 = arith.constant 48 : index
      %get3A_3326 = tpu.vector_load %arg7[%get3A_3324, %get3A_3325] {strides = array<i32>} : memref<50x128xf32, #tpu.memory_space<vmem>>, vector<1x16xf32>,
      %get3A_3327 = vector.shape_cast %get3A_3326 : vector<1x16xf32> to vector<16xf32>
      %add3A_3328 = arith.addf %add3A_3280, %get3A_3327 : vector<16xf32>
      %get3A_3329 = arith.constant 17 : i32
      %get3A_3330 = arith.index_cast %get3A_3329 : i32 to index
      %get3A_3331 = arith.constant 64 : index
      %get3A_3332 = tpu.vector_load %arg7[%get3A_3330, %get3A_3331] {strides = array<i32>} : memref<50x128xf32, #tpu.memory_space<vmem>>, vector<1x16xf32>,
      %get3A_3333 = vector.shape_cast %get3A_3332 : vector<1x16xf32> to vector<16xf32>
      %add3A_3334 = arith.addf %add3A_3286, %get3A_3333 : vector<16xf32>
      %get3A_3335 = arith.constant 17 : i32
      %get3A_3336 = arith.index_cast %get3A_3335 : i32 to index
      %get3A_3337 = arith.constant 80 : index
      %get3A_3338 = tpu.vector_load %arg7[%get3A_3336, %get3A_3337] {strides = array<i32>} : memref<50x128xf32, #tpu.memory_space<vmem>>, vector<1x16xf32>,
      %get3A_3339 = vector.shape_cast %get3A_3338 : vector<1x16xf32> to vector<16xf32>
      %add3A_3340 = arith.addf %add3A_3292, %get3A_3339 : vector<16xf32>
      %get3A_3341 = arith.constant 17 : i32
      %get3A_3342 = arith.index_cast %get3A_3341 : i32 to index
      %get3A_3343 = arith.constant 96 : index
      %get3A_3344 = tpu.vector_load %arg7[%get3A_3342, %get3A_3343] {strides = array<i32>} : memref<50x128xf32, #tpu.memory_space<vmem>>, vector<1x16xf32>,
      %get3A_3345 = vector.shape_cast %get3A_3344 : vector<1x16xf32> to vector<16xf32>
      %add3A_3346 = arith.addf %add3A_3298, %get3A_3345 : vector<16xf32>
      %get3A_3347 = arith.constant 17 : i32
      %get3A_3348 = arith.index_cast %get3A_3347 : i32 to index
      %get3A_3349 = arith.constant 112 : index
      %get3A_3350 = tpu.vector_load %arg7[%get3A_3348, %get3A_3349] {strides = array<i32>} : memref<50x128xf32, #tpu.memory_space<vmem>>, vector<1x16xf32>,
      %get3A_3351 = vector.shape_cast %get3A_3350 : vector<1x16xf32> to vector<16xf32>
      %add3A_3352 = arith.addf %add3A_3304, %get3A_3351 : vector<16xf32>
      %get3A_3353 = arith.constant 18 : i32
      %get3A_3354 = arith.index_cast %get3A_3353 : i32 to index
      %get3A_3355 = arith.constant 0 : index
      %get3A_3356 = tpu.vector_load %arg7[%get3A_3354, %get3A_3355] {strides = array<i32>} : memref<50x128xf32, #tpu.memory_space<vmem>>, vector<1x16xf32>,
      %get3A_3357 = vector.shape_cast %get3A_3356 : vector<1x16xf32> to vector<16xf32>
      %add3A_3358 = arith.addf %add3A_3310, %get3A_3357 : vector<16xf32>
      %get3A_3359 = arith.constant 18 : i32
      %get3A_3360 = arith.index_cast %get3A_3359 : i32 to index
      %get3A_3361 = arith.constant 16 : index
      %get3A_3362 = tpu.vector_load %arg7[%get3A_3360, %get3A_3361] {strides = array<i32>} : memref<50x128xf32, #tpu.memory_space<vmem>>, vector<1x16xf32>,
      %get3A_3363 = vector.shape_cast %get3A_3362 : vector<1x16xf32> to vector<16xf32>
      %add3A_3364 = arith.addf %add3A_3316, %get3A_3363 : vector<16xf32>
      %get3A_3365 = arith.constant 18 : i32
      %get3A_3366 = arith.index_cast %get3A_3365 : i32 to index
      %get3A_3367 = arith.constant 32 : index
      %get3A_3368 = tpu.vector_load %arg7[%get3A_3366, %get3A_3367] {strides = array<i32>} : memref<50x128xf32, #tpu.memory_space<vmem>>, vector<1x16xf32>,
      %get3A_3369 = vector.shape_cast %get3A_3368 : vector<1x16xf32> to vector<16xf32>
      %add3A_3370 = arith.addf %add3A_3322, %get3A_3369 : vector<16xf32>
      %get3A_3371 = arith.constant 18 : i32
      %get3A_3372 = arith.index_cast %get3A_3371 : i32 to index
      %get3A_3373 = arith.constant 48 : index
      %get3A_3374 = tpu.vector_load %arg7[%get3A_3372, %get3A_3373] {strides = array<i32>} : memref<50x128xf32, #tpu.memory_space<vmem>>, vector<1x16xf32>,
      %get3A_3375 = vector.shape_cast %get3A_3374 : vector<1x16xf32> to vector<16xf32>
      %add3A_3376 = arith.addf %add3A_3328, %get3A_3375 : vector<16xf32>
      %get3A_3377 = arith.constant 18 : i32
      %get3A_3378 = arith.index_cast %get3A_3377 : i32 to index
      %get3A_3379 = arith.constant 64 : index
      %get3A_3380 = tpu.vector_load %arg7[%get3A_3378, %get3A_3379] {strides = array<i32>} : memref<50x128xf32, #tpu.memory_space<vmem>>, vector<1x16xf32>,
      %get3A_3381 = vector.shape_cast %get3A_3380 : vector<1x16xf32> to vector<16xf32>
      %add3A_3382 = arith.addf %add3A_3334, %get3A_3381 : vector<16xf32>
      %get3A_3383 = arith.constant 18 : i32
      %get3A_3384 = arith.index_cast %get3A_3383 : i32 to index
      %get3A_3385 = arith.constant 80 : index
      %get3A_3386 = tpu.vector_load %arg7[%get3A_3384, %get3A_3385] {strides = array<i32>} : memref<50x128xf32, #tpu.memory_space<vmem>>, vector<1x16xf32>,
      %get3A_3387 = vector.shape_cast %get3A_3386 : vector<1x16xf32> to vector<16xf32>
      %add3A_3388 = arith.addf %add3A_3340, %get3A_3387 : vector<16xf32>
      %get3A_3389 = arith.constant 18 : i32
      %get3A_3390 = arith.index_cast %get3A_3389 : i32 to index
      %get3A_3391 = arith.constant 96 : index
      %get3A_3392 = tpu.vector_load %arg7[%get3A_3390, %get3A_3391] {strides = array<i32>} : memref<50x128xf32, #tpu.memory_space<vmem>>, vector<1x16xf32>,
      %get3A_3393 = vector.shape_cast %get3A_3392 : vector<1x16xf32> to vector<16xf32>
      %add3A_3394 = arith.addf %add3A_3346, %get3A_3393 : vector<16xf32>
      %get3A_3395 = arith.constant 18 : i32
      %get3A_3396 = arith.index_cast %get3A_3395 : i32 to index
      %get3A_3397 = arith.constant 112 : index
      %get3A_3398 = tpu.vector_load %arg7[%get3A_3396, %get3A_3397] {strides = array<i32>} : memref<50x128xf32, #tpu.memory_space<vmem>>, vector<1x16xf32>,
      %get3A_3399 = vector.shape_cast %get3A_3398 : vector<1x16xf32> to vector<16xf32>
      %add3A_3400 = arith.addf %add3A_3352, %get3A_3399 : vector<16xf32>
      %get3A_3401 = arith.constant 19 : i32
      %get3A_3402 = arith.index_cast %get3A_3401 : i32 to index
      %get3A_3403 = arith.constant 0 : index
      %get3A_3404 = tpu.vector_load %arg7[%get3A_3402, %get3A_3403] {strides = array<i32>} : memref<50x128xf32, #tpu.memory_space<vmem>>, vector<1x16xf32>,
      %get3A_3405 = vector.shape_cast %get3A_3404 : vector<1x16xf32> to vector<16xf32>
      %add3A_3406 = arith.addf %add3A_3358, %get3A_3405 : vector<16xf32>
      %get3A_3407 = arith.constant 19 : i32
      %get3A_3408 = arith.index_cast %get3A_3407 : i32 to index
      %get3A_3409 = arith.constant 16 : index
      %get3A_3410 = tpu.vector_load %arg7[%get3A_3408, %get3A_3409] {strides = array<i32>} : memref<50x128xf32, #tpu.memory_space<vmem>>, vector<1x16xf32>,
      %get3A_3411 = vector.shape_cast %get3A_3410 : vector<1x16xf32> to vector<16xf32>
      %add3A_3412 = arith.addf %add3A_3364, %get3A_3411 : vector<16xf32>
      %get3A_3413 = arith.constant 19 : i32
      %get3A_3414 = arith.index_cast %get3A_3413 : i32 to index
      %get3A_3415 = arith.constant 32 : index
      %get3A_3416 = tpu.vector_load %arg7[%get3A_3414, %get3A_3415] {strides = array<i32>} : memref<50x128xf32, #tpu.memory_space<vmem>>, vector<1x16xf32>,
      %get3A_3417 = vector.shape_cast %get3A_3416 : vector<1x16xf32> to vector<16xf32>
      %add3A_3418 = arith.addf %add3A_3370, %get3A_3417 : vector<16xf32>
      %get3A_3419 = arith.constant 19 : i32
      %get3A_3420 = arith.index_cast %get3A_3419 : i32 to index
      %get3A_3421 = arith.constant 48 : index
      %get3A_3422 = tpu.vector_load %arg7[%get3A_3420, %get3A_3421] {strides = array<i32>} : memref<50x128xf32, #tpu.memory_space<vmem>>, vector<1x16xf32>,
      %get3A_3423 = vector.shape_cast %get3A_3422 : vector<1x16xf32> to vector<16xf32>
      %add3A_3424 = arith.addf %add3A_3376, %get3A_3423 : vector<16xf32>
      %get3A_3425 = arith.constant 19 : i32
      %get3A_3426 = arith.index_cast %get3A_3425 : i32 to index
      %get3A_3427 = arith.constant 64 : index
      %get3A_3428 = tpu.vector_load %arg7[%get3A_3426, %get3A_3427] {strides = array<i32>} : memref<50x128xf32, #tpu.memory_space<vmem>>, vector<1x16xf32>,
      %get3A_3429 = vector.shape_cast %get3A_3428 : vector<1x16xf32> to vector<16xf32>
      %add3A_3430 = arith.addf %add3A_3382, %get3A_3429 : vector<16xf32>
      %get3A_3431 = arith.constant 19 : i32
      %get3A_3432 = arith.index_cast %get3A_3431 : i32 to index
      %get3A_3433 = arith.constant 80 : index
      %get3A_3434 = tpu.vector_load %arg7[%get3A_3432, %get3A_3433] {strides = array<i32>} : memref<50x128xf32, #tpu.memory_space<vmem>>, vector<1x16xf32>,
      %get3A_3435 = vector.shape_cast %get3A_3434 : vector<1x16xf32> to vector<16xf32>
      %add3A_3436 = arith.addf %add3A_3388, %get3A_3435 : vector<16xf32>
      %get3A_3437 = arith.constant 19 : i32
      %get3A_3438 = arith.index_cast %get3A_3437 : i32 to index
      %get3A_3439 = arith.constant 96 : index
      %get3A_3440 = tpu.vector_load %arg7[%get3A_3438, %get3A_3439] {strides = array<i32>} : memref<50x128xf32, #tpu.memory_space<vmem>>, vector<1x16xf32>,
      %get3A_3441 = vector.shape_cast %get3A_3440 : vector<1x16xf32> to vector<16xf32>
      %add3A_3442 = arith.addf %add3A_3394, %get3A_3441 : vector<16xf32>
      %get3A_3443 = arith.constant 19 : i32
      %get3A_3444 = arith.index_cast %get3A_3443 : i32 to index
      %get3A_3445 = arith.constant 112 : index
      %get3A_3446 = tpu.vector_load %arg7[%get3A_3444, %get3A_3445] {strides = array<i32>} : memref<50x128xf32, #tpu.memory_space<vmem>>, vector<1x16xf32>,
      %get3A_3447 = vector.shape_cast %get3A_3446 : vector<1x16xf32> to vector<16xf32>
      %add3A_3448 = arith.addf %add3A_3400, %get3A_3447 : vector<16xf32>
      %get3A_3449 = arith.constant 20 : i32
      %get3A_3450 = arith.index_cast %get3A_3449 : i32 to index
      %get3A_3451 = arith.constant 0 : index
      %get3A_3452 = tpu.vector_load %arg7[%get3A_3450, %get3A_3451] {strides = array<i32>} : memref<50x128xf32, #tpu.memory_space<vmem>>, vector<1x16xf32>,
      %get3A_3453 = vector.shape_cast %get3A_3452 : vector<1x16xf32> to vector<16xf32>
      %add3A_3454 = arith.addf %add3A_3406, %get3A_3453 : vector<16xf32>
      %get3A_3455 = arith.constant 20 : i32
      %get3A_3456 = arith.index_cast %get3A_3455 : i32 to index
      %get3A_3457 = arith.constant 16 : index
      %get3A_3458 = tpu.vector_load %arg7[%get3A_3456, %get3A_3457] {strides = array<i32>} : memref<50x128xf32, #tpu.memory_space<vmem>>, vector<1x16xf32>,
      %get3A_3459 = vector.shape_cast %get3A_3458 : vector<1x16xf32> to vector<16xf32>
      %add3A_3460 = arith.addf %add3A_3412, %get3A_3459 : vector<16xf32>
      %get3A_3461 = arith.constant 20 : i32
      %get3A_3462 = arith.index_cast %get3A_3461 : i32 to index
      %get3A_3463 = arith.constant 32 : index
      %get3A_3464 = tpu.vector_load %arg7[%get3A_3462, %get3A_3463] {strides = array<i32>} : memref<50x128xf32, #tpu.memory_space<vmem>>, vector<1x16xf32>,
      %get3A_3465 = vector.shape_cast %get3A_3464 : vector<1x16xf32> to vector<16xf32>
      %add3A_3466 = arith.addf %add3A_3418, %get3A_3465 : vector<16xf32>
      %get3A_3467 = arith.constant 20 : i32
      %get3A_3468 = arith.index_cast %get3A_3467 : i32 to index
      %get3A_3469 = arith.constant 48 : index
      %get3A_3470 = tpu.vector_load %arg7[%get3A_3468, %get3A_3469] {strides = array<i32>} : memref<50x128xf32, #tpu.memory_space<vmem>>, vector<1x16xf32>,
      %get3A_3471 = vector.shape_cast %get3A_3470 : vector<1x16xf32> to vector<16xf32>
      %add3A_3472 = arith.addf %add3A_3424, %get3A_3471 : vector<16xf32>
      %get3A_3473 = arith.constant 20 : i32
      %get3A_3474 = arith.index_cast %get3A_3473 : i32 to index
      %get3A_3475 = arith.constant 64 : index
      %get3A_3476 = tpu.vector_load %arg7[%get3A_3474, %get3A_3475] {strides = array<i32>} : memref<50x128xf32, #tpu.memory_space<vmem>>, vector<1x16xf32>,
      %get3A_3477 = vector.shape_cast %get3A_3476 : vector<1x16xf32> to vector<16xf32>
      %add3A_3478 = arith.addf %add3A_3430, %get3A_3477 : vector<16xf32>
      %get3A_3479 = arith.constant 20 : i32
      %get3A_3480 = arith.index_cast %get3A_3479 : i32 to index
      %get3A_3481 = arith.constant 80 : index
      %get3A_3482 = tpu.vector_load %arg7[%get3A_3480, %get3A_3481] {strides = array<i32>} : memref<50x128xf32, #tpu.memory_space<vmem>>, vector<1x16xf32>,
      %get3A_3483 = vector.shape_cast %get3A_3482 : vector<1x16xf32> to vector<16xf32>
      %add3A_3484 = arith.addf %add3A_3436, %get3A_3483 : vector<16xf32>
      %get3A_3485 = arith.constant 20 : i32
      %get3A_3486 = arith.index_cast %get3A_3485 : i32 to index
      %get3A_3487 = arith.constant 96 : index
      %get3A_3488 = tpu.vector_load %arg7[%get3A_3486, %get3A_3487] {strides = array<i32>} : memref<50x128xf32, #tpu.memory_space<vmem>>, vector<1x16xf32>,
      %get3A_3489 = vector.shape_cast %get3A_3488 : vector<1x16xf32> to vector<16xf32>
      %add3A_3490 = arith.addf %add3A_3442, %get3A_3489 : vector<16xf32>
      %get3A_3491 = arith.constant 20 : i32
      %get3A_3492 = arith.index_cast %get3A_3491 : i32 to index
      %get3A_3493 = arith.constant 112 : index
      %get3A_3494 = tpu.vector_load %arg7[%get3A_3492, %get3A_3493] {strides = array<i32>} : memref<50x128xf32, #tpu.memory_space<vmem>>, vector<1x16xf32>,
      %get3A_3495 = vector.shape_cast %get3A_3494 : vector<1x16xf32> to vector<16xf32>
      %add3A_3496 = arith.addf %add3A_3448, %get3A_3495 : vector<16xf32>
      %get3A_3497 = arith.constant 21 : i32
      %get3A_3498 = arith.index_cast %get3A_3497 : i32 to index
      %get3A_3499 = arith.constant 0 : index
      %get3A_3500 = tpu.vector_load %arg7[%get3A_3498, %get3A_3499] {strides = array<i32>} : memref<50x128xf32, #tpu.memory_space<vmem>>, vector<1x16xf32>,
      %get3A_3501 = vector.shape_cast %get3A_3500 : vector<1x16xf32> to vector<16xf32>
      %add3A_3502 = arith.addf %add3A_3454, %get3A_3501 : vector<16xf32>
      %get3A_3503 = arith.constant 21 : i32
      %get3A_3504 = arith.index_cast %get3A_3503 : i32 to index
      %get3A_3505 = arith.constant 16 : index
      %get3A_3506 = tpu.vector_load %arg7[%get3A_3504, %get3A_3505] {strides = array<i32>} : memref<50x128xf32, #tpu.memory_space<vmem>>, vector<1x16xf32>,
      %get3A_3507 = vector.shape_cast %get3A_3506 : vector<1x16xf32> to vector<16xf32>
      %add3A_3508 = arith.addf %add3A_3460, %get3A_3507 : vector<16xf32>
      %get3A_3509 = arith.constant 21 : i32
      %get3A_3510 = arith.index_cast %get3A_3509 : i32 to index
      %get3A_3511 = arith.constant 32 : index
      %get3A_3512 = tpu.vector_load %arg7[%get3A_3510, %get3A_3511] {strides = array<i32>} : memref<50x128xf32, #tpu.memory_space<vmem>>, vector<1x16xf32>,
      %get3A_3513 = vector.shape_cast %get3A_3512 : vector<1x16xf32> to vector<16xf32>
      %add3A_3514 = arith.addf %add3A_3466, %get3A_3513 : vector<16xf32>
      %get3A_3515 = arith.constant 21 : i32
      %get3A_3516 = arith.index_cast %get3A_3515 : i32 to index
      %get3A_3517 = arith.constant 48 : index
      %get3A_3518 = tpu.vector_load %arg7[%get3A_3516, %get3A_3517] {strides = array<i32>} : memref<50x128xf32, #tpu.memory_space<vmem>>, vector<1x16xf32>,
      %get3A_3519 = vector.shape_cast %get3A_3518 : vector<1x16xf32> to vector<16xf32>
      %add3A_3520 = arith.addf %add3A_3472, %get3A_3519 : vector<16xf32>
      %get3A_3521 = arith.constant 21 : i32
      %get3A_3522 = arith.index_cast %get3A_3521 : i32 to index
      %get3A_3523 = arith.constant 64 : index
      %get3A_3524 = tpu.vector_load %arg7[%get3A_3522, %get3A_3523] {strides = array<i32>} : memref<50x128xf32, #tpu.memory_space<vmem>>, vector<1x16xf32>,
      %get3A_3525 = vector.shape_cast %get3A_3524 : vector<1x16xf32> to vector<16xf32>
      %add3A_3526 = arith.addf %add3A_3478, %get3A_3525 : vector<16xf32>
      %get3A_3527 = arith.constant 21 : i32
      %get3A_3528 = arith.index_cast %get3A_3527 : i32 to index
      %get3A_3529 = arith.constant 80 : index
      %get3A_3530 = tpu.vector_load %arg7[%get3A_3528, %get3A_3529] {strides = array<i32>} : memref<50x128xf32, #tpu.memory_space<vmem>>, vector<1x16xf32>,
      %get3A_3531 = vector.shape_cast %get3A_3530 : vector<1x16xf32> to vector<16xf32>
      %add3A_3532 = arith.addf %add3A_3484, %get3A_3531 : vector<16xf32>
      %get3A_3533 = arith.constant 21 : i32
      %get3A_3534 = arith.index_cast %get3A_3533 : i32 to index
      %get3A_3535 = arith.constant 96 : index
      %get3A_3536 = tpu.vector_load %arg7[%get3A_3534, %get3A_3535] {strides = array<i32>} : memref<50x128xf32, #tpu.memory_space<vmem>>, vector<1x16xf32>,
      %get3A_3537 = vector.shape_cast %get3A_3536 : vector<1x16xf32> to vector<16xf32>
      %add3A_3538 = arith.addf %add3A_3490, %get3A_3537 : vector<16xf32>
      %get3A_3539 = arith.constant 21 : i32
      %get3A_3540 = arith.index_cast %get3A_3539 : i32 to index
      %get3A_3541 = arith.constant 112 : index
      %get3A_3542 = tpu.vector_load %arg7[%get3A_3540, %get3A_3541] {strides = array<i32>} : memref<50x128xf32, #tpu.memory_space<vmem>>, vector<1x16xf32>,
      %get3A_3543 = vector.shape_cast %get3A_3542 : vector<1x16xf32> to vector<16xf32>
      %add3A_3544 = arith.addf %add3A_3496, %get3A_3543 : vector<16xf32>
      %get3A_3545 = arith.constant 22 : i32
      %get3A_3546 = arith.index_cast %get3A_3545 : i32 to index
      %get3A_3547 = arith.constant 0 : index
      %get3A_3548 = tpu.vector_load %arg7[%get3A_3546, %get3A_3547] {strides = array<i32>} : memref<50x128xf32, #tpu.memory_space<vmem>>, vector<1x16xf32>,
      %get3A_3549 = vector.shape_cast %get3A_3548 : vector<1x16xf32> to vector<16xf32>
      %add3A_3550 = arith.addf %add3A_3502, %get3A_3549 : vector<16xf32>
      %get3A_3551 = arith.constant 22 : i32
      %get3A_3552 = arith.index_cast %get3A_3551 : i32 to index
      %get3A_3553 = arith.constant 16 : index
      %get3A_3554 = tpu.vector_load %arg7[%get3A_3552, %get3A_3553] {strides = array<i32>} : memref<50x128xf32, #tpu.memory_space<vmem>>, vector<1x16xf32>,
      %get3A_3555 = vector.shape_cast %get3A_3554 : vector<1x16xf32> to vector<16xf32>
      %add3A_3556 = arith.addf %add3A_3508, %get3A_3555 : vector<16xf32>
      %get3A_3557 = arith.constant 22 : i32
      %get3A_3558 = arith.index_cast %get3A_3557 : i32 to index
      %get3A_3559 = arith.constant 32 : index
      %get3A_3560 = tpu.vector_load %arg7[%get3A_3558, %get3A_3559] {strides = array<i32>} : memref<50x128xf32, #tpu.memory_space<vmem>>, vector<1x16xf32>,
      %get3A_3561 = vector.shape_cast %get3A_3560 : vector<1x16xf32> to vector<16xf32>
      %add3A_3562 = arith.addf %add3A_3514, %get3A_3561 : vector<16xf32>
      %get3A_3563 = arith.constant 22 : i32
      %get3A_3564 = arith.index_cast %get3A_3563 : i32 to index
      %get3A_3565 = arith.constant 48 : index
      %get3A_3566 = tpu.vector_load %arg7[%get3A_3564, %get3A_3565] {strides = array<i32>} : memref<50x128xf32, #tpu.memory_space<vmem>>, vector<1x16xf32>,
      %get3A_3567 = vector.shape_cast %get3A_3566 : vector<1x16xf32> to vector<16xf32>
      %add3A_3568 = arith.addf %add3A_3520, %get3A_3567 : vector<16xf32>
      %get3A_3569 = arith.constant 22 : i32
      %get3A_3570 = arith.index_cast %get3A_3569 : i32 to index
      %get3A_3571 = arith.constant 64 : index
      %get3A_3572 = tpu.vector_load %arg7[%get3A_3570, %get3A_3571] {strides = array<i32>} : memref<50x128xf32, #tpu.memory_space<vmem>>, vector<1x16xf32>,
      %get3A_3573 = vector.shape_cast %get3A_3572 : vector<1x16xf32> to vector<16xf32>
      %add3A_3574 = arith.addf %add3A_3526, %get3A_3573 : vector<16xf32>
      %get3A_3575 = arith.constant 22 : i32
      %get3A_3576 = arith.index_cast %get3A_3575 : i32 to index
      %get3A_3577 = arith.constant 80 : index
      %get3A_3578 = tpu.vector_load %arg7[%get3A_3576, %get3A_3577] {strides = array<i32>} : memref<50x128xf32, #tpu.memory_space<vmem>>, vector<1x16xf32>,
      %get3A_3579 = vector.shape_cast %get3A_3578 : vector<1x16xf32> to vector<16xf32>
      %add3A_3580 = arith.addf %add3A_3532, %get3A_3579 : vector<16xf32>
      %get3A_3581 = arith.constant 22 : i32
      %get3A_3582 = arith.index_cast %get3A_3581 : i32 to index
      %get3A_3583 = arith.constant 96 : index
      %get3A_3584 = tpu.vector_load %arg7[%get3A_3582, %get3A_3583] {strides = array<i32>} : memref<50x128xf32, #tpu.memory_space<vmem>>, vector<1x16xf32>,
      %get3A_3585 = vector.shape_cast %get3A_3584 : vector<1x16xf32> to vector<16xf32>
      %add3A_3586 = arith.addf %add3A_3538, %get3A_3585 : vector<16xf32>
      %get3A_3587 = arith.constant 22 : i32
      %get3A_3588 = arith.index_cast %get3A_3587 : i32 to index
      %get3A_3589 = arith.constant 112 : index
      %get3A_3590 = tpu.vector_load %arg7[%get3A_3588, %get3A_3589] {strides = array<i32>} : memref<50x128xf32, #tpu.memory_space<vmem>>, vector<1x16xf32>,
      %get3A_3591 = vector.shape_cast %get3A_3590 : vector<1x16xf32> to vector<16xf32>
      %add3A_3592 = arith.addf %add3A_3544, %get3A_3591 : vector<16xf32>
      %get3A_3593 = arith.constant 23 : i32
      %get3A_3594 = arith.index_cast %get3A_3593 : i32 to index
      %get3A_3595 = arith.constant 0 : index
      %get3A_3596 = tpu.vector_load %arg7[%get3A_3594, %get3A_3595] {strides = array<i32>} : memref<50x128xf32, #tpu.memory_space<vmem>>, vector<1x16xf32>,
      %get3A_3597 = vector.shape_cast %get3A_3596 : vector<1x16xf32> to vector<16xf32>
      %add3A_3598 = arith.addf %add3A_3550, %get3A_3597 : vector<16xf32>
      %get3A_3599 = arith.constant 23 : i32
      %get3A_3600 = arith.index_cast %get3A_3599 : i32 to index
      %get3A_3601 = arith.constant 16 : index
      %get3A_3602 = tpu.vector_load %arg7[%get3A_3600, %get3A_3601] {strides = array<i32>} : memref<50x128xf32, #tpu.memory_space<vmem>>, vector<1x16xf32>,
      %get3A_3603 = vector.shape_cast %get3A_3602 : vector<1x16xf32> to vector<16xf32>
      %add3A_3604 = arith.addf %add3A_3556, %get3A_3603 : vector<16xf32>
      %get3A_3605 = arith.constant 23 : i32
      %get3A_3606 = arith.index_cast %get3A_3605 : i32 to index
      %get3A_3607 = arith.constant 32 : index
      %get3A_3608 = tpu.vector_load %arg7[%get3A_3606, %get3A_3607] {strides = array<i32>} : memref<50x128xf32, #tpu.memory_space<vmem>>, vector<1x16xf32>,
      %get3A_3609 = vector.shape_cast %get3A_3608 : vector<1x16xf32> to vector<16xf32>
      %add3A_3610 = arith.addf %add3A_3562, %get3A_3609 : vector<16xf32>
      %get3A_3611 = arith.constant 23 : i32
      %get3A_3612 = arith.index_cast %get3A_3611 : i32 to index
      %get3A_3613 = arith.constant 48 : index
      %get3A_3614 = tpu.vector_load %arg7[%get3A_3612, %get3A_3613] {strides = array<i32>} : memref<50x128xf32, #tpu.memory_space<vmem>>, vector<1x16xf32>,
      %get3A_3615 = vector.shape_cast %get3A_3614 : vector<1x16xf32> to vector<16xf32>
      %add3A_3616 = arith.addf %add3A_3568, %get3A_3615 : vector<16xf32>
      %get3A_3617 = arith.constant 23 : i32
      %get3A_3618 = arith.index_cast %get3A_3617 : i32 to index
      %get3A_3619 = arith.constant 64 : index
      %get3A_3620 = tpu.vector_load %arg7[%get3A_3618, %get3A_3619] {strides = array<i32>} : memref<50x128xf32, #tpu.memory_space<vmem>>, vector<1x16xf32>,
      %get3A_3621 = vector.shape_cast %get3A_3620 : vector<1x16xf32> to vector<16xf32>
      %add3A_3622 = arith.addf %add3A_3574, %get3A_3621 : vector<16xf32>
      %get3A_3623 = arith.constant 23 : i32
      %get3A_3624 = arith.index_cast %get3A_3623 : i32 to index
      %get3A_3625 = arith.constant 80 : index
      %get3A_3626 = tpu.vector_load %arg7[%get3A_3624, %get3A_3625] {strides = array<i32>} : memref<50x128xf32, #tpu.memory_space<vmem>>, vector<1x16xf32>,
      %get3A_3627 = vector.shape_cast %get3A_3626 : vector<1x16xf32> to vector<16xf32>
      %add3A_3628 = arith.addf %add3A_3580, %get3A_3627 : vector<16xf32>
      %get3A_3629 = arith.constant 23 : i32
      %get3A_3630 = arith.index_cast %get3A_3629 : i32 to index
      %get3A_3631 = arith.constant 96 : index
      %get3A_3632 = tpu.vector_load %arg7[%get3A_3630, %get3A_3631] {strides = array<i32>} : memref<50x128xf32, #tpu.memory_space<vmem>>, vector<1x16xf32>,
      %get3A_3633 = vector.shape_cast %get3A_3632 : vector<1x16xf32> to vector<16xf32>
      %add3A_3634 = arith.addf %add3A_3586, %get3A_3633 : vector<16xf32>
      %get3A_3635 = arith.constant 23 : i32
      %get3A_3636 = arith.index_cast %get3A_3635 : i32 to index
      %get3A_3637 = arith.constant 112 : index
      %get3A_3638 = tpu.vector_load %arg7[%get3A_3636, %get3A_3637] {strides = array<i32>} : memref<50x128xf32, #tpu.memory_space<vmem>>, vector<1x16xf32>,
      %get3A_3639 = vector.shape_cast %get3A_3638 : vector<1x16xf32> to vector<16xf32>
      %add3A_3640 = arith.addf %add3A_3592, %get3A_3639 : vector<16xf32>
      %get3A_3641 = arith.constant 24 : i32
      %get3A_3642 = arith.index_cast %get3A_3641 : i32 to index
      %get3A_3643 = arith.constant 0 : index
      %get3A_3644 = tpu.vector_load %arg7[%get3A_3642, %get3A_3643] {strides = array<i32>} : memref<50x128xf32, #tpu.memory_space<vmem>>, vector<1x16xf32>,
      %get3A_3645 = vector.shape_cast %get3A_3644 : vector<1x16xf32> to vector<16xf32>
      %add3A_3646 = arith.addf %add3A_3598, %get3A_3645 : vector<16xf32>
      %get3A_3647 = arith.constant 24 : i32
      %get3A_3648 = arith.index_cast %get3A_3647 : i32 to index
      %get3A_3649 = arith.constant 16 : index
      %get3A_3650 = tpu.vector_load %arg7[%get3A_3648, %get3A_3649] {strides = array<i32>} : memref<50x128xf32, #tpu.memory_space<vmem>>, vector<1x16xf32>,
      %get3A_3651 = vector.shape_cast %get3A_3650 : vector<1x16xf32> to vector<16xf32>
      %add3A_3652 = arith.addf %add3A_3604, %get3A_3651 : vector<16xf32>
      %get3A_3653 = arith.constant 24 : i32
      %get3A_3654 = arith.index_cast %get3A_3653 : i32 to index
      %get3A_3655 = arith.constant 32 : index
      %get3A_3656 = tpu.vector_load %arg7[%get3A_3654, %get3A_3655] {strides = array<i32>} : memref<50x128xf32, #tpu.memory_space<vmem>>, vector<1x16xf32>,
      %get3A_3657 = vector.shape_cast %get3A_3656 : vector<1x16xf32> to vector<16xf32>
      %add3A_3658 = arith.addf %add3A_3610, %get3A_3657 : vector<16xf32>
      %get3A_3659 = arith.constant 24 : i32
      %get3A_3660 = arith.index_cast %get3A_3659 : i32 to index
      %get3A_3661 = arith.constant 48 : index
      %get3A_3662 = tpu.vector_load %arg7[%get3A_3660, %get3A_3661] {strides = array<i32>} : memref<50x128xf32, #tpu.memory_space<vmem>>, vector<1x16xf32>,
      %get3A_3663 = vector.shape_cast %get3A_3662 : vector<1x16xf32> to vector<16xf32>
      %add3A_3664 = arith.addf %add3A_3616, %get3A_3663 : vector<16xf32>
      %get3A_3665 = arith.constant 24 : i32
      %get3A_3666 = arith.index_cast %get3A_3665 : i32 to index
      %get3A_3667 = arith.constant 64 : index
      %get3A_3668 = tpu.vector_load %arg7[%get3A_3666, %get3A_3667] {strides = array<i32>} : memref<50x128xf32, #tpu.memory_space<vmem>>, vector<1x16xf32>,
      %get3A_3669 = vector.shape_cast %get3A_3668 : vector<1x16xf32> to vector<16xf32>
      %add3A_3670 = arith.addf %add3A_3622, %get3A_3669 : vector<16xf32>
      %get3A_3671 = arith.constant 24 : i32
      %get3A_3672 = arith.index_cast %get3A_3671 : i32 to index
      %get3A_3673 = arith.constant 80 : index
      %get3A_3674 = tpu.vector_load %arg7[%get3A_3672, %get3A_3673] {strides = array<i32>} : memref<50x128xf32, #tpu.memory_space<vmem>>, vector<1x16xf32>,
      %get3A_3675 = vector.shape_cast %get3A_3674 : vector<1x16xf32> to vector<16xf32>
      %add3A_3676 = arith.addf %add3A_3628, %get3A_3675 : vector<16xf32>
      %get3A_3677 = arith.constant 24 : i32
      %get3A_3678 = arith.index_cast %get3A_3677 : i32 to index
      %get3A_3679 = arith.constant 96 : index
      %get3A_3680 = tpu.vector_load %arg7[%get3A_3678, %get3A_3679] {strides = array<i32>} : memref<50x128xf32, #tpu.memory_space<vmem>>, vector<1x16xf32>,
      %get3A_3681 = vector.shape_cast %get3A_3680 : vector<1x16xf32> to vector<16xf32>
      %add3A_3682 = arith.addf %add3A_3634, %get3A_3681 : vector<16xf32>
      %get3A_3683 = arith.constant 24 : i32
      %get3A_3684 = arith.index_cast %get3A_3683 : i32 to index
      %get3A_3685 = arith.constant 112 : index
      %get3A_3686 = tpu.vector_load %arg7[%get3A_3684, %get3A_3685] {strides = array<i32>} : memref<50x128xf32, #tpu.memory_space<vmem>>, vector<1x16xf32>,
      %get3A_3687 = vector.shape_cast %get3A_3686 : vector<1x16xf32> to vector<16xf32>
      %add3A_3688 = arith.addf %add3A_3640, %get3A_3687 : vector<16xf32>
      %get3A_3689 = arith.constant 25 : i32
      %get3A_3690 = arith.index_cast %get3A_3689 : i32 to index
      %get3A_3691 = arith.constant 0 : index
      %get3A_3692 = tpu.vector_load %arg7[%get3A_3690, %get3A_3691] {strides = array<i32>} : memref<50x128xf32, #tpu.memory_space<vmem>>, vector<1x16xf32>,
      %get3A_3693 = vector.shape_cast %get3A_3692 : vector<1x16xf32> to vector<16xf32>
      %add3A_3694 = arith.addf %add3A_3646, %get3A_3693 : vector<16xf32>
      %get3A_3695 = arith.constant 25 : i32
      %get3A_3696 = arith.index_cast %get3A_3695 : i32 to index
      %get3A_3697 = arith.constant 16 : index
      %get3A_3698 = tpu.vector_load %arg7[%get3A_3696, %get3A_3697] {strides = array<i32>} : memref<50x128xf32, #tpu.memory_space<vmem>>, vector<1x16xf32>,
      %get3A_3699 = vector.shape_cast %get3A_3698 : vector<1x16xf32> to vector<16xf32>
      %add3A_3700 = arith.addf %add3A_3652, %get3A_3699 : vector<16xf32>
      %get3A_3701 = arith.constant 25 : i32
      %get3A_3702 = arith.index_cast %get3A_3701 : i32 to index
      %get3A_3703 = arith.constant 32 : index
      %get3A_3704 = tpu.vector_load %arg7[%get3A_3702, %get3A_3703] {strides = array<i32>} : memref<50x128xf32, #tpu.memory_space<vmem>>, vector<1x16xf32>,
      %get3A_3705 = vector.shape_cast %get3A_3704 : vector<1x16xf32> to vector<16xf32>
      %add3A_3706 = arith.addf %add3A_3658, %get3A_3705 : vector<16xf32>
      %get3A_3707 = arith.constant 25 : i32
      %get3A_3708 = arith.index_cast %get3A_3707 : i32 to index
      %get3A_3709 = arith.constant 48 : index
      %get3A_3710 = tpu.vector_load %arg7[%get3A_3708, %get3A_3709] {strides = array<i32>} : memref<50x128xf32, #tpu.memory_space<vmem>>, vector<1x16xf32>,
      %get3A_3711 = vector.shape_cast %get3A_3710 : vector<1x16xf32> to vector<16xf32>
      %add3A_3712 = arith.addf %add3A_3664, %get3A_3711 : vector<16xf32>
      %get3A_3713 = arith.constant 25 : i32
      %get3A_3714 = arith.index_cast %get3A_3713 : i32 to index
      %get3A_3715 = arith.constant 64 : index
      %get3A_3716 = tpu.vector_load %arg7[%get3A_3714, %get3A_3715] {strides = array<i32>} : memref<50x128xf32, #tpu.memory_space<vmem>>, vector<1x16xf32>,
      %get3A_3717 = vector.shape_cast %get3A_3716 : vector<1x16xf32> to vector<16xf32>
      %add3A_3718 = arith.addf %add3A_3670, %get3A_3717 : vector<16xf32>
      %get3A_3719 = arith.constant 25 : i32
      %get3A_3720 = arith.index_cast %get3A_3719 : i32 to index
      %get3A_3721 = arith.constant 80 : index
      %get3A_3722 = tpu.vector_load %arg7[%get3A_3720, %get3A_3721] {strides = array<i32>} : memref<50x128xf32, #tpu.memory_space<vmem>>, vector<1x16xf32>,
      %get3A_3723 = vector.shape_cast %get3A_3722 : vector<1x16xf32> to vector<16xf32>
      %add3A_3724 = arith.addf %add3A_3676, %get3A_3723 : vector<16xf32>
      %get3A_3725 = arith.constant 25 : i32
      %get3A_3726 = arith.index_cast %get3A_3725 : i32 to index
      %get3A_3727 = arith.constant 96 : index
      %get3A_3728 = tpu.vector_load %arg7[%get3A_3726, %get3A_3727] {strides = array<i32>} : memref<50x128xf32, #tpu.memory_space<vmem>>, vector<1x16xf32>,
      %get3A_3729 = vector.shape_cast %get3A_3728 : vector<1x16xf32> to vector<16xf32>
      %add3A_3730 = arith.addf %add3A_3682, %get3A_3729 : vector<16xf32>
      %get3A_3731 = arith.constant 25 : i32
      %get3A_3732 = arith.index_cast %get3A_3731 : i32 to index
      %get3A_3733 = arith.constant 112 : index
      %get3A_3734 = tpu.vector_load %arg7[%get3A_3732, %get3A_3733] {strides = array<i32>} : memref<50x128xf32, #tpu.memory_space<vmem>>, vector<1x16xf32>,
      %get3A_3735 = vector.shape_cast %get3A_3734 : vector<1x16xf32> to vector<16xf32>
      %add3A_3736 = arith.addf %add3A_3688, %get3A_3735 : vector<16xf32>
      %get3A_3737 = arith.constant 26 : i32
      %get3A_3738 = arith.index_cast %get3A_3737 : i32 to index
      %get3A_3739 = arith.constant 0 : index
      %get3A_3740 = tpu.vector_load %arg7[%get3A_3738, %get3A_3739] {strides = array<i32>} : memref<50x128xf32, #tpu.memory_space<vmem>>, vector<1x16xf32>,
      %get3A_3741 = vector.shape_cast %get3A_3740 : vector<1x16xf32> to vector<16xf32>
      %add3A_3742 = arith.addf %add3A_3694, %get3A_3741 : vector<16xf32>
      %get3A_3743 = arith.constant 26 : i32
      %get3A_3744 = arith.index_cast %get3A_3743 : i32 to index
      %get3A_3745 = arith.constant 16 : index
      %get3A_3746 = tpu.vector_load %arg7[%get3A_3744, %get3A_3745] {strides = array<i32>} : memref<50x128xf32, #tpu.memory_space<vmem>>, vector<1x16xf32>,
      %get3A_3747 = vector.shape_cast %get3A_3746 : vector<1x16xf32> to vector<16xf32>
      %add3A_3748 = arith.addf %add3A_3700, %get3A_3747 : vector<16xf32>
      %get3A_3749 = arith.constant 26 : i32
      %get3A_3750 = arith.index_cast %get3A_3749 : i32 to index
      %get3A_3751 = arith.constant 32 : index
      %get3A_3752 = tpu.vector_load %arg7[%get3A_3750, %get3A_3751] {strides = array<i32>} : memref<50x128xf32, #tpu.memory_space<vmem>>, vector<1x16xf32>,
      %get3A_3753 = vector.shape_cast %get3A_3752 : vector<1x16xf32> to vector<16xf32>
      %add3A_3754 = arith.addf %add3A_3706, %get3A_3753 : vector<16xf32>
      %get3A_3755 = arith.constant 26 : i32
      %get3A_3756 = arith.index_cast %get3A_3755 : i32 to index
      %get3A_3757 = arith.constant 48 : index
      %get3A_3758 = tpu.vector_load %arg7[%get3A_3756, %get3A_3757] {strides = array<i32>} : memref<50x128xf32, #tpu.memory_space<vmem>>, vector<1x16xf32>,
      %get3A_3759 = vector.shape_cast %get3A_3758 : vector<1x16xf32> to vector<16xf32>
      %add3A_3760 = arith.addf %add3A_3712, %get3A_3759 : vector<16xf32>
      %get3A_3761 = arith.constant 26 : i32
      %get3A_3762 = arith.index_cast %get3A_3761 : i32 to index
      %get3A_3763 = arith.constant 64 : index
      %get3A_3764 = tpu.vector_load %arg7[%get3A_3762, %get3A_3763] {strides = array<i32>} : memref<50x128xf32, #tpu.memory_space<vmem>>, vector<1x16xf32>,
      %get3A_3765 = vector.shape_cast %get3A_3764 : vector<1x16xf32> to vector<16xf32>
      %add3A_3766 = arith.addf %add3A_3718, %get3A_3765 : vector<16xf32>
      %get3A_3767 = arith.constant 26 : i32
      %get3A_3768 = arith.index_cast %get3A_3767 : i32 to index
      %get3A_3769 = arith.constant 80 : index
      %get3A_3770 = tpu.vector_load %arg7[%get3A_3768, %get3A_3769] {strides = array<i32>} : memref<50x128xf32, #tpu.memory_space<vmem>>, vector<1x16xf32>,
      %get3A_3771 = vector.shape_cast %get3A_3770 : vector<1x16xf32> to vector<16xf32>
      %add3A_3772 = arith.addf %add3A_3724, %get3A_3771 : vector<16xf32>
      %get3A_3773 = arith.constant 26 : i32
      %get3A_3774 = arith.index_cast %get3A_3773 : i32 to index
      %get3A_3775 = arith.constant 96 : index
      %get3A_3776 = tpu.vector_load %arg7[%get3A_3774, %get3A_3775] {strides = array<i32>} : memref<50x128xf32, #tpu.memory_space<vmem>>, vector<1x16xf32>,
      %get3A_3777 = vector.shape_cast %get3A_3776 : vector<1x16xf32> to vector<16xf32>
      %add3A_3778 = arith.addf %add3A_3730, %get3A_3777 : vector<16xf32>
      %get3A_3779 = arith.constant 26 : i32
      %get3A_3780 = arith.index_cast %get3A_3779 : i32 to index
      %get3A_3781 = arith.constant 112 : index
      %get3A_3782 = tpu.vector_load %arg7[%get3A_3780, %get3A_3781] {strides = array<i32>} : memref<50x128xf32, #tpu.memory_space<vmem>>, vector<1x16xf32>,
      %get3A_3783 = vector.shape_cast %get3A_3782 : vector<1x16xf32> to vector<16xf32>
      %add3A_3784 = arith.addf %add3A_3736, %get3A_3783 : vector<16xf32>
      %get3A_3785 = arith.constant 27 : i32
      %get3A_3786 = arith.index_cast %get3A_3785 : i32 to index
      %get3A_3787 = arith.constant 0 : index
      %get3A_3788 = tpu.vector_load %arg7[%get3A_3786, %get3A_3787] {strides = array<i32>} : memref<50x128xf32, #tpu.memory_space<vmem>>, vector<1x16xf32>,
      %get3A_3789 = vector.shape_cast %get3A_3788 : vector<1x16xf32> to vector<16xf32>
      %add3A_3790 = arith.addf %add3A_3742, %get3A_3789 : vector<16xf32>
      %get3A_3791 = arith.constant 27 : i32
      %get3A_3792 = arith.index_cast %get3A_3791 : i32 to index
      %get3A_3793 = arith.constant 16 : index
      %get3A_3794 = tpu.vector_load %arg7[%get3A_3792, %get3A_3793] {strides = array<i32>} : memref<50x128xf32, #tpu.memory_space<vmem>>, vector<1x16xf32>,
      %get3A_3795 = vector.shape_cast %get3A_3794 : vector<1x16xf32> to vector<16xf32>
      %add3A_3796 = arith.addf %add3A_3748, %get3A_3795 : vector<16xf32>
      %get3A_3797 = arith.constant 27 : i32
      %get3A_3798 = arith.index_cast %get3A_3797 : i32 to index
      %get3A_3799 = arith.constant 32 : index
      %get3A_3800 = tpu.vector_load %arg7[%get3A_3798, %get3A_3799] {strides = array<i32>} : memref<50x128xf32, #tpu.memory_space<vmem>>, vector<1x16xf32>,
      %get3A_3801 = vector.shape_cast %get3A_3800 : vector<1x16xf32> to vector<16xf32>
      %add3A_3802 = arith.addf %add3A_3754, %get3A_3801 : vector<16xf32>
      %get3A_3803 = arith.constant 27 : i32
      %get3A_3804 = arith.index_cast %get3A_3803 : i32 to index
      %get3A_3805 = arith.constant 48 : index
      %get3A_3806 = tpu.vector_load %arg7[%get3A_3804, %get3A_3805] {strides = array<i32>} : memref<50x128xf32, #tpu.memory_space<vmem>>, vector<1x16xf32>,
      %get3A_3807 = vector.shape_cast %get3A_3806 : vector<1x16xf32> to vector<16xf32>
      %add3A_3808 = arith.addf %add3A_3760, %get3A_3807 : vector<16xf32>
      %get3A_3809 = arith.constant 27 : i32
      %get3A_3810 = arith.index_cast %get3A_3809 : i32 to index
      %get3A_3811 = arith.constant 64 : index
      %get3A_3812 = tpu.vector_load %arg7[%get3A_3810, %get3A_3811] {strides = array<i32>} : memref<50x128xf32, #tpu.memory_space<vmem>>, vector<1x16xf32>,
      %get3A_3813 = vector.shape_cast %get3A_3812 : vector<1x16xf32> to vector<16xf32>
      %add3A_3814 = arith.addf %add3A_3766, %get3A_3813 : vector<16xf32>
      %get3A_3815 = arith.constant 27 : i32
      %get3A_3816 = arith.index_cast %get3A_3815 : i32 to index
      %get3A_3817 = arith.constant 80 : index
      %get3A_3818 = tpu.vector_load %arg7[%get3A_3816, %get3A_3817] {strides = array<i32>} : memref<50x128xf32, #tpu.memory_space<vmem>>, vector<1x16xf32>,
      %get3A_3819 = vector.shape_cast %get3A_3818 : vector<1x16xf32> to vector<16xf32>
      %add3A_3820 = arith.addf %add3A_3772, %get3A_3819 : vector<16xf32>
      %get3A_3821 = arith.constant 27 : i32
      %get3A_3822 = arith.index_cast %get3A_3821 : i32 to index
      %get3A_3823 = arith.constant 96 : index
      %get3A_3824 = tpu.vector_load %arg7[%get3A_3822, %get3A_3823] {strides = array<i32>} : memref<50x128xf32, #tpu.memory_space<vmem>>, vector<1x16xf32>,
      %get3A_3825 = vector.shape_cast %get3A_3824 : vector<1x16xf32> to vector<16xf32>
      %add3A_3826 = arith.addf %add3A_3778, %get3A_3825 : vector<16xf32>
      %get3A_3827 = arith.constant 27 : i32
      %get3A_3828 = arith.index_cast %get3A_3827 : i32 to index
      %get3A_3829 = arith.constant 112 : index
      %get3A_3830 = tpu.vector_load %arg7[%get3A_3828, %get3A_3829] {strides = array<i32>} : memref<50x128xf32, #tpu.memory_space<vmem>>, vector<1x16xf32>,
      %get3A_3831 = vector.shape_cast %get3A_3830 : vector<1x16xf32> to vector<16xf32>
      %add3A_3832 = arith.addf %add3A_3784, %get3A_3831 : vector<16xf32>
      %get3A_3833 = arith.constant 28 : i32
      %get3A_3834 = arith.index_cast %get3A_3833 : i32 to index
      %get3A_3835 = arith.constant 0 : index
      %get3A_3836 = tpu.vector_load %arg7[%get3A_3834, %get3A_3835] {strides = array<i32>} : memref<50x128xf32, #tpu.memory_space<vmem>>, vector<1x16xf32>,
      %get3A_3837 = vector.shape_cast %get3A_3836 : vector<1x16xf32> to vector<16xf32>
      %add3A_3838 = arith.addf %add3A_3790, %get3A_3837 : vector<16xf32>
      %get3A_3839 = arith.constant 28 : i32
      %get3A_3840 = arith.index_cast %get3A_3839 : i32 to index
      %get3A_3841 = arith.constant 16 : index
      %get3A_3842 = tpu.vector_load %arg7[%get3A_3840, %get3A_3841] {strides = array<i32>} : memref<50x128xf32, #tpu.memory_space<vmem>>, vector<1x16xf32>,
      %get3A_3843 = vector.shape_cast %get3A_3842 : vector<1x16xf32> to vector<16xf32>
      %add3A_3844 = arith.addf %add3A_3796, %get3A_3843 : vector<16xf32>
      %get3A_3845 = arith.constant 28 : i32
      %get3A_3846 = arith.index_cast %get3A_3845 : i32 to index
      %get3A_3847 = arith.constant 32 : index
      %get3A_3848 = tpu.vector_load %arg7[%get3A_3846, %get3A_3847] {strides = array<i32>} : memref<50x128xf32, #tpu.memory_space<vmem>>, vector<1x16xf32>,
      %get3A_3849 = vector.shape_cast %get3A_3848 : vector<1x16xf32> to vector<16xf32>
      %add3A_3850 = arith.addf %add3A_3802, %get3A_3849 : vector<16xf32>
      %get3A_3851 = arith.constant 28 : i32
      %get3A_3852 = arith.index_cast %get3A_3851 : i32 to index
      %get3A_3853 = arith.constant 48 : index
      %get3A_3854 = tpu.vector_load %arg7[%get3A_3852, %get3A_3853] {strides = array<i32>} : memref<50x128xf32, #tpu.memory_space<vmem>>, vector<1x16xf32>,
      %get3A_3855 = vector.shape_cast %get3A_3854 : vector<1x16xf32> to vector<16xf32>
      %add3A_3856 = arith.addf %add3A_3808, %get3A_3855 : vector<16xf32>
      %get3A_3857 = arith.constant 28 : i32
      %get3A_3858 = arith.index_cast %get3A_3857 : i32 to index
      %get3A_3859 = arith.constant 64 : index
      %get3A_3860 = tpu.vector_load %arg7[%get3A_3858, %get3A_3859] {strides = array<i32>} : memref<50x128xf32, #tpu.memory_space<vmem>>, vector<1x16xf32>,
      %get3A_3861 = vector.shape_cast %get3A_3860 : vector<1x16xf32> to vector<16xf32>
      %add3A_3862 = arith.addf %add3A_3814, %get3A_3861 : vector<16xf32>
      %get3A_3863 = arith.constant 28 : i32
      %get3A_3864 = arith.index_cast %get3A_3863 : i32 to index
      %get3A_3865 = arith.constant 80 : index
      %get3A_3866 = tpu.vector_load %arg7[%get3A_3864, %get3A_3865] {strides = array<i32>} : memref<50x128xf32, #tpu.memory_space<vmem>>, vector<1x16xf32>,
      %get3A_3867 = vector.shape_cast %get3A_3866 : vector<1x16xf32> to vector<16xf32>
      %add3A_3868 = arith.addf %add3A_3820, %get3A_3867 : vector<16xf32>
      %get3A_3869 = arith.constant 28 : i32
      %get3A_3870 = arith.index_cast %get3A_3869 : i32 to index
      %get3A_3871 = arith.constant 96 : index
      %get3A_3872 = tpu.vector_load %arg7[%get3A_3870, %get3A_3871] {strides = array<i32>} : memref<50x128xf32, #tpu.memory_space<vmem>>, vector<1x16xf32>,
      %get3A_3873 = vector.shape_cast %get3A_3872 : vector<1x16xf32> to vector<16xf32>
      %add3A_3874 = arith.addf %add3A_3826, %get3A_3873 : vector<16xf32>
      %get3A_3875 = arith.constant 28 : i32
      %get3A_3876 = arith.index_cast %get3A_3875 : i32 to index
      %get3A_3877 = arith.constant 112 : index
      %get3A_3878 = tpu.vector_load %arg7[%get3A_3876, %get3A_3877] {strides = array<i32>} : memref<50x128xf32, #tpu.memory_space<vmem>>, vector<1x16xf32>,
      %get3A_3879 = vector.shape_cast %get3A_3878 : vector<1x16xf32> to vector<16xf32>
      %add3A_3880 = arith.addf %add3A_3832, %get3A_3879 : vector<16xf32>
      %get3A_3881 = arith.constant 29 : i32
      %get3A_3882 = arith.index_cast %get3A_3881 : i32 to index
      %get3A_3883 = arith.constant 0 : index
      %get3A_3884 = tpu.vector_load %arg7[%get3A_3882, %get3A_3883] {strides = array<i32>} : memref<50x128xf32, #tpu.memory_space<vmem>>, vector<1x16xf32>,
      %get3A_3885 = vector.shape_cast %get3A_3884 : vector<1x16xf32> to vector<16xf32>
      %add3A_3886 = arith.addf %add3A_3838, %get3A_3885 : vector<16xf32>
      %get3A_3887 = arith.constant 29 : i32
      %get3A_3888 = arith.index_cast %get3A_3887 : i32 to index
      %get3A_3889 = arith.constant 16 : index
      %get3A_3890 = tpu.vector_load %arg7[%get3A_3888, %get3A_3889] {strides = array<i32>} : memref<50x128xf32, #tpu.memory_space<vmem>>, vector<1x16xf32>,
      %get3A_3891 = vector.shape_cast %get3A_3890 : vector<1x16xf32> to vector<16xf32>
      %add3A_3892 = arith.addf %add3A_3844, %get3A_3891 : vector<16xf32>
      %get3A_3893 = arith.constant 29 : i32
      %get3A_3894 = arith.index_cast %get3A_3893 : i32 to index
      %get3A_3895 = arith.constant 32 : index
      %get3A_3896 = tpu.vector_load %arg7[%get3A_3894, %get3A_3895] {strides = array<i32>} : memref<50x128xf32, #tpu.memory_space<vmem>>, vector<1x16xf32>,
      %get3A_3897 = vector.shape_cast %get3A_3896 : vector<1x16xf32> to vector<16xf32>
      %add3A_3898 = arith.addf %add3A_3850, %get3A_3897 : vector<16xf32>
      %get3A_3899 = arith.constant 29 : i32
      %get3A_3900 = arith.index_cast %get3A_3899 : i32 to index
      %get3A_3901 = arith.constant 48 : index
      %get3A_3902 = tpu.vector_load %arg7[%get3A_3900, %get3A_3901] {strides = array<i32>} : memref<50x128xf32, #tpu.memory_space<vmem>>, vector<1x16xf32>,
      %get3A_3903 = vector.shape_cast %get3A_3902 : vector<1x16xf32> to vector<16xf32>
      %add3A_3904 = arith.addf %add3A_3856, %get3A_3903 : vector<16xf32>
      %get3A_3905 = arith.constant 29 : i32
      %get3A_3906 = arith.index_cast %get3A_3905 : i32 to index
      %get3A_3907 = arith.constant 64 : index
      %get3A_3908 = tpu.vector_load %arg7[%get3A_3906, %get3A_3907] {strides = array<i32>} : memref<50x128xf32, #tpu.memory_space<vmem>>, vector<1x16xf32>,
      %get3A_3909 = vector.shape_cast %get3A_3908 : vector<1x16xf32> to vector<16xf32>
      %add3A_3910 = arith.addf %add3A_3862, %get3A_3909 : vector<16xf32>
      %get3A_3911 = arith.constant 29 : i32
      %get3A_3912 = arith.index_cast %get3A_3911 : i32 to index
      %get3A_3913 = arith.constant 80 : index
      %get3A_3914 = tpu.vector_load %arg7[%get3A_3912, %get3A_3913] {strides = array<i32>} : memref<50x128xf32, #tpu.memory_space<vmem>>, vector<1x16xf32>,
      %get3A_3915 = vector.shape_cast %get3A_3914 : vector<1x16xf32> to vector<16xf32>
      %add3A_3916 = arith.addf %add3A_3868, %get3A_3915 : vector<16xf32>
      %get3A_3917 = arith.constant 29 : i32
      %get3A_3918 = arith.index_cast %get3A_3917 : i32 to index
      %get3A_3919 = arith.constant 96 : index
      %get3A_3920 = tpu.vector_load %arg7[%get3A_3918, %get3A_3919] {strides = array<i32>} : memref<50x128xf32, #tpu.memory_space<vmem>>, vector<1x16xf32>,
      %get3A_3921 = vector.shape_cast %get3A_3920 : vector<1x16xf32> to vector<16xf32>
      %add3A_3922 = arith.addf %add3A_3874, %get3A_3921 : vector<16xf32>
      %get3A_3923 = arith.constant 29 : i32
      %get3A_3924 = arith.index_cast %get3A_3923 : i32 to index
      %get3A_3925 = arith.constant 112 : index
      %get3A_3926 = tpu.vector_load %arg7[%get3A_3924, %get3A_3925] {strides = array<i32>} : memref<50x128xf32, #tpu.memory_space<vmem>>, vector<1x16xf32>,
      %get3A_3927 = vector.shape_cast %get3A_3926 : vector<1x16xf32> to vector<16xf32>
      %add3A_3928 = arith.addf %add3A_3880, %get3A_3927 : vector<16xf32>
      %get3A_3929 = arith.constant 30 : i32
      %get3A_3930 = arith.index_cast %get3A_3929 : i32 to index
      %get3A_3931 = arith.constant 0 : index
      %get3A_3932 = tpu.vector_load %arg7[%get3A_3930, %get3A_3931] {strides = array<i32>} : memref<50x128xf32, #tpu.memory_space<vmem>>, vector<1x16xf32>,
      %get3A_3933 = vector.shape_cast %get3A_3932 : vector<1x16xf32> to vector<16xf32>
      %add3A_3934 = arith.addf %add3A_3886, %get3A_3933 : vector<16xf32>
      %get3A_3935 = arith.constant 30 : i32
      %get3A_3936 = arith.index_cast %get3A_3935 : i32 to index
      %get3A_3937 = arith.constant 16 : index
      %get3A_3938 = tpu.vector_load %arg7[%get3A_3936, %get3A_3937] {strides = array<i32>} : memref<50x128xf32, #tpu.memory_space<vmem>>, vector<1x16xf32>,
      %get3A_3939 = vector.shape_cast %get3A_3938 : vector<1x16xf32> to vector<16xf32>
      %add3A_3940 = arith.addf %add3A_3892, %get3A_3939 : vector<16xf32>
      %get3A_3941 = arith.constant 30 : i32
      %get3A_3942 = arith.index_cast %get3A_3941 : i32 to index
      %get3A_3943 = arith.constant 32 : index
      %get3A_3944 = tpu.vector_load %arg7[%get3A_3942, %get3A_3943] {strides = array<i32>} : memref<50x128xf32, #tpu.memory_space<vmem>>, vector<1x16xf32>,
      %get3A_3945 = vector.shape_cast %get3A_3944 : vector<1x16xf32> to vector<16xf32>
      %add3A_3946 = arith.addf %add3A_3898, %get3A_3945 : vector<16xf32>
      %get3A_3947 = arith.constant 30 : i32
      %get3A_3948 = arith.index_cast %get3A_3947 : i32 to index
      %get3A_3949 = arith.constant 48 : index
      %get3A_3950 = tpu.vector_load %arg7[%get3A_3948, %get3A_3949] {strides = array<i32>} : memref<50x128xf32, #tpu.memory_space<vmem>>, vector<1x16xf32>,
      %get3A_3951 = vector.shape_cast %get3A_3950 : vector<1x16xf32> to vector<16xf32>
      %add3A_3952 = arith.addf %add3A_3904, %get3A_3951 : vector<16xf32>
      %get3A_3953 = arith.constant 30 : i32
      %get3A_3954 = arith.index_cast %get3A_3953 : i32 to index
      %get3A_3955 = arith.constant 64 : index
      %get3A_3956 = tpu.vector_load %arg7[%get3A_3954, %get3A_3955] {strides = array<i32>} : memref<50x128xf32, #tpu.memory_space<vmem>>, vector<1x16xf32>,
      %get3A_3957 = vector.shape_cast %get3A_3956 : vector<1x16xf32> to vector<16xf32>
      %add3A_3958 = arith.addf %add3A_3910, %get3A_3957 : vector<16xf32>
      %get3A_3959 = arith.constant 30 : i32
      %get3A_3960 = arith.index_cast %get3A_3959 : i32 to index
      %get3A_3961 = arith.constant 80 : index
      %get3A_3962 = tpu.vector_load %arg7[%get3A_3960, %get3A_3961] {strides = array<i32>} : memref<50x128xf32, #tpu.memory_space<vmem>>, vector<1x16xf32>,
      %get3A_3963 = vector.shape_cast %get3A_3962 : vector<1x16xf32> to vector<16xf32>
      %add3A_3964 = arith.addf %add3A_3916, %get3A_3963 : vector<16xf32>
      %get3A_3965 = arith.constant 30 : i32
      %get3A_3966 = arith.index_cast %get3A_3965 : i32 to index
      %get3A_3967 = arith.constant 96 : index
      %get3A_3968 = tpu.vector_load %arg7[%get3A_3966, %get3A_3967] {strides = array<i32>} : memref<50x128xf32, #tpu.memory_space<vmem>>, vector<1x16xf32>,
      %get3A_3969 = vector.shape_cast %get3A_3968 : vector<1x16xf32> to vector<16xf32>
      %add3A_3970 = arith.addf %add3A_3922, %get3A_3969 : vector<16xf32>
      %get3A_3971 = arith.constant 30 : i32
      %get3A_3972 = arith.index_cast %get3A_3971 : i32 to index
      %get3A_3973 = arith.constant 112 : index
      %get3A_3974 = tpu.vector_load %arg7[%get3A_3972, %get3A_3973] {strides = array<i32>} : memref<50x128xf32, #tpu.memory_space<vmem>>, vector<1x16xf32>,
      %get3A_3975 = vector.shape_cast %get3A_3974 : vector<1x16xf32> to vector<16xf32>
      %add3A_3976 = arith.addf %add3A_3928, %get3A_3975 : vector<16xf32>
      %get3A_3977 = arith.constant 31 : i32
      %get3A_3978 = arith.index_cast %get3A_3977 : i32 to index
      %get3A_3979 = arith.constant 0 : index
      %get3A_3980 = tpu.vector_load %arg7[%get3A_3978, %get3A_3979] {strides = array<i32>} : memref<50x128xf32, #tpu.memory_space<vmem>>, vector<1x16xf32>,
      %get3A_3981 = vector.shape_cast %get3A_3980 : vector<1x16xf32> to vector<16xf32>
      %add3A_3982 = arith.addf %add3A_3934, %get3A_3981 : vector<16xf32>
      %get3A_3983 = arith.constant 31 : i32
      %get3A_3984 = arith.index_cast %get3A_3983 : i32 to index
      %get3A_3985 = arith.constant 16 : index
      %get3A_3986 = tpu.vector_load %arg7[%get3A_3984, %get3A_3985] {strides = array<i32>} : memref<50x128xf32, #tpu.memory_space<vmem>>, vector<1x16xf32>,
      %get3A_3987 = vector.shape_cast %get3A_3986 : vector<1x16xf32> to vector<16xf32>
      %add3A_3988 = arith.addf %add3A_3940, %get3A_3987 : vector<16xf32>
      %get3A_3989 = arith.constant 31 : i32
      %get3A_3990 = arith.index_cast %get3A_3989 : i32 to index
      %get3A_3991 = arith.constant 32 : index
      %get3A_3992 = tpu.vector_load %arg7[%get3A_3990, %get3A_3991] {strides = array<i32>} : memref<50x128xf32, #tpu.memory_space<vmem>>, vector<1x16xf32>,
      %get3A_3993 = vector.shape_cast %get3A_3992 : vector<1x16xf32> to vector<16xf32>
      %add3A_3994 = arith.addf %add3A_3946, %get3A_3993 : vector<16xf32>
      %get3A_3995 = arith.constant 31 : i32
      %get3A_3996 = arith.index_cast %get3A_3995 : i32 to index
      %get3A_3997 = arith.constant 48 : index
      %get3A_3998 = tpu.vector_load %arg7[%get3A_3996, %get3A_3997] {strides = array<i32>} : memref<50x128xf32, #tpu.memory_space<vmem>>, vector<1x16xf32>,
      %get3A_3999 = vector.shape_cast %get3A_3998 : vector<1x16xf32> to vector<16xf32>
      %add3A_4000 = arith.addf %add3A_3952, %get3A_3999 : vector<16xf32>
      %get3A_4001 = arith.constant 31 : i32
      %get3A_4002 = arith.index_cast %get3A_4001 : i32 to index
      %get3A_4003 = arith.constant 64 : index
      %get3A_4004 = tpu.vector_load %arg7[%get3A_4002, %get3A_4003] {strides = array<i32>} : memref<50x128xf32, #tpu.memory_space<vmem>>, vector<1x16xf32>,
      %get3A_4005 = vector.shape_cast %get3A_4004 : vector<1x16xf32> to vector<16xf32>
      %add3A_4006 = arith.addf %add3A_3958, %get3A_4005 : vector<16xf32>
      %get3A_4007 = arith.constant 31 : i32
      %get3A_4008 = arith.index_cast %get3A_4007 : i32 to index
      %get3A_4009 = arith.constant 80 : index
      %get3A_4010 = tpu.vector_load %arg7[%get3A_4008, %get3A_4009] {strides = array<i32>} : memref<50x128xf32, #tpu.memory_space<vmem>>, vector<1x16xf32>,
      %get3A_4011 = vector.shape_cast %get3A_4010 : vector<1x16xf32> to vector<16xf32>
      %add3A_4012 = arith.addf %add3A_3964, %get3A_4011 : vector<16xf32>
      %get3A_4013 = arith.constant 31 : i32
      %get3A_4014 = arith.index_cast %get3A_4013 : i32 to index
      %get3A_4015 = arith.constant 96 : index
      %get3A_4016 = tpu.vector_load %arg7[%get3A_4014, %get3A_4015] {strides = array<i32>} : memref<50x128xf32, #tpu.memory_space<vmem>>, vector<1x16xf32>,
      %get3A_4017 = vector.shape_cast %get3A_4016 : vector<1x16xf32> to vector<16xf32>
      %add3A_4018 = arith.addf %add3A_3970, %get3A_4017 : vector<16xf32>
      %get3A_4019 = arith.constant 31 : i32
      %get3A_4020 = arith.index_cast %get3A_4019 : i32 to index
      %get3A_4021 = arith.constant 112 : index
      %get3A_4022 = tpu.vector_load %arg7[%get3A_4020, %get3A_4021] {strides = array<i32>} : memref<50x128xf32, #tpu.memory_space<vmem>>, vector<1x16xf32>,
      %get3A_4023 = vector.shape_cast %get3A_4022 : vector<1x16xf32> to vector<16xf32>
      %add3A_4024 = arith.addf %add3A_3976, %get3A_4023 : vector<16xf32>
      %get3A_4025 = arith.constant 32 : i32
      %get3A_4026 = arith.index_cast %get3A_4025 : i32 to index
      %get3A_4027 = arith.constant 0 : index
      %get3A_4028 = tpu.vector_load %arg7[%get3A_4026, %get3A_4027] {strides = array<i32>} : memref<50x128xf32, #tpu.memory_space<vmem>>, vector<1x16xf32>,
      %get3A_4029 = vector.shape_cast %get3A_4028 : vector<1x16xf32> to vector<16xf32>
      %add3A_4030 = arith.addf %add3A_3982, %get3A_4029 : vector<16xf32>
      %get3A_4031 = arith.constant 32 : i32
      %get3A_4032 = arith.index_cast %get3A_4031 : i32 to index
      %get3A_4033 = arith.constant 16 : index
      %get3A_4034 = tpu.vector_load %arg7[%get3A_4032, %get3A_4033] {strides = array<i32>} : memref<50x128xf32, #tpu.memory_space<vmem>>, vector<1x16xf32>,
      %get3A_4035 = vector.shape_cast %get3A_4034 : vector<1x16xf32> to vector<16xf32>
      %add3A_4036 = arith.addf %add3A_3988, %get3A_4035 : vector<16xf32>
      %get3A_4037 = arith.constant 32 : i32
      %get3A_4038 = arith.index_cast %get3A_4037 : i32 to index
      %get3A_4039 = arith.constant 32 : index
      %get3A_4040 = tpu.vector_load %arg7[%get3A_4038, %get3A_4039] {strides = array<i32>} : memref<50x128xf32, #tpu.memory_space<vmem>>, vector<1x16xf32>,
      %get3A_4041 = vector.shape_cast %get3A_4040 : vector<1x16xf32> to vector<16xf32>
      %add3A_4042 = arith.addf %add3A_3994, %get3A_4041 : vector<16xf32>
      %get3A_4043 = arith.constant 32 : i32
      %get3A_4044 = arith.index_cast %get3A_4043 : i32 to index
      %get3A_4045 = arith.constant 48 : index
      %get3A_4046 = tpu.vector_load %arg7[%get3A_4044, %get3A_4045] {strides = array<i32>} : memref<50x128xf32, #tpu.memory_space<vmem>>, vector<1x16xf32>,
      %get3A_4047 = vector.shape_cast %get3A_4046 : vector<1x16xf32> to vector<16xf32>
      %add3A_4048 = arith.addf %add3A_4000, %get3A_4047 : vector<16xf32>
      %get3A_4049 = arith.constant 32 : i32
      %get3A_4050 = arith.index_cast %get3A_4049 : i32 to index
      %get3A_4051 = arith.constant 64 : index
      %get3A_4052 = tpu.vector_load %arg7[%get3A_4050, %get3A_4051] {strides = array<i32>} : memref<50x128xf32, #tpu.memory_space<vmem>>, vector<1x16xf32>,
      %get3A_4053 = vector.shape_cast %get3A_4052 : vector<1x16xf32> to vector<16xf32>
      %add3A_4054 = arith.addf %add3A_4006, %get3A_4053 : vector<16xf32>
      %get3A_4055 = arith.constant 32 : i32
      %get3A_4056 = arith.index_cast %get3A_4055 : i32 to index
      %get3A_4057 = arith.constant 80 : index
      %get3A_4058 = tpu.vector_load %arg7[%get3A_4056, %get3A_4057] {strides = array<i32>} : memref<50x128xf32, #tpu.memory_space<vmem>>, vector<1x16xf32>,
      %get3A_4059 = vector.shape_cast %get3A_4058 : vector<1x16xf32> to vector<16xf32>
      %add3A_4060 = arith.addf %add3A_4012, %get3A_4059 : vector<16xf32>
      %get3A_4061 = arith.constant 32 : i32
      %get3A_4062 = arith.index_cast %get3A_4061 : i32 to index
      %get3A_4063 = arith.constant 96 : index
      %get3A_4064 = tpu.vector_load %arg7[%get3A_4062, %get3A_4063] {strides = array<i32>} : memref<50x128xf32, #tpu.memory_space<vmem>>, vector<1x16xf32>,
      %get3A_4065 = vector.shape_cast %get3A_4064 : vector<1x16xf32> to vector<16xf32>
      %add3A_4066 = arith.addf %add3A_4018, %get3A_4065 : vector<16xf32>
      %get3A_4067 = arith.constant 32 : i32
      %get3A_4068 = arith.index_cast %get3A_4067 : i32 to index
      %get3A_4069 = arith.constant 112 : index
      %get3A_4070 = tpu.vector_load %arg7[%get3A_4068, %get3A_4069] {strides = array<i32>} : memref<50x128xf32, #tpu.memory_space<vmem>>, vector<1x16xf32>,
      %get3A_4071 = vector.shape_cast %get3A_4070 : vector<1x16xf32> to vector<16xf32>
      %add3A_4072 = arith.addf %add3A_4024, %get3A_4071 : vector<16xf32>
      %get3A_4073 = arith.constant 33 : i32
      %get3A_4074 = arith.index_cast %get3A_4073 : i32 to index
      %get3A_4075 = arith.constant 0 : index
      %get3A_4076 = tpu.vector_load %arg7[%get3A_4074, %get3A_4075] {strides = array<i32>} : memref<50x128xf32, #tpu.memory_space<vmem>>, vector<1x16xf32>,
      %get3A_4077 = vector.shape_cast %get3A_4076 : vector<1x16xf32> to vector<16xf32>
      %add3A_4078 = arith.addf %add3A_4030, %get3A_4077 : vector<16xf32>
      %get3A_4079 = arith.constant 33 : i32
      %get3A_4080 = arith.index_cast %get3A_4079 : i32 to index
      %get3A_4081 = arith.constant 16 : index
      %get3A_4082 = tpu.vector_load %arg7[%get3A_4080, %get3A_4081] {strides = array<i32>} : memref<50x128xf32, #tpu.memory_space<vmem>>, vector<1x16xf32>,
      %get3A_4083 = vector.shape_cast %get3A_4082 : vector<1x16xf32> to vector<16xf32>
      %add3A_4084 = arith.addf %add3A_4036, %get3A_4083 : vector<16xf32>
      %get3A_4085 = arith.constant 33 : i32
      %get3A_4086 = arith.index_cast %get3A_4085 : i32 to index
      %get3A_4087 = arith.constant 32 : index
      %get3A_4088 = tpu.vector_load %arg7[%get3A_4086, %get3A_4087] {strides = array<i32>} : memref<50x128xf32, #tpu.memory_space<vmem>>, vector<1x16xf32>,
      %get3A_4089 = vector.shape_cast %get3A_4088 : vector<1x16xf32> to vector<16xf32>
      %add3A_4090 = arith.addf %add3A_4042, %get3A_4089 : vector<16xf32>
      %get3A_4091 = arith.constant 33 : i32
      %get3A_4092 = arith.index_cast %get3A_4091 : i32 to index
      %get3A_4093 = arith.constant 48 : index
      %get3A_4094 = tpu.vector_load %arg7[%get3A_4092, %get3A_4093] {strides = array<i32>} : memref<50x128xf32, #tpu.memory_space<vmem>>, vector<1x16xf32>,
      %get3A_4095 = vector.shape_cast %get3A_4094 : vector<1x16xf32> to vector<16xf32>
      %add3A_4096 = arith.addf %add3A_4048, %get3A_4095 : vector<16xf32>
      %get3A_4097 = arith.constant 33 : i32
      %get3A_4098 = arith.index_cast %get3A_4097 : i32 to index
      %get3A_4099 = arith.constant 64 : index
      %get3A_4100 = tpu.vector_load %arg7[%get3A_4098, %get3A_4099] {strides = array<i32>} : memref<50x128xf32, #tpu.memory_space<vmem>>, vector<1x16xf32>,
      %get3A_4101 = vector.shape_cast %get3A_4100 : vector<1x16xf32> to vector<16xf32>
      %add3A_4102 = arith.addf %add3A_4054, %get3A_4101 : vector<16xf32>
      %get3A_4103 = arith.constant 33 : i32
      %get3A_4104 = arith.index_cast %get3A_4103 : i32 to index
      %get3A_4105 = arith.constant 80 : index
      %get3A_4106 = tpu.vector_load %arg7[%get3A_4104, %get3A_4105] {strides = array<i32>} : memref<50x128xf32, #tpu.memory_space<vmem>>, vector<1x16xf32>,
      %get3A_4107 = vector.shape_cast %get3A_4106 : vector<1x16xf32> to vector<16xf32>
      %add3A_4108 = arith.addf %add3A_4060, %get3A_4107 : vector<16xf32>
      %get3A_4109 = arith.constant 33 : i32
      %get3A_4110 = arith.index_cast %get3A_4109 : i32 to index
      %get3A_4111 = arith.constant 96 : index
      %get3A_4112 = tpu.vector_load %arg7[%get3A_4110, %get3A_4111] {strides = array<i32>} : memref<50x128xf32, #tpu.memory_space<vmem>>, vector<1x16xf32>,
      %get3A_4113 = vector.shape_cast %get3A_4112 : vector<1x16xf32> to vector<16xf32>
      %add3A_4114 = arith.addf %add3A_4066, %get3A_4113 : vector<16xf32>
      %get3A_4115 = arith.constant 33 : i32
      %get3A_4116 = arith.index_cast %get3A_4115 : i32 to index
      %get3A_4117 = arith.constant 112 : index
      %get3A_4118 = tpu.vector_load %arg7[%get3A_4116, %get3A_4117] {strides = array<i32>} : memref<50x128xf32, #tpu.memory_space<vmem>>, vector<1x16xf32>,
      %get3A_4119 = vector.shape_cast %get3A_4118 : vector<1x16xf32> to vector<16xf32>
      %add3A_4120 = arith.addf %add3A_4072, %get3A_4119 : vector<16xf32>
      %get3A_4121 = arith.constant 34 : i32
      %get3A_4122 = arith.index_cast %get3A_4121 : i32 to index
      %get3A_4123 = arith.constant 0 : index
      %get3A_4124 = tpu.vector_load %arg7[%get3A_4122, %get3A_4123] {strides = array<i32>} : memref<50x128xf32, #tpu.memory_space<vmem>>, vector<1x16xf32>,
      %get3A_4125 = vector.shape_cast %get3A_4124 : vector<1x16xf32> to vector<16xf32>
      %add3A_4126 = arith.addf %add3A_4078, %get3A_4125 : vector<16xf32>
      %get3A_4127 = arith.constant 34 : i32
      %get3A_4128 = arith.index_cast %get3A_4127 : i32 to index
      %get3A_4129 = arith.constant 16 : index
      %get3A_4130 = tpu.vector_load %arg7[%get3A_4128, %get3A_4129] {strides = array<i32>} : memref<50x128xf32, #tpu.memory_space<vmem>>, vector<1x16xf32>,
      %get3A_4131 = vector.shape_cast %get3A_4130 : vector<1x16xf32> to vector<16xf32>
      %add3A_4132 = arith.addf %add3A_4084, %get3A_4131 : vector<16xf32>
      %get3A_4133 = arith.constant 34 : i32
      %get3A_4134 = arith.index_cast %get3A_4133 : i32 to index
      %get3A_4135 = arith.constant 32 : index
      %get3A_4136 = tpu.vector_load %arg7[%get3A_4134, %get3A_4135] {strides = array<i32>} : memref<50x128xf32, #tpu.memory_space<vmem>>, vector<1x16xf32>,
      %get3A_4137 = vector.shape_cast %get3A_4136 : vector<1x16xf32> to vector<16xf32>
      %add3A_4138 = arith.addf %add3A_4090, %get3A_4137 : vector<16xf32>
      %get3A_4139 = arith.constant 34 : i32
      %get3A_4140 = arith.index_cast %get3A_4139 : i32 to index
      %get3A_4141 = arith.constant 48 : index
      %get3A_4142 = tpu.vector_load %arg7[%get3A_4140, %get3A_4141] {strides = array<i32>} : memref<50x128xf32, #tpu.memory_space<vmem>>, vector<1x16xf32>,
      %get3A_4143 = vector.shape_cast %get3A_4142 : vector<1x16xf32> to vector<16xf32>
      %add3A_4144 = arith.addf %add3A_4096, %get3A_4143 : vector<16xf32>
      %get3A_4145 = arith.constant 34 : i32
      %get3A_4146 = arith.index_cast %get3A_4145 : i32 to index
      %get3A_4147 = arith.constant 64 : index
      %get3A_4148 = tpu.vector_load %arg7[%get3A_4146, %get3A_4147] {strides = array<i32>} : memref<50x128xf32, #tpu.memory_space<vmem>>, vector<1x16xf32>,
      %get3A_4149 = vector.shape_cast %get3A_4148 : vector<1x16xf32> to vector<16xf32>
      %add3A_4150 = arith.addf %add3A_4102, %get3A_4149 : vector<16xf32>
      %get3A_4151 = arith.constant 34 : i32
      %get3A_4152 = arith.index_cast %get3A_4151 : i32 to index
      %get3A_4153 = arith.constant 80 : index
      %get3A_4154 = tpu.vector_load %arg7[%get3A_4152, %get3A_4153] {strides = array<i32>} : memref<50x128xf32, #tpu.memory_space<vmem>>, vector<1x16xf32>,
      %get3A_4155 = vector.shape_cast %get3A_4154 : vector<1x16xf32> to vector<16xf32>
      %add3A_4156 = arith.addf %add3A_4108, %get3A_4155 : vector<16xf32>
      %get3A_4157 = arith.constant 34 : i32
      %get3A_4158 = arith.index_cast %get3A_4157 : i32 to index
      %get3A_4159 = arith.constant 96 : index
      %get3A_4160 = tpu.vector_load %arg7[%get3A_4158, %get3A_4159] {strides = array<i32>} : memref<50x128xf32, #tpu.memory_space<vmem>>, vector<1x16xf32>,
      %get3A_4161 = vector.shape_cast %get3A_4160 : vector<1x16xf32> to vector<16xf32>
      %add3A_4162 = arith.addf %add3A_4114, %get3A_4161 : vector<16xf32>
      %get3A_4163 = arith.constant 34 : i32
      %get3A_4164 = arith.index_cast %get3A_4163 : i32 to index
      %get3A_4165 = arith.constant 112 : index
      %get3A_4166 = tpu.vector_load %arg7[%get3A_4164, %get3A_4165] {strides = array<i32>} : memref<50x128xf32, #tpu.memory_space<vmem>>, vector<1x16xf32>,
      %get3A_4167 = vector.shape_cast %get3A_4166 : vector<1x16xf32> to vector<16xf32>
      %add3A_4168 = arith.addf %add3A_4120, %get3A_4167 : vector<16xf32>
      %get3A_4169 = arith.constant 35 : i32
      %get3A_4170 = arith.index_cast %get3A_4169 : i32 to index
      %get3A_4171 = arith.constant 0 : index
      %get3A_4172 = tpu.vector_load %arg7[%get3A_4170, %get3A_4171] {strides = array<i32>} : memref<50x128xf32, #tpu.memory_space<vmem>>, vector<1x16xf32>,
      %get3A_4173 = vector.shape_cast %get3A_4172 : vector<1x16xf32> to vector<16xf32>
      %add3A_4174 = arith.addf %add3A_4126, %get3A_4173 : vector<16xf32>
      %get3A_4175 = arith.constant 35 : i32
      %get3A_4176 = arith.index_cast %get3A_4175 : i32 to index
      %get3A_4177 = arith.constant 16 : index
      %get3A_4178 = tpu.vector_load %arg7[%get3A_4176, %get3A_4177] {strides = array<i32>} : memref<50x128xf32, #tpu.memory_space<vmem>>, vector<1x16xf32>,
      %get3A_4179 = vector.shape_cast %get3A_4178 : vector<1x16xf32> to vector<16xf32>
      %add3A_4180 = arith.addf %add3A_4132, %get3A_4179 : vector<16xf32>
      %get3A_4181 = arith.constant 35 : i32
      %get3A_4182 = arith.index_cast %get3A_4181 : i32 to index
      %get3A_4183 = arith.constant 32 : index
      %get3A_4184 = tpu.vector_load %arg7[%get3A_4182, %get3A_4183] {strides = array<i32>} : memref<50x128xf32, #tpu.memory_space<vmem>>, vector<1x16xf32>,
      %get3A_4185 = vector.shape_cast %get3A_4184 : vector<1x16xf32> to vector<16xf32>
      %add3A_4186 = arith.addf %add3A_4138, %get3A_4185 : vector<16xf32>
      %get3A_4187 = arith.constant 35 : i32
      %get3A_4188 = arith.index_cast %get3A_4187 : i32 to index
      %get3A_4189 = arith.constant 48 : index
      %get3A_4190 = tpu.vector_load %arg7[%get3A_4188, %get3A_4189] {strides = array<i32>} : memref<50x128xf32, #tpu.memory_space<vmem>>, vector<1x16xf32>,
      %get3A_4191 = vector.shape_cast %get3A_4190 : vector<1x16xf32> to vector<16xf32>
      %add3A_4192 = arith.addf %add3A_4144, %get3A_4191 : vector<16xf32>
      %get3A_4193 = arith.constant 35 : i32
      %get3A_4194 = arith.index_cast %get3A_4193 : i32 to index
      %get3A_4195 = arith.constant 64 : index
      %get3A_4196 = tpu.vector_load %arg7[%get3A_4194, %get3A_4195] {strides = array<i32>} : memref<50x128xf32, #tpu.memory_space<vmem>>, vector<1x16xf32>,
      %get3A_4197 = vector.shape_cast %get3A_4196 : vector<1x16xf32> to vector<16xf32>
      %add3A_4198 = arith.addf %add3A_4150, %get3A_4197 : vector<16xf32>
      %get3A_4199 = arith.constant 35 : i32
      %get3A_4200 = arith.index_cast %get3A_4199 : i32 to index
      %get3A_4201 = arith.constant 80 : index
      %get3A_4202 = tpu.vector_load %arg7[%get3A_4200, %get3A_4201] {strides = array<i32>} : memref<50x128xf32, #tpu.memory_space<vmem>>, vector<1x16xf32>,
      %get3A_4203 = vector.shape_cast %get3A_4202 : vector<1x16xf32> to vector<16xf32>
      %add3A_4204 = arith.addf %add3A_4156, %get3A_4203 : vector<16xf32>
      %get3A_4205 = arith.constant 35 : i32
      %get3A_4206 = arith.index_cast %get3A_4205 : i32 to index
      %get3A_4207 = arith.constant 96 : index
      %get3A_4208 = tpu.vector_load %arg7[%get3A_4206, %get3A_4207] {strides = array<i32>} : memref<50x128xf32, #tpu.memory_space<vmem>>, vector<1x16xf32>,
      %get3A_4209 = vector.shape_cast %get3A_4208 : vector<1x16xf32> to vector<16xf32>
      %add3A_4210 = arith.addf %add3A_4162, %get3A_4209 : vector<16xf32>
      %get3A_4211 = arith.constant 35 : i32
      %get3A_4212 = arith.index_cast %get3A_4211 : i32 to index
      %get3A_4213 = arith.constant 112 : index
      %get3A_4214 = tpu.vector_load %arg7[%get3A_4212, %get3A_4213] {strides = array<i32>} : memref<50x128xf32, #tpu.memory_space<vmem>>, vector<1x16xf32>,
      %get3A_4215 = vector.shape_cast %get3A_4214 : vector<1x16xf32> to vector<16xf32>
      %add3A_4216 = arith.addf %add3A_4168, %get3A_4215 : vector<16xf32>
      %get3A_4217 = arith.constant 36 : i32
      %get3A_4218 = arith.index_cast %get3A_4217 : i32 to index
      %get3A_4219 = arith.constant 0 : index
      %get3A_4220 = tpu.vector_load %arg7[%get3A_4218, %get3A_4219] {strides = array<i32>} : memref<50x128xf32, #tpu.memory_space<vmem>>, vector<1x16xf32>,
      %get3A_4221 = vector.shape_cast %get3A_4220 : vector<1x16xf32> to vector<16xf32>
      %add3A_4222 = arith.addf %add3A_4174, %get3A_4221 : vector<16xf32>
      %get3A_4223 = arith.constant 36 : i32
      %get3A_4224 = arith.index_cast %get3A_4223 : i32 to index
      %get3A_4225 = arith.constant 16 : index
      %get3A_4226 = tpu.vector_load %arg7[%get3A_4224, %get3A_4225] {strides = array<i32>} : memref<50x128xf32, #tpu.memory_space<vmem>>, vector<1x16xf32>,
      %get3A_4227 = vector.shape_cast %get3A_4226 : vector<1x16xf32> to vector<16xf32>
      %add3A_4228 = arith.addf %add3A_4180, %get3A_4227 : vector<16xf32>
      %get3A_4229 = arith.constant 36 : i32
      %get3A_4230 = arith.index_cast %get3A_4229 : i32 to index
      %get3A_4231 = arith.constant 32 : index
      %get3A_4232 = tpu.vector_load %arg7[%get3A_4230, %get3A_4231] {strides = array<i32>} : memref<50x128xf32, #tpu.memory_space<vmem>>, vector<1x16xf32>,
      %get3A_4233 = vector.shape_cast %get3A_4232 : vector<1x16xf32> to vector<16xf32>
      %add3A_4234 = arith.addf %add3A_4186, %get3A_4233 : vector<16xf32>
      %get3A_4235 = arith.constant 36 : i32
      %get3A_4236 = arith.index_cast %get3A_4235 : i32 to index
      %get3A_4237 = arith.constant 48 : index
      %get3A_4238 = tpu.vector_load %arg7[%get3A_4236, %get3A_4237] {strides = array<i32>} : memref<50x128xf32, #tpu.memory_space<vmem>>, vector<1x16xf32>,
      %get3A_4239 = vector.shape_cast %get3A_4238 : vector<1x16xf32> to vector<16xf32>
      %add3A_4240 = arith.addf %add3A_4192, %get3A_4239 : vector<16xf32>
      %get3A_4241 = arith.constant 36 : i32
      %get3A_4242 = arith.index_cast %get3A_4241 : i32 to index
      %get3A_4243 = arith.constant 64 : index
      %get3A_4244 = tpu.vector_load %arg7[%get3A_4242, %get3A_4243] {strides = array<i32>} : memref<50x128xf32, #tpu.memory_space<vmem>>, vector<1x16xf32>,
      %get3A_4245 = vector.shape_cast %get3A_4244 : vector<1x16xf32> to vector<16xf32>
      %add3A_4246 = arith.addf %add3A_4198, %get3A_4245 : vector<16xf32>
      %get3A_4247 = arith.constant 36 : i32
      %get3A_4248 = arith.index_cast %get3A_4247 : i32 to index
      %get3A_4249 = arith.constant 80 : index
      %get3A_4250 = tpu.vector_load %arg7[%get3A_4248, %get3A_4249] {strides = array<i32>} : memref<50x128xf32, #tpu.memory_space<vmem>>, vector<1x16xf32>,
      %get3A_4251 = vector.shape_cast %get3A_4250 : vector<1x16xf32> to vector<16xf32>
      %add3A_4252 = arith.addf %add3A_4204, %get3A_4251 : vector<16xf32>
      %get3A_4253 = arith.constant 36 : i32
      %get3A_4254 = arith.index_cast %get3A_4253 : i32 to index
      %get3A_4255 = arith.constant 96 : index
      %get3A_4256 = tpu.vector_load %arg7[%get3A_4254, %get3A_4255] {strides = array<i32>} : memref<50x128xf32, #tpu.memory_space<vmem>>, vector<1x16xf32>,
      %get3A_4257 = vector.shape_cast %get3A_4256 : vector<1x16xf32> to vector<16xf32>
      %add3A_4258 = arith.addf %add3A_4210, %get3A_4257 : vector<16xf32>
      %get3A_4259 = arith.constant 36 : i32
      %get3A_4260 = arith.index_cast %get3A_4259 : i32 to index
      %get3A_4261 = arith.constant 112 : index
      %get3A_4262 = tpu.vector_load %arg7[%get3A_4260, %get3A_4261] {strides = array<i32>} : memref<50x128xf32, #tpu.memory_space<vmem>>, vector<1x16xf32>,
      %get3A_4263 = vector.shape_cast %get3A_4262 : vector<1x16xf32> to vector<16xf32>
      %add3A_4264 = arith.addf %add3A_4216, %get3A_4263 : vector<16xf32>
      %get3A_4265 = arith.constant 37 : i32
      %get3A_4266 = arith.index_cast %get3A_4265 : i32 to index
      %get3A_4267 = arith.constant 0 : index
      %get3A_4268 = tpu.vector_load %arg7[%get3A_4266, %get3A_4267] {strides = array<i32>} : memref<50x128xf32, #tpu.memory_space<vmem>>, vector<1x16xf32>,
      %get3A_4269 = vector.shape_cast %get3A_4268 : vector<1x16xf32> to vector<16xf32>
      %add3A_4270 = arith.addf %add3A_4222, %get3A_4269 : vector<16xf32>
      %get3A_4271 = arith.constant 37 : i32
      %get3A_4272 = arith.index_cast %get3A_4271 : i32 to index
      %get3A_4273 = arith.constant 16 : index
      %get3A_4274 = tpu.vector_load %arg7[%get3A_4272, %get3A_4273] {strides = array<i32>} : memref<50x128xf32, #tpu.memory_space<vmem>>, vector<1x16xf32>,
      %get3A_4275 = vector.shape_cast %get3A_4274 : vector<1x16xf32> to vector<16xf32>
      %add3A_4276 = arith.addf %add3A_4228, %get3A_4275 : vector<16xf32>
      %get3A_4277 = arith.constant 37 : i32
      %get3A_4278 = arith.index_cast %get3A_4277 : i32 to index
      %get3A_4279 = arith.constant 32 : index
      %get3A_4280 = tpu.vector_load %arg7[%get3A_4278, %get3A_4279] {strides = array<i32>} : memref<50x128xf32, #tpu.memory_space<vmem>>, vector<1x16xf32>,
      %get3A_4281 = vector.shape_cast %get3A_4280 : vector<1x16xf32> to vector<16xf32>
      %add3A_4282 = arith.addf %add3A_4234, %get3A_4281 : vector<16xf32>
      %get3A_4283 = arith.constant 37 : i32
      %get3A_4284 = arith.index_cast %get3A_4283 : i32 to index
      %get3A_4285 = arith.constant 48 : index
      %get3A_4286 = tpu.vector_load %arg7[%get3A_4284, %get3A_4285] {strides = array<i32>} : memref<50x128xf32, #tpu.memory_space<vmem>>, vector<1x16xf32>,
      %get3A_4287 = vector.shape_cast %get3A_4286 : vector<1x16xf32> to vector<16xf32>
      %add3A_4288 = arith.addf %add3A_4240, %get3A_4287 : vector<16xf32>
      %get3A_4289 = arith.constant 37 : i32
      %get3A_4290 = arith.index_cast %get3A_4289 : i32 to index
      %get3A_4291 = arith.constant 64 : index
      %get3A_4292 = tpu.vector_load %arg7[%get3A_4290, %get3A_4291] {strides = array<i32>} : memref<50x128xf32, #tpu.memory_space<vmem>>, vector<1x16xf32>,
      %get3A_4293 = vector.shape_cast %get3A_4292 : vector<1x16xf32> to vector<16xf32>
      %add3A_4294 = arith.addf %add3A_4246, %get3A_4293 : vector<16xf32>
      %get3A_4295 = arith.constant 37 : i32
      %get3A_4296 = arith.index_cast %get3A_4295 : i32 to index
      %get3A_4297 = arith.constant 80 : index
      %get3A_4298 = tpu.vector_load %arg7[%get3A_4296, %get3A_4297] {strides = array<i32>} : memref<50x128xf32, #tpu.memory_space<vmem>>, vector<1x16xf32>,
      %get3A_4299 = vector.shape_cast %get3A_4298 : vector<1x16xf32> to vector<16xf32>
      %add3A_4300 = arith.addf %add3A_4252, %get3A_4299 : vector<16xf32>
      %get3A_4301 = arith.constant 37 : i32
      %get3A_4302 = arith.index_cast %get3A_4301 : i32 to index
      %get3A_4303 = arith.constant 96 : index
      %get3A_4304 = tpu.vector_load %arg7[%get3A_4302, %get3A_4303] {strides = array<i32>} : memref<50x128xf32, #tpu.memory_space<vmem>>, vector<1x16xf32>,
      %get3A_4305 = vector.shape_cast %get3A_4304 : vector<1x16xf32> to vector<16xf32>
      %add3A_4306 = arith.addf %add3A_4258, %get3A_4305 : vector<16xf32>
      %get3A_4307 = arith.constant 37 : i32
      %get3A_4308 = arith.index_cast %get3A_4307 : i32 to index
      %get3A_4309 = arith.constant 112 : index
      %get3A_4310 = tpu.vector_load %arg7[%get3A_4308, %get3A_4309] {strides = array<i32>} : memref<50x128xf32, #tpu.memory_space<vmem>>, vector<1x16xf32>,
      %get3A_4311 = vector.shape_cast %get3A_4310 : vector<1x16xf32> to vector<16xf32>
      %add3A_4312 = arith.addf %add3A_4264, %get3A_4311 : vector<16xf32>
      %get3A_4313 = arith.constant 38 : i32
      %get3A_4314 = arith.index_cast %get3A_4313 : i32 to index
      %get3A_4315 = arith.constant 0 : index
      %get3A_4316 = tpu.vector_load %arg7[%get3A_4314, %get3A_4315] {strides = array<i32>} : memref<50x128xf32, #tpu.memory_space<vmem>>, vector<1x16xf32>,
      %get3A_4317 = vector.shape_cast %get3A_4316 : vector<1x16xf32> to vector<16xf32>
      %add3A_4318 = arith.addf %add3A_4270, %get3A_4317 : vector<16xf32>
      %get3A_4319 = arith.constant 38 : i32
      %get3A_4320 = arith.index_cast %get3A_4319 : i32 to index
      %get3A_4321 = arith.constant 16 : index
      %get3A_4322 = tpu.vector_load %arg7[%get3A_4320, %get3A_4321] {strides = array<i32>} : memref<50x128xf32, #tpu.memory_space<vmem>>, vector<1x16xf32>,
      %get3A_4323 = vector.shape_cast %get3A_4322 : vector<1x16xf32> to vector<16xf32>
      %add3A_4324 = arith.addf %add3A_4276, %get3A_4323 : vector<16xf32>
      %get3A_4325 = arith.constant 38 : i32
      %get3A_4326 = arith.index_cast %get3A_4325 : i32 to index
      %get3A_4327 = arith.constant 32 : index
      %get3A_4328 = tpu.vector_load %arg7[%get3A_4326, %get3A_4327] {strides = array<i32>} : memref<50x128xf32, #tpu.memory_space<vmem>>, vector<1x16xf32>,
      %get3A_4329 = vector.shape_cast %get3A_4328 : vector<1x16xf32> to vector<16xf32>
      %add3A_4330 = arith.addf %add3A_4282, %get3A_4329 : vector<16xf32>
      %get3A_4331 = arith.constant 38 : i32
      %get3A_4332 = arith.index_cast %get3A_4331 : i32 to index
      %get3A_4333 = arith.constant 48 : index
      %get3A_4334 = tpu.vector_load %arg7[%get3A_4332, %get3A_4333] {strides = array<i32>} : memref<50x128xf32, #tpu.memory_space<vmem>>, vector<1x16xf32>,
      %get3A_4335 = vector.shape_cast %get3A_4334 : vector<1x16xf32> to vector<16xf32>
      %add3A_4336 = arith.addf %add3A_4288, %get3A_4335 : vector<16xf32>
      %get3A_4337 = arith.constant 38 : i32
      %get3A_4338 = arith.index_cast %get3A_4337 : i32 to index
      %get3A_4339 = arith.constant 64 : index
      %get3A_4340 = tpu.vector_load %arg7[%get3A_4338, %get3A_4339] {strides = array<i32>} : memref<50x128xf32, #tpu.memory_space<vmem>>, vector<1x16xf32>,
      %get3A_4341 = vector.shape_cast %get3A_4340 : vector<1x16xf32> to vector<16xf32>
      %add3A_4342 = arith.addf %add3A_4294, %get3A_4341 : vector<16xf32>
      %get3A_4343 = arith.constant 38 : i32
      %get3A_4344 = arith.index_cast %get3A_4343 : i32 to index
      %get3A_4345 = arith.constant 80 : index
      %get3A_4346 = tpu.vector_load %arg7[%get3A_4344, %get3A_4345] {strides = array<i32>} : memref<50x128xf32, #tpu.memory_space<vmem>>, vector<1x16xf32>,
      %get3A_4347 = vector.shape_cast %get3A_4346 : vector<1x16xf32> to vector<16xf32>
      %add3A_4348 = arith.addf %add3A_4300, %get3A_4347 : vector<16xf32>
      %get3A_4349 = arith.constant 38 : i32
      %get3A_4350 = arith.index_cast %get3A_4349 : i32 to index
      %get3A_4351 = arith.constant 96 : index
      %get3A_4352 = tpu.vector_load %arg7[%get3A_4350, %get3A_4351] {strides = array<i32>} : memref<50x128xf32, #tpu.memory_space<vmem>>, vector<1x16xf32>,
      %get3A_4353 = vector.shape_cast %get3A_4352 : vector<1x16xf32> to vector<16xf32>
      %add3A_4354 = arith.addf %add3A_4306, %get3A_4353 : vector<16xf32>
      %get3A_4355 = arith.constant 38 : i32
      %get3A_4356 = arith.index_cast %get3A_4355 : i32 to index
      %get3A_4357 = arith.constant 112 : index
      %get3A_4358 = tpu.vector_load %arg7[%get3A_4356, %get3A_4357] {strides = array<i32>} : memref<50x128xf32, #tpu.memory_space<vmem>>, vector<1x16xf32>,
      %get3A_4359 = vector.shape_cast %get3A_4358 : vector<1x16xf32> to vector<16xf32>
      %add3A_4360 = arith.addf %add3A_4312, %get3A_4359 : vector<16xf32>
      %get3A_4361 = arith.constant 39 : i32
      %get3A_4362 = arith.index_cast %get3A_4361 : i32 to index
      %get3A_4363 = arith.constant 0 : index
      %get3A_4364 = tpu.vector_load %arg7[%get3A_4362, %get3A_4363] {strides = array<i32>} : memref<50x128xf32, #tpu.memory_space<vmem>>, vector<1x16xf32>,
      %get3A_4365 = vector.shape_cast %get3A_4364 : vector<1x16xf32> to vector<16xf32>
      %add3A_4366 = arith.addf %add3A_4318, %get3A_4365 : vector<16xf32>
      %get3A_4367 = arith.constant 39 : i32
      %get3A_4368 = arith.index_cast %get3A_4367 : i32 to index
      %get3A_4369 = arith.constant 16 : index
      %get3A_4370 = tpu.vector_load %arg7[%get3A_4368, %get3A_4369] {strides = array<i32>} : memref<50x128xf32, #tpu.memory_space<vmem>>, vector<1x16xf32>,
      %get3A_4371 = vector.shape_cast %get3A_4370 : vector<1x16xf32> to vector<16xf32>
      %add3A_4372 = arith.addf %add3A_4324, %get3A_4371 : vector<16xf32>
      %get3A_4373 = arith.constant 39 : i32
      %get3A_4374 = arith.index_cast %get3A_4373 : i32 to index
      %get3A_4375 = arith.constant 32 : index
      %get3A_4376 = tpu.vector_load %arg7[%get3A_4374, %get3A_4375] {strides = array<i32>} : memref<50x128xf32, #tpu.memory_space<vmem>>, vector<1x16xf32>,
      %get3A_4377 = vector.shape_cast %get3A_4376 : vector<1x16xf32> to vector<16xf32>
      %add3A_4378 = arith.addf %add3A_4330, %get3A_4377 : vector<16xf32>
      %get3A_4379 = arith.constant 39 : i32
      %get3A_4380 = arith.index_cast %get3A_4379 : i32 to index
      %get3A_4381 = arith.constant 48 : index
      %get3A_4382 = tpu.vector_load %arg7[%get3A_4380, %get3A_4381] {strides = array<i32>} : memref<50x128xf32, #tpu.memory_space<vmem>>, vector<1x16xf32>,
      %get3A_4383 = vector.shape_cast %get3A_4382 : vector<1x16xf32> to vector<16xf32>
      %add3A_4384 = arith.addf %add3A_4336, %get3A_4383 : vector<16xf32>
      %get3A_4385 = arith.constant 39 : i32
      %get3A_4386 = arith.index_cast %get3A_4385 : i32 to index
      %get3A_4387 = arith.constant 64 : index
      %get3A_4388 = tpu.vector_load %arg7[%get3A_4386, %get3A_4387] {strides = array<i32>} : memref<50x128xf32, #tpu.memory_space<vmem>>, vector<1x16xf32>,
      %get3A_4389 = vector.shape_cast %get3A_4388 : vector<1x16xf32> to vector<16xf32>
      %add3A_4390 = arith.addf %add3A_4342, %get3A_4389 : vector<16xf32>
      %get3A_4391 = arith.constant 39 : i32
      %get3A_4392 = arith.index_cast %get3A_4391 : i32 to index
      %get3A_4393 = arith.constant 80 : index
      %get3A_4394 = tpu.vector_load %arg7[%get3A_4392, %get3A_4393] {strides = array<i32>} : memref<50x128xf32, #tpu.memory_space<vmem>>, vector<1x16xf32>,
      %get3A_4395 = vector.shape_cast %get3A_4394 : vector<1x16xf32> to vector<16xf32>
      %add3A_4396 = arith.addf %add3A_4348, %get3A_4395 : vector<16xf32>
      %get3A_4397 = arith.constant 39 : i32
      %get3A_4398 = arith.index_cast %get3A_4397 : i32 to index
      %get3A_4399 = arith.constant 96 : index
      %get3A_4400 = tpu.vector_load %arg7[%get3A_4398, %get3A_4399] {strides = array<i32>} : memref<50x128xf32, #tpu.memory_space<vmem>>, vector<1x16xf32>,
      %get3A_4401 = vector.shape_cast %get3A_4400 : vector<1x16xf32> to vector<16xf32>
      %add3A_4402 = arith.addf %add3A_4354, %get3A_4401 : vector<16xf32>
      %get3A_4403 = arith.constant 39 : i32
      %get3A_4404 = arith.index_cast %get3A_4403 : i32 to index
      %get3A_4405 = arith.constant 112 : index
      %get3A_4406 = tpu.vector_load %arg7[%get3A_4404, %get3A_4405] {strides = array<i32>} : memref<50x128xf32, #tpu.memory_space<vmem>>, vector<1x16xf32>,
      %get3A_4407 = vector.shape_cast %get3A_4406 : vector<1x16xf32> to vector<16xf32>
      %add3A_4408 = arith.addf %add3A_4360, %get3A_4407 : vector<16xf32>
      %get3A_4409 = arith.constant 40 : i32
      %get3A_4410 = arith.index_cast %get3A_4409 : i32 to index
      %get3A_4411 = arith.constant 0 : index
      %get3A_4412 = tpu.vector_load %arg7[%get3A_4410, %get3A_4411] {strides = array<i32>} : memref<50x128xf32, #tpu.memory_space<vmem>>, vector<1x16xf32>,
      %get3A_4413 = vector.shape_cast %get3A_4412 : vector<1x16xf32> to vector<16xf32>
      %add3A_4414 = arith.addf %add3A_4366, %get3A_4413 : vector<16xf32>
      %get3A_4415 = arith.constant 40 : i32
      %get3A_4416 = arith.index_cast %get3A_4415 : i32 to index
      %get3A_4417 = arith.constant 16 : index
      %get3A_4418 = tpu.vector_load %arg7[%get3A_4416, %get3A_4417] {strides = array<i32>} : memref<50x128xf32, #tpu.memory_space<vmem>>, vector<1x16xf32>,
      %get3A_4419 = vector.shape_cast %get3A_4418 : vector<1x16xf32> to vector<16xf32>
      %add3A_4420 = arith.addf %add3A_4372, %get3A_4419 : vector<16xf32>
      %get3A_4421 = arith.constant 40 : i32
      %get3A_4422 = arith.index_cast %get3A_4421 : i32 to index
      %get3A_4423 = arith.constant 32 : index
      %get3A_4424 = tpu.vector_load %arg7[%get3A_4422, %get3A_4423] {strides = array<i32>} : memref<50x128xf32, #tpu.memory_space<vmem>>, vector<1x16xf32>,
      %get3A_4425 = vector.shape_cast %get3A_4424 : vector<1x16xf32> to vector<16xf32>
      %add3A_4426 = arith.addf %add3A_4378, %get3A_4425 : vector<16xf32>
      %get3A_4427 = arith.constant 40 : i32
      %get3A_4428 = arith.index_cast %get3A_4427 : i32 to index
      %get3A_4429 = arith.constant 48 : index
      %get3A_4430 = tpu.vector_load %arg7[%get3A_4428, %get3A_4429] {strides = array<i32>} : memref<50x128xf32, #tpu.memory_space<vmem>>, vector<1x16xf32>,
      %get3A_4431 = vector.shape_cast %get3A_4430 : vector<1x16xf32> to vector<16xf32>
      %add3A_4432 = arith.addf %add3A_4384, %get3A_4431 : vector<16xf32>
      %get3A_4433 = arith.constant 40 : i32
      %get3A_4434 = arith.index_cast %get3A_4433 : i32 to index
      %get3A_4435 = arith.constant 64 : index
      %get3A_4436 = tpu.vector_load %arg7[%get3A_4434, %get3A_4435] {strides = array<i32>} : memref<50x128xf32, #tpu.memory_space<vmem>>, vector<1x16xf32>,
      %get3A_4437 = vector.shape_cast %get3A_4436 : vector<1x16xf32> to vector<16xf32>
      %add3A_4438 = arith.addf %add3A_4390, %get3A_4437 : vector<16xf32>
      %get3A_4439 = arith.constant 40 : i32
      %get3A_4440 = arith.index_cast %get3A_4439 : i32 to index
      %get3A_4441 = arith.constant 80 : index
      %get3A_4442 = tpu.vector_load %arg7[%get3A_4440, %get3A_4441] {strides = array<i32>} : memref<50x128xf32, #tpu.memory_space<vmem>>, vector<1x16xf32>,
      %get3A_4443 = vector.shape_cast %get3A_4442 : vector<1x16xf32> to vector<16xf32>
      %add3A_4444 = arith.addf %add3A_4396, %get3A_4443 : vector<16xf32>
      %get3A_4445 = arith.constant 40 : i32
      %get3A_4446 = arith.index_cast %get3A_4445 : i32 to index
      %get3A_4447 = arith.constant 96 : index
      %get3A_4448 = tpu.vector_load %arg7[%get3A_4446, %get3A_4447] {strides = array<i32>} : memref<50x128xf32, #tpu.memory_space<vmem>>, vector<1x16xf32>,
      %get3A_4449 = vector.shape_cast %get3A_4448 : vector<1x16xf32> to vector<16xf32>
      %add3A_4450 = arith.addf %add3A_4402, %get3A_4449 : vector<16xf32>
      %get3A_4451 = arith.constant 40 : i32
      %get3A_4452 = arith.index_cast %get3A_4451 : i32 to index
      %get3A_4453 = arith.constant 112 : index
      %get3A_4454 = tpu.vector_load %arg7[%get3A_4452, %get3A_4453] {strides = array<i32>} : memref<50x128xf32, #tpu.memory_space<vmem>>, vector<1x16xf32>,
      %get3A_4455 = vector.shape_cast %get3A_4454 : vector<1x16xf32> to vector<16xf32>
      %add3A_4456 = arith.addf %add3A_4408, %get3A_4455 : vector<16xf32>
      %get3A_4457 = arith.constant 41 : i32
      %get3A_4458 = arith.index_cast %get3A_4457 : i32 to index
      %get3A_4459 = arith.constant 0 : index
      %get3A_4460 = tpu.vector_load %arg7[%get3A_4458, %get3A_4459] {strides = array<i32>} : memref<50x128xf32, #tpu.memory_space<vmem>>, vector<1x16xf32>,
      %get3A_4461 = vector.shape_cast %get3A_4460 : vector<1x16xf32> to vector<16xf32>
      %add3A_4462 = arith.addf %add3A_4414, %get3A_4461 : vector<16xf32>
      %get3A_4463 = arith.constant 41 : i32
      %get3A_4464 = arith.index_cast %get3A_4463 : i32 to index
      %get3A_4465 = arith.constant 16 : index
      %get3A_4466 = tpu.vector_load %arg7[%get3A_4464, %get3A_4465] {strides = array<i32>} : memref<50x128xf32, #tpu.memory_space<vmem>>, vector<1x16xf32>,
      %get3A_4467 = vector.shape_cast %get3A_4466 : vector<1x16xf32> to vector<16xf32>
      %add3A_4468 = arith.addf %add3A_4420, %get3A_4467 : vector<16xf32>
      %get3A_4469 = arith.constant 41 : i32
      %get3A_4470 = arith.index_cast %get3A_4469 : i32 to index
      %get3A_4471 = arith.constant 32 : index
      %get3A_4472 = tpu.vector_load %arg7[%get3A_4470, %get3A_4471] {strides = array<i32>} : memref<50x128xf32, #tpu.memory_space<vmem>>, vector<1x16xf32>,
      %get3A_4473 = vector.shape_cast %get3A_4472 : vector<1x16xf32> to vector<16xf32>
      %add3A_4474 = arith.addf %add3A_4426, %get3A_4473 : vector<16xf32>
      %get3A_4475 = arith.constant 41 : i32
      %get3A_4476 = arith.index_cast %get3A_4475 : i32 to index
      %get3A_4477 = arith.constant 48 : index
      %get3A_4478 = tpu.vector_load %arg7[%get3A_4476, %get3A_4477] {strides = array<i32>} : memref<50x128xf32, #tpu.memory_space<vmem>>, vector<1x16xf32>,
      %get3A_4479 = vector.shape_cast %get3A_4478 : vector<1x16xf32> to vector<16xf32>
      %add3A_4480 = arith.addf %add3A_4432, %get3A_4479 : vector<16xf32>
      %get3A_4481 = arith.constant 41 : i32
      %get3A_4482 = arith.index_cast %get3A_4481 : i32 to index
      %get3A_4483 = arith.constant 64 : index
      %get3A_4484 = tpu.vector_load %arg7[%get3A_4482, %get3A_4483] {strides = array<i32>} : memref<50x128xf32, #tpu.memory_space<vmem>>, vector<1x16xf32>,
      %get3A_4485 = vector.shape_cast %get3A_4484 : vector<1x16xf32> to vector<16xf32>
      %add3A_4486 = arith.addf %add3A_4438, %get3A_4485 : vector<16xf32>
      %get3A_4487 = arith.constant 41 : i32
      %get3A_4488 = arith.index_cast %get3A_4487 : i32 to index
      %get3A_4489 = arith.constant 80 : index
      %get3A_4490 = tpu.vector_load %arg7[%get3A_4488, %get3A_4489] {strides = array<i32>} : memref<50x128xf32, #tpu.memory_space<vmem>>, vector<1x16xf32>,
      %get3A_4491 = vector.shape_cast %get3A_4490 : vector<1x16xf32> to vector<16xf32>
      %add3A_4492 = arith.addf %add3A_4444, %get3A_4491 : vector<16xf32>
      %get3A_4493 = arith.constant 41 : i32
      %get3A_4494 = arith.index_cast %get3A_4493 : i32 to index
      %get3A_4495 = arith.constant 96 : index
      %get3A_4496 = tpu.vector_load %arg7[%get3A_4494, %get3A_4495] {strides = array<i32>} : memref<50x128xf32, #tpu.memory_space<vmem>>, vector<1x16xf32>,
      %get3A_4497 = vector.shape_cast %get3A_4496 : vector<1x16xf32> to vector<16xf32>
      %add3A_4498 = arith.addf %add3A_4450, %get3A_4497 : vector<16xf32>
      %get3A_4499 = arith.constant 41 : i32
      %get3A_4500 = arith.index_cast %get3A_4499 : i32 to index
      %get3A_4501 = arith.constant 112 : index
      %get3A_4502 = tpu.vector_load %arg7[%get3A_4500, %get3A_4501] {strides = array<i32>} : memref<50x128xf32, #tpu.memory_space<vmem>>, vector<1x16xf32>,
      %get3A_4503 = vector.shape_cast %get3A_4502 : vector<1x16xf32> to vector<16xf32>
      %add3A_4504 = arith.addf %add3A_4456, %get3A_4503 : vector<16xf32>
      %get3A_4505 = arith.constant 42 : i32
      %get3A_4506 = arith.index_cast %get3A_4505 : i32 to index
      %get3A_4507 = arith.constant 0 : index
      %get3A_4508 = tpu.vector_load %arg7[%get3A_4506, %get3A_4507] {strides = array<i32>} : memref<50x128xf32, #tpu.memory_space<vmem>>, vector<1x16xf32>,
      %get3A_4509 = vector.shape_cast %get3A_4508 : vector<1x16xf32> to vector<16xf32>
      %add3A_4510 = arith.addf %add3A_4462, %get3A_4509 : vector<16xf32>
      %get3A_4511 = arith.constant 42 : i32
      %get3A_4512 = arith.index_cast %get3A_4511 : i32 to index
      %get3A_4513 = arith.constant 16 : index
      %get3A_4514 = tpu.vector_load %arg7[%get3A_4512, %get3A_4513] {strides = array<i32>} : memref<50x128xf32, #tpu.memory_space<vmem>>, vector<1x16xf32>,
      %get3A_4515 = vector.shape_cast %get3A_4514 : vector<1x16xf32> to vector<16xf32>
      %add3A_4516 = arith.addf %add3A_4468, %get3A_4515 : vector<16xf32>
      %get3A_4517 = arith.constant 42 : i32
      %get3A_4518 = arith.index_cast %get3A_4517 : i32 to index
      %get3A_4519 = arith.constant 32 : index
      %get3A_4520 = tpu.vector_load %arg7[%get3A_4518, %get3A_4519] {strides = array<i32>} : memref<50x128xf32, #tpu.memory_space<vmem>>, vector<1x16xf32>,
      %get3A_4521 = vector.shape_cast %get3A_4520 : vector<1x16xf32> to vector<16xf32>
      %add3A_4522 = arith.addf %add3A_4474, %get3A_4521 : vector<16xf32>
      %get3A_4523 = arith.constant 42 : i32
      %get3A_4524 = arith.index_cast %get3A_4523 : i32 to index
      %get3A_4525 = arith.constant 48 : index
      %get3A_4526 = tpu.vector_load %arg7[%get3A_4524, %get3A_4525] {strides = array<i32>} : memref<50x128xf32, #tpu.memory_space<vmem>>, vector<1x16xf32>,
      %get3A_4527 = vector.shape_cast %get3A_4526 : vector<1x16xf32> to vector<16xf32>
      %add3A_4528 = arith.addf %add3A_4480, %get3A_4527 : vector<16xf32>
      %get3A_4529 = arith.constant 42 : i32
      %get3A_4530 = arith.index_cast %get3A_4529 : i32 to index
      %get3A_4531 = arith.constant 64 : index
      %get3A_4532 = tpu.vector_load %arg7[%get3A_4530, %get3A_4531] {strides = array<i32>} : memref<50x128xf32, #tpu.memory_space<vmem>>, vector<1x16xf32>,
      %get3A_4533 = vector.shape_cast %get3A_4532 : vector<1x16xf32> to vector<16xf32>
      %add3A_4534 = arith.addf %add3A_4486, %get3A_4533 : vector<16xf32>
      %get3A_4535 = arith.constant 42 : i32
      %get3A_4536 = arith.index_cast %get3A_4535 : i32 to index
      %get3A_4537 = arith.constant 80 : index
      %get3A_4538 = tpu.vector_load %arg7[%get3A_4536, %get3A_4537] {strides = array<i32>} : memref<50x128xf32, #tpu.memory_space<vmem>>, vector<1x16xf32>,
      %get3A_4539 = vector.shape_cast %get3A_4538 : vector<1x16xf32> to vector<16xf32>
      %add3A_4540 = arith.addf %add3A_4492, %get3A_4539 : vector<16xf32>
      %get3A_4541 = arith.constant 42 : i32
      %get3A_4542 = arith.index_cast %get3A_4541 : i32 to index
      %get3A_4543 = arith.constant 96 : index
      %get3A_4544 = tpu.vector_load %arg7[%get3A_4542, %get3A_4543] {strides = array<i32>} : memref<50x128xf32, #tpu.memory_space<vmem>>, vector<1x16xf32>,
      %get3A_4545 = vector.shape_cast %get3A_4544 : vector<1x16xf32> to vector<16xf32>
      %add3A_4546 = arith.addf %add3A_4498, %get3A_4545 : vector<16xf32>
      %get3A_4547 = arith.constant 42 : i32
      %get3A_4548 = arith.index_cast %get3A_4547 : i32 to index
      %get3A_4549 = arith.constant 112 : index
      %get3A_4550 = tpu.vector_load %arg7[%get3A_4548, %get3A_4549] {strides = array<i32>} : memref<50x128xf32, #tpu.memory_space<vmem>>, vector<1x16xf32>,
      %get3A_4551 = vector.shape_cast %get3A_4550 : vector<1x16xf32> to vector<16xf32>
      %add3A_4552 = arith.addf %add3A_4504, %get3A_4551 : vector<16xf32>
      %get3A_4553 = arith.constant 43 : i32
      %get3A_4554 = arith.index_cast %get3A_4553 : i32 to index
      %get3A_4555 = arith.constant 0 : index
      %get3A_4556 = tpu.vector_load %arg7[%get3A_4554, %get3A_4555] {strides = array<i32>} : memref<50x128xf32, #tpu.memory_space<vmem>>, vector<1x16xf32>,
      %get3A_4557 = vector.shape_cast %get3A_4556 : vector<1x16xf32> to vector<16xf32>
      %add3A_4558 = arith.addf %add3A_4510, %get3A_4557 : vector<16xf32>
      %get3A_4559 = arith.constant 43 : i32
      %get3A_4560 = arith.index_cast %get3A_4559 : i32 to index
      %get3A_4561 = arith.constant 16 : index
      %get3A_4562 = tpu.vector_load %arg7[%get3A_4560, %get3A_4561] {strides = array<i32>} : memref<50x128xf32, #tpu.memory_space<vmem>>, vector<1x16xf32>,
      %get3A_4563 = vector.shape_cast %get3A_4562 : vector<1x16xf32> to vector<16xf32>
      %add3A_4564 = arith.addf %add3A_4516, %get3A_4563 : vector<16xf32>
      %get3A_4565 = arith.constant 43 : i32
      %get3A_4566 = arith.index_cast %get3A_4565 : i32 to index
      %get3A_4567 = arith.constant 32 : index
      %get3A_4568 = tpu.vector_load %arg7[%get3A_4566, %get3A_4567] {strides = array<i32>} : memref<50x128xf32, #tpu.memory_space<vmem>>, vector<1x16xf32>,
      %get3A_4569 = vector.shape_cast %get3A_4568 : vector<1x16xf32> to vector<16xf32>
      %add3A_4570 = arith.addf %add3A_4522, %get3A_4569 : vector<16xf32>
      %get3A_4571 = arith.constant 43 : i32
      %get3A_4572 = arith.index_cast %get3A_4571 : i32 to index
      %get3A_4573 = arith.constant 48 : index
      %get3A_4574 = tpu.vector_load %arg7[%get3A_4572, %get3A_4573] {strides = array<i32>} : memref<50x128xf32, #tpu.memory_space<vmem>>, vector<1x16xf32>,
      %get3A_4575 = vector.shape_cast %get3A_4574 : vector<1x16xf32> to vector<16xf32>
      %add3A_4576 = arith.addf %add3A_4528, %get3A_4575 : vector<16xf32>
      %get3A_4577 = arith.constant 43 : i32
      %get3A_4578 = arith.index_cast %get3A_4577 : i32 to index
      %get3A_4579 = arith.constant 64 : index
      %get3A_4580 = tpu.vector_load %arg7[%get3A_4578, %get3A_4579] {strides = array<i32>} : memref<50x128xf32, #tpu.memory_space<vmem>>, vector<1x16xf32>,
      %get3A_4581 = vector.shape_cast %get3A_4580 : vector<1x16xf32> to vector<16xf32>
      %add3A_4582 = arith.addf %add3A_4534, %get3A_4581 : vector<16xf32>
      %get3A_4583 = arith.constant 43 : i32
      %get3A_4584 = arith.index_cast %get3A_4583 : i32 to index
      %get3A_4585 = arith.constant 80 : index
      %get3A_4586 = tpu.vector_load %arg7[%get3A_4584, %get3A_4585] {strides = array<i32>} : memref<50x128xf32, #tpu.memory_space<vmem>>, vector<1x16xf32>,
      %get3A_4587 = vector.shape_cast %get3A_4586 : vector<1x16xf32> to vector<16xf32>
      %add3A_4588 = arith.addf %add3A_4540, %get3A_4587 : vector<16xf32>
      %get3A_4589 = arith.constant 43 : i32
      %get3A_4590 = arith.index_cast %get3A_4589 : i32 to index
      %get3A_4591 = arith.constant 96 : index
      %get3A_4592 = tpu.vector_load %arg7[%get3A_4590, %get3A_4591] {strides = array<i32>} : memref<50x128xf32, #tpu.memory_space<vmem>>, vector<1x16xf32>,
      %get3A_4593 = vector.shape_cast %get3A_4592 : vector<1x16xf32> to vector<16xf32>
      %add3A_4594 = arith.addf %add3A_4546, %get3A_4593 : vector<16xf32>
      %get3A_4595 = arith.constant 43 : i32
      %get3A_4596 = arith.index_cast %get3A_4595 : i32 to index
      %get3A_4597 = arith.constant 112 : index
      %get3A_4598 = tpu.vector_load %arg7[%get3A_4596, %get3A_4597] {strides = array<i32>} : memref<50x128xf32, #tpu.memory_space<vmem>>, vector<1x16xf32>,
      %get3A_4599 = vector.shape_cast %get3A_4598 : vector<1x16xf32> to vector<16xf32>
      %add3A_4600 = arith.addf %add3A_4552, %get3A_4599 : vector<16xf32>
      %get3A_4601 = arith.constant 44 : i32
      %get3A_4602 = arith.index_cast %get3A_4601 : i32 to index
      %get3A_4603 = arith.constant 0 : index
      %get3A_4604 = tpu.vector_load %arg7[%get3A_4602, %get3A_4603] {strides = array<i32>} : memref<50x128xf32, #tpu.memory_space<vmem>>, vector<1x16xf32>,
      %get3A_4605 = vector.shape_cast %get3A_4604 : vector<1x16xf32> to vector<16xf32>
      %add3A_4606 = arith.addf %add3A_4558, %get3A_4605 : vector<16xf32>
      %get3A_4607 = arith.constant 44 : i32
      %get3A_4608 = arith.index_cast %get3A_4607 : i32 to index
      %get3A_4609 = arith.constant 16 : index
      %get3A_4610 = tpu.vector_load %arg7[%get3A_4608, %get3A_4609] {strides = array<i32>} : memref<50x128xf32, #tpu.memory_space<vmem>>, vector<1x16xf32>,
      %get3A_4611 = vector.shape_cast %get3A_4610 : vector<1x16xf32> to vector<16xf32>
      %add3A_4612 = arith.addf %add3A_4564, %get3A_4611 : vector<16xf32>
      %get3A_4613 = arith.constant 44 : i32
      %get3A_4614 = arith.index_cast %get3A_4613 : i32 to index
      %get3A_4615 = arith.constant 32 : index
      %get3A_4616 = tpu.vector_load %arg7[%get3A_4614, %get3A_4615] {strides = array<i32>} : memref<50x128xf32, #tpu.memory_space<vmem>>, vector<1x16xf32>,
      %get3A_4617 = vector.shape_cast %get3A_4616 : vector<1x16xf32> to vector<16xf32>
      %add3A_4618 = arith.addf %add3A_4570, %get3A_4617 : vector<16xf32>
      %get3A_4619 = arith.constant 44 : i32
      %get3A_4620 = arith.index_cast %get3A_4619 : i32 to index
      %get3A_4621 = arith.constant 48 : index
      %get3A_4622 = tpu.vector_load %arg7[%get3A_4620, %get3A_4621] {strides = array<i32>} : memref<50x128xf32, #tpu.memory_space<vmem>>, vector<1x16xf32>,
      %get3A_4623 = vector.shape_cast %get3A_4622 : vector<1x16xf32> to vector<16xf32>
      %add3A_4624 = arith.addf %add3A_4576, %get3A_4623 : vector<16xf32>
      %get3A_4625 = arith.constant 44 : i32
      %get3A_4626 = arith.index_cast %get3A_4625 : i32 to index
      %get3A_4627 = arith.constant 64 : index
      %get3A_4628 = tpu.vector_load %arg7[%get3A_4626, %get3A_4627] {strides = array<i32>} : memref<50x128xf32, #tpu.memory_space<vmem>>, vector<1x16xf32>,
      %get3A_4629 = vector.shape_cast %get3A_4628 : vector<1x16xf32> to vector<16xf32>
      %add3A_4630 = arith.addf %add3A_4582, %get3A_4629 : vector<16xf32>
      %get3A_4631 = arith.constant 44 : i32
      %get3A_4632 = arith.index_cast %get3A_4631 : i32 to index
      %get3A_4633 = arith.constant 80 : index
      %get3A_4634 = tpu.vector_load %arg7[%get3A_4632, %get3A_4633] {strides = array<i32>} : memref<50x128xf32, #tpu.memory_space<vmem>>, vector<1x16xf32>,
      %get3A_4635 = vector.shape_cast %get3A_4634 : vector<1x16xf32> to vector<16xf32>
      %add3A_4636 = arith.addf %add3A_4588, %get3A_4635 : vector<16xf32>
      %get3A_4637 = arith.constant 44 : i32
      %get3A_4638 = arith.index_cast %get3A_4637 : i32 to index
      %get3A_4639 = arith.constant 96 : index
      %get3A_4640 = tpu.vector_load %arg7[%get3A_4638, %get3A_4639] {strides = array<i32>} : memref<50x128xf32, #tpu.memory_space<vmem>>, vector<1x16xf32>,
      %get3A_4641 = vector.shape_cast %get3A_4640 : vector<1x16xf32> to vector<16xf32>
      %add3A_4642 = arith.addf %add3A_4594, %get3A_4641 : vector<16xf32>
      %get3A_4643 = arith.constant 44 : i32
      %get3A_4644 = arith.index_cast %get3A_4643 : i32 to index
      %get3A_4645 = arith.constant 112 : index
      %get3A_4646 = tpu.vector_load %arg7[%get3A_4644, %get3A_4645] {strides = array<i32>} : memref<50x128xf32, #tpu.memory_space<vmem>>, vector<1x16xf32>,
      %get3A_4647 = vector.shape_cast %get3A_4646 : vector<1x16xf32> to vector<16xf32>
      %add3A_4648 = arith.addf %add3A_4600, %get3A_4647 : vector<16xf32>
      %get3A_4649 = arith.constant 45 : i32
      %get3A_4650 = arith.index_cast %get3A_4649 : i32 to index
      %get3A_4651 = arith.constant 0 : index
      %get3A_4652 = tpu.vector_load %arg7[%get3A_4650, %get3A_4651] {strides = array<i32>} : memref<50x128xf32, #tpu.memory_space<vmem>>, vector<1x16xf32>,
      %get3A_4653 = vector.shape_cast %get3A_4652 : vector<1x16xf32> to vector<16xf32>
      %add3A_4654 = arith.addf %add3A_4606, %get3A_4653 : vector<16xf32>
      %get3A_4655 = arith.constant 45 : i32
      %get3A_4656 = arith.index_cast %get3A_4655 : i32 to index
      %get3A_4657 = arith.constant 16 : index
      %get3A_4658 = tpu.vector_load %arg7[%get3A_4656, %get3A_4657] {strides = array<i32>} : memref<50x128xf32, #tpu.memory_space<vmem>>, vector<1x16xf32>,
      %get3A_4659 = vector.shape_cast %get3A_4658 : vector<1x16xf32> to vector<16xf32>
      %add3A_4660 = arith.addf %add3A_4612, %get3A_4659 : vector<16xf32>
      %get3A_4661 = arith.constant 45 : i32
      %get3A_4662 = arith.index_cast %get3A_4661 : i32 to index
      %get3A_4663 = arith.constant 32 : index
      %get3A_4664 = tpu.vector_load %arg7[%get3A_4662, %get3A_4663] {strides = array<i32>} : memref<50x128xf32, #tpu.memory_space<vmem>>, vector<1x16xf32>,
      %get3A_4665 = vector.shape_cast %get3A_4664 : vector<1x16xf32> to vector<16xf32>
      %add3A_4666 = arith.addf %add3A_4618, %get3A_4665 : vector<16xf32>
      %get3A_4667 = arith.constant 45 : i32
      %get3A_4668 = arith.index_cast %get3A_4667 : i32 to index
      %get3A_4669 = arith.constant 48 : index
      %get3A_4670 = tpu.vector_load %arg7[%get3A_4668, %get3A_4669] {strides = array<i32>} : memref<50x128xf32, #tpu.memory_space<vmem>>, vector<1x16xf32>,
      %get3A_4671 = vector.shape_cast %get3A_4670 : vector<1x16xf32> to vector<16xf32>
      %add3A_4672 = arith.addf %add3A_4624, %get3A_4671 : vector<16xf32>
      %get3A_4673 = arith.constant 45 : i32
      %get3A_4674 = arith.index_cast %get3A_4673 : i32 to index
      %get3A_4675 = arith.constant 64 : index
      %get3A_4676 = tpu.vector_load %arg7[%get3A_4674, %get3A_4675] {strides = array<i32>} : memref<50x128xf32, #tpu.memory_space<vmem>>, vector<1x16xf32>,
      %get3A_4677 = vector.shape_cast %get3A_4676 : vector<1x16xf32> to vector<16xf32>
      %add3A_4678 = arith.addf %add3A_4630, %get3A_4677 : vector<16xf32>
      %get3A_4679 = arith.constant 45 : i32
      %get3A_4680 = arith.index_cast %get3A_4679 : i32 to index
      %get3A_4681 = arith.constant 80 : index
      %get3A_4682 = tpu.vector_load %arg7[%get3A_4680, %get3A_4681] {strides = array<i32>} : memref<50x128xf32, #tpu.memory_space<vmem>>, vector<1x16xf32>,
      %get3A_4683 = vector.shape_cast %get3A_4682 : vector<1x16xf32> to vector<16xf32>
      %add3A_4684 = arith.addf %add3A_4636, %get3A_4683 : vector<16xf32>
      %get3A_4685 = arith.constant 45 : i32
      %get3A_4686 = arith.index_cast %get3A_4685 : i32 to index
      %get3A_4687 = arith.constant 96 : index
      %get3A_4688 = tpu.vector_load %arg7[%get3A_4686, %get3A_4687] {strides = array<i32>} : memref<50x128xf32, #tpu.memory_space<vmem>>, vector<1x16xf32>,
      %get3A_4689 = vector.shape_cast %get3A_4688 : vector<1x16xf32> to vector<16xf32>
      %add3A_4690 = arith.addf %add3A_4642, %get3A_4689 : vector<16xf32>
      %get3A_4691 = arith.constant 45 : i32
      %get3A_4692 = arith.index_cast %get3A_4691 : i32 to index
      %get3A_4693 = arith.constant 112 : index
      %get3A_4694 = tpu.vector_load %arg7[%get3A_4692, %get3A_4693] {strides = array<i32>} : memref<50x128xf32, #tpu.memory_space<vmem>>, vector<1x16xf32>,
      %get3A_4695 = vector.shape_cast %get3A_4694 : vector<1x16xf32> to vector<16xf32>
      %add3A_4696 = arith.addf %add3A_4648, %get3A_4695 : vector<16xf32>
      %get3A_4697 = arith.constant 46 : i32
      %get3A_4698 = arith.index_cast %get3A_4697 : i32 to index
      %get3A_4699 = arith.constant 0 : index
      %get3A_4700 = tpu.vector_load %arg7[%get3A_4698, %get3A_4699] {strides = array<i32>} : memref<50x128xf32, #tpu.memory_space<vmem>>, vector<1x16xf32>,
      %get3A_4701 = vector.shape_cast %get3A_4700 : vector<1x16xf32> to vector<16xf32>
      %add3A_4702 = arith.addf %add3A_4654, %get3A_4701 : vector<16xf32>
      %get3A_4703 = arith.constant 46 : i32
      %get3A_4704 = arith.index_cast %get3A_4703 : i32 to index
      %get3A_4705 = arith.constant 16 : index
      %get3A_4706 = tpu.vector_load %arg7[%get3A_4704, %get3A_4705] {strides = array<i32>} : memref<50x128xf32, #tpu.memory_space<vmem>>, vector<1x16xf32>,
      %get3A_4707 = vector.shape_cast %get3A_4706 : vector<1x16xf32> to vector<16xf32>
      %add3A_4708 = arith.addf %add3A_4660, %get3A_4707 : vector<16xf32>
      %get3A_4709 = arith.constant 46 : i32
      %get3A_4710 = arith.index_cast %get3A_4709 : i32 to index
      %get3A_4711 = arith.constant 32 : index
      %get3A_4712 = tpu.vector_load %arg7[%get3A_4710, %get3A_4711] {strides = array<i32>} : memref<50x128xf32, #tpu.memory_space<vmem>>, vector<1x16xf32>,
      %get3A_4713 = vector.shape_cast %get3A_4712 : vector<1x16xf32> to vector<16xf32>
      %add3A_4714 = arith.addf %add3A_4666, %get3A_4713 : vector<16xf32>
      %get3A_4715 = arith.constant 46 : i32
      %get3A_4716 = arith.index_cast %get3A_4715 : i32 to index
      %get3A_4717 = arith.constant 48 : index
      %get3A_4718 = tpu.vector_load %arg7[%get3A_4716, %get3A_4717] {strides = array<i32>} : memref<50x128xf32, #tpu.memory_space<vmem>>, vector<1x16xf32>,
      %get3A_4719 = vector.shape_cast %get3A_4718 : vector<1x16xf32> to vector<16xf32>
      %add3A_4720 = arith.addf %add3A_4672, %get3A_4719 : vector<16xf32>
      %get3A_4721 = arith.constant 46 : i32
      %get3A_4722 = arith.index_cast %get3A_4721 : i32 to index
      %get3A_4723 = arith.constant 64 : index
      %get3A_4724 = tpu.vector_load %arg7[%get3A_4722, %get3A_4723] {strides = array<i32>} : memref<50x128xf32, #tpu.memory_space<vmem>>, vector<1x16xf32>,
      %get3A_4725 = vector.shape_cast %get3A_4724 : vector<1x16xf32> to vector<16xf32>
      %add3A_4726 = arith.addf %add3A_4678, %get3A_4725 : vector<16xf32>
      %get3A_4727 = arith.constant 46 : i32
      %get3A_4728 = arith.index_cast %get3A_4727 : i32 to index
      %get3A_4729 = arith.constant 80 : index
      %get3A_4730 = tpu.vector_load %arg7[%get3A_4728, %get3A_4729] {strides = array<i32>} : memref<50x128xf32, #tpu.memory_space<vmem>>, vector<1x16xf32>,
      %get3A_4731 = vector.shape_cast %get3A_4730 : vector<1x16xf32> to vector<16xf32>
      %add3A_4732 = arith.addf %add3A_4684, %get3A_4731 : vector<16xf32>
      %get3A_4733 = arith.constant 46 : i32
      %get3A_4734 = arith.index_cast %get3A_4733 : i32 to index
      %get3A_4735 = arith.constant 96 : index
      %get3A_4736 = tpu.vector_load %arg7[%get3A_4734, %get3A_4735] {strides = array<i32>} : memref<50x128xf32, #tpu.memory_space<vmem>>, vector<1x16xf32>,
      %get3A_4737 = vector.shape_cast %get3A_4736 : vector<1x16xf32> to vector<16xf32>
      %add3A_4738 = arith.addf %add3A_4690, %get3A_4737 : vector<16xf32>
      %get3A_4739 = arith.constant 46 : i32
      %get3A_4740 = arith.index_cast %get3A_4739 : i32 to index
      %get3A_4741 = arith.constant 112 : index
      %get3A_4742 = tpu.vector_load %arg7[%get3A_4740, %get3A_4741] {strides = array<i32>} : memref<50x128xf32, #tpu.memory_space<vmem>>, vector<1x16xf32>,
      %get3A_4743 = vector.shape_cast %get3A_4742 : vector<1x16xf32> to vector<16xf32>
      %add3A_4744 = arith.addf %add3A_4696, %get3A_4743 : vector<16xf32>
      %get3A_4745 = arith.constant 47 : i32
      %get3A_4746 = arith.index_cast %get3A_4745 : i32 to index
      %get3A_4747 = arith.constant 0 : index
      %get3A_4748 = tpu.vector_load %arg7[%get3A_4746, %get3A_4747] {strides = array<i32>} : memref<50x128xf32, #tpu.memory_space<vmem>>, vector<1x16xf32>,
      %get3A_4749 = vector.shape_cast %get3A_4748 : vector<1x16xf32> to vector<16xf32>
      %add3A_4750 = arith.addf %add3A_4702, %get3A_4749 : vector<16xf32>
      %get3A_4751 = arith.constant 47 : i32
      %get3A_4752 = arith.index_cast %get3A_4751 : i32 to index
      %get3A_4753 = arith.constant 16 : index
      %get3A_4754 = tpu.vector_load %arg7[%get3A_4752, %get3A_4753] {strides = array<i32>} : memref<50x128xf32, #tpu.memory_space<vmem>>, vector<1x16xf32>,
      %get3A_4755 = vector.shape_cast %get3A_4754 : vector<1x16xf32> to vector<16xf32>
      %add3A_4756 = arith.addf %add3A_4708, %get3A_4755 : vector<16xf32>
      %get3A_4757 = arith.constant 47 : i32
      %get3A_4758 = arith.index_cast %get3A_4757 : i32 to index
      %get3A_4759 = arith.constant 32 : index
      %get3A_4760 = tpu.vector_load %arg7[%get3A_4758, %get3A_4759] {strides = array<i32>} : memref<50x128xf32, #tpu.memory_space<vmem>>, vector<1x16xf32>,
      %get3A_4761 = vector.shape_cast %get3A_4760 : vector<1x16xf32> to vector<16xf32>
      %add3A_4762 = arith.addf %add3A_4714, %get3A_4761 : vector<16xf32>
      %get3A_4763 = arith.constant 47 : i32
      %get3A_4764 = arith.index_cast %get3A_4763 : i32 to index
      %get3A_4765 = arith.constant 48 : index
      %get3A_4766 = tpu.vector_load %arg7[%get3A_4764, %get3A_4765] {strides = array<i32>} : memref<50x128xf32, #tpu.memory_space<vmem>>, vector<1x16xf32>,
      %get3A_4767 = vector.shape_cast %get3A_4766 : vector<1x16xf32> to vector<16xf32>
      %add3A_4768 = arith.addf %add3A_4720, %get3A_4767 : vector<16xf32>
      %get3A_4769 = arith.constant 47 : i32
      %get3A_4770 = arith.index_cast %get3A_4769 : i32 to index
      %get3A_4771 = arith.constant 64 : index
      %get3A_4772 = tpu.vector_load %arg7[%get3A_4770, %get3A_4771] {strides = array<i32>} : memref<50x128xf32, #tpu.memory_space<vmem>>, vector<1x16xf32>,
      %get3A_4773 = vector.shape_cast %get3A_4772 : vector<1x16xf32> to vector<16xf32>
      %add3A_4774 = arith.addf %add3A_4726, %get3A_4773 : vector<16xf32>
      %get3A_4775 = arith.constant 47 : i32
      %get3A_4776 = arith.index_cast %get3A_4775 : i32 to index
      %get3A_4777 = arith.constant 80 : index
      %get3A_4778 = tpu.vector_load %arg7[%get3A_4776, %get3A_4777] {strides = array<i32>} : memref<50x128xf32, #tpu.memory_space<vmem>>, vector<1x16xf32>,
      %get3A_4779 = vector.shape_cast %get3A_4778 : vector<1x16xf32> to vector<16xf32>
      %add3A_4780 = arith.addf %add3A_4732, %get3A_4779 : vector<16xf32>
      %get3A_4781 = arith.constant 47 : i32
      %get3A_4782 = arith.index_cast %get3A_4781 : i32 to index
      %get3A_4783 = arith.constant 96 : index
      %get3A_4784 = tpu.vector_load %arg7[%get3A_4782, %get3A_4783] {strides = array<i32>} : memref<50x128xf32, #tpu.memory_space<vmem>>, vector<1x16xf32>,
      %get3A_4785 = vector.shape_cast %get3A_4784 : vector<1x16xf32> to vector<16xf32>
      %add3A_4786 = arith.addf %add3A_4738, %get3A_4785 : vector<16xf32>
      %get3A_4787 = arith.constant 47 : i32
      %get3A_4788 = arith.index_cast %get3A_4787 : i32 to index
      %get3A_4789 = arith.constant 112 : index
      %get3A_4790 = tpu.vector_load %arg7[%get3A_4788, %get3A_4789] {strides = array<i32>} : memref<50x128xf32, #tpu.memory_space<vmem>>, vector<1x16xf32>,
      %get3A_4791 = vector.shape_cast %get3A_4790 : vector<1x16xf32> to vector<16xf32>
      %add3A_4792 = arith.addf %add3A_4744, %get3A_4791 : vector<16xf32>
      %get3A_4793 = arith.constant 48 : i32
      %get3A_4794 = arith.index_cast %get3A_4793 : i32 to index
      %get3A_4795 = arith.constant 0 : index
      %get3A_4796 = tpu.vector_load %arg7[%get3A_4794, %get3A_4795] {strides = array<i32>} : memref<50x128xf32, #tpu.memory_space<vmem>>, vector<1x16xf32>,
      %get3A_4797 = vector.shape_cast %get3A_4796 : vector<1x16xf32> to vector<16xf32>
      %add3A_4798 = arith.addf %add3A_4750, %get3A_4797 : vector<16xf32>
      %get3A_4799 = arith.constant 48 : i32
      %get3A_4800 = arith.index_cast %get3A_4799 : i32 to index
      %get3A_4801 = arith.constant 16 : index
      %get3A_4802 = tpu.vector_load %arg7[%get3A_4800, %get3A_4801] {strides = array<i32>} : memref<50x128xf32, #tpu.memory_space<vmem>>, vector<1x16xf32>,
      %get3A_4803 = vector.shape_cast %get3A_4802 : vector<1x16xf32> to vector<16xf32>
      %add3A_4804 = arith.addf %add3A_4756, %get3A_4803 : vector<16xf32>
      %get3A_4805 = arith.constant 48 : i32
      %get3A_4806 = arith.index_cast %get3A_4805 : i32 to index
      %get3A_4807 = arith.constant 32 : index
      %get3A_4808 = tpu.vector_load %arg7[%get3A_4806, %get3A_4807] {strides = array<i32>} : memref<50x128xf32, #tpu.memory_space<vmem>>, vector<1x16xf32>,
      %get3A_4809 = vector.shape_cast %get3A_4808 : vector<1x16xf32> to vector<16xf32>
      %add3A_4810 = arith.addf %add3A_4762, %get3A_4809 : vector<16xf32>
      %get3A_4811 = arith.constant 48 : i32
      %get3A_4812 = arith.index_cast %get3A_4811 : i32 to index
      %get3A_4813 = arith.constant 48 : index
      %get3A_4814 = tpu.vector_load %arg7[%get3A_4812, %get3A_4813] {strides = array<i32>} : memref<50x128xf32, #tpu.memory_space<vmem>>, vector<1x16xf32>,
      %get3A_4815 = vector.shape_cast %get3A_4814 : vector<1x16xf32> to vector<16xf32>
      %add3A_4816 = arith.addf %add3A_4768, %get3A_4815 : vector<16xf32>
      %get3A_4817 = arith.constant 48 : i32
      %get3A_4818 = arith.index_cast %get3A_4817 : i32 to index
      %get3A_4819 = arith.constant 64 : index
      %get3A_4820 = tpu.vector_load %arg7[%get3A_4818, %get3A_4819] {strides = array<i32>} : memref<50x128xf32, #tpu.memory_space<vmem>>, vector<1x16xf32>,
      %get3A_4821 = vector.shape_cast %get3A_4820 : vector<1x16xf32> to vector<16xf32>
      %add3A_4822 = arith.addf %add3A_4774, %get3A_4821 : vector<16xf32>
      %get3A_4823 = arith.constant 48 : i32
      %get3A_4824 = arith.index_cast %get3A_4823 : i32 to index
      %get3A_4825 = arith.constant 80 : index
      %get3A_4826 = tpu.vector_load %arg7[%get3A_4824, %get3A_4825] {strides = array<i32>} : memref<50x128xf32, #tpu.memory_space<vmem>>, vector<1x16xf32>,
      %get3A_4827 = vector.shape_cast %get3A_4826 : vector<1x16xf32> to vector<16xf32>
      %add3A_4828 = arith.addf %add3A_4780, %get3A_4827 : vector<16xf32>
      %get3A_4829 = arith.constant 48 : i32
      %get3A_4830 = arith.index_cast %get3A_4829 : i32 to index
      %get3A_4831 = arith.constant 96 : index
      %get3A_4832 = tpu.vector_load %arg7[%get3A_4830, %get3A_4831] {strides = array<i32>} : memref<50x128xf32, #tpu.memory_space<vmem>>, vector<1x16xf32>,
      %get3A_4833 = vector.shape_cast %get3A_4832 : vector<1x16xf32> to vector<16xf32>
      %add3A_4834 = arith.addf %add3A_4786, %get3A_4833 : vector<16xf32>
      %get3A_4835 = arith.constant 48 : i32
      %get3A_4836 = arith.index_cast %get3A_4835 : i32 to index
      %get3A_4837 = arith.constant 112 : index
      %get3A_4838 = tpu.vector_load %arg7[%get3A_4836, %get3A_4837] {strides = array<i32>} : memref<50x128xf32, #tpu.memory_space<vmem>>, vector<1x16xf32>,
      %get3A_4839 = vector.shape_cast %get3A_4838 : vector<1x16xf32> to vector<16xf32>
      %add3A_4840 = arith.addf %add3A_4792, %get3A_4839 : vector<16xf32>
      %get3A_4841 = arith.constant 49 : i32
      %get3A_4842 = arith.index_cast %get3A_4841 : i32 to index
      %get3A_4843 = arith.constant 0 : index
      %get3A_4844 = tpu.vector_load %arg7[%get3A_4842, %get3A_4843] {strides = array<i32>} : memref<50x128xf32, #tpu.memory_space<vmem>>, vector<1x16xf32>,
      %get3A_4845 = vector.shape_cast %get3A_4844 : vector<1x16xf32> to vector<16xf32>
      %add3A_4846 = arith.addf %add3A_4798, %get3A_4845 : vector<16xf32>
      %get3A_4847 = arith.constant 49 : i32
      %get3A_4848 = arith.index_cast %get3A_4847 : i32 to index
      %get3A_4849 = arith.constant 16 : index
      %get3A_4850 = tpu.vector_load %arg7[%get3A_4848, %get3A_4849] {strides = array<i32>} : memref<50x128xf32, #tpu.memory_space<vmem>>, vector<1x16xf32>,
      %get3A_4851 = vector.shape_cast %get3A_4850 : vector<1x16xf32> to vector<16xf32>
      %add3A_4852 = arith.addf %add3A_4804, %get3A_4851 : vector<16xf32>
      %get3A_4853 = arith.constant 49 : i32
      %get3A_4854 = arith.index_cast %get3A_4853 : i32 to index
      %get3A_4855 = arith.constant 32 : index
      %get3A_4856 = tpu.vector_load %arg7[%get3A_4854, %get3A_4855] {strides = array<i32>} : memref<50x128xf32, #tpu.memory_space<vmem>>, vector<1x16xf32>,
      %get3A_4857 = vector.shape_cast %get3A_4856 : vector<1x16xf32> to vector<16xf32>
      %add3A_4858 = arith.addf %add3A_4810, %get3A_4857 : vector<16xf32>
      %get3A_4859 = arith.constant 49 : i32
      %get3A_4860 = arith.index_cast %get3A_4859 : i32 to index
      %get3A_4861 = arith.constant 48 : index
      %get3A_4862 = tpu.vector_load %arg7[%get3A_4860, %get3A_4861] {strides = array<i32>} : memref<50x128xf32, #tpu.memory_space<vmem>>, vector<1x16xf32>,
      %get3A_4863 = vector.shape_cast %get3A_4862 : vector<1x16xf32> to vector<16xf32>
      %add3A_4864 = arith.addf %add3A_4816, %get3A_4863 : vector<16xf32>
      %get3A_4865 = arith.constant 49 : i32
      %get3A_4866 = arith.index_cast %get3A_4865 : i32 to index
      %get3A_4867 = arith.constant 64 : index
      %get3A_4868 = tpu.vector_load %arg7[%get3A_4866, %get3A_4867] {strides = array<i32>} : memref<50x128xf32, #tpu.memory_space<vmem>>, vector<1x16xf32>,
      %get3A_4869 = vector.shape_cast %get3A_4868 : vector<1x16xf32> to vector<16xf32>
      %add3A_4870 = arith.addf %add3A_4822, %get3A_4869 : vector<16xf32>
      %get3A_4871 = arith.constant 49 : i32
      %get3A_4872 = arith.index_cast %get3A_4871 : i32 to index
      %get3A_4873 = arith.constant 80 : index
      %get3A_4874 = tpu.vector_load %arg7[%get3A_4872, %get3A_4873] {strides = array<i32>} : memref<50x128xf32, #tpu.memory_space<vmem>>, vector<1x16xf32>,
      %get3A_4875 = vector.shape_cast %get3A_4874 : vector<1x16xf32> to vector<16xf32>
      %add3A_4876 = arith.addf %add3A_4828, %get3A_4875 : vector<16xf32>
      %get3A_4877 = arith.constant 49 : i32
      %get3A_4878 = arith.index_cast %get3A_4877 : i32 to index
      %get3A_4879 = arith.constant 96 : index
      %get3A_4880 = tpu.vector_load %arg7[%get3A_4878, %get3A_4879] {strides = array<i32>} : memref<50x128xf32, #tpu.memory_space<vmem>>, vector<1x16xf32>,
      %get3A_4881 = vector.shape_cast %get3A_4880 : vector<1x16xf32> to vector<16xf32>
      %add3A_4882 = arith.addf %add3A_4834, %get3A_4881 : vector<16xf32>
      %get3A_4883 = arith.constant 49 : i32
      %get3A_4884 = arith.index_cast %get3A_4883 : i32 to index
      %get3A_4885 = arith.constant 112 : index
      %get3A_4886 = tpu.vector_load %arg7[%get3A_4884, %get3A_4885] {strides = array<i32>} : memref<50x128xf32, #tpu.memory_space<vmem>>, vector<1x16xf32>,
      %get3A_4887 = vector.shape_cast %get3A_4886 : vector<1x16xf32> to vector<16xf32>
      %add3A_4888 = arith.addf %add3A_4840, %get3A_4887 : vector<16xf32>
      %mul3A_4889 = arith.constant 2.000000e-02 : f32
      %mul3A_4890 = vector.broadcast %mul3A_4889 : f32 to vector<16xf32>
      %mul3A_4891 = arith.mulf %add3A_4846, %mul3A_4890 : vector<16xf32>
      %swap3A_4892 = arith.index_cast %add3A_2496 : i32 to index
      %swap3A_4893 = arith.constant 0 : index
      %swap3A_4894 = tpu.vector_load %arg8[%swap3A_4892, %swap3A_4893] {strides = array<i32>} : memref<80x128xf32, #tpu.memory_space<vmem>>, vector<1x16xf32>,
      %swap3A_4895 = vector.shape_cast %swap3A_4894 : vector<1x16xf32> to vector<16xf32>
      %swap3A_4896 = vector.shape_cast %mul3A_4891 : vector<16xf32> to vector<1x16xf32>
      tpu.vector_store %arg8[%swap3A_4892, %swap3A_4893], %swap3A_4896 {strides = array<i32>} : memref<80x128xf32, #tpu.memory_space<vmem>>, vector<1x16xf32>,
      %mul3A_4897 = arith.constant 2.000000e-02 : f32
      %mul3A_4898 = vector.broadcast %mul3A_4897 : f32 to vector<16xf32>
      %mul3A_4899 = arith.mulf %add3A_4852, %mul3A_4898 : vector<16xf32>
      %swap3A_4900 = arith.index_cast %add3A_2496 : i32 to index
      %swap3A_4901 = arith.constant 16 : index
      %swap3A_4902 = tpu.vector_load %arg8[%swap3A_4900, %swap3A_4901] {strides = array<i32>} : memref<80x128xf32, #tpu.memory_space<vmem>>, vector<1x16xf32>,
      %swap3A_4903 = vector.shape_cast %swap3A_4902 : vector<1x16xf32> to vector<16xf32>
      %swap3A_4904 = vector.shape_cast %mul3A_4899 : vector<16xf32> to vector<1x16xf32>
      tpu.vector_store %arg8[%swap3A_4900, %swap3A_4901], %swap3A_4904 {strides = array<i32>} : memref<80x128xf32, #tpu.memory_space<vmem>>, vector<1x16xf32>,
      %mul3A_4905 = arith.constant 2.000000e-02 : f32
      %mul3A_4906 = vector.broadcast %mul3A_4905 : f32 to vector<16xf32>
      %mul3A_4907 = arith.mulf %add3A_4858, %mul3A_4906 : vector<16xf32>
      %swap3A_4908 = arith.index_cast %add3A_2496 : i32 to index
      %swap3A_4909 = arith.constant 32 : index
      %swap3A_4910 = tpu.vector_load %arg8[%swap3A_4908, %swap3A_4909] {strides = array<i32>} : memref<80x128xf32, #tpu.memory_space<vmem>>, vector<1x16xf32>,
      %swap3A_4911 = vector.shape_cast %swap3A_4910 : vector<1x16xf32> to vector<16xf32>
      %swap3A_4912 = vector.shape_cast %mul3A_4907 : vector<16xf32> to vector<1x16xf32>
      tpu.vector_store %arg8[%swap3A_4908, %swap3A_4909], %swap3A_4912 {strides = array<i32>} : memref<80x128xf32, #tpu.memory_space<vmem>>, vector<1x16xf32>,
      %mul3A_4913 = arith.constant 2.000000e-02 : f32
      %mul3A_4914 = vector.broadcast %mul3A_4913 : f32 to vector<16xf32>
      %mul3A_4915 = arith.mulf %add3A_4864, %mul3A_4914 : vector<16xf32>
      %swap3A_4916 = arith.index_cast %add3A_2496 : i32 to index
      %swap3A_4917 = arith.constant 48 : index
      %swap3A_4918 = tpu.vector_load %arg8[%swap3A_4916, %swap3A_4917] {strides = array<i32>} : memref<80x128xf32, #tpu.memory_space<vmem>>, vector<1x16xf32>,
      %swap3A_4919 = vector.shape_cast %swap3A_4918 : vector<1x16xf32> to vector<16xf32>
      %swap3A_4920 = vector.shape_cast %mul3A_4915 : vector<16xf32> to vector<1x16xf32>
      tpu.vector_store %arg8[%swap3A_4916, %swap3A_4917], %swap3A_4920 {strides = array<i32>} : memref<80x128xf32, #tpu.memory_space<vmem>>, vector<1x16xf32>,
      %mul3A_4921 = arith.constant 2.000000e-02 : f32
      %mul3A_4922 = vector.broadcast %mul3A_4921 : f32 to vector<16xf32>
      %mul3A_4923 = arith.mulf %add3A_4870, %mul3A_4922 : vector<16xf32>
      %swap3A_4924 = arith.index_cast %add3A_2496 : i32 to index
      %swap3A_4925 = arith.constant 64 : index
      %swap3A_4926 = tpu.vector_load %arg8[%swap3A_4924, %swap3A_4925] {strides = array<i32>} : memref<80x128xf32, #tpu.memory_space<vmem>>, vector<1x16xf32>,
      %swap3A_4927 = vector.shape_cast %swap3A_4926 : vector<1x16xf32> to vector<16xf32>
      %swap3A_4928 = vector.shape_cast %mul3A_4923 : vector<16xf32> to vector<1x16xf32>
      tpu.vector_store %arg8[%swap3A_4924, %swap3A_4925], %swap3A_4928 {strides = array<i32>} : memref<80x128xf32, #tpu.memory_space<vmem>>, vector<1x16xf32>,
      %mul3A_4929 = arith.constant 2.000000e-02 : f32
      %mul3A_4930 = vector.broadcast %mul3A_4929 : f32 to vector<16xf32>
      %mul3A_4931 = arith.mulf %add3A_4876, %mul3A_4930 : vector<16xf32>
      %swap3A_4932 = arith.index_cast %add3A_2496 : i32 to index
      %swap3A_4933 = arith.constant 80 : index
      %swap3A_4934 = tpu.vector_load %arg8[%swap3A_4932, %swap3A_4933] {strides = array<i32>} : memref<80x128xf32, #tpu.memory_space<vmem>>, vector<1x16xf32>,
      %swap3A_4935 = vector.shape_cast %swap3A_4934 : vector<1x16xf32> to vector<16xf32>
      %swap3A_4936 = vector.shape_cast %mul3A_4931 : vector<16xf32> to vector<1x16xf32>
      tpu.vector_store %arg8[%swap3A_4932, %swap3A_4933], %swap3A_4936 {strides = array<i32>} : memref<80x128xf32, #tpu.memory_space<vmem>>, vector<1x16xf32>,
      %mul3A_4937 = arith.constant 2.000000e-02 : f32
      %mul3A_4938 = vector.broadcast %mul3A_4937 : f32 to vector<16xf32>
      %mul3A_4939 = arith.mulf %add3A_4882, %mul3A_4938 : vector<16xf32>
      %swap3A_4940 = arith.index_cast %add3A_2496 : i32 to index
      %swap3A_4941 = arith.constant 96 : index
      %swap3A_4942 = tpu.vector_load %arg8[%swap3A_4940, %swap3A_4941] {strides = array<i32>} : memref<80x128xf32, #tpu.memory_space<vmem>>, vector<1x16xf32>,
      %swap3A_4943 = vector.shape_cast %swap3A_4942 : vector<1x16xf32> to vector<16xf32>
      %swap3A_4944 = vector.shape_cast %mul3A_4939 : vector<16xf32> to vector<1x16xf32>
      tpu.vector_store %arg8[%swap3A_4940, %swap3A_4941], %swap3A_4944 {strides = array<i32>} : memref<80x128xf32, #tpu.memory_space<vmem>>, vector<1x16xf32>,
      %mul3A_4945 = arith.constant 2.000000e-02 : f32
      %mul3A_4946 = vector.broadcast %mul3A_4945 : f32 to vector<16xf32>
      %mul3A_4947 = arith.mulf %add3A_4888, %mul3A_4946 : vector<16xf32>
      %swap3A_4948 = arith.index_cast %add3A_2496 : i32 to index
      %swap3A_4949 = arith.constant 112 : index
      %swap3A_4950 = tpu.vector_load %arg8[%swap3A_4948, %swap3A_4949] {strides = array<i32>} : memref<80x128xf32, #tpu.memory_space<vmem>>, vector<1x16xf32>,
      %swap3A_4951 = vector.shape_cast %swap3A_4950 : vector<1x16xf32> to vector<16xf32>
      %swap3A_4952 = vector.shape_cast %mul3A_4947 : vector<16xf32> to vector<1x16xf32>
      tpu.vector_store %arg8[%swap3A_4948, %swap3A_4949], %swap3A_4952 {strides = array<i32>} : memref<80x128xf32, #tpu.memory_space<vmem>>, vector<1x16xf32>,
    }
    %scan3A_12 = arith.constant 40 : i32
    "tpu.region"() ({
      %run_scoped3A = tpu.sem_alloc : memref<!tpu.dma_semaphore, #tpu.memory_space<semaphore_mem>>
      %dma_start3A_13 = arith.constant 0 : i32
      %dma_start3A_14 = tpu.memref_slice %arg4[%mul3A_2, %dma_start3A_13] : memref<2560x128xf32, #tpu.memory_space<hbm>> -> memref<80x128xf32, #tpu.memory_space<hbm>>
      %dma_start3A_15 = arith.constant 0 : i32
      %dma_start3A_16 = tpu.memref_slice %arg4[%mul3A_2, %dma_start3A_15] : memref<2560x128xf32, #tpu.memory_space<hbm>> -> memref<80x128xf32, #tpu.memory_space<hbm>>
      tpu.enqueue_dma source(%arg8 : memref<80x128xf32, #tpu.memory_space<vmem>>) target(%dma_start3A_16 : memref<80x128xf32, #tpu.memory_space<hbm>>) target_semaphore(%run_scoped3A : memref<!tpu.dma_semaphore, #tpu.memory_space<semaphore_mem>>)
      %dma_wait3A = arith.constant 0 : i32
      %dma_wait3A_17 = tpu.memref_slice %arg4[%mul3A_2, %dma_wait3A] : memref<2560x128xf32, #tpu.memory_space<hbm>> -> memref<80x128xf32, #tpu.memory_space<hbm>>
      %dma_wait3A_18 = arith.constant 0 : i32
      %dma_wait3A_19 = tpu.memref_slice %arg4[%mul3A_2, %dma_wait3A_18] : memref<2560x128xf32, #tpu.memory_space<hbm>> -> memref<80x128xf32, #tpu.memory_space<hbm>>
      tpu.wait_dma2 semaphore(%run_scoped3A : memref<!tpu.dma_semaphore, #tpu.memory_space<semaphore_mem>>) src(%arg8 : memref<80x128xf32, #tpu.memory_space<vmem>>) dst(%dma_wait3A_19 : memref<80x128xf32, #tpu.memory_space<hbm>>)
      tpu.yield
    }) : () -> ()
    return
  }
}

</mosaic_0001>

<sc_bundles>
// kernel: _sc_pool.3.cloned.1.call-start
scs
__scs_entry_jumppad:
0x0: {  	(pc) =	sbr.rel $0x88, $3  }
0x1: {  	(tag) =	ssettag $0x0;
	lr =	simm.s32 $0x1  }
0x2: {  	[smem:$0x3F9F] =	sst lr;
	_ =	strace $0xD0000000  }
0x3: {  	_ = 	snop  }
0x4: {  	_ = 	snop  }
0x5: {  	_ = 	snop  }
0x6: {  	_ = 	snop  }
0x7: {  	_ = 	snop  }
__scs_overlays_trampoline_lowered:
0x8: {  	[smem:$0x3FAE] =	sst s0  }
0x9: {  	[smem:$0x3FAF] =	sst s1  }
0xa: {  	[smem:$0x3FB0] =	sst s2  }
0xb: {  	[smem:$0x3FB1] =	sst s3  }
0xc: {  	[smem:$0x3FB2] =	sst s4  }
0xd: {  	[smem:$0x3FB3] =	sst s5  }
0xe: {  	[smem:$0x3FB4] =	sst s6  }
0xf: {  	[smem:$0x3FB5] =	sst s7  }
0x10: {  	[smem:$0x3FB6] =	sst s8  }
0x11: {  	[smem:$0x3FB7] =	sst s9;
	s0 =	simm.s32 @!p0 $0x0  }
0x12: {  	s1 =	sld [smem:$0x3F9D];
	s0 =	simm.s32 @p0 $0x1  }
0x13: {  	[smem:$0x3FB8] =	sst s0;
	s0 =	simm.s32 @!p1 $0x0  }
0x14: {  	s2 =	sld [smem:$0x3F9C];
	s0 =	simm.s32 @p1 $0x1  }
0x15: {  	[smem:$0x3FB9] =	sst s0;
	s0 =	simm.s32 @!p2 $0x0  }
0x16: {  	s3 =	sld [smem:$0x3FDB];
	s0 =	simm.s32 @p2 $0x1  }
0x17: {  	s4 =	simm.s32 $0x1BF5;
	[smem:$0x3FBB] =	sst s0  }
0x18: {  	s0 =	sld [smem:$0x3F9E];
	_ =	swait.ge [sflag:s4], $0x0  }
0x19: {  	s7 =	sld [smem:$0x3F9F]  }
0x1a: {  	s8 =	sadd.s32 $0xFFFFE003, lr  }
0x1b: {  	s9 =	sadd.s32 $0xFFFFFEF7, lr;
	s5 =	simm.s32 $0xFFFFFFFF;
	p2 =	slt.u32 s8, $0xFFFFF086  }
0x1c: {  	p1 =	slt.u32 s9, $0xF7A;
	s5 =	simm.s32 @!p2 $0x0  }
0x1d: {  	s5 =	simm.s32 @p1 $0x1;
	p0 =	seq.s32 s7, s2  }
0x1e: {  	s7 =	smul.u32 @!p0 $0xF7A, s2;
	p2 =	seq.s32 @!p0 s5, $0x0  }
0x1f: {  	s9 =	smul.u32 $0xF7A, s1;
	s8 =	simm.s32 @!p0 $0x1BF5;
	p2 =	por !p2, p0  }
0x20: {  	[sflag:s8] =	ssyncset.s32 @!p0 $0xFFFFF086;
	s6 =	sadd.s32 @!p0 s3, s7;
	s7 =	simm.s32 @!p0 $0x108  }
0x21: {  	s3 =	sadd.s32 s3, s9;
	s6 =	sadd.s32 @!p0 $0x88, s6;
	s7 =	simm.s32 @p2 $0x1082  }
0x22: {  	[simem:s7], [sflag:s8] =	dma.local @!p0 [hbm:s6], $0xF7A  }
0x23: {  	s9 =	sor.u32 $0xD0000000, s2;
	s6 =	simm.s32 $0x108;
	_ =	swait.ge @!p0 [sflag:s8], $0x0  }
0x24: {  	s3 =	sadd.s32 $0x88, s3;
	s6 =	simm.s32 @!p1 $0x1082;
	[sflag:s4] =	ssyncset.s32 $0xFFFFF086  }
0x25: {  	[simem:s6], [sflag:s4] =	dma.local [hbm:s3], $0xF7A  }
0x26: {  	[smem:$0x3F9F] =	sst s1;
	(tag) =	ssettag s2;
	_ =	strace s9  }
0x27: {  	s1 =	sld [smem:$0x3FAF]  }
0x28: {  	s2 =	sld [smem:$0x3FB0]  }
0x29: {  	s4 =	sld [smem:$0x3FB2]  }
0x2a: {  	p0 =	seq.s32 s5, $0x0;
	s5 =	sld [smem:$0x3FB3]  }
0x2b: {  	s6 =	sld [smem:$0x3FB4]  }
0x2c: {  	s7 =	sld [smem:$0x3FB5]  }
0x2d: {  	s3 =	simm.s32 $0x108;
	s8 =	sld [smem:$0x3FB6]  }
0x2e: {  	s3 =	simm.s32 @!p0 $0x1082;
	s9 =	sld [smem:$0x3FB7]  }
0x2f: {  	lr =	sadd.s32 s0, s3;
	s0 =	sld [smem:$0x3FAE]  }
0x30: {  	s3 =	sld [smem:$0x3FB1]  }
0x31: {  	[smem:$0x3FBA] =	sst s10  }
0x32: {  	s10 =	sld [smem:$0x3FB8];
	_ =	sdelay $0x3  }
0x33: {  	p0 =	seq.s32 s10, $0x1;
	s10 =	sld [smem:$0x3FBA];
	_ =	sdelay $0x3  }
0x34: {  	[smem:$0x3FBA] =	sst s10  }
0x35: {  	s10 =	sld [smem:$0x3FB9];
	_ =	sdelay $0x3  }
0x36: {  	p1 =	seq.s32 s10, $0x1;
	s10 =	sld [smem:$0x3FBA];
	_ =	sdelay $0x3  }
0x37: {  	[smem:$0x3FBA] =	sst s10  }
0x38: {  	s10 =	sld [smem:$0x3FBB]  }
0x39: {  	_ = 	snop;
	(pc) =	sbr.ind lr, $3  }
0x3a: {  	_ = 	snop  }
0x3b: {  	_ = 	snop  }
0x3c: {  	p2 =	seq.s32 s10, $0x1;
	s10 =	sld [smem:$0x3FBA]  }
0x3d: {  	_ =	shalt  }
0x3e: {  	_ =	shalt  }
0x3f: {  	_ =	shalt  }
0x40: {  	_ =	shalt  }
0x41: {  	_ =	shalt  }
0x42: {  	_ =	shalt  }
0x43: {  	_ =	shalt  }
0x44: {  	_ =	shalt  }
0x45: {  	_ =	shalt  }
0x46: {  	_ =	shalt  }
0x47: {  	_ =	shalt  }
0x48: {  	_ =	shalt  }
0x49: {  	_ =	shalt  }
0x4a: {  	_ =	shalt  }
0x4b: {  	_ =	shalt  }
0x4c: {  	_ =	shalt  }
0x4d: {  	_ =	shalt  }
0x4e: {  	_ =	shalt  }
0x4f: {  	_ =	shalt  }
0x50: {  	_ =	shalt  }
0x51: {  	_ =	shalt  }
0x52: {  	_ =	shalt  }
0x53: {  	_ =	shalt  }
0x54: {  	_ =	shalt  }
0x55: {  	_ =	shalt  }
0x56: {  	_ =	shalt  }
0x57: {  	_ =	shalt  }
0x58: {  	_ =	shalt  }
0x59: {  	_ =	shalt  }
0x5a: {  	_ =	shalt  }
0x5b: {  	_ =	shalt  }
0x5c: {  	_ =	shalt  }
0x5d: {  	_ =	shalt  }
0x5e: {  	_ =	shalt  }
0x5f: {  	_ =	shalt  }
0x60: {  	_ =	shalt  }
0x61: {  	_ =	shalt  }
0x62: {  	_ =	shalt  }
0x63: {  	_ =	shalt  }
0x64: {  	_ =	shalt  }
0x65: {  	_ =	shalt  }
0x66: {  	_ =	shalt  }
0x67: {  	_ =	shalt  }
0x68: {  	_ =	shalt  }
0x69: {  	_ =	shalt  }
0x6a: {  	_ =	shalt  }
0x6b: {  	_ =	shalt  }
0x6c: {  	_ =	shalt  }
0x6d: {  	_ =	shalt  }
0x6e: {  	_ =	shalt  }
0x6f: {  	_ =	shalt  }
0x70: {  	_ =	shalt  }
0x71: {  	_ =	shalt  }
0x72: {  	_ =	shalt  }
0x73: {  	_ =	shalt  }
0x74: {  	_ =	shalt  }
0x75: {  	_ =	shalt  }
0x76: {  	_ =	shalt  }
0x77: {  	_ =	shalt  }
0x78: {  	_ =	shalt  }
0x79: {  	_ =	shalt  }
0x7a: {  	_ =	shalt  }
0x7b: {  	_ =	shalt  }
0x7c: {  	_ =	shalt  }
0x7d: {  	_ =	shalt  }
0x7e: {  	_ =	shalt  }
0x7f: {  	_ =	shalt  }
0x80: {  	_ =	shalt  }
0x81: {  	_ =	shalt  }
0x82: {  	_ =	shalt  }
0x83: {  	_ =	shalt  }
0x84: {  	_ =	shalt  }
0x85: {  	_ =	shalt  }
0x86: {  	_ =	shalt  }
0x87: {  	_ =	shalt  }
.Lfunc_end0:
.L_simem_size_0:
called_computation_lowered:
.L_overlay_start_0:
0x88: {  	s2 =	sld [smem:$0x3FD9]  }
0x89: {  	s3 =	sld [smem:$0x3FFE];
	_ =	sdelay $0x1  }
0x8a: {  	s1 =	srdreg.scid  }
0x8b: {  	s0 =	sand.u32 $0x1, s1  }
0x8c: {  	s17 =	sshll.u32 s0, $0xA;
	s2 =	sadd.s32 s3, s2  }
0x8d: {  	s2 =	sadd.s32 s2, s17  }
0x8e: {  	[smem:$0x3FC6] =	sst s2  }
0x8f: {  	_ = 	snop  }
0x90: {  	s2 =	sld [smem:$0x3FC8]  }
0x91: {  	s18 =	sld [smem:$0x3FD0];
	(tm) =	ssettm $0x1  }
0x92: {  	s4 =	sld [smem:$0x3FFB];
	_ =	sdelay $0x3  }
0x93: {  	_ =	strace s4  }
0x94: {  	s4 =	sld [smem:$0x3FFC];
	_ =	sdelay $0x3  }
0x95: {  	_ =	strace s4  }
0x96: {  	s4 =	sld [smem:$0x3FFD];
	_ =	sdelay $0x3  }
0x97: {  	_ =	strace s4  }
0x98: {  	_ =	strace $0x8FFFFFFF  }
0x99: {  	s19 =	sld [smem:$0x3FDB];
	_ =	sdelay $0x1  }
0x9a: {  	s5 =	simm.s32 $_scs_section_size  }
0x9b: {  	s6 =	simm.s32 $_size__tile_overlayer_lowered;
	s7 =	simm.s32 $_tile_overlayer_lowered  }
0x9c: {  	s22 =	simm.s32 $0x1BFF;
	s21 =	sshll.u32 s7, $0x1;
	s4 =	sadd.s32 s5, s19  }
0x9d: {  	s8 =	simm.s32 $0x0;
	s20 =	sshll.u32 s6, $0x1;
	s6 =	sadd.s32 s21, s4  }
0x9e: {  	[timem:s8], [sflag:s22] =	dma.local [hbm:s6], s20  }
0x9f: {  	_ =	swait.ge [sflag:s22], s20  }
0xa0: {  	s5 =	ssub.s32 $0x0, s20;
	[sflag:s22] =	ssyncset.done $0x0  }
0xa1: {  	[sflag:s22] =	ssyncadd.s32 s5;
	_ =	sdelay $0x1  }
0xa2: {  	s23 =	simm.s32 $0x1B8B  }
0xa3: {  	_ =	swait.ge [sflag:s23], $0x1  }
0xa4: {  	[sflag:s23] =	ssyncset.done $0x0  }
0xa5: {  	s25 =	simm.s32 $0x1B8E;
	s24 =	sld [smem:$0x3FFE];
	[sflag:s23] =	ssyncadd.s32 $0xFFFFFFFF  }
0xa6: {  	s26 =	simm.s32 $execute0_lowered;
	[smem:$0x3FD2] =	sst s25  }
0xa7: {  	s6 =	sshll.u32 s26, $0x1;
	_ =	strace $0x80000046;
	[dreg:$0x1] =	wrdreg $0xFFFFFFFF  }
0xa8: {  	s28 =	simm.s32 $_size_execute0_lowered;
	s4 =	sadd.s32 s4, s6;
	[dreg:$0x0] =	wrdreg $0x0  }
0xa9: {  	s6 =	sshll.u32 s28, $0x1;
	[dreg:$0x2] =	wrdreg s4  }
0xaa: {  	[dreg:$0x3] =	wrdreg s6  }
0xab: {  	[dreg:$0x4] =	wrdreg $0xC0  }
0xac: {  	_ =	task [dreg:s8], $0x5FFFF  }
0xad: {  	[dreg:$0x1] =	wrdreg $0xFFFFFFFF  }
0xae: {  	[dreg:$0x0] =	wrdreg $0x60  }
0xaf: {  	[dreg:$0x2] =	wrdreg s24  }
0xb0: {  	[dreg:$0x3] =	wrdreg s2  }
0xb1: {  	[dreg:$0x4] =	wrdreg s18  }
0xb2: {  	[dreg:$0x5] =	wrdreg $0x9  }
0xb3: {  	_ =	task.clear_ibuf [dreg:s8], $0x6FFFF;
	_ =	strace $0x90000046  }
0xb4: {  	s29 =	simm.s32 $0x9;
	_ =	strace $0x80000048  }
0xb5: {  	_ =	swait.ge [sflag:s29], $0x1  }
0xb6: {  	[sflag:s29] =	ssyncadd.s32 $0xFFFFFFFF  }
0xb7: {  	_ =	strace $0x90000048  }
0xb8: {  	_ =	sfence  }
0xb9: {  	s30 =	sld [smem:$0x0];
	_ =	sdelay $0x2  }
0xba: {  	s31 =	sshll.u32 s1, $0xD;
	s1 =	sshrl.u32 s1, $0x2  }
0xbb: {  	s3 =	sand.u32 $0x4000, s31;
	s1 =	sadd.s32 s1, s30  }
0xbc: {  	s0 =	sor.u32 s3, s0;
	s1 =	sshll.u32 s1, $0x11  }
0xbd: {  	s0 =	sor.u32 s1, s0  }
0xbe: {  	s0 =	sadd.s32 $0x8F2B, s0  }
0xbf: {  	[sflag:s0] =	ssyncadd.remote.s32 $0x1  }
0xc0: {  	_ =	sfence.sel $0xFFFF  }
0xc1: {  	[dreg:$0x0] =	wrdreg $0xFFFFFFFF;
	(pc) =	sbr.abs _section_cstart, $3  }
0xc2: {  	[dreg:$0x1] =	wrdreg $0xFFFFFFFF  }
0xc3: {  	_ =	task.clear_ibuf [dreg:s8], $0x2FFFF;
	_ =	strace $0x9FFFFFFF  }
0xc4: {  	(tm) =	ssettm $0x7FFFFFFF  }
0xc5: {  	_ =	shalt  }
tec
execute0_lowered:
.L_overlay_start_1:
0x0: {  	(tag) =	ssettag $0x1  }
0x1: {  	s4 =	rddreg [dreg:$0x0];
	s1 =	srdreg.scid  }
0x2: {  	s0 =	stileid.u32;
	s2 =	rddreg [dreg:$0x1]  }
0x3: {  	s6 =	rddreg [dreg:$0x2];
	s3 =	simm.s32 $0x0;
	s9 =	simm.s32 $0x2800  }
0x4: {  	s10 =	simm.s32 $0x1;
	s11 =	simm.s32 $0x4400;
	s12 =	simm.s32 $0x2  }
0x5: {  	s13 =	simm.s32 $0x6000;
	s5 =	sand.u32 $0x1, s1;
	s31 =	sshll.u32 s0, $0x1  }
0x6: {  	s14 =	simm.s32 $0x0;
	s7 =	sor.u32 s5, s31;
	s5 =	ssub.s32 $0x2, s5  }
0x7: {  	[smem:$0x7FF] =	sst s3;
	s7 =	smul.u32 $0x500, s7;
	s8 =	sshrl.u32 s5, $0x1  }
0x8: {  	s1 =	rddreg [dreg:$0x3];
	_ =	strace $0x80000047;
	s8 =	ssub.s32 s5, s8  }
0x9: {  	s4 =	sadd.s32 s7, s4;
	s5 =	sadd.s32 s6, s7;
	s6 =	smax.u32 s8, $0x1  }
0xa: {  	s7 =	simm.s32 $0x3;
	s8 =	simm.s32 $0x32;
	s4 =	sadd.s32 $0x400, s4  }
.LBB2_1:
0xb: {  	[tilespmem:s3], [sflag:$0x3] =	stream.linear.gather [hbm4b:s4+s3], $0x2800, $0x38;
	[tilespmem:$0x8800] =	vst v63  }
0xc: {  	_ =	swait.ge [sflag:s7], $0x2800  }
0xd: {  	[sflag:s7] =	ssyncset.done $0x0  }
0xe: {  	s15 =	simm.s32 $0x0;
	[sflag:s7] =	ssyncadd.s32 $0xFFFFD800  }
0xf: {  	[tilespmem:s9], [sflag:$0x1] =	stream.indirect.gather [hbm4b:s2+s8], $0x80, s3, s8, $0xb8;
	[tilespmem:$0x8800] =	vst v63  }
.LBB2_2:
0x10: {  	_ =	swait.ge [sflag:s10], $0x1900  }
0x11: {  	s16 =	sshra.s32 s15, $0x2;
	[sflag:s10] =	ssyncset.done $0x0  }
0x12: {  	s17 =	sadd.s32 $0x80, s16;
	[sflag:s10] =	ssyncadd.s32 $0xFFFFE700  }
0x13: {  	[tilespmem:s11], [sflag:$0x2] =	stream.indirect.gather [hbm4b:s2+s8], $0x80, s17, s8, $0xb8;
	[tilespmem:$0x8800] =	vst v63  }
0x14: {  	v62 =	vld [tilespmem:$0x2BF0];
	_ =	sdelay $0x4  }
0x15: {  	[tilespmem:$0x1E660] =	vst v62;
	v62 =	vld [tilespmem:$0x2C00];
	_ =	sdelay $0x4  }
0x16: {  	[tilespmem:$0x1E670] =	vst v62;
	v62 =	vld [tilespmem:$0x2C10];
	_ =	sdelay $0x4  }
0x17: {  	[tilespmem:$0x1E680] =	vst v62;
	v62 =	vld [tilespmem:$0x2C20];
	_ =	sdelay $0x4  }
0x18: {  	[tilespmem:$0x1E690] =	vst v62;
	v62 =	vld [tilespmem:$0x2C30];
	_ =	sdelay $0x4  }
0x19: {  	[tilespmem:$0x1E6A0] =	vst v62;
	v62 =	vld [tilespmem:$0x2C40];
	_ =	sdelay $0x4  }
0x1a: {  	[tilespmem:$0x1E6B0] =	vst v62;
	v62 =	vld [tilespmem:$0x2C50];
	_ =	sdelay $0x4  }
0x1b: {  	[tilespmem:$0x1E6C0] =	vst v62;
	v62 =	vld [tilespmem:$0x2C60];
	_ =	sdelay $0x4  }
0x1c: {  	[tilespmem:$0x1E6D0] =	vst v62;
	v62 =	vld [tilespmem:$0x2C70];
	_ =	sdelay $0x4  }
0x1d: {  	[tilespmem:$0x1E6E0] =	vst v62;
	v62 =	vld [tilespmem:$0x2C80];
	_ =	sdelay $0x4  }
0x1e: {  	[tilespmem:$0x1E6F0] =	vst v62;
	v62 =	vld [tilespmem:$0x2C90];
	_ =	sdelay $0x4  }
0x1f: {  	[tilespmem:$0x1E700] =	vst v62;
	v62 =	vld [tilespmem:$0x2CA0];
	_ =	sdelay $0x4  }
0x20: {  	[tilespmem:$0x1E710] =	vst v62;
	v62 =	vld [tilespmem:$0x2CB0];
	_ =	sdelay $0x4  }
0x21: {  	[tilespmem:$0x1E720] =	vst v62;
	v62 =	vld [tilespmem:$0x2CC0];
	_ =	sdelay $0x4  }
0x22: {  	[tilespmem:$0x1E730] =	vst v62;
	v62 =	vld [tilespmem:$0x2CD0];
	_ =	sdelay $0x4  }
0x23: {  	[tilespmem:$0x1E740] =	vst v62;
	v62 =	vld [tilespmem:$0x2CE0];
	_ =	sdelay $0x4  }
0x24: {  	[tilespmem:$0x1E750] =	vst v62;
	v62 =	vld [tilespmem:$0x2CF0];
	_ =	sdelay $0x4  }
0x25: {  	[tilespmem:$0x1E760] =	vst v62;
	v62 =	vld [tilespmem:$0x2D00];
	_ =	sdelay $0x4  }
0x26: {  	[tilespmem:$0x1E770] =	vst v62;
	v62 =	vld [tilespmem:$0x2D10];
	_ =	sdelay $0x4  }
0x27: {  	[tilespmem:$0x1E780] =	vst v62;
	v62 =	vld [tilespmem:$0x2D20];
	_ =	sdelay $0x4  }
0x28: {  	[tilespmem:$0x1E790] =	vst v62;
	v62 =	vld [tilespmem:$0x2D30];
	_ =	sdelay $0x4  }
0x29: {  	[tilespmem:$0x1E7A0] =	vst v62;
	v62 =	vld [tilespmem:$0x2D40];
	_ =	sdelay $0x4  }
0x2a: {  	[tilespmem:$0x1E7B0] =	vst v62;
	v62 =	vld [tilespmem:$0x2D50];
	_ =	sdelay $0x2  }
0x2b: {  	v16 =	vld [tilespmem:$0x2800]  }
0x2c: {  	v17 =	vld [tilespmem:$0x2810]  }
0x2d: {  	[tilespmem:$0x1E7C0] =	vst v62;
	v62 =	vld [tilespmem:$0x2D60]  }
0x2e: {  	v20 =	vld [tilespmem:$0x2820]  }
0x2f: {  	v21 =	vld [tilespmem:$0x2830]  }
0x30: {  	v24 =	vld [tilespmem:$0x2840]  }
0x31: {  	v25 =	vld [tilespmem:$0x2850]  }
0x32: {  	[tilespmem:$0x1E7D0] =	vst v62;
	v62 =	vld [tilespmem:$0x2D70]  }
0x33: {  	v28 =	vld [tilespmem:$0x2860]  }
0x34: {  	v29 =	vld [tilespmem:$0x2870]  }
0x35: {  	v0 =	vld [tilespmem:$0x2880]  }
0x36: {  	v1 =	vld [tilespmem:$0x2890]  }
0x37: {  	[tilespmem:$0x1E7E0] =	vst v62;
	v62 =	vld [tilespmem:$0x2D80]  }
0x38: {  	v2 =	vld [tilespmem:$0x28A0]  }
0x39: {  	v3 =	vld [tilespmem:$0x28B0]  }
0x3a: {  	v4 =	vld [tilespmem:$0x28C0]  }
0x3b: {  	v5 =	vld [tilespmem:$0x28D0]  }
0x3c: {  	[tilespmem:$0x1E7F0] =	vst v62;
	v62 =	vld [tilespmem:$0x2D90]  }
0x3d: {  	v6 =	vld [tilespmem:$0x28E0]  }
0x3e: {  	v7 =	vld [tilespmem:$0x28F0]  }
0x3f: {  	v8 =	vld [tilespmem:$0x2900]  }
0x40: {  	v9 =	vld [tilespmem:$0x2910]  }
0x41: {  	[tilespmem:$0x1E800] =	vst v62;
	v62 =	vld [tilespmem:$0x2DA0]  }
0x42: {  	v10 =	vld [tilespmem:$0x2920]  }
0x43: {  	v11 =	vld [tilespmem:$0x2930]  }
0x44: {  	v12 =	vld [tilespmem:$0x2940]  }
0x45: {  	v13 =	vld [tilespmem:$0x2950]  }
0x46: {  	[tilespmem:$0x1E810] =	vst v62;
	v62 =	vld [tilespmem:$0x2DB0]  }
0x47: {  	v14 =	vld [tilespmem:$0x2960]  }
0x48: {  	v15 =	vld [tilespmem:$0x2970]  }
0x49: {  	v18 =	vld [tilespmem:$0x2980]  }
0x4a: {  	v19 =	vld [tilespmem:$0x2990]  }
0x4b: {  	[tilespmem:$0x1E820] =	vst v62;
	v62 =	vld [tilespmem:$0x2DC0]  }
0x4c: {  	v22 =	vld [tilespmem:$0x29A0]  }
0x4d: {  	v23 =	vld [tilespmem:$0x29B0]  }
0x4e: {  	v26 =	vld [tilespmem:$0x29C0]  }
0x4f: {  	v27 =	vld [tilespmem:$0x29D0]  }
0x50: {  	[tilespmem:$0x1E830] =	vst v62;
	v62 =	vld [tilespmem:$0x2DD0]  }
0x51: {  	v30 =	vld [tilespmem:$0x29E0]  }
0x52: {  	v31 =	vld [tilespmem:$0x29F0]  }
0x53: {  	v32 =	vld [tilespmem:$0x2A00]  }
0x54: {  	v33 =	vld [tilespmem:$0x2A10]  }
0x55: {  	[tilespmem:$0x1E840] =	vst v62;
	v62 =	vld [tilespmem:$0x2DE0]  }
0x56: {  	v34 =	vld [tilespmem:$0x2A20]  }
0x57: {  	v35 =	vld [tilespmem:$0x2A30]  }
0x58: {  	v36 =	vld [tilespmem:$0x2A40]  }
0x59: {  	v37 =	vld [tilespmem:$0x2A50]  }
0x5a: {  	[tilespmem:$0x1E850] =	vst v62;
	v62 =	vld [tilespmem:$0x2DF0]  }
0x5b: {  	v38 =	vld [tilespmem:$0x2A60]  }
0x5c: {  	v39 =	vld [tilespmem:$0x2A70]  }
0x5d: {  	v40 =	vld [tilespmem:$0x2A80]  }
0x5e: {  	v41 =	vld [tilespmem:$0x2A90]  }
0x5f: {  	[tilespmem:$0x1E860] =	vst v62;
	v62 =	vld [tilespmem:$0x2E00]  }
0x60: {  	v42 =	vld [tilespmem:$0x2AA0]  }
0x61: {  	v43 =	vld [tilespmem:$0x2AB0]  }
0x62: {  	v44 =	vld [tilespmem:$0x2AC0]  }
0x63: {  	v45 =	vld [tilespmem:$0x2AD0]  }
0x64: {  	[tilespmem:$0x1E870] =	vst v62;
	v62 =	vld [tilespmem:$0x2E10]  }
0x65: {  	v46 =	vld [tilespmem:$0x2AE0]  }
0x66: {  	v47 =	vld [tilespmem:$0x2AF0]  }
0x67: {  	v48 =	vld [tilespmem:$0x2B00]  }
0x68: {  	v49 =	vld [tilespmem:$0x2B10]  }
0x69: {  	[tilespmem:$0x1E880] =	vst v62;
	v62 =	vld [tilespmem:$0x2E20]  }
0x6a: {  	v50 =	vld [tilespmem:$0x2B20]  }
0x6b: {  	v51 =	vld [tilespmem:$0x2B30]  }
0x6c: {  	v52 =	vld [tilespmem:$0x2B40]  }
0x6d: {  	v53 =	vld [tilespmem:$0x2B50]  }
0x6e: {  	[tilespmem:$0x1E890] =	vst v62;
	v62 =	vld [tilespmem:$0x2E30]  }
0x6f: {  	v54 =	vld [tilespmem:$0x2B60]  }
0x70: {  	v55 =	vld [tilespmem:$0x2B70]  }
0x71: {  	v56 =	vld [tilespmem:$0x2B80]  }
0x72: {  	v57 =	vld [tilespmem:$0x2B90]  }
0x73: {  	[tilespmem:$0x1E8A0] =	vst v62;
	v62 =	vld [tilespmem:$0x2E40]  }
0x74: {  	v58 =	vld [tilespmem:$0x2BA0]  }
0x75: {  	v59 =	vld [tilespmem:$0x2BB0]  }
0x76: {  	v60 =	vld [tilespmem:$0x2BC0]  }
0x77: {  	v61 =	vld [tilespmem:$0x2BD0]  }
0x78: {  	v63 =	vld [tilespmem:$0x2BE0];
	[tilespmem:$0x1E8B0] =	vst v62  }
0x79: {  	v62 =	vld [tilespmem:$0x2E50];
	_ =	sdelay $0x4  }
0x7a: {  	[tilespmem:$0x1E8C0] =	vst v62;
	v62 =	vld [tilespmem:$0x2E60];
	_ =	sdelay $0x4  }
0x7b: {  	[tilespmem:$0x1E8D0] =	vst v62;
	v62 =	vld [tilespmem:$0x2E70];
	_ =	sdelay $0x4  }
0x7c: {  	[tilespmem:$0x1E8E0] =	vst v62;
	v62 =	vld [tilespmem:$0x2E80];
	_ =	sdelay $0x4  }
0x7d: {  	[tilespmem:$0x1E8F0] =	vst v62;
	v62 =	vld [tilespmem:$0x2E90];
	_ =	sdelay $0x4  }
0x7e: {  	[tilespmem:$0x1E900] =	vst v62;
	v62 =	vld [tilespmem:$0x2EA0];
	_ =	sdelay $0x4  }
0x7f: {  	[tilespmem:$0x1E910] =	vst v62;
	v62 =	vld [tilespmem:$0x2EB0];
	_ =	sdelay $0x4  }
0x80: {  	[tilespmem:$0x1E920] =	vst v62;
	v62 =	vld [tilespmem:$0x2EC0];
	_ =	sdelay $0x4  }
0x81: {  	[tilespmem:$0x1E930] =	vst v62;
	v62 =	vld [tilespmem:$0x2ED0];
	_ =	sdelay $0x4  }
0x82: {  	[tilespmem:$0x1E940] =	vst v62;
	v62 =	vld [tilespmem:$0x2EE0];
	_ =	sdelay $0x4  }
0x83: {  	[tilespmem:$0x1E950] =	vst v62;
	v62 =	vld [tilespmem:$0x2EF0];
	_ =	sdelay $0x4  }
0x84: {  	[tilespmem:$0x1E960] =	vst v62;
	v62 =	vld [tilespmem:$0x2F00];
	_ =	sdelay $0x4  }
0x85: {  	[tilespmem:$0x1E970] =	vst v62;
	v62 =	vld [tilespmem:$0x2F10];
	_ =	sdelay $0x4  }
0x86: {  	[tilespmem:$0x1E980] =	vst v62;
	v62 =	vld [tilespmem:$0x2F20];
	_ =	sdelay $0x4  }
0x87: {  	[tilespmem:$0x1E990] =	vst v62;
	v62 =	vld [tilespmem:$0x2F30];
	_ =	sdelay $0x4  }
0x88: {  	[tilespmem:$0x1E9A0] =	vst v62;
	v62 =	vld [tilespmem:$0x2F40];
	_ =	sdelay $0x4  }
0x89: {  	[tilespmem:$0x1E9B0] =	vst v62;
	v62 =	vld [tilespmem:$0x2F50];
	_ =	sdelay $0x4  }
0x8a: {  	[tilespmem:$0x1E9C0] =	vst v62;
	v62 =	vld [tilespmem:$0x2F60];
	_ =	sdelay $0x4  }
0x8b: {  	[tilespmem:$0x1E9D0] =	vst v62;
	v62 =	vld [tilespmem:$0x2F70];
	_ =	sdelay $0x4  }
0x8c: {  	[tilespmem:$0x1E9E0] =	vst v62;
	v62 =	vld [tilespmem:$0x2F80];
	_ =	sdelay $0x4  }
0x8d: {  	[tilespmem:$0x1E9F0] =	vst v62;
	v62 =	vld [tilespmem:$0x2F90];
	_ =	sdelay $0x4  }
0x8e: {  	[tilespmem:$0x1EA00] =	vst v62;
	v62 =	vld [tilespmem:$0x2FA0];
	_ =	sdelay $0x4  }
0x8f: {  	[tilespmem:$0x1EA10] =	vst v62;
	v62 =	vld [tilespmem:$0x2FB0];
	_ =	sdelay $0x4  }
0x90: {  	[tilespmem:$0x1EA20] =	vst v62;
	v62 =	vld [tilespmem:$0x2FC0];
	_ =	sdelay $0x4  }
0x91: {  	[tilespmem:$0x1EA30] =	vst v62;
	v62 =	vld [tilespmem:$0x2FD0];
	_ =	sdelay $0x4  }
0x92: {  	[tilespmem:$0x1EA40] =	vst v62;
	v62 =	vld [tilespmem:$0x2FE0];
	_ =	sdelay $0x4  }
0x93: {  	[tilespmem:$0x1EA50] =	vst v62;
	v62 =	vld [tilespmem:$0x2FF0];
	_ =	sdelay $0x4  }
0x94: {  	[tilespmem:$0x1EA60] =	vst v62;
	v62 =	vld [tilespmem:$0x3000];
	_ =	sdelay $0x4  }
0x95: {  	[tilespmem:$0x1EA70] =	vst v62;
	v62 =	vld [tilespmem:$0x3010];
	_ =	sdelay $0x4  }
0x96: {  	[tilespmem:$0x1EA80] =	vst v62;
	v62 =	vld [tilespmem:$0x3020];
	_ =	sdelay $0x4  }
0x97: {  	[tilespmem:$0x1EA90] =	vst v62;
	v62 =	vld [tilespmem:$0x3030];
	_ =	sdelay $0x4  }
0x98: {  	[tilespmem:$0x1EAA0] =	vst v62;
	v62 =	vld [tilespmem:$0x3040];
	_ =	sdelay $0x4  }
0x99: {  	[tilespmem:$0x1EAB0] =	vst v62;
	v62 =	vld [tilespmem:$0x3050];
	_ =	sdelay $0x4  }
0x9a: {  	[tilespmem:$0x1EAC0] =	vst v62;
	v62 =	vld [tilespmem:$0x3060];
	_ =	sdelay $0x4  }
0x9b: {  	[tilespmem:$0x1EAD0] =	vst v62;
	v62 =	vld [tilespmem:$0x3070];
	_ =	sdelay $0x4  }
0x9c: {  	[tilespmem:$0x1EAE0] =	vst v62;
	v62 =	vld [tilespmem:$0x3080];
	_ =	sdelay $0x4  }
0x9d: {  	[tilespmem:$0x1EAF0] =	vst v62;
	v62 =	vld [tilespmem:$0x3090];
	_ =	sdelay $0x4  }
0x9e: {  	[tilespmem:$0x1EB00] =	vst v62;
	v62 =	vld [tilespmem:$0x30A0];
	_ =	sdelay $0x4  }
0x9f: {  	[tilespmem:$0x1EB10] =	vst v62;
	v62 =	vld [tilespmem:$0x30B0];
	_ =	sdelay $0x4  }
0xa0: {  	[tilespmem:$0x1EB20] =	vst v62;
	v62 =	vld [tilespmem:$0x30C0];
	_ =	sdelay $0x4  }
0xa1: {  	[tilespmem:$0x1EB30] =	vst v62;
	v62 =	vld [tilespmem:$0x30D0];
	_ =	sdelay $0x4  }
0xa2: {  	[tilespmem:$0x1EB40] =	vst v62;
	v62 =	vld [tilespmem:$0x30E0];
	_ =	sdelay $0x4  }
0xa3: {  	[tilespmem:$0x1EB50] =	vst v62;
	v62 =	vld [tilespmem:$0x30F0];
	_ =	sdelay $0x4  }
0xa4: {  	[tilespmem:$0x1EB60] =	vst v62;
	v62 =	vld [tilespmem:$0x3100];
	_ =	sdelay $0x4  }
0xa5: {  	[tilespmem:$0x1EB70] =	vst v62;
	v62 =	vld [tilespmem:$0x3110];
	_ =	sdelay $0x4  }
0xa6: {  	[tilespmem:$0x1EB80] =	vst v62;
	v62 =	vld [tilespmem:$0x3120];
	_ =	sdelay $0x4  }
0xa7: {  	[tilespmem:$0x1EB90] =	vst v62;
	v62 =	vld [tilespmem:$0x3130];
	_ =	sdelay $0x4  }
0xa8: {  	[tilespmem:$0x1EBA0] =	vst v62;
	v62 =	vld [tilespmem:$0x3140];
	_ =	sdelay $0x4  }
0xa9: {  	[tilespmem:$0x1EBB0] =	vst v62;
	v62 =	vld [tilespmem:$0x3150];
	_ =	sdelay $0x4  }
0xaa: {  	[tilespmem:$0x1EBC0] =	vst v62;
	v62 =	vld [tilespmem:$0x3160];
	_ =	sdelay $0x4  }
0xab: {  	[tilespmem:$0x1EBD0] =	vst v62;
	v62 =	vld [tilespmem:$0x3170];
	_ =	sdelay $0x4  }
0xac: {  	[tilespmem:$0x1EBE0] =	vst v62;
	v62 =	vld [tilespmem:$0x3180];
	_ =	sdelay $0x4  }
0xad: {  	[tilespmem:$0x1EBF0] =	vst v62;
	v62 =	vld [tilespmem:$0x3190];
	_ =	sdelay $0x4  }
0xae: {  	[tilespmem:$0x1EC00] =	vst v62;
	v62 =	vld [tilespmem:$0x31A0];
	_ =	sdelay $0x4  }
0xaf: {  	[tilespmem:$0x1EC10] =	vst v62;
	v62 =	vld [tilespmem:$0x31B0];
	_ =	sdelay $0x4  }
0xb0: {  	[tilespmem:$0x1EC20] =	vst v62;
	v62 =	vld [tilespmem:$0x31C0];
	_ =	sdelay $0x4  }
0xb1: {  	[tilespmem:$0x1EC30] =	vst v62;
	v62 =	vld [tilespmem:$0x31D0];
	_ =	sdelay $0x4  }
0xb2: {  	[tilespmem:$0x1EC40] =	vst v62;
	v62 =	vld [tilespmem:$0x31E0];
	_ =	sdelay $0x4  }
0xb3: {  	[tilespmem:$0x1EC50] =	vst v62;
	v62 =	vld [tilespmem:$0x31F0];
	_ =	sdelay $0x4  }
0xb4: {  	[tilespmem:$0x1EC60] =	vst v62;
	v62 =	vld [tilespmem:$0x3200];
	_ =	sdelay $0x4  }
0xb5: {  	[tilespmem:$0x1EC70] =	vst v62;
	v62 =	vld [tilespmem:$0x3210];
	_ =	sdelay $0x4  }
0xb6: {  	[tilespmem:$0x1EC80] =	vst v62;
	v62 =	vld [tilespmem:$0x3220];
	_ =	sdelay $0x4  }
0xb7: {  	[tilespmem:$0x1EC90] =	vst v62;
	v62 =	vld [tilespmem:$0x3230];
	_ =	sdelay $0x4  }
0xb8: {  	[tilespmem:$0x1ECA0] =	vst v62;
	v62 =	vld [tilespmem:$0x3240];
	_ =	sdelay $0x2  }
0xb9: {  	v0 =	vadd.f32 v0, v16;
	v16 =	vld [tilespmem:$0x3500]  }
0xba: {  	v1 =	vadd.f32 v1, v17;
	v17 =	vld [tilespmem:$0x3510]  }
0xbb: {  	[tilespmem:$0x1ECB0] =	vst v62;
	v62 =	vld [tilespmem:$0x3250]  }
0xbc: {  	v2 =	vadd.f32 v2, v20;
	v20 =	vld [tilespmem:$0x3520]  }
0xbd: {  	v3 =	vadd.f32 v3, v21;
	v21 =	vld [tilespmem:$0x3530]  }
0xbe: {  	v1 =	vadd.f32 v9, v1;
	v9 =	vld [tilespmem:$0x3540]  }
0xbf: {  	v2 =	vadd.f32 v10, v2;
	v10 =	vld [tilespmem:$0x3550]  }
0xc0: {  	v4 =	vadd.f32 v4, v24;
	[tilespmem:$0x1ECC0] =	vst v62;
	v62 =	vld [tilespmem:$0x3260]  }
0xc1: {  	v5 =	vadd.f32 v5, v25;
	v3 =	vadd.f32 v11, v3;
	v11 =	vld [tilespmem:$0x3560]  }
0xc2: {  	v6 =	vadd.f32 v6, v28;
	v4 =	vadd.f32 v12, v4;
	v12 =	vld [tilespmem:$0x3570]  }
0xc3: {  	v5 =	vadd.f32 v13, v5;
	v13 =	vld [tilespmem:$0x3580]  }
0xc4: {  	v7 =	vadd.f32 v7, v29;
	v6 =	vadd.f32 v14, v6;
	v14 =	vld [tilespmem:$0x3590]  }
0xc5: {  	v0 =	vadd.f32 v8, v0;
	[tilespmem:$0x1ECD0] =	vst v62;
	v62 =	vld [tilespmem:$0x3270]  }
0xc6: {  	v7 =	vadd.f32 v15, v7;
	v15 =	vld [tilespmem:$0x35A0]  }
0xc7: {  	v0 =	vadd.f32 v18, v0;
	v18 =	vld [tilespmem:$0x35B0]  }
0xc8: {  	v1 =	vadd.f32 v19, v1;
	v19 =	vld [tilespmem:$0x35C0]  }
0xc9: {  	v2 =	vadd.f32 v22, v2;
	v22 =	vld [tilespmem:$0x35D0]  }
0xca: {  	[tilespmem:$0x1ECE0] =	vst v62;
	v62 =	vld [tilespmem:$0x3280]  }
0xcb: {  	v3 =	vadd.f32 v23, v3;
	v23 =	vld [tilespmem:$0x35E0]  }
0xcc: {  	v24 =	vld [tilespmem:$0x35F0]  }
0xcd: {  	v25 =	vld [tilespmem:$0x3600]  }
0xce: {  	v4 =	vadd.f32 v26, v4;
	v26 =	vld [tilespmem:$0x3610]  }
0xcf: {  	[tilespmem:$0x1ECF0] =	vst v62;
	v62 =	vld [tilespmem:$0x3290]  }
0xd0: {  	v5 =	vadd.f32 v27, v5;
	v27 =	vld [tilespmem:$0x3620]  }
0xd1: {  	v28 =	vld [tilespmem:$0x3630]  }
0xd2: {  	v29 =	vld [tilespmem:$0x3640]  }
0xd3: {  	v6 =	vadd.f32 v30, v6;
	v30 =	vld [tilespmem:$0x3650]  }
0xd4: {  	[tilespmem:$0x1ED00] =	vst v62;
	v62 =	vld [tilespmem:$0x32A0]  }
0xd5: {  	v7 =	vadd.f32 v31, v7;
	v5 =	vadd.f32 v37, v5;
	v31 =	vld [tilespmem:$0x3660]  }
0xd6: {  	v0 =	vadd.f32 v32, v0;
	v1 =	vadd.f32 v33, v1;
	v32 =	vld [tilespmem:$0x3670]  }
0xd7: {  	v6 =	vadd.f32 v38, v6;
	v5 =	vadd.f32 v45, v5;
	v33 =	vld [tilespmem:$0x3680]  }
0xd8: {  	v2 =	vadd.f32 v34, v2;
	v34 =	vld [tilespmem:$0x3690]  }
0xd9: {  	v6 =	vadd.f32 v46, v6;
	v5 =	vadd.f32 v53, v5;
	[tilespmem:$0x1ED10] =	vst v62;
	v62 =	vld [tilespmem:$0x32B0]  }
0xda: {  	v3 =	vadd.f32 v35, v3;
	v35 =	vld [tilespmem:$0x36A0]  }
0xdb: {  	v6 =	vadd.f32 v54, v6;
	v5 =	vadd.f32 v61, v5;
	v61 =	vld [tilespmem:$0x1E660]  }
0xdc: {  	v4 =	vadd.f32 v36, v4;
	v36 =	vld [tilespmem:$0x36B0]  }
0xdd: {  	v6 =	vadd.f32 v63, v6;
	v63 =	vld [tilespmem:$0x1E680]  }
0xde: {  	[tilespmem:$0x1ED20] =	vst v62;
	v62 =	vld [tilespmem:$0x32C0]  }
0xdf: {  	v37 =	vld [tilespmem:$0x36C0]  }
0xe0: {  	v38 =	vld [tilespmem:$0x1E690]  }
0xe1: {  	v7 =	vadd.f32 v39, v7;
	v39 =	vld [tilespmem:$0x1E6A0]  }
0xe2: {  	v0 =	vadd.f32 v40, v0;
	v40 =	vld [tilespmem:$0x36D0]  }
0xe3: {  	[tilespmem:$0x1ED30] =	vst v62;
	v62 =	vld [tilespmem:$0x32D0]  }
0xe4: {  	v1 =	vadd.f32 v41, v1;
	v41 =	vld [tilespmem:$0x1E6B0]  }
0xe5: {  	v2 =	vadd.f32 v42, v2;
	v42 =	vld [tilespmem:$0x1E6C0]  }
0xe6: {  	v3 =	vadd.f32 v43, v3;
	v43 =	vld [tilespmem:$0x36E0]  }
0xe7: {  	v4 =	vadd.f32 v44, v4;
	v44 =	vld [tilespmem:$0x1E6D0]  }
0xe8: {  	[tilespmem:$0x1ED40] =	vst v62;
	v62 =	vld [tilespmem:$0x32E0]  }
0xe9: {  	v45 =	vld [tilespmem:$0x1E6E0]  }
0xea: {  	v46 =	vld [tilespmem:$0x36F0]  }
0xeb: {  	v7 =	vadd.f32 v47, v7;
	v47 =	vld [tilespmem:$0x1E6F0]  }
0xec: {  	v0 =	vadd.f32 v48, v0;
	v48 =	vld [tilespmem:$0x1E700]  }
0xed: {  	[tilespmem:$0x1ED50] =	vst v62;
	v62 =	vld [tilespmem:$0x32F0]  }
0xee: {  	v1 =	vadd.f32 v49, v1;
	v49 =	vld [tilespmem:$0x3700]  }
0xef: {  	v2 =	vadd.f32 v50, v2;
	v50 =	vld [tilespmem:$0x1E710]  }
0xf0: {  	v3 =	vadd.f32 v51, v3;
	v51 =	vld [tilespmem:$0x1E720]  }
0xf1: {  	v4 =	vadd.f32 v52, v4;
	v52 =	vld [tilespmem:$0x3710]  }
0xf2: {  	[tilespmem:$0x1ED60] =	vst v62;
	v62 =	vld [tilespmem:$0x3300]  }
0xf3: {  	v53 =	vld [tilespmem:$0x1E730]  }
0xf4: {  	v54 =	vld [tilespmem:$0x1E740]  }
0xf5: {  	v7 =	vadd.f32 v55, v7;
	v55 =	vld [tilespmem:$0x3720]  }
0xf6: {  	v0 =	vadd.f32 v56, v0;
	v56 =	vld [tilespmem:$0x1E750]  }
0xf7: {  	[tilespmem:$0x1ED70] =	vst v62;
	v62 =	vld [tilespmem:$0x3310]  }
0xf8: {  	v1 =	vadd.f32 v57, v1;
	v57 =	vld [tilespmem:$0x1E760]  }
0xf9: {  	v2 =	vadd.f32 v58, v2;
	v58 =	vld [tilespmem:$0x3730]  }
0xfa: {  	v3 =	vadd.f32 v59, v3;
	v59 =	vld [tilespmem:$0x1E770]  }
0xfb: {  	v4 =	vadd.f32 v60, v4;
	v60 =	vld [tilespmem:$0x1E780]  }
0xfc: {  	[tilespmem:$0x1ED80] =	vst v62;
	v62 =	vld [tilespmem:$0x3320]  }
0xfd: {  	v7 =	vadd.f32 v61, v7;
	v61 =	vld [tilespmem:$0x3740]  }
0xfe: {  	v1 =	vadd.f32 v63, v1;
	v63 =	vld [tilespmem:$0x1E7A0]  }
0xff: {  	[tilespmem:$0x1EF70] =	vst v37;
	v37 =	vld [tilespmem:$0x3750]  }
0x100: {  	v2 =	vadd.f32 v38, v2;
	v38 =	vld [tilespmem:$0x1E7B0]  }
0x101: {  	[tilespmem:$0x1ED90] =	vst v62;
	v62 =	vld [tilespmem:$0x3330]  }
0x102: {  	v3 =	vadd.f32 v39, v3;
	v39 =	vld [tilespmem:$0x1E7C0]  }
0x103: {  	[tilespmem:$0x1EF80] =	vst v40;
	v40 =	vld [tilespmem:$0x3760]  }
0x104: {  	v4 =	vadd.f32 v41, v4;
	v41 =	vld [tilespmem:$0x1E7D0]  }
0x105: {  	v5 =	vadd.f32 v42, v5;
	v42 =	vld [tilespmem:$0x1E7E0]  }
0x106: {  	[tilespmem:$0x1EDA0] =	vst v62;
	v62 =	vld [tilespmem:$0x3340]  }
0x107: {  	[tilespmem:$0x1EF90] =	vst v43;
	v43 =	vld [tilespmem:$0x3770]  }
0x108: {  	v6 =	vadd.f32 v44, v6;
	v44 =	vld [tilespmem:$0x1E7F0]  }
0x109: {  	[tilespmem:$0x1EFA0] =	vst v46;
	v46 =	vld [tilespmem:$0x3780]  }
0x10a: {  	[tilespmem:$0x1EFB0] =	vst v49;
	v49 =	vld [tilespmem:$0x3790]  }
0x10b: {  	[tilespmem:$0x1EDB0] =	vst v62;
	v62 =	vld [tilespmem:$0x3350]  }
0x10c: {  	[tilespmem:$0x1EFC0] =	vst v52;
	v52 =	vld [tilespmem:$0x37A0]  }
0x10d: {  	[tilespmem:$0x1EFD0] =	vst v55;
	v55 =	vld [tilespmem:$0x37B0]  }
0x10e: {  	[tilespmem:$0x1EFE0] =	vst v58;
	v58 =	vld [tilespmem:$0x37C0]  }
0x10f: {  	v7 =	vadd.f32 v45, v7;
	v45 =	vld [tilespmem:$0x1E800]  }
0x110: {  	[tilespmem:$0x1EDC0] =	vst v62;
	v62 =	vld [tilespmem:$0x3360]  }
0x111: {  	v1 =	vadd.f32 v48, v1;
	v48 =	vld [tilespmem:$0x1E820]  }
0x112: {  	v2 =	vadd.f32 v50, v2;
	v50 =	vld [tilespmem:$0x1E830]  }
0x113: {  	v3 =	vadd.f32 v51, v3;
	v51 =	vld [tilespmem:$0x1E840]  }
0x114: {  	v4 =	vadd.f32 v53, v4;
	v53 =	vld [tilespmem:$0x1E850]  }
0x115: {  	[tilespmem:$0x1EDD0] =	vst v62;
	v62 =	vld [tilespmem:$0x3370]  }
0x116: {  	v5 =	vadd.f32 v54, v5;
	v54 =	vld [tilespmem:$0x1E860]  }
0x117: {  	v6 =	vadd.f32 v56, v6;
	v56 =	vld [tilespmem:$0x1E870]  }
0x118: {  	v7 =	vadd.f32 v57, v7;
	v57 =	vld [tilespmem:$0x1E880]  }
0x119: {  	v1 =	vadd.f32 v60, v1;
	v60 =	vld [tilespmem:$0x1E8A0]  }
0x11a: {  	[tilespmem:$0x1EDE0] =	vst v62;
	v62 =	vld [tilespmem:$0x3380]  }
0x11b: {  	[tilespmem:$0x1EFF0] =	vst v61;
	v61 =	vld [tilespmem:$0x37D0]  }
0x11c: {  	v3 =	vadd.f32 v63, v3;
	v63 =	vld [tilespmem:$0x1E8C0]  }
0x11d: {  	[tilespmem:$0x1F000] =	vst v37;
	v37 =	vld [tilespmem:$0x37E0]  }
0x11e: {  	[tilespmem:$0x1F010] =	vst v40;
	v40 =	vld [tilespmem:$0x37F0]  }
0x11f: {  	[tilespmem:$0x1EDF0] =	vst v62;
	v62 =	vld [tilespmem:$0x3390]  }
0x120: {  	[tilespmem:$0x1F020] =	vst v43;
	v43 =	vld [tilespmem:$0x3800]  }
0x121: {  	[tilespmem:$0x1F030] =	vst v46;
	v46 =	vld [tilespmem:$0x3810]  }
0x122: {  	[tilespmem:$0x1F040] =	vst v49;
	v49 =	vld [tilespmem:$0x3820]  }
0x123: {  	[tilespmem:$0x1F050] =	vst v52;
	v52 =	vld [tilespmem:$0x3830]  }
0x124: {  	[tilespmem:$0x1EE00] =	vst v62;
	v62 =	vld [tilespmem:$0x33A0]  }
0x125: {  	[tilespmem:$0x1F060] =	vst v55;
	v55 =	vld [tilespmem:$0x3840]  }
0x126: {  	[tilespmem:$0x1F070] =	vst v58;
	v58 =	vld [tilespmem:$0x3850]  }
0x127: {  	v4 =	vadd.f32 v38, v4;
	v38 =	vld [tilespmem:$0x1E8D0]  }
0x128: {  	[tilespmem:$0x1F080] =	vst v61;
	v61 =	vld [tilespmem:$0x3860]  }
0x129: {  	[tilespmem:$0x1EE10] =	vst v62;
	v62 =	vld [tilespmem:$0x33B0]  }
0x12a: {  	[tilespmem:$0x1F090] =	vst v37;
	v37 =	vld [tilespmem:$0x3870]  }
0x12b: {  	[tilespmem:$0x1F0A0] =	vst v40;
	v40 =	vld [tilespmem:$0x3880]  }
0x12c: {  	[tilespmem:$0x1F0B0] =	vst v43;
	v43 =	vld [tilespmem:$0x3890]  }
0x12d: {  	[tilespmem:$0x1F0C0] =	vst v46;
	v46 =	vld [tilespmem:$0x38A0]  }
0x12e: {  	[tilespmem:$0x1EE20] =	vst v62;
	v62 =	vld [tilespmem:$0x33C0]  }
0x12f: {  	[tilespmem:$0x1F0D0] =	vst v49;
	v49 =	vld [tilespmem:$0x38B0]  }
0x130: {  	[tilespmem:$0x1F0E0] =	vst v52;
	v52 =	vld [tilespmem:$0x38C0]  }
0x131: {  	[tilespmem:$0x1F0F0] =	vst v55;
	v55 =	vld [tilespmem:$0x38D0]  }
0x132: {  	[tilespmem:$0x1F100] =	vst v58;
	v58 =	vld [tilespmem:$0x38E0]  }
0x133: {  	[tilespmem:$0x1EE30] =	vst v62;
	v62 =	vld [tilespmem:$0x33D0]  }
0x134: {  	v5 =	vadd.f32 v39, v5;
	v39 =	vld [tilespmem:$0x1E8E0]  }
0x135: {  	[tilespmem:$0x1F110] =	vst v61;
	v61 =	vld [tilespmem:$0x38F0]  }
0x136: {  	[tilespmem:$0x1F120] =	vst v37;
	v37 =	vld [tilespmem:$0x3900]  }
0x137: {  	[tilespmem:$0x1F130] =	vst v40;
	v40 =	vld [tilespmem:$0x3910]  }
0x138: {  	[tilespmem:$0x1EE40] =	vst v62;
	v62 =	vld [tilespmem:$0x33E0]  }
0x139: {  	[tilespmem:$0x1F140] =	vst v43;
	v43 =	vld [tilespmem:$0x3920]  }
0x13a: {  	[tilespmem:$0x1F150] =	vst v46;
	v46 =	vld [tilespmem:$0x3930]  }
0x13b: {  	[tilespmem:$0x1F160] =	vst v49;
	v49 =	vld [tilespmem:$0x3940]  }
0x13c: {  	[tilespmem:$0x1F170] =	vst v52;
	v52 =	vld [tilespmem:$0x3950]  }
0x13d: {  	[tilespmem:$0x1EE50] =	vst v62;
	v62 =	vld [tilespmem:$0x33F0]  }
0x13e: {  	[tilespmem:$0x1F180] =	vst v55;
	v55 =	vld [tilespmem:$0x3960]  }
0x13f: {  	[tilespmem:$0x1F190] =	vst v58;
	v58 =	vld [tilespmem:$0x3970]  }
0x140: {  	v6 =	vadd.f32 v41, v6;
	v41 =	vld [tilespmem:$0x1E8F0]  }
0x141: {  	[tilespmem:$0x1F1A0] =	vst v61;
	v61 =	vld [tilespmem:$0x3980]  }
0x142: {  	[tilespmem:$0x1EE60] =	vst v62;
	v62 =	vld [tilespmem:$0x3400]  }
0x143: {  	[tilespmem:$0x1F1B0] =	vst v37;
	v37 =	vld [tilespmem:$0x3990]  }
0x144: {  	[tilespmem:$0x1F1C0] =	vst v40;
	v40 =	vld [tilespmem:$0x39A0]  }
0x145: {  	[tilespmem:$0x1F1D0] =	vst v43;
	v43 =	vld [tilespmem:$0x39B0]  }
0x146: {  	[tilespmem:$0x1F1E0] =	vst v46;
	v46 =	vld [tilespmem:$0x39C0]  }
0x147: {  	[tilespmem:$0x1EE70] =	vst v62;
	v62 =	vld [tilespmem:$0x3410]  }
0x148: {  	[tilespmem:$0x1F1F0] =	vst v49;
	v49 =	vld [tilespmem:$0x39D0]  }
0x149: {  	[tilespmem:$0x1F200] =	vst v52;
	v52 =	vld [tilespmem:$0x39E0]  }
0x14a: {  	[tilespmem:$0x1F210] =	vst v55;
	v55 =	vld [tilespmem:$0x39F0]  }
0x14b: {  	[tilespmem:$0x1F220] =	vst v58;
	v58 =	vld [tilespmem:$0x3A00]  }
0x14c: {  	[tilespmem:$0x1EE80] =	vst v62;
	v62 =	vld [tilespmem:$0x3420]  }
0x14d: {  	v7 =	vadd.f32 v42, v7;
	v42 =	vld [tilespmem:$0x1E900]  }
0x14e: {  	[tilespmem:$0x1F230] =	vst v61;
	v61 =	vld [tilespmem:$0x3A10]  }
0x14f: {  	[tilespmem:$0x1F240] =	vst v37;
	v37 =	vld [tilespmem:$0x3A20]  }
0x150: {  	[tilespmem:$0x1F250] =	vst v40;
	v40 =	vld [tilespmem:$0x3A30]  }
0x151: {  	[tilespmem:$0x1EE90] =	vst v62;
	v62 =	vld [tilespmem:$0x3430]  }
0x152: {  	[tilespmem:$0x1F260] =	vst v43;
	v43 =	vld [tilespmem:$0x3A40]  }
0x153: {  	[tilespmem:$0x1F270] =	vst v46;
	v46 =	vld [tilespmem:$0x3A50]  }
0x154: {  	[tilespmem:$0x1F280] =	vst v49;
	v49 =	vld [tilespmem:$0x3A60]  }
0x155: {  	[tilespmem:$0x1F290] =	vst v52;
	v52 =	vld [tilespmem:$0x3A70]  }
0x156: {  	[tilespmem:$0x1EEA0] =	vst v62;
	v62 =	vld [tilespmem:$0x3440]  }
0x157: {  	[tilespmem:$0x1F2C0] =	vst v61;
	v61 =	vld [tilespmem:$0x3A80]  }
0x158: {  	v1 =	vadd.f32 v45, v1;
	v45 =	vld [tilespmem:$0x1E920]  }
0x159: {  	v3 =	vadd.f32 v48, v3;
	v48 =	vld [tilespmem:$0x1E940]  }
0x15a: {  	v4 =	vadd.f32 v50, v4;
	v50 =	vld [tilespmem:$0x1E950]  }
0x15b: {  	[tilespmem:$0x1EEB0] =	vst v62;
	v62 =	vld [tilespmem:$0x3450]  }
0x15c: {  	v5 =	vadd.f32 v51, v5;
	v51 =	vld [tilespmem:$0x1E960]  }
0x15d: {  	v6 =	vadd.f32 v53, v6;
	v53 =	vld [tilespmem:$0x1E970]  }
0x15e: {  	v7 =	vadd.f32 v54, v7;
	v54 =	vld [tilespmem:$0x1E980]  }
0x15f: {  	v1 =	vadd.f32 v57, v1;
	v57 =	vld [tilespmem:$0x1E9A0]  }
0x160: {  	[tilespmem:$0x1EEC0] =	vst v62;
	v62 =	vld [tilespmem:$0x3460]  }
0x161: {  	v3 =	vadd.f32 v60, v3;
	v60 =	vld [tilespmem:$0x1E9C0]  }
0x162: {  	v5 =	vadd.f32 v63, v5;
	v63 =	vld [tilespmem:$0x1E9E0]  }
0x163: {  	v6 =	vadd.f32 v38, v6;
	v38 =	vld [tilespmem:$0x1E9F0]  }
0x164: {  	v7 =	vadd.f32 v39, v7;
	v39 =	vld [tilespmem:$0x1EA00]  }
0x165: {  	[tilespmem:$0x1EED0] =	vst v62;
	v62 =	vld [tilespmem:$0x3470]  }
0x166: {  	v1 =	vadd.f32 v42, v1;
	v42 =	vld [tilespmem:$0x1EA20]  }
0x167: {  	v3 =	vadd.f32 v45, v3;
	v45 =	vld [tilespmem:$0x1EA40]  }
0x168: {  	v5 =	vadd.f32 v48, v5;
	v48 =	vld [tilespmem:$0x1EA60]  }
0x169: {  	v6 =	vadd.f32 v50, v6;
	v50 =	vld [tilespmem:$0x1EA70]  }
0x16a: {  	[tilespmem:$0x1EEE0] =	vst v62;
	v62 =	vld [tilespmem:$0x3480]  }
0x16b: {  	v7 =	vadd.f32 v51, v7;
	v51 =	vld [tilespmem:$0x1EA80]  }
0x16c: {  	v1 =	vadd.f32 v54, v1;
	v54 =	vld [tilespmem:$0x1EAA0]  }
0x16d: {  	v3 =	vadd.f32 v57, v3;
	v57 =	vld [tilespmem:$0x1EAC0]  }
0x16e: {  	v5 =	vadd.f32 v60, v5;
	v60 =	vld [tilespmem:$0x1EAE0]  }
0x16f: {  	[tilespmem:$0x1EEF0] =	vst v62;
	v62 =	vld [tilespmem:$0x3490]  }
0x170: {  	v7 =	vadd.f32 v63, v7;
	v63 =	vld [tilespmem:$0x1EB00]  }
0x171: {  	v1 =	vadd.f32 v39, v1;
	v39 =	vld [tilespmem:$0x1EB20]  }
0x172: {  	v3 =	vadd.f32 v42, v3;
	v42 =	vld [tilespmem:$0x1EB40]  }
0x173: {  	v5 =	vadd.f32 v45, v5;
	v45 =	vld [tilespmem:$0x1EB60]  }
0x174: {  	[tilespmem:$0x1EF00] =	vst v62;
	v62 =	vld [tilespmem:$0x34A0]  }
0x175: {  	v7 =	vadd.f32 v48, v7;
	v48 =	vld [tilespmem:$0x1EB80]  }
0x176: {  	v1 =	vadd.f32 v51, v1;
	v51 =	vld [tilespmem:$0x1EBA0]  }
0x177: {  	v3 =	vadd.f32 v54, v3;
	v54 =	vld [tilespmem:$0x1EBC0]  }
0x178: {  	v5 =	vadd.f32 v57, v5;
	v57 =	vld [tilespmem:$0x1EBE0]  }
0x179: {  	[tilespmem:$0x1EF10] =	vst v62;
	v62 =	vld [tilespmem:$0x34B0]  }
0x17a: {  	v7 =	vadd.f32 v60, v7;
	v60 =	vld [tilespmem:$0x1EC00]  }
0x17b: {  	v1 =	vadd.f32 v63, v1;
	v63 =	vld [tilespmem:$0x1EC20]  }
0x17c: {  	v3 =	vadd.f32 v39, v3;
	v39 =	vld [tilespmem:$0x1EC40]  }
0x17d: {  	v5 =	vadd.f32 v42, v5;
	v42 =	vld [tilespmem:$0x1EC60]  }
0x17e: {  	[tilespmem:$0x1EF20] =	vst v62;
	v62 =	vld [tilespmem:$0x34C0]  }
0x17f: {  	v7 =	vadd.f32 v45, v7;
	v45 =	vld [tilespmem:$0x1EC80]  }
0x180: {  	v3 =	vadd.f32 v51, v3;
	v51 =	vld [tilespmem:$0x1ECC0]  }
0x181: {  	v1 =	vadd.f32 v48, v1;
	v5 =	vadd.f32 v54, v5;
	v48 =	vld [tilespmem:$0x1ECA0]  }
0x182: {  	v3 =	vadd.f32 v63, v3;
	v63 =	vld [tilespmem:$0x1ED40]  }
0x183: {  	v5 =	vadd.f32 v39, v5;
	[tilespmem:$0x1EF30] =	vst v62;
	v62 =	vld [tilespmem:$0x34D0]  }
0x184: {  	v54 =	vld [tilespmem:$0x1ECE0]  }
0x185: {  	v7 =	vadd.f32 v57, v7;
	v5 =	vadd.f32 v51, v5;
	v57 =	vld [tilespmem:$0x1ED00]  }
0x186: {  	v1 =	vadd.f32 v60, v1;
	v60 =	vld [tilespmem:$0x1ED20]  }
0x187: {  	v5 =	vadd.f32 v63, v5;
	v63 =	vld [tilespmem:$0x3AA0]  }
0x188: {  	[tilespmem:$0x1EF40] =	vst v62;
	v62 =	vld [tilespmem:$0x34E0]  }
0x189: {  	v39 =	vld [tilespmem:$0x1ED60]  }
0x18a: {  	v7 =	vadd.f32 v42, v7;
	v42 =	vld [tilespmem:$0x1ED80]  }
0x18b: {  	v1 =	vadd.f32 v45, v1;
	v45 =	vld [tilespmem:$0x1EDA0]  }
0x18c: {  	v3 =	vadd.f32 v48, v3;
	v48 =	vld [tilespmem:$0x1EDC0]  }
0x18d: {  	[tilespmem:$0x1EF50] =	vst v62;
	v62 =	vld [tilespmem:$0x34F0]  }
0x18e: {  	v51 =	vld [tilespmem:$0x1EDE0]  }
0x18f: {  	[tilespmem:$0x1F2B0] =	vst v58;
	v58 =	vld [tilespmem:$0x1EE40]  }
0x190: {  	v7 =	vadd.f32 v54, v7;
	v54 =	vld [tilespmem:$0x1EE00]  }
0x191: {  	[tilespmem:$0x1F2A0] =	vst v55;
	v55 =	vld [tilespmem:$0x1EE10]  }
0x192: {  	v5 =	vadd.f32 v48, v5;
	[tilespmem:$0x1EF60] =	vst v62;
	v62 =	vld [tilespmem:$0x1E670]  }
0x193: {  	v1 =	vadd.f32 v57, v1;
	v57 =	vld [tilespmem:$0x1EE30]  }
0x194: {  	v5 =	vadd.f32 v58, v5;
	v58 =	vld [tilespmem:$0x3AC0]  }
0x195: {  	v3 =	vadd.f32 v60, v3;
	v60 =	vld [tilespmem:$0x1EE60]  }
0x196: {  	[tilespmem:$0x1F2D0] =	vst v37;
	v37 =	vld [tilespmem:$0x1EE70]  }
0x197: {  	v0 =	vadd.f32 v62, v0;
	v62 =	vld [tilespmem:$0x1E790]  }
0x198: {  	v7 =	vadd.f32 v39, v7;
	v39 =	vld [tilespmem:$0x1EE90]  }
0x199: {  	v0 =	vadd.f32 v47, v0;
	v47 =	vld [tilespmem:$0x1E810]  }
0x19a: {  	[tilespmem:$0x1F2E0] =	vst v40;
	v40 =	vld [tilespmem:$0x1EEA0]  }
0x19b: {  	v0 =	vadd.f32 v59, v0;
	v59 =	vld [tilespmem:$0x1E890]  }
0x19c: {  	v2 =	vadd.f32 v62, v2;
	v62 =	vld [tilespmem:$0x1E8B0]  }
0x19d: {  	v0 =	vadd.f32 v44, v0;
	v44 =	vld [tilespmem:$0x1E910]  }
0x19e: {  	v2 =	vadd.f32 v47, v2;
	v47 =	vld [tilespmem:$0x1E930]  }
0x19f: {  	v0 =	vadd.f32 v56, v0;
	v56 =	vld [tilespmem:$0x1E990]  }
0x1a0: {  	v2 =	vadd.f32 v59, v2;
	v59 =	vld [tilespmem:$0x1E9B0]  }
0x1a1: {  	v4 =	vadd.f32 v62, v4;
	v62 =	vld [tilespmem:$0x1E9D0]  }
0x1a2: {  	v0 =	vadd.f32 v41, v0;
	v41 =	vld [tilespmem:$0x1EA10]  }
0x1a3: {  	v2 =	vadd.f32 v44, v2;
	v44 =	vld [tilespmem:$0x1EA30]  }
0x1a4: {  	v4 =	vadd.f32 v47, v4;
	v47 =	vld [tilespmem:$0x1EA50]  }
0x1a5: {  	v0 =	vadd.f32 v53, v0;
	v53 =	vld [tilespmem:$0x1EA90]  }
0x1a6: {  	v2 =	vadd.f32 v56, v2;
	v56 =	vld [tilespmem:$0x1EAB0]  }
0x1a7: {  	v4 =	vadd.f32 v59, v4;
	v59 =	vld [tilespmem:$0x1EAD0]  }
0x1a8: {  	v0 =	vadd.f32 v38, v0;
	v38 =	vld [tilespmem:$0x1EB10]  }
0x1a9: {  	v6 =	vadd.f32 v62, v6;
	v62 =	vld [tilespmem:$0x1EAF0]  }
0x1aa: {  	v2 =	vadd.f32 v41, v2;
	v41 =	vld [tilespmem:$0x1EB30]  }
0x1ab: {  	v4 =	vadd.f32 v44, v4;
	v44 =	vld [tilespmem:$0x1EB50]  }
0x1ac: {  	v0 =	vadd.f32 v50, v0;
	v50 =	vld [tilespmem:$0x1EB90]  }
0x1ad: {  	v6 =	vadd.f32 v47, v6;
	v47 =	vld [tilespmem:$0x1EB70]  }
0x1ae: {  	v2 =	vadd.f32 v53, v2;
	v53 =	vld [tilespmem:$0x1EBB0]  }
0x1af: {  	v4 =	vadd.f32 v56, v4;
	v56 =	vld [tilespmem:$0x1EBD0]  }
0x1b0: {  	v6 =	vadd.f32 v59, v6;
	v59 =	vld [tilespmem:$0x1EBF0]  }
0x1b1: {  	v2 =	vadd.f32 v38, v2;
	v38 =	vld [tilespmem:$0x1EC30]  }
0x1b2: {  	v0 =	vadd.f32 v62, v0;
	v62 =	vld [tilespmem:$0x1EC10]  }
0x1b3: {  	v4 =	vadd.f32 v41, v4;
	v41 =	vld [tilespmem:$0x1EC50]  }
0x1b4: {  	v6 =	vadd.f32 v44, v6;
	v44 =	vld [tilespmem:$0x1EC70]  }
0x1b5: {  	v2 =	vadd.f32 v50, v2;
	v50 =	vld [tilespmem:$0x1ECB0]  }
0x1b6: {  	v0 =	vadd.f32 v47, v0;
	v47 =	vld [tilespmem:$0x1EC90]  }
0x1b7: {  	v4 =	vadd.f32 v53, v4;
	v53 =	vld [tilespmem:$0x1ECD0]  }
0x1b8: {  	v6 =	vadd.f32 v56, v6;
	v56 =	vld [tilespmem:$0x1ECF0]  }
0x1b9: {  	v0 =	vadd.f32 v59, v0;
	v59 =	vld [tilespmem:$0x1ED10]  }
0x1ba: {  	v4 =	vadd.f32 v38, v4;
	v38 =	vld [tilespmem:$0x1ED50]  }
0x1bb: {  	v2 =	vadd.f32 v62, v2;
	v62 =	vld [tilespmem:$0x1ED30]  }
0x1bc: {  	v6 =	vadd.f32 v41, v6;
	v41 =	vld [tilespmem:$0x1ED70]  }
0x1bd: {  	v0 =	vadd.f32 v44, v0;
	v44 =	vld [tilespmem:$0x1ED90]  }
0x1be: {  	v4 =	vadd.f32 v50, v4;
	v50 =	vld [tilespmem:$0x1EDD0];
	v2 =	vadd.f32 v47, v2  }
0x1bf: {  	v6 =	vadd.f32 v53, v6;
	v47 =	vld [tilespmem:$0x1EDB0]  }
0x1c0: {  	v2 =	vadd.f32 v59, v2;
	v59 =	vld [tilespmem:$0x1EE50]  }
0x1c1: {  	v53 =	vld [tilespmem:$0x1EDF0];
	v6 =	vadd.f32 v38, v6  }
0x1c2: {  	[tilespmem:$0x1F2F0] =	vst v43;
	v0 =	vadd.f32 v56, v0;
	v56 =	vld [tilespmem:$0x1EE20];
	v4 =	vadd.f32 v62, v4  }
0x1c3: {  	[tilespmem:$0x1F300] =	vst v46;
	v38 =	vld [tilespmem:$0x1EE80];
	v6 =	vadd.f32 v50, v6  }
0x1c4: {  	[tilespmem:$0x1F310] =	vst v49;
	v62 =	vld [tilespmem:$0x3A90];
	v4 =	vadd.f32 v47, v4  }
0x1c5: {  	[tilespmem:$0x1F320] =	vst v52;
	v6 =	vadd.f32 v59, v6;
	v59 =	vld [tilespmem:$0x3AB0]  }
0x1c6: {  	v4 =	vadd.f32 v57, v4;
	v57 =	vld [tilespmem:$0x3AD0]  }
0x1c7: {  	v3 =	vadd.f32 v45, v3;
	v0 =	vadd.f32 v41, v0;
	v41 =	vld [tilespmem:$0x1EEB0]  }
0x1c8: {  	v1 =	vadd.f32 v42, v1;
	v42 =	vld [tilespmem:$0x1EEC0]  }
0x1c9: {  	v3 =	vadd.f32 v56, v3;
	v56 =	vld [tilespmem:$0x3AE0]  }
0x1ca: {  	v2 =	vadd.f32 v44, v2;
	v43 =	vld [tilespmem:$0x1EED0]  }
0x1cb: {  	v44 =	vld [tilespmem:$0x1EEE0]  }
0x1cc: {  	v2 =	vadd.f32 v55, v2;
	v55 =	vld [tilespmem:$0x3AF0]  }
0x1cd: {  	v45 =	vld [tilespmem:$0x1EEF0]  }
0x1ce: {  	v46 =	vld [tilespmem:$0x1EF00]  }
0x1cf: {  	v1 =	vadd.f32 v54, v1;
	v54 =	vld [tilespmem:$0x3B00]  }
0x1d0: {  	v47 =	vld [tilespmem:$0x1EF10]  }
0x1d1: {  	v48 =	vld [tilespmem:$0x1EF20]  }
0x1d2: {  	v0 =	vadd.f32 v53, v0;
	v53 =	vld [tilespmem:$0x3B10]  }
0x1d3: {  	v49 =	vld [tilespmem:$0x1EF30]  }
0x1d4: {  	v50 =	vld [tilespmem:$0x1EF40]  }
0x1d5: {  	v7 =	vadd.f32 v51, v7;
	v52 =	vld [tilespmem:$0x3B20]  }
0x1d6: {  	v51 =	vld [tilespmem:$0x1EF50]  }
0x1d7: {  	v7 =	vadd.f32 v60, v7;
	v60 =	vld [tilespmem:$0x1EF60]  }
0x1d8: {  	v1 =	vadd.f32 v38, v1;
	v38 =	vld [tilespmem:$0x3C00]  }
0x1d9: {  	v0 =	vadd.f32 v37, v0;
	v37 =	vld [tilespmem:$0x3C10]  }
0x1da: {  	v8 =	vld [tilespmem:$0x3DE0]  }
0x1db: {  	v3 =	vadd.f32 v40, v3;
	v40 =	vld [tilespmem:$0x3BE0]  }
0x1dc: {  	v2 =	vadd.f32 v39, v2;
	v39 =	vld [tilespmem:$0x3BF0]  }
0x1dd: {  	v3 =	vadd.f32 v48, v3;
	v48 =	vld [tilespmem:$0x3B60]  }
0x1de: {  	v2 =	vadd.f32 v47, v2;
	v47 =	vld [tilespmem:$0x3B70]  }
0x1df: {  	v1 =	vadd.f32 v46, v1;
	v46 =	vld [tilespmem:$0x3B80]  }
0x1e0: {  	v0 =	vadd.f32 v45, v0;
	v45 =	vld [tilespmem:$0x3B90]  }
0x1e1: {  	v7 =	vadd.f32 v44, v7;
	v44 =	vld [tilespmem:$0x3BA0]  }
0x1e2: {  	v6 =	vadd.f32 v43, v6;
	v43 =	vld [tilespmem:$0x3BB0]  }
0x1e3: {  	v5 =	vadd.f32 v42, v5;
	v42 =	vld [tilespmem:$0x3BC0]  }
0x1e4: {  	v4 =	vadd.f32 v41, v4;
	v41 =	vld [tilespmem:$0x3BD0]  }
0x1e5: {  	v6 =	vadd.f32 v51, v6;
	v51 =	vld [tilespmem:$0x3B30]  }
0x1e6: {  	v5 =	vadd.f32 v50, v5;
	v50 =	vld [tilespmem:$0x3B40]  }
0x1e7: {  	v4 =	vadd.f32 v49, v4;
	v49 =	vld [tilespmem:$0x3B50]  }
0x1e8: {  	v2 =	vadd.f32 v20, v2;
	v20 =	vld [tilespmem:$0x1EF70]  }
0x1e9: {  	v3 =	vadd.f32 v21, v3;
	v21 =	vld [tilespmem:$0x1EF80]  }
0x1ea: {  	v7 =	vadd.f32 v60, v7;
	v60 =	vld [tilespmem:$0x1F030]  }
0x1eb: {  	v0 =	vadd.f32 v16, v0;
	v16 =	vld [tilespmem:$0x1F080]  }
0x1ec: {  	v1 =	vadd.f32 v17, v1;
	v17 =	vld [tilespmem:$0x1F090]  }
0x1ed: {  	v7 =	vadd.f32 v12, v7;
	v12 =	vld [tilespmem:$0x1F040]  }
0x1ee: {  	v0 =	vadd.f32 v13, v0;
	v13 =	vld [tilespmem:$0x1F050]  }
0x1ef: {  	v1 =	vadd.f32 v14, v1;
	v14 =	vld [tilespmem:$0x1F060]  }
0x1f0: {  	v2 =	vadd.f32 v15, v2;
	v15 =	vld [tilespmem:$0x1F070]  }
0x1f1: {  	v3 =	vadd.f32 v18, v3;
	v18 =	vld [tilespmem:$0x1F0A0]  }
0x1f2: {  	v6 =	vadd.f32 v11, v6;
	v11 =	vld [tilespmem:$0x3DB0]  }
0x1f3: {  	v5 =	vadd.f32 v10, v5;
	v10 =	vld [tilespmem:$0x3DC0]  }
0x1f4: {  	v4 =	vadd.f32 v9, v4;
	v9 =	vld [tilespmem:$0x3DD0]  }
0x1f5: {  	v5 =	vadd.f32 v22, v5;
	v22 =	vld [tilespmem:$0x1EF90]  }
0x1f6: {  	v6 =	vadd.f32 v23, v6;
	v23 =	vld [tilespmem:$0x1EFA0]  }
0x1f7: {  	v7 =	vadd.f32 v24, v7;
	v24 =	vld [tilespmem:$0x1EFB0]  }
0x1f8: {  	v0 =	vadd.f32 v25, v0;
	v25 =	vld [tilespmem:$0x1EFC0]  }
0x1f9: {  	v1 =	vadd.f32 v26, v1;
	v26 =	vld [tilespmem:$0x1EFD0]  }
0x1fa: {  	v2 =	vadd.f32 v27, v2;
	v27 =	vld [tilespmem:$0x1EFE0]  }
0x1fb: {  	v3 =	vadd.f32 v28, v3;
	v28 =	vld [tilespmem:$0x1EFF0]  }
0x1fc: {  	v4 =	vadd.f32 v19, v4;
	v19 =	vld [tilespmem:$0x1F0B0]  }
0x1fd: {  	v3 =	vadd.f32 v36, v3;
	v36 =	vld [tilespmem:$0x3C20]  }
0x1fe: {  	v2 =	vadd.f32 v35, v2;
	v35 =	vld [tilespmem:$0x3C30]  }
0x1ff: {  	v1 =	vadd.f32 v34, v1;
	v34 =	vld [tilespmem:$0x3C40]  }
0x200: {  	v0 =	vadd.f32 v33, v0;
	v33 =	vld [tilespmem:$0x3C50]  }
0x201: {  	v4 =	vadd.f32 v29, v4;
	v29 =	vld [tilespmem:$0x1F000]  }
0x202: {  	v7 =	vadd.f32 v32, v7;
	v32 =	vld [tilespmem:$0x3C60]  }
0x203: {  	v5 =	vadd.f32 v30, v5;
	v30 =	vld [tilespmem:$0x1F010]  }
0x204: {  	v6 =	vadd.f32 v31, v6;
	v31 =	vld [tilespmem:$0x1F020]  }
0x205: {  	v4 =	vadd.f32 v20, v4;
	v20 =	vld [tilespmem:$0x1F0C0]  }
0x206: {  	v5 =	vadd.f32 v21, v5;
	v21 =	vld [tilespmem:$0x1F0D0]  }
0x207: {  	v3 =	vadd.f32 v27, v3;
	v27 =	vld [tilespmem:$0x3CB0]  }
0x208: {  	v2 =	vadd.f32 v26, v2;
	v26 =	vld [tilespmem:$0x3CC0]  }
0x209: {  	v6 =	vadd.f32 v22, v6;
	v22 =	vld [tilespmem:$0x1F0E0]  }
0x20a: {  	v1 =	vadd.f32 v25, v1;
	v25 =	vld [tilespmem:$0x3CD0]  }
0x20b: {  	v7 =	vadd.f32 v23, v7;
	v0 =	vadd.f32 v24, v0;
	v23 =	vld [tilespmem:$0x1F0F0]  }
0x20c: {  	v24 =	vld [tilespmem:$0x1F100]  }
0x20d: {  	v0 =	vadd.f32 v60, v0;
	v60 =	vld [tilespmem:$0x1F110]  }
0x20e: {  	v4 =	vadd.f32 v28, v4;
	v28 =	vld [tilespmem:$0x3CA0];
	v6 =	vadd.f32 v30, v6  }
0x20f: {  	v7 =	vadd.f32 v31, v7;
	v31 =	vld [tilespmem:$0x3C70]  }
0x210: {  	v1 =	vadd.f32 v12, v1;
	v12 =	vld [tilespmem:$0x1F120];
	v6 =	vadd.f32 v17, v6  }
0x211: {  	v30 =	vld [tilespmem:$0x3C80]  }
0x212: {  	v6 =	vadd.f32 v60, v6;
	v60 =	vld [tilespmem:$0x1F1A0]  }
0x213: {  	v5 =	vadd.f32 v29, v5;
	v29 =	vld [tilespmem:$0x3C90];
	v7 =	vadd.f32 v18, v7  }
0x214: {  	v2 =	vadd.f32 v13, v2;
	v13 =	vld [tilespmem:$0x1F130]  }
0x215: {  	v18 =	vld [tilespmem:$0x1F180];
	v7 =	vadd.f32 v12, v7  }
0x216: {  	v3 =	vadd.f32 v14, v3;
	v14 =	vld [tilespmem:$0x1F140];
	v5 =	vadd.f32 v16, v5  }
0x217: {  	v4 =	vadd.f32 v15, v4;
	v7 =	vadd.f32 v60, v7;
	v60 =	vld [tilespmem:$0x1F200]  }
0x218: {  	v15 =	vld [tilespmem:$0x1F150];
	v0 =	vadd.f32 v19, v0;
	v5 =	vadd.f32 v24, v5  }
0x219: {  	v16 =	vld [tilespmem:$0x1F160]  }
0x21a: {  	v0 =	vadd.f32 v13, v0;
	v13 =	vld [tilespmem:$0x1F1C0];
	v5 =	vadd.f32 v18, v5  }
0x21b: {  	v1 =	vadd.f32 v20, v1;
	v2 =	vadd.f32 v21, v2;
	v21 =	vld [tilespmem:$0x3D10]  }
0x21c: {  	v5 =	vadd.f32 v60, v5;
	v60 =	vld [tilespmem:$0x1F240]  }
0x21d: {  	v17 =	vld [tilespmem:$0x1F170];
	v3 =	vadd.f32 v22, v3;
	v1 =	vadd.f32 v14, v1  }
0x21e: {  	v12 =	vld [tilespmem:$0x1F1B0]  }
0x21f: {  	v3 =	vadd.f32 v16, v3;
	v16 =	vld [tilespmem:$0x1F1F0];
	v1 =	vadd.f32 v13, v1  }
0x220: {  	v20 =	vld [tilespmem:$0x3D20];
	v4 =	vadd.f32 v23, v4  }
0x221: {  	v1 =	vadd.f32 v60, v1;
	v60 =	vld [tilespmem:$0x1F270]  }
0x222: {  	v19 =	vld [tilespmem:$0x1F190];
	v4 =	vadd.f32 v17, v4  }
0x223: {  	v23 =	vld [tilespmem:$0x3CF0]  }
0x224: {  	v0 =	vadd.f32 v12, v0;
	v12 =	vld [tilespmem:$0x1F210];
	v4 =	vadd.f32 v16, v4  }
0x225: {  	v22 =	vld [tilespmem:$0x3D00]  }
0x226: {  	v4 =	vadd.f32 v60, v4;
	v60 =	vld [tilespmem:$0x1F290]  }
0x227: {  	v24 =	vld [tilespmem:$0x3CE0];
	v6 =	vadd.f32 v19, v6  }
0x228: {  	v14 =	vld [tilespmem:$0x1F1D0]  }
0x229: {  	v13 =	vld [tilespmem:$0x1F220];
	v6 =	vadd.f32 v12, v6  }
0x22a: {  	v2 =	vadd.f32 v15, v2;
	v15 =	vld [tilespmem:$0x1F1E0]  }
0x22b: {  	v6 =	vadd.f32 v60, v6;
	v60 =	vld [tilespmem:$0x1F2A0]  }
0x22c: {  	v19 =	vld [tilespmem:$0x3D30]  }
0x22d: {  	v18 =	vld [tilespmem:$0x3D40]  }
0x22e: {  	v2 =	vadd.f32 v14, v2;
	v14 =	vld [tilespmem:$0x1F230];
	v7 =	vadd.f32 v13, v7  }
0x22f: {  	v12 =	vld [tilespmem:$0x1F250]  }
0x230: {  	v7 =	vadd.f32 v60, v7;
	v60 =	vld [tilespmem:$0x1F2B0]  }
0x231: {  	v17 =	vld [tilespmem:$0x3D50]  }
0x232: {  	v3 =	vadd.f32 v15, v3;
	v15 =	vld [tilespmem:$0x3D70]  }
0x233: {  	v0 =	vadd.f32 v14, v0;
	v13 =	vld [tilespmem:$0x1F260]  }
0x234: {  	v2 =	vadd.f32 v12, v2;
	v12 =	vld [tilespmem:$0x1F280]  }
0x235: {  	v0 =	vadd.f32 v60, v0;
	v60 =	vld [tilespmem:$0x1F2C0]  }
0x236: {  	v16 =	vld [tilespmem:$0x3D60]  }
0x237: {  	v14 =	vld [tilespmem:$0x3D80]  }
0x238: {  	v3 =	vadd.f32 v13, v3;
	v13 =	vld [tilespmem:$0x3D90];
	v0 =	vadd.f32 v61, v0  }
0x239: {  	v5 =	vadd.f32 v12, v5;
	v12 =	vld [tilespmem:$0x3DA0]  }
0x23a: {  	v0 =	vadd.f32 v54, v0;
	v1 =	vadd.f32 v60, v1;
	v60 =	vld [tilespmem:$0x1F2D0]  }
0x23b: {  	v61 =	vld [tilespmem:$0x3E00]  }
0x23c: {  	v54 =	vld [tilespmem:$0x3F70];
	v0 =	vadd.f32 v46, v0  }
0x23d: {  	v46 =	vld [tilespmem:$0x3F30];
	v1 =	vadd.f32 v62, v1  }
0x23e: {  	v62 =	vld [tilespmem:$0x3FA0];
	v0 =	vadd.f32 v38, v0  }
0x23f: {  	v1 =	vadd.f32 v53, v1;
	v2 =	vadd.f32 v60, v2;
	v60 =	vld [tilespmem:$0x1F2E0]  }
0x240: {  	v38 =	vld [tilespmem:$0x4010];
	v0 =	vadd.f32 v30, v0  }
0x241: {  	v53 =	vld [tilespmem:$0x3E40];
	v1 =	vadd.f32 v45, v1;
	v2 =	vadd.f32 v63, v2  }
0x242: {  	v30 =	vld [tilespmem:$0x3FD0];
	v0 =	vadd.f32 v22, v0  }
0x243: {  	v45 =	vld [tilespmem:$0x3E80];
	v1 =	vadd.f32 v37, v1;
	v2 =	vadd.f32 v52, v2  }
0x244: {  	v0 =	vadd.f32 v14, v0;
	v3 =	vadd.f32 v60, v3;
	v60 =	vld [tilespmem:$0x1F2F0]  }
0x245: {  	v63 =	vld [tilespmem:$0x3FB0];
	v1 =	vadd.f32 v29, v1  }
0x246: {  	v29 =	vld [tilespmem:$0x3F00];
	v2 =	vadd.f32 v44, v2;
	v0 =	vadd.f32 v61, v0  }
0x247: {  	v37 =	vld [tilespmem:$0x3EC0];
	v3 =	vadd.f32 v59, v3;
	v1 =	vadd.f32 v21, v1  }
0x248: {  	v59 =	vld [tilespmem:$0x3E10];
	v2 =	vadd.f32 v36, v2;
	v0 =	vadd.f32 v45, v0  }
0x249: {  	v3 =	vadd.f32 v51, v3;
	v4 =	vadd.f32 v60, v4;
	v60 =	vld [tilespmem:$0x1F300]  }
0x24a: {  	v52 =	vld [tilespmem:$0x3F60];
	v1 =	vadd.f32 v13, v1;
	v2 =	vadd.f32 v28, v2  }
0x24b: {  	v44 =	vld [tilespmem:$0x3F20];
	v0 =	vadd.f32 v29, v0;
	v3 =	vadd.f32 v43, v3  }
0x24c: {  	v43 =	vld [tilespmem:$0x3E90];
	v4 =	vadd.f32 v58, v4;
	v2 =	vadd.f32 v20, v2  }
0x24d: {  	v36 =	vld [tilespmem:$0x4000];
	v1 =	vadd.f32 v59, v1;
	v3 =	vadd.f32 v35, v3  }
0x24e: {  	v4 =	vadd.f32 v50, v4;
	v5 =	vadd.f32 v60, v5;
	v60 =	vld [tilespmem:$0x1F310]  }
0x24f: {  	v45 =	vld [tilespmem:$0x4080];
	v2 =	vadd.f32 v12, v2;
	v3 =	vadd.f32 v27, v3  }
0x250: {  	v4 =	vadd.f32 v42, v4;
	v42 =	vld [tilespmem:$0x3F10];
	v5 =	vadd.f32 v57, v5  }
0x251: {  	v1 =	vadd.f32 v43, v1;
	v57 =	vld [tilespmem:$0x3E20];
	v3 =	vadd.f32 v19, v3  }
0x252: {  	v58 =	vld [tilespmem:$0x3F90];
	v4 =	vadd.f32 v34, v4;
	v5 =	vadd.f32 v49, v5  }
0x253: {  	v51 =	vld [tilespmem:$0x3E50];
	v3 =	vadd.f32 v11, v3;
	v6 =	vadd.f32 v60, v6  }
0x254: {  	v60 =	vld [tilespmem:$0x1F320];
	v4 =	vadd.f32 v26, v4;
	v5 =	vadd.f32 v41, v5  }
0x255: {  	v28 =	vld [tilespmem:$0x3FC0];
	v1 =	vadd.f32 v42, v1;
	v6 =	vadd.f32 v56, v6  }
0x256: {  	v41 =	vld [tilespmem:$0x3EA0];
	v4 =	vadd.f32 v18, v4;
	v2 =	vadd.f32 v57, v2  }
0x257: {  	v35 =	vld [tilespmem:$0x3ED0];
	v5 =	vadd.f32 v33, v5;
	v1 =	vadd.f32 v58, v1  }
0x258: {  	v56 =	vld [tilespmem:$0x3F80];
	v6 =	vadd.f32 v48, v6;
	v4 =	vadd.f32 v10, v4  }
0x259: {  	v50 =	vld [tilespmem:$0x3F50];
	v7 =	vadd.f32 v60, v7;
	v5 =	vadd.f32 v25, v5  }
0x25a: {  	v43 =	vld [tilespmem:$0x4060];
	v1 =	vadd.f32 v38, v1;
	v6 =	vadd.f32 v40, v6  }
0x25b: {  	v34 =	vld [tilespmem:$0x3FF0];
	v4 =	vadd.f32 v53, v4;
	v2 =	vadd.f32 v41, v2  }
0x25c: {  	v48 =	vld [tilespmem:$0x3F40];
	v7 =	vadd.f32 v55, v7;
	v5 =	vadd.f32 v17, v5  }
0x25d: {  	v49 =	vld [tilespmem:$0x3E60];
	v0 =	vadd.f32 v56, v0;
	v6 =	vadd.f32 v32, v6  }
0x25e: {  	v42 =	vld [tilespmem:$0x4050];
	v4 =	vadd.f32 v37, v4;
	v2 =	vadd.f32 v44, v2  }
0x25f: {  	v55 =	vld [tilespmem:$0x3E30];
	v7 =	vadd.f32 v47, v7;
	v5 =	vadd.f32 v9, v5  }
0x260: {  	v33 =	vld [tilespmem:$0x3EE0];
	v0 =	vadd.f32 v36, v0;
	v6 =	vadd.f32 v24, v6  }
0x261: {  	v60 =	vld [tilespmem:$0x3DF0];
	v4 =	vadd.f32 v48, v4;
	v7 =	vadd.f32 v39, v7  }
0x262: {  	v40 =	vld [tilespmem:$0x3EF0];
	v2 =	vadd.f32 v62, v2;
	v5 =	vadd.f32 v51, v5  }
0x263: {  	v39 =	vld [tilespmem:$0x3EB0];
	v0 =	vadd.f32 v45, v0;
	v7 =	vadd.f32 v31, v7  }
0x264: {  	v41 =	vld [tilespmem:$0x4040];
	v6 =	vadd.f32 v16, v6;
	v3 =	vadd.f32 v55, v3  }
0x265: {  	v32 =	vld [tilespmem:$0x3FE0];
	v5 =	vadd.f32 v35, v5;
	v7 =	vadd.f32 v23, v7  }
0x266: {  	v47 =	vld [tilespmem:$0x3E70];
	v4 =	vadd.f32 v28, v4;
	v6 =	vadd.f32 v8, v6  }
0x267: {  	v44 =	vld [tilespmem:$0x4070];
	v5 =	vadd.f32 v50, v5;
	v7 =	vadd.f32 v15, v7  }
0x268: {  	v6 =	vadd.f32 v49, v6;
	v3 =	vadd.f32 v39, v3;
	v39 =	vld [tilespmem:$0x4020]  }
0x269: {  	v4 =	vadd.f32 v41, v4;
	v49 =	vld [tilespmem:$0x40C0];
	v7 =	vadd.f32 v60, v7  }
0x26a: {  	v50 =	vld [tilespmem:$0x40D0];
	v5 =	vadd.f32 v30, v5;
	v6 =	vadd.f32 v33, v6  }
0x26b: {  	v3 =	vadd.f32 v46, v3;
	v46 =	vld [tilespmem:$0x4090];
	v7 =	vadd.f32 v47, v7  }
0x26c: {  	v5 =	vadd.f32 v42, v5;
	v6 =	vadd.f32 v52, v6;
	v47 =	vld [tilespmem:$0x40A0]  }
0x26d: {  	v3 =	vadd.f32 v63, v3;
	v7 =	vadd.f32 v40, v7;
	v40 =	vld [tilespmem:$0x4030]  }
0x26e: {  	v51 =	vld [tilespmem:$0x40E0];
	v2 =	vadd.f32 v39, v2;
	v4 =	vadd.f32 v49, v4  }
0x26f: {  	v48 =	vld [tilespmem:$0x40B0];
	v6 =	vadd.f32 v32, v6;
	v7 =	vadd.f32 v54, v7  }
0x270: {  	v0 =	vmul.f32 $1.999999960e-02, v0;
	v52 =	vld [tilespmem:$0x40F0];
	v5 =	vadd.f32 v50, v5;
	v1 =	vadd.f32 v46, v1  }
0x271: {  	v57 =	vmul.f32 $1.999999960e-02, v4;
	v6 =	vadd.f32 v43, v6;
	v7 =	vadd.f32 v34, v7  }
0x272: {  	[tilespmem:s16+$0x6000] =	vst v0;
	v58 =	vmul.f32 $1.999999960e-02, v5;
	v2 =	vadd.f32 v47, v2;
	v3 =	vadd.f32 v40, v3  }
0x273: {  	v1 =	vmul.f32 $1.999999960e-02, v1;
	[tilespmem:s16+$0x6040] =	vst v57;
	v56 =	vadd.f32 v51, v6;
	v54 =	vadd.f32 v44, v7  }
0x274: {  	[tilespmem:s16+$0x6050] =	vst v58;
	v53 =	vmul.f32 $1.999999960e-02, v2;
	v3 =	vadd.f32 v48, v3  }
0x275: {  	[tilespmem:s16+$0x6010] =	vst v1;
	v59 =	vmul.f32 $1.999999960e-02, v56;
	v2 =	vadd.f32 v52, v54  }
0x276: {  	[tilespmem:s16+$0x6020] =	vst v53;
	v55 =	vmul.f32 $1.999999960e-02, v3  }
0x277: {  	[tilespmem:s16+$0x6060] =	vst v59;
	v60 =	vmul.f32 $1.999999960e-02, v2  }
0x278: {  	[tilespmem:s16+$0x6030] =	vst v55  }
0x279: {  	[tilespmem:s16+$0x6070] =	vst v60  }
0x27a: {  	p0 =	seq.s32 s15, $0x9C00;
	_ =	swait.ge [sflag:s12], $0x1900  }
0x27b: {  	s18 =	simm.s32 @!p0 $0x32;
	s17 =	sshra.s32 @!p0 s15, $0x2;
	[sflag:s12] =	ssyncset.done $0x0  }
0x27c: {  	s19 =	simm.s32 @!p0 $0x2800;
	s17 =	sadd.s32 @!p0 $0x100, s17;
	[sflag:s12] =	ssyncadd.s32 $0xFFFFE700  }
0x27d: {  	[tilespmem:s19], [sflag:$0x1] =	stream.indirect.gather @!p0 [hbm4b:s2+s18], $0x80, s17, s18, $0xb8;
	[tilespmem:$0x8800] =	vst v63  }
0x27e: {  	v62 =	vld [tilespmem:$0x47F0];
	_ =	sdelay $0x4  }
0x27f: {  	[tilespmem:$0x1F330] =	vst v62;
	v62 =	vld [tilespmem:$0x4800];
	_ =	sdelay $0x4  }
0x280: {  	[tilespmem:$0x1F340] =	vst v62;
	v62 =	vld [tilespmem:$0x4810];
	_ =	sdelay $0x4  }
0x281: {  	[tilespmem:$0x1F350] =	vst v62;
	v62 =	vld [tilespmem:$0x4820];
	_ =	sdelay $0x4  }
0x282: {  	[tilespmem:$0x1F360] =	vst v62;
	v62 =	vld [tilespmem:$0x4830];
	_ =	sdelay $0x4  }
0x283: {  	[tilespmem:$0x1F370] =	vst v62;
	v62 =	vld [tilespmem:$0x4840];
	_ =	sdelay $0x4  }
0x284: {  	[tilespmem:$0x1F380] =	vst v62;
	v62 =	vld [tilespmem:$0x4850];
	_ =	sdelay $0x4  }
0x285: {  	[tilespmem:$0x1F390] =	vst v62;
	v62 =	vld [tilespmem:$0x4860];
	_ =	sdelay $0x4  }
0x286: {  	[tilespmem:$0x1F3A0] =	vst v62;
	v62 =	vld [tilespmem:$0x4870];
	_ =	sdelay $0x4  }
0x287: {  	[tilespmem:$0x1F3B0] =	vst v62;
	v62 =	vld [tilespmem:$0x4880];
	_ =	sdelay $0x4  }
0x288: {  	[tilespmem:$0x1F3C0] =	vst v62;
	v62 =	vld [tilespmem:$0x4890];
	_ =	sdelay $0x4  }
0x289: {  	[tilespmem:$0x1F3D0] =	vst v62;
	v62 =	vld [tilespmem:$0x48A0];
	_ =	sdelay $0x4  }
0x28a: {  	[tilespmem:$0x1F3E0] =	vst v62;
	v62 =	vld [tilespmem:$0x48B0];
	_ =	sdelay $0x4  }
0x28b: {  	[tilespmem:$0x1F3F0] =	vst v62;
	v62 =	vld [tilespmem:$0x48C0];
	_ =	sdelay $0x4  }
0x28c: {  	[tilespmem:$0x1F400] =	vst v62;
	v62 =	vld [tilespmem:$0x48D0];
	_ =	sdelay $0x4  }
0x28d: {  	[tilespmem:$0x1F410] =	vst v62;
	v62 =	vld [tilespmem:$0x48E0];
	_ =	sdelay $0x4  }
0x28e: {  	[tilespmem:$0x1F420] =	vst v62;
	v62 =	vld [tilespmem:$0x48F0];
	_ =	sdelay $0x4  }
0x28f: {  	[tilespmem:$0x1F430] =	vst v62;
	v62 =	vld [tilespmem:$0x4900];
	_ =	sdelay $0x4  }
0x290: {  	[tilespmem:$0x1F440] =	vst v62;
	v62 =	vld [tilespmem:$0x4910];
	_ =	sdelay $0x4  }
0x291: {  	[tilespmem:$0x1F450] =	vst v62;
	v62 =	vld [tilespmem:$0x4920];
	_ =	sdelay $0x4  }
0x292: {  	[tilespmem:$0x1F460] =	vst v62;
	v62 =	vld [tilespmem:$0x4930];
	_ =	sdelay $0x4  }
0x293: {  	[tilespmem:$0x1F470] =	vst v62;
	v62 =	vld [tilespmem:$0x4940];
	_ =	sdelay $0x4  }
0x294: {  	[tilespmem:$0x1F480] =	vst v62;
	v62 =	vld [tilespmem:$0x4950];
	_ =	sdelay $0x4  }
0x295: {  	[tilespmem:$0x1F490] =	vst v62;
	v62 =	vld [tilespmem:$0x4960];
	_ =	sdelay $0x4  }
0x296: {  	[tilespmem:$0x1F4A0] =	vst v62;
	v62 =	vld [tilespmem:$0x4970];
	_ =	sdelay $0x4  }
0x297: {  	[tilespmem:$0x1F4B0] =	vst v62;
	v62 =	vld [tilespmem:$0x4980];
	_ =	sdelay $0x4  }
0x298: {  	[tilespmem:$0x1F4C0] =	vst v62;
	v62 =	vld [tilespmem:$0x4990];
	_ =	sdelay $0x4  }
0x299: {  	[tilespmem:$0x1F4D0] =	vst v62;
	v62 =	vld [tilespmem:$0x49A0];
	_ =	sdelay $0x4  }
0x29a: {  	[tilespmem:$0x1F4E0] =	vst v62;
	v62 =	vld [tilespmem:$0x49B0];
	_ =	sdelay $0x4  }
0x29b: {  	[tilespmem:$0x1F4F0] =	vst v62;
	v62 =	vld [tilespmem:$0x49C0];
	_ =	sdelay $0x4  }
0x29c: {  	[tilespmem:$0x1F500] =	vst v62;
	v62 =	vld [tilespmem:$0x49D0];
	_ =	sdelay $0x4  }
0x29d: {  	[tilespmem:$0x1F510] =	vst v62;
	v62 =	vld [tilespmem:$0x49E0];
	_ =	sdelay $0x4  }
0x29e: {  	[tilespmem:$0x1F520] =	vst v62;
	v62 =	vld [tilespmem:$0x49F0];
	_ =	sdelay $0x4  }
0x29f: {  	[tilespmem:$0x1F530] =	vst v62;
	v62 =	vld [tilespmem:$0x4A00];
	_ =	sdelay $0x4  }
0x2a0: {  	[tilespmem:$0x1F540] =	vst v62;
	v62 =	vld [tilespmem:$0x4A10];
	_ =	sdelay $0x4  }
0x2a1: {  	[tilespmem:$0x1F550] =	vst v62;
	v62 =	vld [tilespmem:$0x4A20];
	_ =	sdelay $0x4  }
0x2a2: {  	[tilespmem:$0x1F560] =	vst v62;
	v62 =	vld [tilespmem:$0x4A30];
	_ =	sdelay $0x4  }
0x2a3: {  	[tilespmem:$0x1F570] =	vst v62;
	v62 =	vld [tilespmem:$0x4A40];
	_ =	sdelay $0x4  }
0x2a4: {  	[tilespmem:$0x1F580] =	vst v62;
	v62 =	vld [tilespmem:$0x4A50];
	_ =	sdelay $0x4  }
0x2a5: {  	[tilespmem:$0x1F590] =	vst v62;
	v62 =	vld [tilespmem:$0x4A60];
	_ =	sdelay $0x4  }
0x2a6: {  	[tilespmem:$0x1F5A0] =	vst v62;
	v62 =	vld [tilespmem:$0x4A70];
	_ =	sdelay $0x4  }
0x2a7: {  	[tilespmem:$0x1F5B0] =	vst v62;
	v62 =	vld [tilespmem:$0x4A80];
	_ =	sdelay $0x4  }
0x2a8: {  	[tilespmem:$0x1F5C0] =	vst v62;
	v62 =	vld [tilespmem:$0x4A90];
	_ =	sdelay $0x4  }
0x2a9: {  	[tilespmem:$0x1F5D0] =	vst v62;
	v62 =	vld [tilespmem:$0x4AA0];
	_ =	sdelay $0x4  }
0x2aa: {  	[tilespmem:$0x1F5E0] =	vst v62;
	v62 =	vld [tilespmem:$0x4AB0];
	_ =	sdelay $0x4  }
0x2ab: {  	[tilespmem:$0x1F5F0] =	vst v62;
	v62 =	vld [tilespmem:$0x4AC0];
	_ =	sdelay $0x4  }
0x2ac: {  	[tilespmem:$0x1F600] =	vst v62;
	v62 =	vld [tilespmem:$0x4AD0];
	_ =	sdelay $0x4  }
0x2ad: {  	[tilespmem:$0x1F610] =	vst v62;
	v62 =	vld [tilespmem:$0x4AE0];
	_ =	sdelay $0x4  }
0x2ae: {  	[tilespmem:$0x1F620] =	vst v62;
	v62 =	vld [tilespmem:$0x4AF0];
	_ =	sdelay $0x4  }
0x2af: {  	[tilespmem:$0x1F630] =	vst v62;
	v62 =	vld [tilespmem:$0x4B00];
	_ =	sdelay $0x4  }
0x2b0: {  	[tilespmem:$0x1F640] =	vst v62;
	v62 =	vld [tilespmem:$0x4B10];
	_ =	sdelay $0x4  }
0x2b1: {  	[tilespmem:$0x1F650] =	vst v62;
	v62 =	vld [tilespmem:$0x4B20];
	_ =	sdelay $0x4  }
0x2b2: {  	[tilespmem:$0x1F660] =	vst v62;
	v62 =	vld [tilespmem:$0x4B30];
	_ =	sdelay $0x4  }
0x2b3: {  	[tilespmem:$0x1F670] =	vst v62;
	v62 =	vld [tilespmem:$0x4B40];
	_ =	sdelay $0x4  }
0x2b4: {  	[tilespmem:$0x1F680] =	vst v62;
	v62 =	vld [tilespmem:$0x4B50];
	_ =	sdelay $0x4  }
0x2b5: {  	[tilespmem:$0x1F690] =	vst v62;
	v62 =	vld [tilespmem:$0x4B60];
	_ =	sdelay $0x4  }
0x2b6: {  	[tilespmem:$0x1F6A0] =	vst v62;
	v62 =	vld [tilespmem:$0x4B70];
	_ =	sdelay $0x4  }
0x2b7: {  	[tilespmem:$0x1F6B0] =	vst v62;
	v62 =	vld [tilespmem:$0x4B80];
	_ =	sdelay $0x4  }
0x2b8: {  	[tilespmem:$0x1F6C0] =	vst v62;
	v62 =	vld [tilespmem:$0x4B90];
	_ =	sdelay $0x4  }
0x2b9: {  	[tilespmem:$0x1F6D0] =	vst v62;
	v62 =	vld [tilespmem:$0x4BA0];
	_ =	sdelay $0x4  }
0x2ba: {  	[tilespmem:$0x1F6E0] =	vst v62;
	v62 =	vld [tilespmem:$0x4BB0];
	_ =	sdelay $0x4  }
0x2bb: {  	[tilespmem:$0x1F6F0] =	vst v62;
	v62 =	vld [tilespmem:$0x4BC0];
	_ =	sdelay $0x4  }
0x2bc: {  	[tilespmem:$0x1F700] =	vst v62;
	v62 =	vld [tilespmem:$0x4BD0];
	_ =	sdelay $0x4  }
0x2bd: {  	[tilespmem:$0x1F710] =	vst v62;
	v62 =	vld [tilespmem:$0x4BE0];
	_ =	sdelay $0x4  }
0x2be: {  	[tilespmem:$0x1F720] =	vst v62;
	v62 =	vld [tilespmem:$0x4BF0];
	_ =	sdelay $0x4  }
0x2bf: {  	[tilespmem:$0x1F730] =	vst v62;
	v62 =	vld [tilespmem:$0x4C00];
	_ =	sdelay $0x4  }
0x2c0: {  	[tilespmem:$0x1F740] =	vst v62;
	v62 =	vld [tilespmem:$0x4C10];
	_ =	sdelay $0x4  }
0x2c1: {  	[tilespmem:$0x1F750] =	vst v62;
	v62 =	vld [tilespmem:$0x4C20];
	_ =	sdelay $0x4  }
0x2c2: {  	[tilespmem:$0x1F760] =	vst v62;
	v62 =	vld [tilespmem:$0x4C30];
	_ =	sdelay $0x4  }
0x2c3: {  	[tilespmem:$0x1F770] =	vst v62;
	v62 =	vld [tilespmem:$0x4C40];
	_ =	sdelay $0x4  }
0x2c4: {  	[tilespmem:$0x1F780] =	vst v62;
	v62 =	vld [tilespmem:$0x4C50];
	_ =	sdelay $0x4  }
0x2c5: {  	[tilespmem:$0x1F790] =	vst v62;
	v62 =	vld [tilespmem:$0x4C60];
	_ =	sdelay $0x4  }
0x2c6: {  	[tilespmem:$0x1F7A0] =	vst v62;
	v62 =	vld [tilespmem:$0x4C70];
	_ =	sdelay $0x4  }
0x2c7: {  	[tilespmem:$0x1F7B0] =	vst v62;
	v62 =	vld [tilespmem:$0x4C80];
	_ =	sdelay $0x4  }
0x2c8: {  	[tilespmem:$0x1F7C0] =	vst v62;
	v62 =	vld [tilespmem:$0x4C90];
	_ =	sdelay $0x4  }
0x2c9: {  	[tilespmem:$0x1F7D0] =	vst v62;
	v62 =	vld [tilespmem:$0x4CA0];
	_ =	sdelay $0x4  }
0x2ca: {  	[tilespmem:$0x1F7E0] =	vst v62;
	v62 =	vld [tilespmem:$0x4CB0];
	_ =	sdelay $0x4  }
0x2cb: {  	[tilespmem:$0x1F7F0] =	vst v62;
	v62 =	vld [tilespmem:$0x4CC0];
	_ =	sdelay $0x4  }
0x2cc: {  	[tilespmem:$0x1F800] =	vst v62;
	v62 =	vld [tilespmem:$0x4CD0];
	_ =	sdelay $0x4  }
0x2cd: {  	[tilespmem:$0x1F810] =	vst v62;
	v62 =	vld [tilespmem:$0x4CE0];
	_ =	sdelay $0x4  }
0x2ce: {  	[tilespmem:$0x1F820] =	vst v62;
	v62 =	vld [tilespmem:$0x4CF0];
	_ =	sdelay $0x4  }
0x2cf: {  	[tilespmem:$0x1F830] =	vst v62;
	v62 =	vld [tilespmem:$0x4D00];
	_ =	sdelay $0x4  }
0x2d0: {  	[tilespmem:$0x1F840] =	vst v62;
	v62 =	vld [tilespmem:$0x4D10];
	_ =	sdelay $0x4  }
0x2d1: {  	[tilespmem:$0x1F850] =	vst v62;
	v62 =	vld [tilespmem:$0x4D20];
	_ =	sdelay $0x4  }
0x2d2: {  	[tilespmem:$0x1F860] =	vst v62;
	v62 =	vld [tilespmem:$0x4D30];
	_ =	sdelay $0x4  }
0x2d3: {  	[tilespmem:$0x1F870] =	vst v62;
	v62 =	vld [tilespmem:$0x4D40];
	_ =	sdelay $0x4  }
0x2d4: {  	[tilespmem:$0x1F880] =	vst v62;
	v62 =	vld [tilespmem:$0x4D50];
	_ =	sdelay $0x4  }
0x2d5: {  	[tilespmem:$0x1F890] =	vst v62;
	v62 =	vld [tilespmem:$0x4D60];
	_ =	sdelay $0x4  }
0x2d6: {  	[tilespmem:$0x1F8A0] =	vst v62;
	v62 =	vld [tilespmem:$0x4D70];
	_ =	sdelay $0x4  }
0x2d7: {  	[tilespmem:$0x1F8B0] =	vst v62;
	v62 =	vld [tilespmem:$0x4D80];
	_ =	sdelay $0x4  }
0x2d8: {  	[tilespmem:$0x1F8C0] =	vst v62;
	v62 =	vld [tilespmem:$0x4D90];
	_ =	sdelay $0x4  }
0x2d9: {  	[tilespmem:$0x1F8D0] =	vst v62;
	v62 =	vld [tilespmem:$0x4DA0];
	_ =	sdelay $0x4  }
0x2da: {  	[tilespmem:$0x1F8E0] =	vst v62;
	v62 =	vld [tilespmem:$0x4DB0];
	_ =	sdelay $0x4  }
0x2db: {  	[tilespmem:$0x1F8F0] =	vst v62;
	v62 =	vld [tilespmem:$0x4DC0];
	_ =	sdelay $0x4  }
0x2dc: {  	[tilespmem:$0x1F900] =	vst v62;
	v62 =	vld [tilespmem:$0x4DD0];
	_ =	sdelay $0x4  }
0x2dd: {  	[tilespmem:$0x1F910] =	vst v62;
	v62 =	vld [tilespmem:$0x4DE0];
	_ =	sdelay $0x4  }
0x2de: {  	[tilespmem:$0x1F920] =	vst v62;
	v62 =	vld [tilespmem:$0x4DF0];
	_ =	sdelay $0x4  }
0x2df: {  	[tilespmem:$0x1F930] =	vst v62;
	v62 =	vld [tilespmem:$0x4E00];
	_ =	sdelay $0x4  }
0x2e0: {  	[tilespmem:$0x1F940] =	vst v62;
	v62 =	vld [tilespmem:$0x4E10];
	_ =	sdelay $0x4  }
0x2e1: {  	[tilespmem:$0x1F950] =	vst v62;
	v62 =	vld [tilespmem:$0x4E20];
	_ =	sdelay $0x4  }
0x2e2: {  	[tilespmem:$0x1F960] =	vst v62;
	v62 =	vld [tilespmem:$0x4E30];
	_ =	sdelay $0x4  }
0x2e3: {  	[tilespmem:$0x1F970] =	vst v62;
	v62 =	vld [tilespmem:$0x4E40];
	_ =	sdelay $0x4  }
0x2e4: {  	[tilespmem:$0x1F980] =	vst v62;
	v62 =	vld [tilespmem:$0x4E50];
	_ =	sdelay $0x4  }
0x2e5: {  	[tilespmem:$0x1F990] =	vst v62;
	v62 =	vld [tilespmem:$0x4E60];
	_ =	sdelay $0x4  }
0x2e6: {  	[tilespmem:$0x1F9A0] =	vst v62;
	v62 =	vld [tilespmem:$0x4E70];
	_ =	sdelay $0x4  }
0x2e7: {  	[tilespmem:$0x1F9B0] =	vst v62;
	v62 =	vld [tilespmem:$0x4E80];
	_ =	sdelay $0x4  }
0x2e8: {  	[tilespmem:$0x1F9C0] =	vst v62;
	v62 =	vld [tilespmem:$0x4E90];
	_ =	sdelay $0x4  }
0x2e9: {  	[tilespmem:$0x1F9D0] =	vst v62;
	v62 =	vld [tilespmem:$0x4EA0];
	_ =	sdelay $0x4  }
0x2ea: {  	[tilespmem:$0x1F9E0] =	vst v62;
	v62 =	vld [tilespmem:$0x4EB0];
	_ =	sdelay $0x4  }
0x2eb: {  	[tilespmem:$0x1F9F0] =	vst v62;
	v62 =	vld [tilespmem:$0x4EC0];
	_ =	sdelay $0x4  }
0x2ec: {  	[tilespmem:$0x1FA00] =	vst v62;
	v62 =	vld [tilespmem:$0x4ED0];
	_ =	sdelay $0x4  }
0x2ed: {  	[tilespmem:$0x1FA10] =	vst v62;
	v62 =	vld [tilespmem:$0x4EE0];
	_ =	sdelay $0x4  }
0x2ee: {  	[tilespmem:$0x1FA20] =	vst v62;
	v62 =	vld [tilespmem:$0x4EF0];
	_ =	sdelay $0x2  }
0x2ef: {  	v16 =	vld [tilespmem:$0x4400]  }
0x2f0: {  	v17 =	vld [tilespmem:$0x4410]  }
0x2f1: {  	[tilespmem:$0x1FA30] =	vst v62;
	v62 =	vld [tilespmem:$0x4F00]  }
0x2f2: {  	v20 =	vld [tilespmem:$0x4420]  }
0x2f3: {  	v21 =	vld [tilespmem:$0x4430]  }
0x2f4: {  	v24 =	vld [tilespmem:$0x4440]  }
0x2f5: {  	v25 =	vld [tilespmem:$0x4450]  }
0x2f6: {  	[tilespmem:$0x1FA40] =	vst v62;
	v62 =	vld [tilespmem:$0x4F10]  }
0x2f7: {  	v28 =	vld [tilespmem:$0x4460]  }
0x2f8: {  	v29 =	vld [tilespmem:$0x4470]  }
0x2f9: {  	v0 =	vld [tilespmem:$0x4480]  }
0x2fa: {  	v1 =	vld [tilespmem:$0x4490]  }
0x2fb: {  	[tilespmem:$0x1FA50] =	vst v62;
	v62 =	vld [tilespmem:$0x4F20]  }
0x2fc: {  	v2 =	vld [tilespmem:$0x44A0]  }
0x2fd: {  	v3 =	vld [tilespmem:$0x44B0]  }
0x2fe: {  	v4 =	vld [tilespmem:$0x44C0]  }
0x2ff: {  	v5 =	vld [tilespmem:$0x44D0]  }
0x300: {  	[tilespmem:$0x1FA60] =	vst v62;
	v62 =	vld [tilespmem:$0x4F30]  }
0x301: {  	v6 =	vld [tilespmem:$0x44E0]  }
0x302: {  	v7 =	vld [tilespmem:$0x44F0]  }
0x303: {  	v8 =	vld [tilespmem:$0x4500]  }
0x304: {  	v9 =	vld [tilespmem:$0x4510]  }
0x305: {  	[tilespmem:$0x1FA70] =	vst v62;
	v62 =	vld [tilespmem:$0x4F40]  }
0x306: {  	v10 =	vld [tilespmem:$0x4520]  }
0x307: {  	v11 =	vld [tilespmem:$0x4530]  }
0x308: {  	v12 =	vld [tilespmem:$0x4540]  }
0x309: {  	v13 =	vld [tilespmem:$0x4550]  }
0x30a: {  	[tilespmem:$0x1FA80] =	vst v62;
	v62 =	vld [tilespmem:$0x4F50]  }
0x30b: {  	v14 =	vld [tilespmem:$0x4560]  }
0x30c: {  	v15 =	vld [tilespmem:$0x4570]  }
0x30d: {  	v18 =	vld [tilespmem:$0x4580]  }
0x30e: {  	v19 =	vld [tilespmem:$0x4590]  }
0x30f: {  	[tilespmem:$0x1FA90] =	vst v62;
	v62 =	vld [tilespmem:$0x4F60]  }
0x310: {  	v22 =	vld [tilespmem:$0x45A0]  }
0x311: {  	v23 =	vld [tilespmem:$0x45B0]  }
0x312: {  	v26 =	vld [tilespmem:$0x45C0]  }
0x313: {  	v27 =	vld [tilespmem:$0x45D0]  }
0x314: {  	[tilespmem:$0x1FAA0] =	vst v62;
	v62 =	vld [tilespmem:$0x4F70]  }
0x315: {  	v30 =	vld [tilespmem:$0x45E0]  }
0x316: {  	v31 =	vld [tilespmem:$0x45F0]  }
0x317: {  	v32 =	vld [tilespmem:$0x4600]  }
0x318: {  	v33 =	vld [tilespmem:$0x4610]  }
0x319: {  	[tilespmem:$0x1FAB0] =	vst v62;
	v62 =	vld [tilespmem:$0x4F80]  }
0x31a: {  	v34 =	vld [tilespmem:$0x4620]  }
0x31b: {  	v35 =	vld [tilespmem:$0x4630]  }
0x31c: {  	v36 =	vld [tilespmem:$0x4640]  }
0x31d: {  	v37 =	vld [tilespmem:$0x4650]  }
0x31e: {  	[tilespmem:$0x1FAC0] =	vst v62;
	v62 =	vld [tilespmem:$0x4F90]  }
0x31f: {  	v38 =	vld [tilespmem:$0x4660]  }
0x320: {  	v39 =	vld [tilespmem:$0x4670]  }
0x321: {  	v40 =	vld [tilespmem:$0x4680]  }
0x322: {  	v41 =	vld [tilespmem:$0x4690]  }
0x323: {  	[tilespmem:$0x1FAD0] =	vst v62;
	v62 =	vld [tilespmem:$0x4FA0]  }
0x324: {  	v42 =	vld [tilespmem:$0x46A0]  }
0x325: {  	v43 =	vld [tilespmem:$0x46B0]  }
0x326: {  	v44 =	vld [tilespmem:$0x46C0]  }
0x327: {  	v45 =	vld [tilespmem:$0x46D0]  }
0x328: {  	[tilespmem:$0x1FAE0] =	vst v62;
	v62 =	vld [tilespmem:$0x4FB0]  }
0x329: {  	v46 =	vld [tilespmem:$0x46E0]  }
0x32a: {  	v47 =	vld [tilespmem:$0x46F0]  }
0x32b: {  	v48 =	vld [tilespmem:$0x4700]  }
0x32c: {  	v49 =	vld [tilespmem:$0x4710]  }
0x32d: {  	[tilespmem:$0x1FAF0] =	vst v62;
	v62 =	vld [tilespmem:$0x4FC0]  }
0x32e: {  	v50 =	vld [tilespmem:$0x4720]  }
0x32f: {  	v51 =	vld [tilespmem:$0x4730]  }
0x330: {  	v52 =	vld [tilespmem:$0x4740]  }
0x331: {  	v53 =	vld [tilespmem:$0x4750]  }
0x332: {  	[tilespmem:$0x1FB00] =	vst v62;
	v62 =	vld [tilespmem:$0x4FD0]  }
0x333: {  	v54 =	vld [tilespmem:$0x4760]  }
0x334: {  	v55 =	vld [tilespmem:$0x4770]  }
0x335: {  	v56 =	vld [tilespmem:$0x4780]  }
0x336: {  	v57 =	vld [tilespmem:$0x4790]  }
0x337: {  	[tilespmem:$0x1FB10] =	vst v62;
	v62 =	vld [tilespmem:$0x4FE0]  }
0x338: {  	v58 =	vld [tilespmem:$0x47A0]  }
0x339: {  	v59 =	vld [tilespmem:$0x47B0]  }
0x33a: {  	v60 =	vld [tilespmem:$0x47C0]  }
0x33b: {  	v61 =	vld [tilespmem:$0x47D0]  }
0x33c: {  	v63 =	vld [tilespmem:$0x47E0];
	[tilespmem:$0x1FB20] =	vst v62  }
0x33d: {  	v62 =	vld [tilespmem:$0x4FF0]  }
0x33e: {  	v0 =	vadd.f32 v0, v16;
	v16 =	vld [tilespmem:$0x5100]  }
0x33f: {  	v1 =	vadd.f32 v1, v17;
	v17 =	vld [tilespmem:$0x5110]  }
0x340: {  	v2 =	vadd.f32 v2, v20;
	v20 =	vld [tilespmem:$0x5120]  }
0x341: {  	v3 =	vadd.f32 v3, v21;
	v21 =	vld [tilespmem:$0x5130]  }
0x342: {  	v1 =	vadd.f32 v9, v1;
	v9 =	vld [tilespmem:$0x5140]  }
0x343: {  	v4 =	vadd.f32 v4, v24;
	v2 =	vadd.f32 v10, v2;
	v10 =	vld [tilespmem:$0x5150]  }
0x344: {  	v5 =	vadd.f32 v5, v25;
	v3 =	vadd.f32 v11, v3;
	v11 =	vld [tilespmem:$0x5160]  }
0x345: {  	v6 =	vadd.f32 v6, v28;
	v4 =	vadd.f32 v12, v4;
	v12 =	vld [tilespmem:$0x5170]  }
0x346: {  	v7 =	vadd.f32 v7, v29;
	v5 =	vadd.f32 v13, v5;
	v13 =	vld [tilespmem:$0x5180]  }
0x347: {  	v0 =	vadd.f32 v8, v0;
	v6 =	vadd.f32 v14, v6;
	v14 =	vld [tilespmem:$0x5190]  }
0x348: {  	v7 =	vadd.f32 v15, v7;
	v15 =	vld [tilespmem:$0x51A0]  }
0x349: {  	v0 =	vadd.f32 v18, v0;
	v18 =	vld [tilespmem:$0x51B0]  }
0x34a: {  	v1 =	vadd.f32 v19, v1;
	v19 =	vld [tilespmem:$0x51C0]  }
0x34b: {  	v2 =	vadd.f32 v22, v2;
	v22 =	vld [tilespmem:$0x51D0]  }
0x34c: {  	v3 =	vadd.f32 v23, v3;
	v23 =	vld [tilespmem:$0x51E0]  }
0x34d: {  	v24 =	vld [tilespmem:$0x51F0]  }
0x34e: {  	v25 =	vld [tilespmem:$0x5200]  }
0x34f: {  	v4 =	vadd.f32 v26, v4;
	v26 =	vld [tilespmem:$0x5210]  }
0x350: {  	v5 =	vadd.f32 v27, v5;
	v27 =	vld [tilespmem:$0x5220]  }
0x351: {  	v28 =	vld [tilespmem:$0x5230]  }
0x352: {  	v29 =	vld [tilespmem:$0x5240]  }
0x353: {  	v6 =	vadd.f32 v30, v6;
	v5 =	vadd.f32 v37, v5;
	v30 =	vld [tilespmem:$0x5250]  }
0x354: {  	v7 =	vadd.f32 v31, v7;
	v0 =	vadd.f32 v32, v0;
	v31 =	vld [tilespmem:$0x5260]  }
0x355: {  	v6 =	vadd.f32 v38, v6;
	v5 =	vadd.f32 v45, v5;
	v32 =	vld [tilespmem:$0x5270]  }
0x356: {  	v1 =	vadd.f32 v33, v1;
	v2 =	vadd.f32 v34, v2;
	v33 =	vld [tilespmem:$0x5280]  }
0x357: {  	v6 =	vadd.f32 v46, v6;
	v5 =	vadd.f32 v53, v5;
	v34 =	vld [tilespmem:$0x5290]  }
0x358: {  	v3 =	vadd.f32 v35, v3;
	v35 =	vld [tilespmem:$0x52A0]  }
0x359: {  	v6 =	vadd.f32 v54, v6;
	v5 =	vadd.f32 v61, v5;
	v61 =	vld [tilespmem:$0x1F330]  }
0x35a: {  	v4 =	vadd.f32 v36, v4;
	v36 =	vld [tilespmem:$0x52B0]  }
0x35b: {  	v6 =	vadd.f32 v63, v6;
	v63 =	vld [tilespmem:$0x1F350]  }
0x35c: {  	v37 =	vld [tilespmem:$0x52C0]  }
0x35d: {  	v38 =	vld [tilespmem:$0x1F360]  }
0x35e: {  	v7 =	vadd.f32 v39, v7;
	v39 =	vld [tilespmem:$0x1F370]  }
0x35f: {  	v0 =	vadd.f32 v40, v0;
	v40 =	vld [tilespmem:$0x52D0]  }
0x360: {  	v1 =	vadd.f32 v41, v1;
	v41 =	vld [tilespmem:$0x1F380]  }
0x361: {  	v2 =	vadd.f32 v42, v2;
	v42 =	vld [tilespmem:$0x1F390]  }
0x362: {  	v3 =	vadd.f32 v43, v3;
	v43 =	vld [tilespmem:$0x52E0]  }
0x363: {  	v4 =	vadd.f32 v44, v4;
	v44 =	vld [tilespmem:$0x1F3A0]  }
0x364: {  	v45 =	vld [tilespmem:$0x1F3B0]  }
0x365: {  	v46 =	vld [tilespmem:$0x52F0]  }
0x366: {  	v7 =	vadd.f32 v47, v7;
	v47 =	vld [tilespmem:$0x1F3C0]  }
0x367: {  	v0 =	vadd.f32 v48, v0;
	v48 =	vld [tilespmem:$0x1F3D0]  }
0x368: {  	v1 =	vadd.f32 v49, v1;
	v49 =	vld [tilespmem:$0x5300]  }
0x369: {  	v2 =	vadd.f32 v50, v2;
	v50 =	vld [tilespmem:$0x1F3E0]  }
0x36a: {  	v3 =	vadd.f32 v51, v3;
	v51 =	vld [tilespmem:$0x1F3F0]  }
0x36b: {  	v4 =	vadd.f32 v52, v4;
	v52 =	vld [tilespmem:$0x5310]  }
0x36c: {  	v53 =	vld [tilespmem:$0x1F400]  }
0x36d: {  	v54 =	vld [tilespmem:$0x1F410]  }
0x36e: {  	v7 =	vadd.f32 v55, v7;
	v55 =	vld [tilespmem:$0x5320]  }
0x36f: {  	v0 =	vadd.f32 v56, v0;
	v56 =	vld [tilespmem:$0x1F420]  }
0x370: {  	v1 =	vadd.f32 v57, v1;
	v57 =	vld [tilespmem:$0x1F430]  }
0x371: {  	v2 =	vadd.f32 v58, v2;
	v58 =	vld [tilespmem:$0x5330]  }
0x372: {  	v3 =	vadd.f32 v59, v3;
	v59 =	vld [tilespmem:$0x1F440]  }
0x373: {  	v4 =	vadd.f32 v60, v4;
	v60 =	vld [tilespmem:$0x1F450]  }
0x374: {  	v8 =	vld [tilespmem:$0x59E0]  }
0x375: {  	[tilespmem:$0x1FB30] =	vst v62;
	v62 =	vld [tilespmem:$0x5000]  }
0x376: {  	v7 =	vadd.f32 v61, v7;
	v61 =	vld [tilespmem:$0x5340]  }
0x377: {  	v1 =	vadd.f32 v63, v1;
	v63 =	vld [tilespmem:$0x1F470]  }
0x378: {  	[tilespmem:$0x1FC40] =	vst v37;
	v37 =	vld [tilespmem:$0x5350]  }
0x379: {  	v2 =	vadd.f32 v38, v2;
	v38 =	vld [tilespmem:$0x1F480]  }
0x37a: {  	v3 =	vadd.f32 v39, v3;
	v39 =	vld [tilespmem:$0x1F490]  }
0x37b: {  	[tilespmem:$0x1FC50] =	vst v40;
	v40 =	vld [tilespmem:$0x5360]  }
0x37c: {  	v4 =	vadd.f32 v41, v4;
	v41 =	vld [tilespmem:$0x1F4A0]  }
0x37d: {  	v5 =	vadd.f32 v42, v5;
	v42 =	vld [tilespmem:$0x1F4B0]  }
0x37e: {  	[tilespmem:$0x1FC60] =	vst v43;
	v43 =	vld [tilespmem:$0x5370]  }
0x37f: {  	v6 =	vadd.f32 v44, v6;
	v44 =	vld [tilespmem:$0x1F4C0]  }
0x380: {  	[tilespmem:$0x1FC70] =	vst v46;
	v46 =	vld [tilespmem:$0x5380]  }
0x381: {  	[tilespmem:$0x1FC80] =	vst v49;
	v49 =	vld [tilespmem:$0x5390]  }
0x382: {  	[tilespmem:$0x1FC90] =	vst v52;
	v52 =	vld [tilespmem:$0x53A0]  }
0x383: {  	[tilespmem:$0x1FCA0] =	vst v55;
	v55 =	vld [tilespmem:$0x53B0]  }
0x384: {  	[tilespmem:$0x1FCB0] =	vst v58;
	v58 =	vld [tilespmem:$0x53C0]  }
0x385: {  	v7 =	vadd.f32 v45, v7;
	v45 =	vld [tilespmem:$0x1F4D0]  }
0x386: {  	v1 =	vadd.f32 v48, v1;
	v48 =	vld [tilespmem:$0x1F4F0]  }
0x387: {  	v2 =	vadd.f32 v50, v2;
	v50 =	vld [tilespmem:$0x1F500]  }
0x388: {  	v3 =	vadd.f32 v51, v3;
	v51 =	vld [tilespmem:$0x1F510]  }
0x389: {  	v4 =	vadd.f32 v53, v4;
	v53 =	vld [tilespmem:$0x1F520]  }
0x38a: {  	v5 =	vadd.f32 v54, v5;
	v54 =	vld [tilespmem:$0x1F530]  }
0x38b: {  	v6 =	vadd.f32 v56, v6;
	v56 =	vld [tilespmem:$0x1F540]  }
0x38c: {  	v7 =	vadd.f32 v57, v7;
	v57 =	vld [tilespmem:$0x1F550]  }
0x38d: {  	v1 =	vadd.f32 v60, v1;
	v60 =	vld [tilespmem:$0x1F570]  }
0x38e: {  	[tilespmem:$0x1FB40] =	vst v62;
	v62 =	vld [tilespmem:$0x5010]  }
0x38f: {  	[tilespmem:$0x1FCC0] =	vst v61;
	v61 =	vld [tilespmem:$0x53D0]  }
0x390: {  	v3 =	vadd.f32 v63, v3;
	v63 =	vld [tilespmem:$0x1F590]  }
0x391: {  	[tilespmem:$0x1FCD0] =	vst v37;
	v37 =	vld [tilespmem:$0x53E0]  }
0x392: {  	v4 =	vadd.f32 v38, v4;
	v38 =	vld [tilespmem:$0x1F5A0]  }
0x393: {  	v5 =	vadd.f32 v39, v5;
	v39 =	vld [tilespmem:$0x1F5B0]  }
0x394: {  	[tilespmem:$0x1FCE0] =	vst v40;
	v40 =	vld [tilespmem:$0x53F0]  }
0x395: {  	v6 =	vadd.f32 v41, v6;
	v41 =	vld [tilespmem:$0x1F5C0]  }
0x396: {  	[tilespmem:$0x1FCF0] =	vst v43;
	v43 =	vld [tilespmem:$0x5400]  }
0x397: {  	[tilespmem:$0x1FD00] =	vst v46;
	v46 =	vld [tilespmem:$0x5410]  }
0x398: {  	[tilespmem:$0x1FD10] =	vst v49;
	v49 =	vld [tilespmem:$0x5420]  }
0x399: {  	[tilespmem:$0x1FD20] =	vst v52;
	v52 =	vld [tilespmem:$0x5430]  }
0x39a: {  	[tilespmem:$0x1FD30] =	vst v55;
	v55 =	vld [tilespmem:$0x5440]  }
0x39b: {  	[tilespmem:$0x1FD40] =	vst v58;
	v58 =	vld [tilespmem:$0x5450]  }
0x39c: {  	v7 =	vadd.f32 v42, v7;
	v42 =	vld [tilespmem:$0x1F5D0]  }
0x39d: {  	v1 =	vadd.f32 v45, v1;
	v45 =	vld [tilespmem:$0x1F5F0]  }
0x39e: {  	v3 =	vadd.f32 v48, v3;
	v48 =	vld [tilespmem:$0x1F610]  }
0x39f: {  	v4 =	vadd.f32 v50, v4;
	v50 =	vld [tilespmem:$0x1F620]  }
0x3a0: {  	v5 =	vadd.f32 v51, v5;
	v51 =	vld [tilespmem:$0x1F630]  }
0x3a1: {  	v6 =	vadd.f32 v53, v6;
	v53 =	vld [tilespmem:$0x1F640]  }
0x3a2: {  	v7 =	vadd.f32 v54, v7;
	v54 =	vld [tilespmem:$0x1F650]  }
0x3a3: {  	v1 =	vadd.f32 v57, v1;
	v57 =	vld [tilespmem:$0x1F670]  }
0x3a4: {  	v3 =	vadd.f32 v60, v3;
	v60 =	vld [tilespmem:$0x1F690]  }
0x3a5: {  	[tilespmem:$0x1FB50] =	vst v62;
	v62 =	vld [tilespmem:$0x5020]  }
0x3a6: {  	[tilespmem:$0x1FD50] =	vst v61;
	v61 =	vld [tilespmem:$0x5460]  }
0x3a7: {  	v5 =	vadd.f32 v63, v5;
	v63 =	vld [tilespmem:$0x1F6B0]  }
0x3a8: {  	[tilespmem:$0x1FD60] =	vst v37;
	v37 =	vld [tilespmem:$0x5470]  }
0x3a9: {  	v6 =	vadd.f32 v38, v6;
	v38 =	vld [tilespmem:$0x1F6C0]  }
0x3aa: {  	v7 =	vadd.f32 v39, v7;
	v39 =	vld [tilespmem:$0x1F6D0]  }
0x3ab: {  	[tilespmem:$0x1FD70] =	vst v40;
	v40 =	vld [tilespmem:$0x5480]  }
0x3ac: {  	[tilespmem:$0x1FD80] =	vst v43;
	v43 =	vld [tilespmem:$0x5490]  }
0x3ad: {  	[tilespmem:$0x1FD90] =	vst v46;
	v46 =	vld [tilespmem:$0x54A0]  }
0x3ae: {  	[tilespmem:$0x1FDA0] =	vst v49;
	v49 =	vld [tilespmem:$0x54B0]  }
0x3af: {  	[tilespmem:$0x1FDB0] =	vst v52;
	v52 =	vld [tilespmem:$0x54C0]  }
0x3b0: {  	[tilespmem:$0x1FDC0] =	vst v55;
	v55 =	vld [tilespmem:$0x54D0]  }
0x3b1: {  	[tilespmem:$0x1FDD0] =	vst v58;
	v58 =	vld [tilespmem:$0x54E0]  }
0x3b2: {  	v1 =	vadd.f32 v42, v1;
	v42 =	vld [tilespmem:$0x1F6F0]  }
0x3b3: {  	v3 =	vadd.f32 v45, v3;
	v45 =	vld [tilespmem:$0x1F710]  }
0x3b4: {  	v5 =	vadd.f32 v48, v5;
	v48 =	vld [tilespmem:$0x1F730]  }
0x3b5: {  	v6 =	vadd.f32 v50, v6;
	v50 =	vld [tilespmem:$0x1F740]  }
0x3b6: {  	v7 =	vadd.f32 v51, v7;
	v51 =	vld [tilespmem:$0x1F750]  }
0x3b7: {  	v1 =	vadd.f32 v54, v1;
	v54 =	vld [tilespmem:$0x1F770]  }
0x3b8: {  	v3 =	vadd.f32 v57, v3;
	v57 =	vld [tilespmem:$0x1F790]  }
0x3b9: {  	v5 =	vadd.f32 v60, v5;
	v60 =	vld [tilespmem:$0x1F7B0]  }
0x3ba: {  	[tilespmem:$0x1FB60] =	vst v62;
	v62 =	vld [tilespmem:$0x5030]  }
0x3bb: {  	[tilespmem:$0x1FDE0] =	vst v61;
	v61 =	vld [tilespmem:$0x54F0]  }
0x3bc: {  	v7 =	vadd.f32 v63, v7;
	v63 =	vld [tilespmem:$0x1F7D0]  }
0x3bd: {  	[tilespmem:$0x1FDF0] =	vst v37;
	v37 =	vld [tilespmem:$0x5500]  }
0x3be: {  	v1 =	vadd.f32 v39, v1;
	v39 =	vld [tilespmem:$0x1F7F0]  }
0x3bf: {  	[tilespmem:$0x1FE00] =	vst v40;
	v40 =	vld [tilespmem:$0x5510]  }
0x3c0: {  	[tilespmem:$0x1FE10] =	vst v43;
	v43 =	vld [tilespmem:$0x5520]  }
0x3c1: {  	[tilespmem:$0x1FE20] =	vst v46;
	v46 =	vld [tilespmem:$0x5530]  }
0x3c2: {  	[tilespmem:$0x1FE30] =	vst v49;
	v49 =	vld [tilespmem:$0x5540]  }
0x3c3: {  	[tilespmem:$0x1FE40] =	vst v52;
	v52 =	vld [tilespmem:$0x5550]  }
0x3c4: {  	[tilespmem:$0x1FE50] =	vst v55;
	v55 =	vld [tilespmem:$0x5560]  }
0x3c5: {  	[tilespmem:$0x1FE60] =	vst v58;
	v58 =	vld [tilespmem:$0x5570]  }
0x3c6: {  	v3 =	vadd.f32 v42, v3;
	v42 =	vld [tilespmem:$0x1F810]  }
0x3c7: {  	v5 =	vadd.f32 v45, v5;
	v45 =	vld [tilespmem:$0x1F830]  }
0x3c8: {  	v7 =	vadd.f32 v48, v7;
	v48 =	vld [tilespmem:$0x1F850]  }
0x3c9: {  	v1 =	vadd.f32 v51, v1;
	v51 =	vld [tilespmem:$0x1F870]  }
0x3ca: {  	v3 =	vadd.f32 v54, v3;
	v54 =	vld [tilespmem:$0x1F890]  }
0x3cb: {  	v5 =	vadd.f32 v57, v5;
	v57 =	vld [tilespmem:$0x1F8B0]  }
0x3cc: {  	[tilespmem:$0x1FB70] =	vst v62;
	v62 =	vld [tilespmem:$0x5040]  }
0x3cd: {  	v7 =	vadd.f32 v60, v7;
	v60 =	vld [tilespmem:$0x1F8D0]  }
0x3ce: {  	[tilespmem:$0x1FE70] =	vst v61;
	v61 =	vld [tilespmem:$0x5580]  }
0x3cf: {  	v1 =	vadd.f32 v63, v1;
	v63 =	vld [tilespmem:$0x1F8F0]  }
0x3d0: {  	[tilespmem:$0x1FE80] =	vst v37;
	v37 =	vld [tilespmem:$0x5590]  }
0x3d1: {  	[tilespmem:$0x1FB80] =	vst v62;
	v62 =	vld [tilespmem:$0x5050]  }
0x3d2: {  	v3 =	vadd.f32 v39, v3;
	v39 =	vld [tilespmem:$0x1F910]  }
0x3d3: {  	[tilespmem:$0x1FE90] =	vst v40;
	v40 =	vld [tilespmem:$0x55A0]  }
0x3d4: {  	[tilespmem:$0x1FEA0] =	vst v43;
	v43 =	vld [tilespmem:$0x55B0]  }
0x3d5: {  	[tilespmem:$0x1FEB0] =	vst v46;
	v46 =	vld [tilespmem:$0x55C0]  }
0x3d6: {  	[tilespmem:$0x1FB90] =	vst v62;
	v62 =	vld [tilespmem:$0x5060]  }
0x3d7: {  	[tilespmem:$0x1FEC0] =	vst v49;
	v49 =	vld [tilespmem:$0x55D0]  }
0x3d8: {  	[tilespmem:$0x1FED0] =	vst v52;
	v52 =	vld [tilespmem:$0x55E0]  }
0x3d9: {  	[tilespmem:$0x1FEE0] =	vst v55;
	v55 =	vld [tilespmem:$0x55F0]  }
0x3da: {  	[tilespmem:$0x1FEF0] =	vst v58;
	v58 =	vld [tilespmem:$0x5600]  }
0x3db: {  	[tilespmem:$0x1FBA0] =	vst v62;
	v62 =	vld [tilespmem:$0x5070]  }
0x3dc: {  	v5 =	vadd.f32 v42, v5;
	v42 =	vld [tilespmem:$0x1F930]  }
0x3dd: {  	v7 =	vadd.f32 v45, v7;
	v45 =	vld [tilespmem:$0x1F950]  }
0x3de: {  	v1 =	vadd.f32 v48, v1;
	v48 =	vld [tilespmem:$0x1F970]  }
0x3df: {  	v3 =	vadd.f32 v51, v3;
	v51 =	vld [tilespmem:$0x1F990]  }
0x3e0: {  	[tilespmem:$0x1FBB0] =	vst v62;
	v62 =	vld [tilespmem:$0x5080]  }
0x3e1: {  	v5 =	vadd.f32 v54, v5;
	v54 =	vld [tilespmem:$0x1F9B0]  }
0x3e2: {  	v7 =	vadd.f32 v57, v7;
	v57 =	vld [tilespmem:$0x1F9D0]  }
0x3e3: {  	v1 =	vadd.f32 v60, v1;
	v60 =	vld [tilespmem:$0x1F9F0]  }
0x3e4: {  	[tilespmem:$0x1FF00] =	vst v61;
	v61 =	vld [tilespmem:$0x5610]  }
0x3e5: {  	[tilespmem:$0x1FBC0] =	vst v62;
	v62 =	vld [tilespmem:$0x5090]  }
0x3e6: {  	v3 =	vadd.f32 v63, v3;
	v63 =	vld [tilespmem:$0x1FA10]  }
0x3e7: {  	[tilespmem:$0x1FF10] =	vst v37;
	v37 =	vld [tilespmem:$0x5620]  }
0x3e8: {  	v5 =	vadd.f32 v39, v5;
	v39 =	vld [tilespmem:$0x1FA30]  }
0x3e9: {  	[tilespmem:$0x1FF20] =	vst v40;
	v40 =	vld [tilespmem:$0x5630]  }
0x3ea: {  	[tilespmem:$0x1FBD0] =	vst v62;
	v62 =	vld [tilespmem:$0x50A0]  }
0x3eb: {  	[tilespmem:$0x1FF30] =	vst v43;
	v43 =	vld [tilespmem:$0x5640]  }
0x3ec: {  	[tilespmem:$0x1FF40] =	vst v46;
	v46 =	vld [tilespmem:$0x5650]  }
0x3ed: {  	[tilespmem:$0x1FF50] =	vst v49;
	v49 =	vld [tilespmem:$0x5660]  }
0x3ee: {  	[tilespmem:$0x1FF60] =	vst v52;
	v52 =	vld [tilespmem:$0x5670]  }
0x3ef: {  	[tilespmem:$0x1FBE0] =	vst v62;
	v62 =	vld [tilespmem:$0x50B0]  }
0x3f0: {  	[tilespmem:$0x1FF70] =	vst v55;
	v55 =	vld [tilespmem:$0x1FAE0]  }
0x3f1: {  	[tilespmem:$0x1FF80] =	vst v58;
	v58 =	vld [tilespmem:$0x1FB10]  }
0x3f2: {  	v7 =	vadd.f32 v42, v7;
	v42 =	vld [tilespmem:$0x1FA50]  }
0x3f3: {  	v1 =	vadd.f32 v45, v1;
	v45 =	vld [tilespmem:$0x1FA70]  }
0x3f4: {  	[tilespmem:$0x1FBF0] =	vst v62;
	v62 =	vld [tilespmem:$0x50C0]  }
0x3f5: {  	v3 =	vadd.f32 v48, v3;
	v48 =	vld [tilespmem:$0x1FA90]  }
0x3f6: {  	v5 =	vadd.f32 v51, v5;
	v51 =	vld [tilespmem:$0x1FAB0]  }
0x3f7: {  	v7 =	vadd.f32 v54, v7;
	v54 =	vld [tilespmem:$0x1FAD0]  }
0x3f8: {  	v1 =	vadd.f32 v57, v1;
	v57 =	vld [tilespmem:$0x1FB00]  }
0x3f9: {  	[tilespmem:$0x1FC00] =	vst v62;
	v62 =	vld [tilespmem:$0x50D0]  }
0x3fa: {  	v3 =	vadd.f32 v60, v3;
	v60 =	vld [tilespmem:$0x1FB30]  }
0x3fb: {  	[tilespmem:$0x1FF90] =	vst v61;
	v61 =	vld [tilespmem:$0x5680]  }
0x3fc: {  	v5 =	vadd.f32 v63, v5;
	v63 =	vld [tilespmem:$0x56A0]  }
0x3fd: {  	[tilespmem:$0x1FFA0] =	vst v37;
	v37 =	vld [tilespmem:$0x1FB40]  }
0x3fe: {  	[tilespmem:$0x1FC10] =	vst v62;
	v62 =	vld [tilespmem:$0x50E0]  }
0x3ff: {  	v7 =	vadd.f32 v39, v7;
	v39 =	vld [tilespmem:$0x1FB60]  }
0x400: {  	[tilespmem:$0x1FFB0] =	vst v40;
	v40 =	vld [tilespmem:$0x1FB70]  }
0x401: {  	[tilespmem:$0x1FFF0] =	vst v52;
	v52 =	vld [tilespmem:$0x5720]  }
0x402: {  	v1 =	vadd.f32 v42, v1;
	v42 =	vld [tilespmem:$0x1FB90]  }
0x403: {  	v5 =	vadd.f32 v48, v5;
	[tilespmem:$0x1FC20] =	vst v62;
	v62 =	vld [tilespmem:$0x50F0]  }
0x404: {  	v1 =	vadd.f32 v54, v1;
	v54 =	vld [tilespmem:$0x5700]  }
0x405: {  	v5 =	vadd.f32 v58, v5;
	v58 =	vld [tilespmem:$0x56C0]  }
0x406: {  	[tilespmem:$0x1FFC0] =	vst v43;
	v43 =	vld [tilespmem:$0x1FBA0]  }
0x407: {  	v5 =	vadd.f32 v42, v5;
	v42 =	vld [tilespmem:$0x57C0]  }
0x408: {  	[tilespmem:$0x1FC30] =	vst v62;
	v62 =	vld [tilespmem:$0x1F340]  }
0x409: {  	v3 =	vadd.f32 v45, v3;
	v45 =	vld [tilespmem:$0x1FBC0]  }
0x40a: {  	[tilespmem:$0x1FFD0] =	vst v46;
	v46 =	vld [tilespmem:$0x1FBD0]  }
0x40b: {  	v48 =	vld [tilespmem:$0x1FBF0]  }
0x40c: {  	[tilespmem:$0x1FFE0] =	vst v49;
	v49 =	vld [tilespmem:$0x1FC00]  }
0x40d: {  	v0 =	vadd.f32 v62, v0;
	v62 =	vld [tilespmem:$0x1F460]  }
0x40e: {  	v7 =	vadd.f32 v51, v7;
	v51 =	vld [tilespmem:$0x1FC20]  }
0x40f: {  	v0 =	vadd.f32 v47, v0;
	v47 =	vld [tilespmem:$0x1F4E0]  }
0x410: {  	v7 =	vadd.f32 v60, v7;
	v60 =	vld [tilespmem:$0x1FC30]  }
0x411: {  	v0 =	vadd.f32 v59, v0;
	v59 =	vld [tilespmem:$0x1F560]  }
0x412: {  	v2 =	vadd.f32 v62, v2;
	v62 =	vld [tilespmem:$0x1F580]  }
0x413: {  	v0 =	vadd.f32 v44, v0;
	v44 =	vld [tilespmem:$0x1F5E0]  }
0x414: {  	v2 =	vadd.f32 v47, v2;
	v47 =	vld [tilespmem:$0x1F600]  }
0x415: {  	v0 =	vadd.f32 v56, v0;
	v56 =	vld [tilespmem:$0x1F660]  }
0x416: {  	v2 =	vadd.f32 v59, v2;
	v59 =	vld [tilespmem:$0x1F680]  }
0x417: {  	v4 =	vadd.f32 v62, v4;
	v62 =	vld [tilespmem:$0x1F6A0]  }
0x418: {  	v0 =	vadd.f32 v41, v0;
	v41 =	vld [tilespmem:$0x1F6E0]  }
0x419: {  	v2 =	vadd.f32 v44, v2;
	v44 =	vld [tilespmem:$0x1F700]  }
0x41a: {  	v4 =	vadd.f32 v47, v4;
	v47 =	vld [tilespmem:$0x1F720]  }
0x41b: {  	v0 =	vadd.f32 v53, v0;
	v53 =	vld [tilespmem:$0x1F760]  }
0x41c: {  	v2 =	vadd.f32 v56, v2;
	v56 =	vld [tilespmem:$0x1F780]  }
0x41d: {  	v4 =	vadd.f32 v59, v4;
	v59 =	vld [tilespmem:$0x1F7A0]  }
0x41e: {  	v0 =	vadd.f32 v38, v0;
	v38 =	vld [tilespmem:$0x1F7E0]  }
0x41f: {  	v6 =	vadd.f32 v62, v6;
	v62 =	vld [tilespmem:$0x1F7C0]  }
0x420: {  	v2 =	vadd.f32 v41, v2;
	v41 =	vld [tilespmem:$0x1F800]  }
0x421: {  	v4 =	vadd.f32 v44, v4;
	v44 =	vld [tilespmem:$0x1F820]  }
0x422: {  	v0 =	vadd.f32 v50, v0;
	v50 =	vld [tilespmem:$0x1F860]  }
0x423: {  	v6 =	vadd.f32 v47, v6;
	v47 =	vld [tilespmem:$0x1F840]  }
0x424: {  	v2 =	vadd.f32 v53, v2;
	v53 =	vld [tilespmem:$0x1F880]  }
0x425: {  	v4 =	vadd.f32 v56, v4;
	v56 =	vld [tilespmem:$0x1F8A0]  }
0x426: {  	v6 =	vadd.f32 v59, v6;
	v59 =	vld [tilespmem:$0x1F8C0]  }
0x427: {  	v2 =	vadd.f32 v38, v2;
	v38 =	vld [tilespmem:$0x1F900]  }
0x428: {  	v0 =	vadd.f32 v62, v0;
	v62 =	vld [tilespmem:$0x1F8E0]  }
0x429: {  	v4 =	vadd.f32 v41, v4;
	v41 =	vld [tilespmem:$0x1F920]  }
0x42a: {  	v6 =	vadd.f32 v44, v6;
	v44 =	vld [tilespmem:$0x1F940]  }
0x42b: {  	v2 =	vadd.f32 v50, v2;
	v50 =	vld [tilespmem:$0x1F980]  }
0x42c: {  	v0 =	vadd.f32 v47, v0;
	v47 =	vld [tilespmem:$0x1F960]  }
0x42d: {  	v4 =	vadd.f32 v53, v4;
	v53 =	vld [tilespmem:$0x1F9A0]  }
0x42e: {  	v6 =	vadd.f32 v56, v6;
	v56 =	vld [tilespmem:$0x1F9C0]  }
0x42f: {  	v0 =	vadd.f32 v59, v0;
	v59 =	vld [tilespmem:$0x1F9E0]  }
0x430: {  	v4 =	vadd.f32 v38, v4;
	v38 =	vld [tilespmem:$0x1FA20]  }
0x431: {  	v2 =	vadd.f32 v62, v2;
	v62 =	vld [tilespmem:$0x1FA00]  }
0x432: {  	v6 =	vadd.f32 v41, v6;
	v41 =	vld [tilespmem:$0x1FA40]  }
0x433: {  	v0 =	vadd.f32 v44, v0;
	v44 =	vld [tilespmem:$0x1FA60]  }
0x434: {  	v4 =	vadd.f32 v50, v4;
	v50 =	vld [tilespmem:$0x1FAA0]  }
0x435: {  	v2 =	vadd.f32 v47, v2;
	v47 =	vld [tilespmem:$0x1FA80]  }
0x436: {  	v6 =	vadd.f32 v53, v6;
	v53 =	vld [tilespmem:$0x1FAC0]  }
0x437: {  	v0 =	vadd.f32 v56, v0;
	v56 =	vld [tilespmem:$0x1FAF0]  }
0x438: {  	v2 =	vadd.f32 v59, v2;
	v59 =	vld [tilespmem:$0x1FB20]  }
0x439: {  	v6 =	vadd.f32 v38, v6;
	v38 =	vld [tilespmem:$0x1FB50]  }
0x43a: {  	v4 =	vadd.f32 v62, v4;
	v62 =	vld [tilespmem:$0x5690]  }
0x43b: {  	v0 =	vadd.f32 v41, v0;
	v41 =	vld [tilespmem:$0x1FB80]  }
0x43c: {  	v2 =	vadd.f32 v44, v2;
	v44 =	vld [tilespmem:$0x1FBB0]  }
0x43d: {  	v6 =	vadd.f32 v50, v6;
	v50 =	vld [tilespmem:$0x1FC10]  }
0x43e: {  	v4 =	vadd.f32 v47, v4;
	v47 =	vld [tilespmem:$0x1FBE0]  }
0x43f: {  	v0 =	vadd.f32 v53, v0;
	v53 =	vld [tilespmem:$0x5710]  }
0x440: {  	v3 =	vadd.f32 v56, v3;
	v56 =	vld [tilespmem:$0x56E0]  }
0x441: {  	v2 =	vadd.f32 v55, v2;
	v55 =	vld [tilespmem:$0x56F0]  }
0x442: {  	v6 =	vadd.f32 v59, v6;
	v59 =	vld [tilespmem:$0x56B0]  }
0x443: {  	v4 =	vadd.f32 v57, v4;
	v57 =	vld [tilespmem:$0x56D0]  }
0x444: {  	v1 =	vadd.f32 v38, v1;
	v38 =	vld [tilespmem:$0x5800]  }
0x445: {  	v0 =	vadd.f32 v37, v0;
	v37 =	vld [tilespmem:$0x5810]  }
0x446: {  	v3 =	vadd.f32 v40, v3;
	v40 =	vld [tilespmem:$0x57E0]  }
0x447: {  	v2 =	vadd.f32 v39, v2;
	v39 =	vld [tilespmem:$0x57F0]  }
0x448: {  	v5 =	vadd.f32 v50, v5;
	v50 =	vld [tilespmem:$0x5740]  }
0x449: {  	v1 =	vadd.f32 v46, v1;
	v46 =	vld [tilespmem:$0x5780]  }
0x44a: {  	v0 =	vadd.f32 v45, v0;
	v45 =	vld [tilespmem:$0x5790]  }
0x44b: {  	v7 =	vadd.f32 v44, v7;
	v44 =	vld [tilespmem:$0x57A0]  }
0x44c: {  	v6 =	vadd.f32 v43, v6;
	v43 =	vld [tilespmem:$0x57B0]  }
0x44d: {  	v4 =	vadd.f32 v41, v4;
	v41 =	vld [tilespmem:$0x57D0]  }
0x44e: {  	v3 =	vadd.f32 v48, v3;
	v48 =	vld [tilespmem:$0x5760]  }
0x44f: {  	v2 =	vadd.f32 v47, v2;
	v47 =	vld [tilespmem:$0x5770]  }
0x450: {  	v6 =	vadd.f32 v51, v6;
	v51 =	vld [tilespmem:$0x5730]  }
0x451: {  	v4 =	vadd.f32 v49, v4;
	v49 =	vld [tilespmem:$0x5750]  }
0x452: {  	v7 =	vadd.f32 v60, v7;
	v60 =	vld [tilespmem:$0x1FD00]  }
0x453: {  	v0 =	vadd.f32 v16, v0;
	v16 =	vld [tilespmem:$0x1FD50]  }
0x454: {  	v1 =	vadd.f32 v17, v1;
	v17 =	vld [tilespmem:$0x1FD60]  }
0x455: {  	v5 =	vadd.f32 v10, v5;
	v10 =	vld [tilespmem:$0x59C0]  }
0x456: {  	v2 =	vadd.f32 v20, v2;
	v20 =	vld [tilespmem:$0x1FC40]  }
0x457: {  	v3 =	vadd.f32 v21, v3;
	v21 =	vld [tilespmem:$0x1FC50]  }
0x458: {  	v5 =	vadd.f32 v22, v5;
	v22 =	vld [tilespmem:$0x1FC60]  }
0x459: {  	v7 =	vadd.f32 v12, v7;
	v12 =	vld [tilespmem:$0x1FD10]  }
0x45a: {  	v0 =	vadd.f32 v13, v0;
	v13 =	vld [tilespmem:$0x1FD20]  }
0x45b: {  	v1 =	vadd.f32 v14, v1;
	v14 =	vld [tilespmem:$0x1FD30]  }
0x45c: {  	v6 =	vadd.f32 v11, v6;
	v11 =	vld [tilespmem:$0x59B0]  }
0x45d: {  	v4 =	vadd.f32 v9, v4;
	v9 =	vld [tilespmem:$0x59D0]  }
0x45e: {  	v2 =	vadd.f32 v15, v2;
	v15 =	vld [tilespmem:$0x1FD40]  }
0x45f: {  	v3 =	vadd.f32 v18, v3;
	v18 =	vld [tilespmem:$0x1FD70]  }
0x460: {  	v6 =	vadd.f32 v23, v6;
	v23 =	vld [tilespmem:$0x1FC70]  }
0x461: {  	v7 =	vadd.f32 v24, v7;
	v24 =	vld [tilespmem:$0x1FC80]  }
0x462: {  	v0 =	vadd.f32 v25, v0;
	v25 =	vld [tilespmem:$0x1FC90]  }
0x463: {  	v1 =	vadd.f32 v26, v1;
	v26 =	vld [tilespmem:$0x1FCA0]  }
0x464: {  	v5 =	vadd.f32 v30, v5;
	v30 =	vld [tilespmem:$0x1FCE0]  }
0x465: {  	v4 =	vadd.f32 v19, v4;
	v19 =	vld [tilespmem:$0x1FD80]  }
0x466: {  	v2 =	vadd.f32 v27, v2;
	v27 =	vld [tilespmem:$0x1FCB0]  }
0x467: {  	v3 =	vadd.f32 v28, v3;
	v28 =	vld [tilespmem:$0x1FCC0]  }
0x468: {  	v1 =	vadd.f32 v34, v1;
	v34 =	vld [tilespmem:$0x5840]  }
0x469: {  	v0 =	vadd.f32 v33, v0;
	v33 =	vld [tilespmem:$0x5850]  }
0x46a: {  	v4 =	vadd.f32 v29, v4;
	v29 =	vld [tilespmem:$0x1FCD0]  }
0x46b: {  	v7 =	vadd.f32 v32, v7;
	v32 =	vld [tilespmem:$0x5860]  }
0x46c: {  	v6 =	vadd.f32 v31, v6;
	v31 =	vld [tilespmem:$0x1FCF0]  }
0x46d: {  	v5 =	vadd.f32 v21, v5;
	v21 =	vld [tilespmem:$0x1FDA0]  }
0x46e: {  	v3 =	vadd.f32 v36, v3;
	v36 =	vld [tilespmem:$0x5820]  }
0x46f: {  	v2 =	vadd.f32 v35, v2;
	v35 =	vld [tilespmem:$0x5830]  }
0x470: {  	v4 =	vadd.f32 v20, v4;
	v20 =	vld [tilespmem:$0x1FD90]  }
0x471: {  	v6 =	vadd.f32 v22, v6;
	v22 =	vld [tilespmem:$0x1FDB0]  }
0x472: {  	v2 =	vadd.f32 v26, v2;
	v26 =	vld [tilespmem:$0x58C0]  }
0x473: {  	v1 =	vadd.f32 v25, v1;
	v25 =	vld [tilespmem:$0x58D0]  }
0x474: {  	v7 =	vadd.f32 v23, v7;
	v23 =	vld [tilespmem:$0x1FDC0]  }
0x475: {  	v0 =	vadd.f32 v24, v0;
	v24 =	vld [tilespmem:$0x1FDD0]  }
0x476: {  	v6 =	vadd.f32 v30, v6;
	v30 =	vld [tilespmem:$0x5880]  }
0x477: {  	v4 =	vadd.f32 v28, v4;
	v28 =	vld [tilespmem:$0x58A0]  }
0x478: {  	v0 =	vadd.f32 v60, v0;
	v60 =	vld [tilespmem:$0x1FDE0]  }
0x479: {  	v3 =	vadd.f32 v27, v3;
	v27 =	vld [tilespmem:$0x58B0]  }
0x47a: {  	v7 =	vadd.f32 v31, v7;
	v31 =	vld [tilespmem:$0x5870]  }
0x47b: {  	v1 =	vadd.f32 v12, v1;
	v12 =	vld [tilespmem:$0x1FDF0];
	v6 =	vadd.f32 v17, v6  }
0x47c: {  	v5 =	vadd.f32 v29, v5;
	v29 =	vld [tilespmem:$0x5890]  }
0x47d: {  	v6 =	vadd.f32 v60, v6;
	v60 =	vld [tilespmem:$0x1FE70]  }
0x47e: {  	v2 =	vadd.f32 v13, v2;
	v13 =	vld [tilespmem:$0x1FE00];
	v7 =	vadd.f32 v18, v7  }
0x47f: {  	v3 =	vadd.f32 v14, v3;
	v14 =	vld [tilespmem:$0x1FE10]  }
0x480: {  	v18 =	vld [tilespmem:$0x1FE50];
	v7 =	vadd.f32 v12, v7  }
0x481: {  	v4 =	vadd.f32 v15, v4;
	v15 =	vld [tilespmem:$0x1FE20];
	v5 =	vadd.f32 v16, v5  }
0x482: {  	v7 =	vadd.f32 v60, v7;
	v60 =	vld [tilespmem:$0x1FED0]  }
0x483: {  	v17 =	vld [tilespmem:$0x1FE40];
	v0 =	vadd.f32 v19, v0;
	v5 =	vadd.f32 v24, v5  }
0x484: {  	v16 =	vld [tilespmem:$0x1FE30]  }
0x485: {  	v0 =	vadd.f32 v13, v0;
	v13 =	vld [tilespmem:$0x1FE90];
	v5 =	vadd.f32 v18, v5  }
0x486: {  	v1 =	vadd.f32 v20, v1;
	v2 =	vadd.f32 v21, v2;
	v21 =	vld [tilespmem:$0x5910]  }
0x487: {  	v5 =	vadd.f32 v60, v5;
	v60 =	vld [tilespmem:$0x1FF10]  }
0x488: {  	v20 =	vld [tilespmem:$0x5920];
	v3 =	vadd.f32 v22, v3;
	v1 =	vadd.f32 v14, v1  }
0x489: {  	v12 =	vld [tilespmem:$0x1FE80]  }
0x48a: {  	v3 =	vadd.f32 v16, v3;
	v16 =	vld [tilespmem:$0x1FEC0];
	v1 =	vadd.f32 v13, v1  }
0x48b: {  	v19 =	vld [tilespmem:$0x1FE60];
	v4 =	vadd.f32 v23, v4  }
0x48c: {  	v1 =	vadd.f32 v60, v1;
	v60 =	vld [tilespmem:$0x1FF40]  }
0x48d: {  	v23 =	vld [tilespmem:$0x58F0];
	v4 =	vadd.f32 v17, v4  }
0x48e: {  	v22 =	vld [tilespmem:$0x5900]  }
0x48f: {  	v0 =	vadd.f32 v12, v0;
	v12 =	vld [tilespmem:$0x1FEE0];
	v4 =	vadd.f32 v16, v4  }
0x490: {  	v24 =	vld [tilespmem:$0x58E0]  }
0x491: {  	v4 =	vadd.f32 v60, v4;
	v60 =	vld [tilespmem:$0x1FF60]  }
0x492: {  	v14 =	vld [tilespmem:$0x1FEA0];
	v6 =	vadd.f32 v19, v6  }
0x493: {  	v2 =	vadd.f32 v15, v2;
	v15 =	vld [tilespmem:$0x1FEB0]  }
0x494: {  	v13 =	vld [tilespmem:$0x1FEF0];
	v6 =	vadd.f32 v12, v6  }
0x495: {  	v17 =	vld [tilespmem:$0x5950]  }
0x496: {  	v6 =	vadd.f32 v60, v6;
	v60 =	vld [tilespmem:$0x1FF70]  }
0x497: {  	v19 =	vld [tilespmem:$0x5930]  }
0x498: {  	v2 =	vadd.f32 v14, v2;
	v14 =	vld [tilespmem:$0x1FF00]  }
0x499: {  	v7 =	vadd.f32 v13, v7;
	v12 =	vld [tilespmem:$0x1FF20]  }
0x49a: {  	v18 =	vld [tilespmem:$0x5940]  }
0x49b: {  	v7 =	vadd.f32 v60, v7;
	v60 =	vld [tilespmem:$0x1FF80]  }
0x49c: {  	v3 =	vadd.f32 v15, v3;
	v15 =	vld [tilespmem:$0x5970]  }
0x49d: {  	v13 =	vld [tilespmem:$0x1FF30]  }
0x49e: {  	v0 =	vadd.f32 v14, v0;
	v2 =	vadd.f32 v12, v2;
	v12 =	vld [tilespmem:$0x1FF50]  }
0x49f: {  	v16 =	vld [tilespmem:$0x5960]  }
0x4a0: {  	v0 =	vadd.f32 v60, v0;
	v60 =	vld [tilespmem:$0x1FF90]  }
0x4a1: {  	v14 =	vld [tilespmem:$0x5980]  }
0x4a2: {  	v3 =	vadd.f32 v13, v3;
	v13 =	vld [tilespmem:$0x5990];
	v0 =	vadd.f32 v61, v0  }
0x4a3: {  	v5 =	vadd.f32 v12, v5;
	v12 =	vld [tilespmem:$0x59A0]  }
0x4a4: {  	v61 =	vld [tilespmem:$0x5A00];
	v0 =	vadd.f32 v54, v0  }
0x4a5: {  	v1 =	vadd.f32 v60, v1;
	v60 =	vld [tilespmem:$0x1FFA0]  }
0x4a6: {  	v54 =	vld [tilespmem:$0x5B50];
	v0 =	vadd.f32 v46, v0  }
0x4a7: {  	v46 =	vld [tilespmem:$0x5B10];
	v1 =	vadd.f32 v62, v1  }
0x4a8: {  	v62 =	vld [tilespmem:$0x5B80];
	v0 =	vadd.f32 v38, v0  }
0x4a9: {  	v38 =	vld [tilespmem:$0x5BF0];
	v1 =	vadd.f32 v53, v1  }
0x4aa: {  	v2 =	vadd.f32 v60, v2;
	v60 =	vld [tilespmem:$0x1FFB0];
	v0 =	vadd.f32 v30, v0  }
0x4ab: {  	v53 =	vld [tilespmem:$0x5A40];
	v1 =	vadd.f32 v45, v1  }
0x4ac: {  	v30 =	vld [tilespmem:$0x5BB0];
	v2 =	vadd.f32 v63, v2;
	v0 =	vadd.f32 v22, v0  }
0x4ad: {  	v45 =	vld [tilespmem:$0x5A80];
	v1 =	vadd.f32 v37, v1  }
0x4ae: {  	v63 =	vld [tilespmem:$0x5B90];
	v2 =	vadd.f32 v52, v2;
	v0 =	vadd.f32 v14, v0  }
0x4af: {  	v3 =	vadd.f32 v60, v3;
	v60 =	vld [tilespmem:$0x1FFC0];
	v1 =	vadd.f32 v29, v1  }
0x4b0: {  	v2 =	vadd.f32 v44, v2;
	v44 =	vld [tilespmem:$0x5B00];
	v0 =	vadd.f32 v61, v0  }
0x4b1: {  	v37 =	vld [tilespmem:$0x5AC0];
	v3 =	vadd.f32 v59, v3;
	v1 =	vadd.f32 v21, v1  }
0x4b2: {  	v59 =	vld [tilespmem:$0x5A10];
	v2 =	vadd.f32 v36, v2;
	v0 =	vadd.f32 v45, v0  }
0x4b3: {  	v52 =	vld [tilespmem:$0x5B40];
	v3 =	vadd.f32 v51, v3;
	v1 =	vadd.f32 v13, v1  }
0x4b4: {  	v4 =	vadd.f32 v60, v4;
	v60 =	vld [tilespmem:$0x1FFD0];
	v2 =	vadd.f32 v28, v2  }
0x4b5: {  	v36 =	vld [tilespmem:$0x5BE0];
	v3 =	vadd.f32 v43, v3;
	v0 =	vadd.f32 v44, v0  }
0x4b6: {  	v43 =	vld [tilespmem:$0x5A90];
	v4 =	vadd.f32 v58, v4;
	v2 =	vadd.f32 v20, v2  }
0x4b7: {  	v45 =	vld [tilespmem:$0x5C50];
	v1 =	vadd.f32 v59, v1;
	v3 =	vadd.f32 v35, v3  }
0x4b8: {  	v51 =	vld [tilespmem:$0x5A50];
	v0 =	vadd.f32 v62, v0;
	v4 =	vadd.f32 v50, v4  }
0x4b9: {  	v2 =	vadd.f32 v12, v2;
	v5 =	vadd.f32 v60, v5;
	v60 =	vld [tilespmem:$0x1FFE0]  }
0x4ba: {  	v28 =	vld [tilespmem:$0x5BA0];
	v3 =	vadd.f32 v27, v3;
	v4 =	vadd.f32 v42, v4  }
0x4bb: {  	v44 =	vld [tilespmem:$0x5C40];
	v1 =	vadd.f32 v43, v1;
	v5 =	vadd.f32 v57, v5  }
0x4bc: {  	v57 =	vld [tilespmem:$0x5A20];
	v3 =	vadd.f32 v19, v3;
	v4 =	vadd.f32 v34, v4  }
0x4bd: {  	v58 =	vld [tilespmem:$0x5B70];
	v1 =	vadd.f32 v46, v1;
	v5 =	vadd.f32 v49, v5  }
0x4be: {  	v3 =	vadd.f32 v11, v3;
	v6 =	vadd.f32 v60, v6;
	v60 =	vld [tilespmem:$0x1FFF0]  }
0x4bf: {  	v50 =	vld [tilespmem:$0x5B30];
	v4 =	vadd.f32 v26, v4;
	v1 =	vadd.f32 v63, v1  }
0x4c0: {  	v5 =	vadd.f32 v41, v5;
	v41 =	vld [tilespmem:$0x5AA0];
	v6 =	vadd.f32 v56, v6  }
0x4c1: {  	v42 =	vld [tilespmem:$0x5AD0];
	v4 =	vadd.f32 v18, v4;
	v2 =	vadd.f32 v57, v2  }
0x4c2: {  	v43 =	vld [tilespmem:$0x5C30];
	v5 =	vadd.f32 v33, v5;
	v6 =	vadd.f32 v48, v6  }
0x4c3: {  	v34 =	vld [tilespmem:$0x5BD0];
	v4 =	vadd.f32 v10, v4;
	v7 =	vadd.f32 v60, v7  }
0x4c4: {  	v48 =	vld [tilespmem:$0x5B20];
	v5 =	vadd.f32 v25, v5;
	v6 =	vadd.f32 v40, v6  }
0x4c5: {  	v46 =	vld [tilespmem:$0x5C60];
	v4 =	vadd.f32 v53, v4;
	v2 =	vadd.f32 v41, v2  }
0x4c6: {  	v40 =	vld [tilespmem:$0x5C00];
	v7 =	vadd.f32 v55, v7;
	v5 =	vadd.f32 v17, v5  }
0x4c7: {  	v41 =	vld [tilespmem:$0x5C10];
	v6 =	vadd.f32 v32, v6;
	v4 =	vadd.f32 v37, v4  }
0x4c8: {  	v49 =	vld [tilespmem:$0x5A60];
	v7 =	vadd.f32 v47, v7;
	v5 =	vadd.f32 v9, v5  }
0x4c9: {  	v55 =	vld [tilespmem:$0x5A30];
	v2 =	vadd.f32 v48, v2;
	v6 =	vadd.f32 v24, v6  }
0x4ca: {  	v32 =	vld [tilespmem:$0x5BC0];
	v4 =	vadd.f32 v52, v4;
	v7 =	vadd.f32 v39, v7  }
0x4cb: {  	v48 =	vld [tilespmem:$0x5C80];
	v5 =	vadd.f32 v51, v5;
	v2 =	vadd.f32 v28, v2  }
0x4cc: {  	v33 =	vld [tilespmem:$0x5AE0];
	v0 =	vadd.f32 v40, v0;
	v1 =	vadd.f32 v41, v1  }
0x4cd: {  	v60 =	vld [tilespmem:$0x59F0];
	v6 =	vadd.f32 v16, v6;
	v7 =	vadd.f32 v31, v7  }
0x4ce: {  	v39 =	vld [tilespmem:$0x5AB0];
	v3 =	vadd.f32 v55, v3;
	v5 =	vadd.f32 v42, v5  }
0x4cf: {  	v52 =	vld [tilespmem:$0x5CC0];
	v4 =	vadd.f32 v32, v4;
	v7 =	vadd.f32 v23, v7  }
0x4d0: {  	v47 =	vld [tilespmem:$0x5A70];
	v6 =	vadd.f32 v8, v6;
	v0 =	vadd.f32 v48, v0  }
0x4d1: {  	v42 =	vld [tilespmem:$0x5C20];
	v5 =	vadd.f32 v54, v5;
	v7 =	vadd.f32 v15, v7  }
0x4d2: {  	v31 =	vld [tilespmem:$0x5AF0];
	v4 =	vadd.f32 v44, v4;
	v6 =	vadd.f32 v49, v6  }
0x4d3: {  	v56 =	vld [tilespmem:$0x5B60];
	v3 =	vadd.f32 v39, v3;
	v7 =	vadd.f32 v60, v7  }
0x4d4: {  	v49 =	vld [tilespmem:$0x5C90];
	v5 =	vadd.f32 v34, v5;
	v4 =	vadd.f32 v52, v4  }
0x4d5: {  	v53 =	vld [tilespmem:$0x5CD0];
	v6 =	vadd.f32 v33, v6;
	v7 =	vadd.f32 v47, v7  }
0x4d6: {  	v51 =	vld [tilespmem:$0x5CB0];
	v3 =	vadd.f32 v50, v3;
	v2 =	vadd.f32 v42, v2  }
0x4d7: {  	v50 =	vld [tilespmem:$0x5CA0];
	v5 =	vadd.f32 v45, v5;
	v7 =	vadd.f32 v31, v7  }
0x4d8: {  	v6 =	vadd.f32 v56, v6;
	v3 =	vadd.f32 v30, v3;
	v47 =	vld [tilespmem:$0x5C70]  }
0x4d9: {  	v54 =	vld [tilespmem:$0x5CE0];
	v1 =	vadd.f32 v49, v1;
	v7 =	vadd.f32 v58, v7  }
0x4da: {  	v55 =	vld [tilespmem:$0x5CF0];
	v0 =	vmul.f32 $1.999999960e-02, v0;
	v5 =	vadd.f32 v53, v5;
	v6 =	vadd.f32 v36, v6  }
0x4db: {  	v60 =	vmul.f32 $1.999999960e-02, v4;
	v3 =	vadd.f32 v43, v3;
	v7 =	vadd.f32 v38, v7  }
0x4dc: {  	[tilespmem:s16+$0x6080] =	vst v0;
	v2 =	vadd.f32 v50, v2;
	v1 =	vmul.f32 $1.999999960e-02, v1;
	v6 =	vadd.f32 v46, v6  }
0x4dd: {  	s15 =	sadd.s32 $0x400, s15;
	[tilespmem:s16+$0x60C0] =	vst v60;
	v61 =	vmul.f32 $1.999999960e-02, v5;
	v3 =	vadd.f32 v51, v3;
	v57 =	vadd.f32 v47, v7  }
0x4de: {  	p0 =	sne.s32 s15, $0xA000;
	v56 =	vmul.f32 $1.999999960e-02, v2;
	[tilespmem:s16+$0x6090] =	vst v1;
	v59 =	vadd.f32 v54, v6  }
.Ltmp0:
0x4df: {  	[tilespmem:s16+$0x60D0] =	vst v61;
	v58 =	vmul.f32 $1.999999960e-02, v3;
	v2 =	vadd.f32 v55, v57;
	(pc) =	sbr.rel @p0 .LBB2_2-.Ltmp0, $4  }
0x4e0: {  	[tilespmem:s16+$0x60A0] =	vst v56;
	v62 =	vmul.f32 $1.999999960e-02, v59  }
0x4e1: {  	[tilespmem:s16+$0x60B0] =	vst v58;
	v63 =	vmul.f32 $1.999999960e-02, v2  }
0x4e2: {  	[tilespmem:s16+$0x60E0] =	vst v62  }
0x4e3: {  	[tilespmem:s16+$0x60F0] =	vst v63  }
0x4e4: {  	s14 =	sadd.s32 $0x1, s14  }
0x4e5: {  	p0 =	sne.s32 s14, s6  }
.Ltmp1:
0x4e6: {  	_ = 	snop;
	(pc) =	sbr.rel @p0 .LBB2_1-.Ltmp1, $4  }
0x4e7: {  	[hbm4b:s5+s3] =	stream.linear.scatter [tilespmem:s13], [sflag:$0x3], $0x2800, $0x38;
	[tilespmem:$0x8800] =	vst v63  }
0x4e8: {  	_ =	swait.ge [sflag:s7], $0x2800  }
0x4e9: {  	[sflag:s7] =	ssyncset.done $0x0  }
0x4ea: {  	[sflag:s7] =	ssyncadd.s32 $0xFFFFD800  }
0x4eb: {  	_ =	sfence.sel $0x180000  }
0x4ec: {  	[bflag:$0x0] =	sbarrier.arrive $0xFFFF  }
0x4ed: {  	p0 =	sne.s32 s0, $0x0;
	_ =	strace $0x90000047  }
0x4ee: {  	s0 =	sadd.s32 @!p0 $0x100000, s1;
	[bflag:$0x2] =	sbarrier.arrive $0xFFFF  }
0x4ef: {  	[sflag:s0] =	ssyncadd.tile.s32 @!p0 $0x1;
	_ =	shalt  }
.Lfunc_end2:
_tile_overlayer_lowered:
.L_overlay_start_2:
0x4f0: {  	(tag) =	ssettag $0x2  }
0x4f1: {  	s0 =	rddreg [dreg:$0x0];
	s2 =	stileid.u32  }
0x4f2: {  	s1 =	rddreg [dreg:$0x1];
	p0 =	sne.s32 s2, $0x0  }
0x4f3: {  	s3 =	rddreg [dreg:$0x2];
	[bflag:$0x3] =	sbarrier.arrive $0xFFFF;
	s2 =	simm.s32 @!p0 $0x1C03  }
0x4f4: {  	[timem:s3], [sflag:s2] =	dma.local @!p0 [hbm:s0], s1  }
0x4f5: {  	s0 =	simm.s32 @!p0 $0x3  }
0x4f6: {  	_ =	swait.ge @!p0 [sflag:s0], s1  }
0x4f7: {  	s1 =	ssub.s32 @!p0 $0x0, s1;
	[sflag:s0] =	ssyncset.done @!p0 $0x0  }
0x4f8: {  	[sflag:s0] =	ssyncadd.s32 @!p0 s1  }
0x4f9: {  	[bflag:$0x3] =	sbarrier.arrive $0xFFFF  }
0x4fa: {  	_ =	shalt  }

</sc_bundles>
